<compile_context>
chip_gen: v7x
topology: tpu7x:2x2x1
jax: 0.10.2.dev20260603
libtpu: 0.0.44.dev20260713+nightly
codegen_flags: <defaults>
</compile_context>

<pallas_src>
import functools

import jax
import jax.numpy as jnp
from jax import lax
from jax.experimental import pallas as pl
from jax.experimental.pallas import tpu as pltpu
from jax.experimental.pallas import tpu_sc as plsc

EMB_D = 32
ROW_W = 40
LANES = 16


@functools.lru_cache(maxsize=None)
def _sc_geometry():
    try:
        info = plsc.get_sparse_core_info()
        return int(info.num_cores), int(info.num_subcores)
    except Exception:
        return 2, 16


@functools.lru_cache(maxsize=None)
def _make_transpose(vocab: int):
    n_tiles = (vocab + 127) // 128
    vocab_pad = n_tiles * 128
    K = 4
    n_strips = n_tiles // K
    tail_col = n_strips * K * 128
    tail_w = vocab - tail_col
    nc, ns = _sc_geometry()
    nw = nc * ns
    W_STRIP = K * 128
    n_pairs = (n_strips // nw + 1) // 2

    mesh = plsc.VectorSubcoreMesh(core_axis_name="c", subcore_axis_name="s")

    @functools.partial(
        pl.kernel,
        mesh=mesh,
        out_type=jax.ShapeDtypeStruct((vocab_pad * ROW_W,), jnp.float32),
        scratch_types=[
            pltpu.VMEM((EMB_D, W_STRIP), jnp.float32),
            pltpu.VMEM((EMB_D, W_STRIP), jnp.float32),
            pltpu.VMEM((W_STRIP * ROW_W,), jnp.float32),
            pltpu.VMEM((W_STRIP * ROW_W,), jnp.float32),
            pltpu.VMEM((tail_w * EMB_D,), jnp.float32),
            pltpu.SemaphoreType.DMA,
            pltpu.SemaphoreType.DMA,
            pltpu.SemaphoreType.DMA,
            pltpu.SemaphoreType.DMA,
        ],
        compiler_params=pltpu.CompilerParams(use_tc_tiling_on_sc=True,
                                             needs_layout_passes=False),
    )
    def transpose_kernel(tt_hbm, tail_hbm, out_hbm, in_a, in_b, out_a, out_b,
                         tail_v, sem_ia, sem_ib, sem_oa, sem_ob):
        wid = lax.axis_index("s") * nc + lax.axis_index("c")
        lane = lax.broadcasted_iota(jnp.int32, (LANES,), 0)
        lane_dst = lane * ROW_W

        def stage(first_col, in_v, sem):
            return pltpu.async_copy(
                tt_hbm.at[:, pl.ds(first_col, W_STRIP)], in_v, sem)

        def transpose(in_v, out_v):
            def group(g, carry):
                base = g * LANES * ROW_W
                col = g * LANES
                for d in range(EMB_D):
                    x = in_v[d, pl.ds(col, LANES)]
                    plsc.store_scatter(out_v, [lane_dst + (base + d)], x)
                return carry

            lax.fori_loop(0, W_STRIP // LANES, group, 0)

        def unstage(first_col, out_v, sem):
            return pltpu.async_copy(
                out_v,
                out_hbm.at[pl.ds(first_col * ROW_W, W_STRIP * ROW_W)], sem)

        def drain(buf, sem):
            pltpu.make_async_copy(
                out_hbm.at[pl.ds(0, W_STRIP * ROW_W)], buf, sem).wait()

        def pair(j, carry):
            ta = (2 * j) * nw + wid
            tb = ta + nw
            stage(ta * W_STRIP, in_a, sem_ia)

            @pl.when(tb < n_strips)
            def _():
                stage(tb * W_STRIP, in_b, sem_ib)

            pltpu.make_async_copy(
                tt_hbm.at[:, pl.ds(0, W_STRIP)], in_a, sem_ia).wait()

            @pl.when(j > 0)
            def _():
                drain(out_a, sem_oa)

            transpose(in_a, out_a)
            unstage(ta * W_STRIP, out_a, sem_oa)

            @pl.when(tb < n_strips)
            def _():
                pltpu.make_async_copy(
                    tt_hbm.at[:, pl.ds(0, W_STRIP)], in_b, sem_ib).wait()

                @pl.when(j > 0)
                def _():
                    drain(out_b, sem_ob)

                transpose(in_b, out_b)
                unstage(tb * W_STRIP, out_b, sem_ob)

            return carry

        lax.fori_loop(0, n_pairs, pair, 0)
        drain(out_a, sem_oa)
        drain(out_b, sem_ob)

        @pl.when(wid == 0)
        def _():
            pltpu.sync_copy(tail_hbm, tail_v)
            lane_src = lane * EMB_D
            for grp in range((tail_w + LANES - 1) // LANES):
                msk = (grp * LANES + lane) < tail_w
                for d in range(EMB_D):
                    x = plsc.load_gather(
                        tail_v, [lane_src + (grp * LANES * EMB_D + d)],
                        mask=msk)
                    plsc.store_scatter(
                        out_a, [lane_dst + (grp * LANES * ROW_W + d)],
                        x, mask=msk)
            pltpu.sync_copy(out_a.at[pl.ds(0, tail_w * ROW_W)],
                            out_hbm.at[pl.ds(tail_col * ROW_W,
                                             tail_w * ROW_W)])

    return transpose_kernel


@functools.lru_cache(maxsize=None)
def _make_gather(vocab_pad: int, b_dim: int, s_dim: int, bpc: int):
    nc, ns = _sc_geometry()
    nw = nc * ns
    n_chunks = (b_dim // bpc) * s_dim
    per_w = n_chunks // nw
    seg = (bpc // 128) * 1024
    assert n_chunks % (2 * nw) == 0 and bpc % 128 == 0

    mesh = plsc.VectorSubcoreMesh(core_axis_name="c", subcore_axis_name="s")

    @functools.partial(
        pl.kernel,
        mesh=mesh,
        out_type=jax.ShapeDtypeStruct((s_dim * 4, (b_dim // 128) * 1024),
                                      jnp.float32),
        scratch_types=[
            pltpu.VMEM((bpc,), jnp.int32),
            pltpu.VMEM((bpc,), jnp.int32),
            pltpu.VMEM((bpc, ROW_W), jnp.float32),
            pltpu.VMEM((bpc, ROW_W), jnp.float32),
            pltpu.VMEM((4, seg), jnp.float32),
            pltpu.VMEM((4, seg), jnp.float32),
            pltpu.SemaphoreType.DMA,
            pltpu.SemaphoreType.DMA,
            pltpu.SemaphoreType.DMA,
            pltpu.SemaphoreType.DMA,
        ],
        compiler_params=pltpu.CompilerParams(use_tc_tiling_on_sc=False,
                                             needs_layout_passes=False),
    )
    def gather_kernel(table_hbm, idx_hbm, out_hbm, idx_a, idx_b,
                      rows_a, rows_b, tile_a, tile_b,
                      sem_ga, sem_gb, sem_wa, sem_wb):
        wid = lax.axis_index("s") * nc + lax.axis_index("c")
        mbase = wid * per_w
        lane = lax.broadcasted_iota(jnp.int32, (LANES,), 0)
        zeros = lane * 0
        qps = b_dim // bpc

        def arrange(rows_v, tile_v):
            def bgroup(g, carry):
                brow = lane + g * LANES
                coff = (g // 8) * 1024 + lax.rem(g, 8) * LANES
                for d in range(EMB_D):
                    x = plsc.load_gather(rows_v, [brow, zeros + d])
                    tile_v[d // 8, pl.ds(coff + (d % 8) * 128, LANES)] = x
                return carry

            lax.fori_loop(0, bpc // LANES, bgroup, 0)

        def dst(m):
            s = m // qps
            q = lax.rem(m, qps)
            return out_hbm.at[pl.ds(s * 4, 4), pl.ds(q * seg, seg)]

        def tdrain(buf, sem):
            pltpu.make_async_copy(
                out_hbm.at[pl.ds(0, 4), pl.ds(0, seg)], buf, sem).wait()

        def gdrain(buf, sem):
            pltpu.make_async_copy(
                table_hbm.at[pl.ds(0, bpc)], buf, sem).wait()

        def fill(m, idx_v, rows_v, sem):
            pltpu.sync_copy(idx_hbm.at[pl.ds(m * bpc, bpc)], idx_v)
            pltpu.async_copy(table_hbm.at[idx_v], rows_v, sem)

        n_pairs2 = per_w // 2

        def pair(j, carry):
            m_a = mbase + 2 * j
            m_b = m_a + 1
            gdrain(rows_a, sem_ga)

            @pl.when(j > 0)
            def _():
                tdrain(tile_a, sem_wa)

            arrange(rows_a, tile_a)

            @pl.when(j < n_pairs2 - 1)
            def _():
                fill(m_a + 2, idx_a, rows_a, sem_ga)

            pltpu.async_copy(tile_a, dst(m_a), sem_wa)
            gdrain(rows_b, sem_gb)

            @pl.when(j > 0)
            def _():
                tdrain(tile_b, sem_wb)

            arrange(rows_b, tile_b)

            @pl.when(j < n_pairs2 - 1)
            def _():
                fill(m_b + 2, idx_b, rows_b, sem_gb)

            pltpu.async_copy(tile_b, dst(m_b), sem_wb)
            return carry

        fill(mbase, idx_a, rows_a, sem_ga)
        fill(mbase + 1, idx_b, rows_b, sem_gb)
        lax.fori_loop(0, n_pairs2, pair, 0)
        tdrain(tile_a, sem_wa)
        tdrain(tile_b, sem_wb)

    return gather_kernel


def kernel(input, weight):
    b_dim, s_dim = input.shape
    vocab = weight.shape[0]
    vocab_pad = ((vocab + 127) // 128) * 128
    idx = jnp.swapaxes(input, 0, 1).reshape(b_dim * s_dim).astype(jnp.int32)
    tt = jnp.swapaxes(weight, 0, 1)
    tail_col = (vocab // (4 * 128)) * 4 * 128
    tail = jnp.reshape(weight[tail_col:], (-1,))
    flat = _make_transpose(vocab)(tt, tail)
    table = jnp.reshape(flat, (vocab_pad, ROW_W))
    u = _make_gather(vocab_pad, b_dim, s_dim, 512)(table, idx)
    u5 = u.reshape(s_dim, 4, b_dim // 128, 8, 128)
    return u5.transpose(2, 4, 0, 1, 3).reshape(b_dim, s_dim, EMB_D)

# --- scband reference (transcript-rebuilt; emitter-appended) ---
"""Pipeline reference for scband-embedding-6966436954220 (READ-ONLY COPY).

The authoritative reference and input builder live on the scoring server;
editing this copy changes nothing except your own understanding.
"""

import jax, jax.numpy as jnp
import numpy as np

NUM_EMBEDDINGS = 1000000 + 1  # module adds +1 internally
EMBEDDING_DIM = 32
BATCH = 4096
SEQ_LEN = 200
PADDING_IDX = 0

def setup_inputs(seed: int = 0) -> dict:
    key = jax.random.key(seed)
    k1, k2 = jax.random.split(key)
    # indices in [0, vocab) -- always < NUM_EMBEDDINGS
    idx = jax.random.randint(k1, (BATCH, SEQ_LEN), 0, 1000000, dtype=jnp.int64 if jax.config.read('jax_enable_x64') else jnp.int32)
    # weight ~ N(0,1), padding row zeroed (matches reset_parameters)
    W = jax.random.normal(k2, (NUM_EMBEDDINGS, EMBEDDING_DIM), dtype=jnp.float32)
    W = W.at[PADDING_IDX].set(0.0)
    return {"input": idx, "weight": W}

def reference(input, weight):
    # Faithful to torch F.embedding(input, weight, padding_idx=0):
    # forward is a pure row-gather from the table.
    return jnp.take(weight, input, axis=0)

if __name__ == "__main__":
    import jax
    _d = setup_inputs()
    print(jax.jit(kernel)(*tuple(_d.values())))

</pallas_src>

<mosaic_0001>
#map = affine_map<(d0, d1) -> (0, 0)>
#map1 = affine_map<(d0, d1) -> (0)>
module attributes {stable_mosaic.version = 14 : i64} {
  func.func @transpose_kernel(%arg0: i32, %arg1: i32, %arg2: memref<32x1000001xf32, #tpu.memory_space<hbm>>, %arg3: memref<2080xf32, #tpu.memory_space<hbm>>, %arg4: memref<40002560xf32, #tpu.memory_space<hbm>>, %arg5: memref<32x512xf32, #tpu.memory_space<vmem>>, %arg6: memref<32x512xf32, #tpu.memory_space<vmem>>, %arg7: memref<20480xf32, #tpu.memory_space<vmem>>, %arg8: memref<20480xf32, #tpu.memory_space<vmem>>, %arg9: memref<2080xf32, #tpu.memory_space<vmem>>, %arg10: memref<!tpu.dma_semaphore, #tpu.memory_space<semaphore_mem>>, %arg11: memref<!tpu.dma_semaphore, #tpu.memory_space<semaphore_mem>>, %arg12: memref<!tpu.dma_semaphore, #tpu.memory_space<semaphore_mem>>, %arg13: memref<!tpu.dma_semaphore, #tpu.memory_space<semaphore_mem>>) attributes {dimension_semantics = [#tpu.dimension_semantics<core_parallel>, #tpu.dimension_semantics<subcore_parallel>], iteration_bounds = array<i64: 2, 16>, scalar_prefetch = 0 : i64, scratch_operands = 9 : i64, tpu.core_type = #tpu.core_type<sc_vector_subcore>, window_params = [{transform_indices = #map}, {transform_indices = #map1}, {transform_indices = #map1}]} {
    %mul3A = arith.constant 2 : i32
    %mul3A_0 = arith.muli %arg1, %mul3A : i32
    %add3A = arith.addi %mul3A_0, %arg0 : i32
    %iota3A = tpu.iota {dimensions = array<i32: 0>} : vector<16xi32>
    %mul3A_1 = arith.constant 40 : i32
    %mul3A_2 = vector.broadcast %mul3A_1 : i32 to vector<16xi32>
    %mul3A_3 = arith.muli %iota3A, %mul3A_2 : vector<16xi32>
    %scan3A = arith.constant 0 : i32
    %scan3A_4 = arith.constant 0 : i32
    %scan3A_5 = arith.constant 31 : i32
    %scan3A_6 = arith.addi %scan3A_4, %scan3A_5 : i32
    %scan3A_7 = arith.constant 1 : i32
    scf.for %scan3A_18 = %scan3A_4 to %scan3A_6 step %scan3A_7  : i32 {
      %mul3A_19 = arith.constant 2 : i32
      %mul3A_20 = arith.muli %mul3A_19, %scan3A_18 : i32
      %mul3A_21 = arith.constant 32 : i32
      %mul3A_22 = arith.muli %mul3A_20, %mul3A_21 : i32
      %add3A_23 = arith.addi %mul3A_22, %add3A : i32
      %add3A_24 = arith.constant 32 : i32
      %add3A_25 = arith.addi %add3A_23, %add3A_24 : i32
      %mul3A_26 = arith.constant 512 : i32
      %mul3A_27 = arith.muli %add3A_23, %mul3A_26 : i32
      %dma_start3A = arith.constant 0 : i32
      %dma_start3A_28 = tpu.memref_slice %arg2[%dma_start3A, %mul3A_27] : memref<32x1000001xf32, #tpu.memory_space<hbm>> -> memref<32x512xf32, #tpu.memory_space<hbm>>
      %dma_start3A_29 = arith.constant 0 : i32
      %dma_start3A_30 = tpu.memref_slice %arg2[%dma_start3A_29, %mul3A_27] : memref<32x1000001xf32, #tpu.memory_space<hbm>> -> memref<32x512xf32, #tpu.memory_space<hbm>>
      tpu.enqueue_dma source(%dma_start3A_30 : memref<32x512xf32, #tpu.memory_space<hbm>>) target(%arg5 : memref<32x512xf32, #tpu.memory_space<vmem>>) target_semaphore(%arg10 : memref<!tpu.dma_semaphore, #tpu.memory_space<semaphore_mem>>)
      %lt3A = arith.constant 1953 : i32
      %lt3A_31 = arith.cmpi slt, %add3A_25, %lt3A : i32
      %convert_element_type3A_32 = arith.extui %lt3A_31 : i1 to i32
      %cond3A_33 = arith.constant 0 : i32
      %cond3A_34 = arith.cmpi ne, %convert_element_type3A_32, %cond3A_33 : i32
      scf.if %cond3A_34 {
        %mul3A_62 = arith.constant 512 : i32
        %mul3A_63 = arith.muli %add3A_25, %mul3A_62 : i32
        %dma_start3A_64 = arith.constant 0 : i32
        %dma_start3A_65 = tpu.memref_slice %arg2[%dma_start3A_64, %mul3A_63] : memref<32x1000001xf32, #tpu.memory_space<hbm>> -> memref<32x512xf32, #tpu.memory_space<hbm>>
        %dma_start3A_66 = arith.constant 0 : i32
        %dma_start3A_67 = tpu.memref_slice %arg2[%dma_start3A_66, %mul3A_63] : memref<32x1000001xf32, #tpu.memory_space<hbm>> -> memref<32x512xf32, #tpu.memory_space<hbm>>
        tpu.enqueue_dma source(%dma_start3A_67 : memref<32x512xf32, #tpu.memory_space<hbm>>) target(%arg6 : memref<32x512xf32, #tpu.memory_space<vmem>>) target_semaphore(%arg11 : memref<!tpu.dma_semaphore, #tpu.memory_space<semaphore_mem>>)
      } else {
      }
      %dma_wait3A_35 = arith.constant 0 : i32
      %dma_wait3A_36 = arith.constant 0 : i32
      %dma_wait3A_37 = tpu.memref_slice %arg2[%dma_wait3A_35, %dma_wait3A_36] : memref<32x1000001xf32, #tpu.memory_space<hbm>> -> memref<32x512xf32, #tpu.memory_space<hbm>>
      %dma_wait3A_38 = arith.constant 0 : i32
      %dma_wait3A_39 = arith.constant 0 : i32
      %dma_wait3A_40 = tpu.memref_slice %arg2[%dma_wait3A_38, %dma_wait3A_39] : memref<32x1000001xf32, #tpu.memory_space<hbm>> -> memref<32x512xf32, #tpu.memory_space<hbm>>
      tpu.wait_dma2 semaphore(%arg10 : memref<!tpu.dma_semaphore, #tpu.memory_space<semaphore_mem>>) src(%dma_wait3A_40 : memref<32x512xf32, #tpu.memory_space<hbm>>) dst(%arg5 : memref<32x512xf32, #tpu.memory_space<vmem>>)
      %gt3A = arith.constant 0 : i32
      %gt3A_41 = arith.cmpi sgt, %scan3A_18, %gt3A : i32
      %convert_element_type3A_42 = arith.extui %gt3A_41 : i1 to i32
      %cond3A_43 = arith.constant 0 : i32
      %cond3A_44 = arith.cmpi ne, %convert_element_type3A_42, %cond3A_43 : i32
      scf.if %cond3A_44 {
        %dma_wait3A_62 = arith.constant 0 : i32
        %dma_wait3A_63 = tpu.memref_slice %arg4[%dma_wait3A_62] : memref<40002560xf32, #tpu.memory_space<hbm>> -> memref<20480xf32, #tpu.memory_space<hbm>>
        %dma_wait3A_64 = arith.constant 0 : i32
        %dma_wait3A_65 = tpu.memref_slice %arg4[%dma_wait3A_64] : memref<40002560xf32, #tpu.memory_space<hbm>> -> memref<20480xf32, #tpu.memory_space<hbm>>
        tpu.wait_dma2 semaphore(%arg12 : memref<!tpu.dma_semaphore, #tpu.memory_space<semaphore_mem>>) src(%dma_wait3A_65 : memref<20480xf32, #tpu.memory_space<hbm>>) dst(%arg7 : memref<20480xf32, #tpu.memory_space<vmem>>)
      } else {
      }
      %scan3A_45 = arith.constant 0 : i32
      %scan3A_46 = arith.constant 0 : i32
      %scan3A_47 = arith.constant 32 : i32
      %scan3A_48 = arith.addi %scan3A_46, %scan3A_47 : i32
      %scan3A_49 = arith.constant 1 : i32
      scf.for %scan3A_62 = %scan3A_46 to %scan3A_48 step %scan3A_49  : i32 {
        %mul3A_63 = arith.constant 16 : i32
        %mul3A_64 = arith.muli %scan3A_62, %mul3A_63 : i32
        %mul3A_65 = arith.constant 40 : i32
        %mul3A_66 = arith.muli %mul3A_64, %mul3A_65 : i32
        %mul3A_67 = arith.constant 16 : i32
        %mul3A_68 = arith.muli %scan3A_62, %mul3A_67 : i32
        %get3A = arith.constant 0 : i32
        %get3A_69 = arith.index_cast %get3A : i32 to index
        %get3A_70 = arith.index_cast %mul3A_68 : i32 to index
        %get3A_71 = tpu.vector_load %arg5[%get3A_69, %get3A_70] {strides = array<i32>} : memref<32x512xf32, #tpu.memory_space<vmem>>, vector<16xf32>,
        %add3A_72 = arith.constant 0 : i32
        %add3A_73 = arith.addi %mul3A_66, %add3A_72 : i32
        %add3A_74 = vector.broadcast %add3A_73 : i32 to vector<16xi32>
        %add3A_75 = arith.addi %mul3A_3, %add3A_74 : vector<16xi32>
        tpu.vector_store_idx %arg7[%add3A_75], %get3A_71 : memref<20480xf32, #tpu.memory_space<vmem>>[vector<16xi32>], vector<16xf32>,
        %get3A_76 = arith.constant 1 : i32
        %get3A_77 = arith.index_cast %get3A_76 : i32 to index
        %get3A_78 = arith.index_cast %mul3A_68 : i32 to index
        %get3A_79 = tpu.vector_load %arg5[%get3A_77, %get3A_78] {strides = array<i32>} : memref<32x512xf32, #tpu.memory_space<vmem>>, vector<16xf32>,
        %add3A_80 = arith.constant 1 : i32
        %add3A_81 = arith.addi %mul3A_66, %add3A_80 : i32
        %add3A_82 = vector.broadcast %add3A_81 : i32 to vector<16xi32>
        %add3A_83 = arith.addi %mul3A_3, %add3A_82 : vector<16xi32>
        tpu.vector_store_idx %arg7[%add3A_83], %get3A_79 : memref<20480xf32, #tpu.memory_space<vmem>>[vector<16xi32>], vector<16xf32>,
        %get3A_84 = arith.constant 2 : i32
        %get3A_85 = arith.index_cast %get3A_84 : i32 to index
        %get3A_86 = arith.index_cast %mul3A_68 : i32 to index
        %get3A_87 = tpu.vector_load %arg5[%get3A_85, %get3A_86] {strides = array<i32>} : memref<32x512xf32, #tpu.memory_space<vmem>>, vector<16xf32>,
        %add3A_88 = arith.constant 2 : i32
        %add3A_89 = arith.addi %mul3A_66, %add3A_88 : i32
        %add3A_90 = vector.broadcast %add3A_89 : i32 to vector<16xi32>
        %add3A_91 = arith.addi %mul3A_3, %add3A_90 : vector<16xi32>
        tpu.vector_store_idx %arg7[%add3A_91], %get3A_87 : memref<20480xf32, #tpu.memory_space<vmem>>[vector<16xi32>], vector<16xf32>,
        %get3A_92 = arith.constant 3 : i32
        %get3A_93 = arith.index_cast %get3A_92 : i32 to index
        %get3A_94 = arith.index_cast %mul3A_68 : i32 to index
        %get3A_95 = tpu.vector_load %arg5[%get3A_93, %get3A_94] {strides = array<i32>} : memref<32x512xf32, #tpu.memory_space<vmem>>, vector<16xf32>,
        %add3A_96 = arith.constant 3 : i32
        %add3A_97 = arith.addi %mul3A_66, %add3A_96 : i32
        %add3A_98 = vector.broadcast %add3A_97 : i32 to vector<16xi32>
        %add3A_99 = arith.addi %mul3A_3, %add3A_98 : vector<16xi32>
        tpu.vector_store_idx %arg7[%add3A_99], %get3A_95 : memref<20480xf32, #tpu.memory_space<vmem>>[vector<16xi32>], vector<16xf32>,
        %get3A_100 = arith.constant 4 : i32
        %get3A_101 = arith.index_cast %get3A_100 : i32 to index
        %get3A_102 = arith.index_cast %mul3A_68 : i32 to index
        %get3A_103 = tpu.vector_load %arg5[%get3A_101, %get3A_102] {strides = array<i32>} : memref<32x512xf32, #tpu.memory_space<vmem>>, vector<16xf32>,
        %add3A_104 = arith.constant 4 : i32
        %add3A_105 = arith.addi %mul3A_66, %add3A_104 : i32
        %add3A_106 = vector.broadcast %add3A_105 : i32 to vector<16xi32>
        %add3A_107 = arith.addi %mul3A_3, %add3A_106 : vector<16xi32>
        tpu.vector_store_idx %arg7[%add3A_107], %get3A_103 : memref<20480xf32, #tpu.memory_space<vmem>>[vector<16xi32>], vector<16xf32>,
        %get3A_108 = arith.constant 5 : i32
        %get3A_109 = arith.index_cast %get3A_108 : i32 to index
        %get3A_110 = arith.index_cast %mul3A_68 : i32 to index
        %get3A_111 = tpu.vector_load %arg5[%get3A_109, %get3A_110] {strides = array<i32>} : memref<32x512xf32, #tpu.memory_space<vmem>>, vector<16xf32>,
        %add3A_112 = arith.constant 5 : i32
        %add3A_113 = arith.addi %mul3A_66, %add3A_112 : i32
        %add3A_114 = vector.broadcast %add3A_113 : i32 to vector<16xi32>
        %add3A_115 = arith.addi %mul3A_3, %add3A_114 : vector<16xi32>
        tpu.vector_store_idx %arg7[%add3A_115], %get3A_111 : memref<20480xf32, #tpu.memory_space<vmem>>[vector<16xi32>], vector<16xf32>,
        %get3A_116 = arith.constant 6 : i32
        %get3A_117 = arith.index_cast %get3A_116 : i32 to index
        %get3A_118 = arith.index_cast %mul3A_68 : i32 to index
        %get3A_119 = tpu.vector_load %arg5[%get3A_117, %get3A_118] {strides = array<i32>} : memref<32x512xf32, #tpu.memory_space<vmem>>, vector<16xf32>,
        %add3A_120 = arith.constant 6 : i32
        %add3A_121 = arith.addi %mul3A_66, %add3A_120 : i32
        %add3A_122 = vector.broadcast %add3A_121 : i32 to vector<16xi32>
        %add3A_123 = arith.addi %mul3A_3, %add3A_122 : vector<16xi32>
        tpu.vector_store_idx %arg7[%add3A_123], %get3A_119 : memref<20480xf32, #tpu.memory_space<vmem>>[vector<16xi32>], vector<16xf32>,
        %get3A_124 = arith.constant 7 : i32
        %get3A_125 = arith.index_cast %get3A_124 : i32 to index
        %get3A_126 = arith.index_cast %mul3A_68 : i32 to index
        %get3A_127 = tpu.vector_load %arg5[%get3A_125, %get3A_126] {strides = array<i32>} : memref<32x512xf32, #tpu.memory_space<vmem>>, vector<16xf32>,
        %add3A_128 = arith.constant 7 : i32
        %add3A_129 = arith.addi %mul3A_66, %add3A_128 : i32
        %add3A_130 = vector.broadcast %add3A_129 : i32 to vector<16xi32>
        %add3A_131 = arith.addi %mul3A_3, %add3A_130 : vector<16xi32>
        tpu.vector_store_idx %arg7[%add3A_131], %get3A_127 : memref<20480xf32, #tpu.memory_space<vmem>>[vector<16xi32>], vector<16xf32>,
        %get3A_132 = arith.constant 8 : i32
        %get3A_133 = arith.index_cast %get3A_132 : i32 to index
        %get3A_134 = arith.index_cast %mul3A_68 : i32 to index
        %get3A_135 = tpu.vector_load %arg5[%get3A_133, %get3A_134] {strides = array<i32>} : memref<32x512xf32, #tpu.memory_space<vmem>>, vector<16xf32>,
        %add3A_136 = arith.constant 8 : i32
        %add3A_137 = arith.addi %mul3A_66, %add3A_136 : i32
        %add3A_138 = vector.broadcast %add3A_137 : i32 to vector<16xi32>
        %add3A_139 = arith.addi %mul3A_3, %add3A_138 : vector<16xi32>
        tpu.vector_store_idx %arg7[%add3A_139], %get3A_135 : memref<20480xf32, #tpu.memory_space<vmem>>[vector<16xi32>], vector<16xf32>,
        %get3A_140 = arith.constant 9 : i32
        %get3A_141 = arith.index_cast %get3A_140 : i32 to index
        %get3A_142 = arith.index_cast %mul3A_68 : i32 to index
        %get3A_143 = tpu.vector_load %arg5[%get3A_141, %get3A_142] {strides = array<i32>} : memref<32x512xf32, #tpu.memory_space<vmem>>, vector<16xf32>,
        %add3A_144 = arith.constant 9 : i32
        %add3A_145 = arith.addi %mul3A_66, %add3A_144 : i32
        %add3A_146 = vector.broadcast %add3A_145 : i32 to vector<16xi32>
        %add3A_147 = arith.addi %mul3A_3, %add3A_146 : vector<16xi32>
        tpu.vector_store_idx %arg7[%add3A_147], %get3A_143 : memref<20480xf32, #tpu.memory_space<vmem>>[vector<16xi32>], vector<16xf32>,
        %get3A_148 = arith.constant 10 : i32
        %get3A_149 = arith.index_cast %get3A_148 : i32 to index
        %get3A_150 = arith.index_cast %mul3A_68 : i32 to index
        %get3A_151 = tpu.vector_load %arg5[%get3A_149, %get3A_150] {strides = array<i32>} : memref<32x512xf32, #tpu.memory_space<vmem>>, vector<16xf32>,
        %add3A_152 = arith.constant 10 : i32
        %add3A_153 = arith.addi %mul3A_66, %add3A_152 : i32
        %add3A_154 = vector.broadcast %add3A_153 : i32 to vector<16xi32>
        %add3A_155 = arith.addi %mul3A_3, %add3A_154 : vector<16xi32>
        tpu.vector_store_idx %arg7[%add3A_155], %get3A_151 : memref<20480xf32, #tpu.memory_space<vmem>>[vector<16xi32>], vector<16xf32>,
        %get3A_156 = arith.constant 11 : i32
        %get3A_157 = arith.index_cast %get3A_156 : i32 to index
        %get3A_158 = arith.index_cast %mul3A_68 : i32 to index
        %get3A_159 = tpu.vector_load %arg5[%get3A_157, %get3A_158] {strides = array<i32>} : memref<32x512xf32, #tpu.memory_space<vmem>>, vector<16xf32>,
        %add3A_160 = arith.constant 11 : i32
        %add3A_161 = arith.addi %mul3A_66, %add3A_160 : i32
        %add3A_162 = vector.broadcast %add3A_161 : i32 to vector<16xi32>
        %add3A_163 = arith.addi %mul3A_3, %add3A_162 : vector<16xi32>
        tpu.vector_store_idx %arg7[%add3A_163], %get3A_159 : memref<20480xf32, #tpu.memory_space<vmem>>[vector<16xi32>], vector<16xf32>,
        %get3A_164 = arith.constant 12 : i32
        %get3A_165 = arith.index_cast %get3A_164 : i32 to index
        %get3A_166 = arith.index_cast %mul3A_68 : i32 to index
        %get3A_167 = tpu.vector_load %arg5[%get3A_165, %get3A_166] {strides = array<i32>} : memref<32x512xf32, #tpu.memory_space<vmem>>, vector<16xf32>,
        %add3A_168 = arith.constant 12 : i32
        %add3A_169 = arith.addi %mul3A_66, %add3A_168 : i32
        %add3A_170 = vector.broadcast %add3A_169 : i32 to vector<16xi32>
        %add3A_171 = arith.addi %mul3A_3, %add3A_170 : vector<16xi32>
        tpu.vector_store_idx %arg7[%add3A_171], %get3A_167 : memref<20480xf32, #tpu.memory_space<vmem>>[vector<16xi32>], vector<16xf32>,
        %get3A_172 = arith.constant 13 : i32
        %get3A_173 = arith.index_cast %get3A_172 : i32 to index
        %get3A_174 = arith.index_cast %mul3A_68 : i32 to index
        %get3A_175 = tpu.vector_load %arg5[%get3A_173, %get3A_174] {strides = array<i32>} : memref<32x512xf32, #tpu.memory_space<vmem>>, vector<16xf32>,
        %add3A_176 = arith.constant 13 : i32
        %add3A_177 = arith.addi %mul3A_66, %add3A_176 : i32
        %add3A_178 = vector.broadcast %add3A_177 : i32 to vector<16xi32>
        %add3A_179 = arith.addi %mul3A_3, %add3A_178 : vector<16xi32>
        tpu.vector_store_idx %arg7[%add3A_179], %get3A_175 : memref<20480xf32, #tpu.memory_space<vmem>>[vector<16xi32>], vector<16xf32>,
        %get3A_180 = arith.constant 14 : i32
        %get3A_181 = arith.index_cast %get3A_180 : i32 to index
        %get3A_182 = arith.index_cast %mul3A_68 : i32 to index
        %get3A_183 = tpu.vector_load %arg5[%get3A_181, %get3A_182] {strides = array<i32>} : memref<32x512xf32, #tpu.memory_space<vmem>>, vector<16xf32>,
        %add3A_184 = arith.constant 14 : i32
        %add3A_185 = arith.addi %mul3A_66, %add3A_184 : i32
        %add3A_186 = vector.broadcast %add3A_185 : i32 to vector<16xi32>
        %add3A_187 = arith.addi %mul3A_3, %add3A_186 : vector<16xi32>
        tpu.vector_store_idx %arg7[%add3A_187], %get3A_183 : memref<20480xf32, #tpu.memory_space<vmem>>[vector<16xi32>], vector<16xf32>,
        %get3A_188 = arith.constant 15 : i32
        %get3A_189 = arith.index_cast %get3A_188 : i32 to index
        %get3A_190 = arith.index_cast %mul3A_68 : i32 to index
        %get3A_191 = tpu.vector_load %arg5[%get3A_189, %get3A_190] {strides = array<i32>} : memref<32x512xf32, #tpu.memory_space<vmem>>, vector<16xf32>,
        %add3A_192 = arith.constant 15 : i32
        %add3A_193 = arith.addi %mul3A_66, %add3A_192 : i32
        %add3A_194 = vector.broadcast %add3A_193 : i32 to vector<16xi32>
        %add3A_195 = arith.addi %mul3A_3, %add3A_194 : vector<16xi32>
        tpu.vector_store_idx %arg7[%add3A_195], %get3A_191 : memref<20480xf32, #tpu.memory_space<vmem>>[vector<16xi32>], vector<16xf32>,
        %get3A_196 = arith.constant 16 : i32
        %get3A_197 = arith.index_cast %get3A_196 : i32 to index
        %get3A_198 = arith.index_cast %mul3A_68 : i32 to index
        %get3A_199 = tpu.vector_load %arg5[%get3A_197, %get3A_198] {strides = array<i32>} : memref<32x512xf32, #tpu.memory_space<vmem>>, vector<16xf32>,
        %add3A_200 = arith.constant 16 : i32
        %add3A_201 = arith.addi %mul3A_66, %add3A_200 : i32
        %add3A_202 = vector.broadcast %add3A_201 : i32 to vector<16xi32>
        %add3A_203 = arith.addi %mul3A_3, %add3A_202 : vector<16xi32>
        tpu.vector_store_idx %arg7[%add3A_203], %get3A_199 : memref<20480xf32, #tpu.memory_space<vmem>>[vector<16xi32>], vector<16xf32>,
        %get3A_204 = arith.constant 17 : i32
        %get3A_205 = arith.index_cast %get3A_204 : i32 to index
        %get3A_206 = arith.index_cast %mul3A_68 : i32 to index
        %get3A_207 = tpu.vector_load %arg5[%get3A_205, %get3A_206] {strides = array<i32>} : memref<32x512xf32, #tpu.memory_space<vmem>>, vector<16xf32>,
        %add3A_208 = arith.constant 17 : i32
        %add3A_209 = arith.addi %mul3A_66, %add3A_208 : i32
        %add3A_210 = vector.broadcast %add3A_209 : i32 to vector<16xi32>
        %add3A_211 = arith.addi %mul3A_3, %add3A_210 : vector<16xi32>
        tpu.vector_store_idx %arg7[%add3A_211], %get3A_207 : memref<20480xf32, #tpu.memory_space<vmem>>[vector<16xi32>], vector<16xf32>,
        %get3A_212 = arith.constant 18 : i32
        %get3A_213 = arith.index_cast %get3A_212 : i32 to index
        %get3A_214 = arith.index_cast %mul3A_68 : i32 to index
        %get3A_215 = tpu.vector_load %arg5[%get3A_213, %get3A_214] {strides = array<i32>} : memref<32x512xf32, #tpu.memory_space<vmem>>, vector<16xf32>,
        %add3A_216 = arith.constant 18 : i32
        %add3A_217 = arith.addi %mul3A_66, %add3A_216 : i32
        %add3A_218 = vector.broadcast %add3A_217 : i32 to vector<16xi32>
        %add3A_219 = arith.addi %mul3A_3, %add3A_218 : vector<16xi32>
        tpu.vector_store_idx %arg7[%add3A_219], %get3A_215 : memref<20480xf32, #tpu.memory_space<vmem>>[vector<16xi32>], vector<16xf32>,
        %get3A_220 = arith.constant 19 : i32
        %get3A_221 = arith.index_cast %get3A_220 : i32 to index
        %get3A_222 = arith.index_cast %mul3A_68 : i32 to index
        %get3A_223 = tpu.vector_load %arg5[%get3A_221, %get3A_222] {strides = array<i32>} : memref<32x512xf32, #tpu.memory_space<vmem>>, vector<16xf32>,
        %add3A_224 = arith.constant 19 : i32
        %add3A_225 = arith.addi %mul3A_66, %add3A_224 : i32
        %add3A_226 = vector.broadcast %add3A_225 : i32 to vector<16xi32>
        %add3A_227 = arith.addi %mul3A_3, %add3A_226 : vector<16xi32>
        tpu.vector_store_idx %arg7[%add3A_227], %get3A_223 : memref<20480xf32, #tpu.memory_space<vmem>>[vector<16xi32>], vector<16xf32>,
        %get3A_228 = arith.constant 20 : i32
        %get3A_229 = arith.index_cast %get3A_228 : i32 to index
        %get3A_230 = arith.index_cast %mul3A_68 : i32 to index
        %get3A_231 = tpu.vector_load %arg5[%get3A_229, %get3A_230] {strides = array<i32>} : memref<32x512xf32, #tpu.memory_space<vmem>>, vector<16xf32>,
        %add3A_232 = arith.constant 20 : i32
        %add3A_233 = arith.addi %mul3A_66, %add3A_232 : i32
        %add3A_234 = vector.broadcast %add3A_233 : i32 to vector<16xi32>
        %add3A_235 = arith.addi %mul3A_3, %add3A_234 : vector<16xi32>
        tpu.vector_store_idx %arg7[%add3A_235], %get3A_231 : memref<20480xf32, #tpu.memory_space<vmem>>[vector<16xi32>], vector<16xf32>,
        %get3A_236 = arith.constant 21 : i32
        %get3A_237 = arith.index_cast %get3A_236 : i32 to index
        %get3A_238 = arith.index_cast %mul3A_68 : i32 to index
        %get3A_239 = tpu.vector_load %arg5[%get3A_237, %get3A_238] {strides = array<i32>} : memref<32x512xf32, #tpu.memory_space<vmem>>, vector<16xf32>,
        %add3A_240 = arith.constant 21 : i32
        %add3A_241 = arith.addi %mul3A_66, %add3A_240 : i32
        %add3A_242 = vector.broadcast %add3A_241 : i32 to vector<16xi32>
        %add3A_243 = arith.addi %mul3A_3, %add3A_242 : vector<16xi32>
        tpu.vector_store_idx %arg7[%add3A_243], %get3A_239 : memref<20480xf32, #tpu.memory_space<vmem>>[vector<16xi32>], vector<16xf32>,
        %get3A_244 = arith.constant 22 : i32
        %get3A_245 = arith.index_cast %get3A_244 : i32 to index
        %get3A_246 = arith.index_cast %mul3A_68 : i32 to index
        %get3A_247 = tpu.vector_load %arg5[%get3A_245, %get3A_246] {strides = array<i32>} : memref<32x512xf32, #tpu.memory_space<vmem>>, vector<16xf32>,
        %add3A_248 = arith.constant 22 : i32
        %add3A_249 = arith.addi %mul3A_66, %add3A_248 : i32
        %add3A_250 = vector.broadcast %add3A_249 : i32 to vector<16xi32>
        %add3A_251 = arith.addi %mul3A_3, %add3A_250 : vector<16xi32>
        tpu.vector_store_idx %arg7[%add3A_251], %get3A_247 : memref<20480xf32, #tpu.memory_space<vmem>>[vector<16xi32>], vector<16xf32>,
        %get3A_252 = arith.constant 23 : i32
        %get3A_253 = arith.index_cast %get3A_252 : i32 to index
        %get3A_254 = arith.index_cast %mul3A_68 : i32 to index
        %get3A_255 = tpu.vector_load %arg5[%get3A_253, %get3A_254] {strides = array<i32>} : memref<32x512xf32, #tpu.memory_space<vmem>>, vector<16xf32>,
        %add3A_256 = arith.constant 23 : i32
        %add3A_257 = arith.addi %mul3A_66, %add3A_256 : i32
        %add3A_258 = vector.broadcast %add3A_257 : i32 to vector<16xi32>
        %add3A_259 = arith.addi %mul3A_3, %add3A_258 : vector<16xi32>
        tpu.vector_store_idx %arg7[%add3A_259], %get3A_255 : memref<20480xf32, #tpu.memory_space<vmem>>[vector<16xi32>], vector<16xf32>,
        %get3A_260 = arith.constant 24 : i32
        %get3A_261 = arith.index_cast %get3A_260 : i32 to index
        %get3A_262 = arith.index_cast %mul3A_68 : i32 to index
        %get3A_263 = tpu.vector_load %arg5[%get3A_261, %get3A_262] {strides = array<i32>} : memref<32x512xf32, #tpu.memory_space<vmem>>, vector<16xf32>,
        %add3A_264 = arith.constant 24 : i32
        %add3A_265 = arith.addi %mul3A_66, %add3A_264 : i32
        %add3A_266 = vector.broadcast %add3A_265 : i32 to vector<16xi32>
        %add3A_267 = arith.addi %mul3A_3, %add3A_266 : vector<16xi32>
        tpu.vector_store_idx %arg7[%add3A_267], %get3A_263 : memref<20480xf32, #tpu.memory_space<vmem>>[vector<16xi32>], vector<16xf32>,
        %get3A_268 = arith.constant 25 : i32
        %get3A_269 = arith.index_cast %get3A_268 : i32 to index
        %get3A_270 = arith.index_cast %mul3A_68 : i32 to index
        %get3A_271 = tpu.vector_load %arg5[%get3A_269, %get3A_270] {strides = array<i32>} : memref<32x512xf32, #tpu.memory_space<vmem>>, vector<16xf32>,
        %add3A_272 = arith.constant 25 : i32
        %add3A_273 = arith.addi %mul3A_66, %add3A_272 : i32
        %add3A_274 = vector.broadcast %add3A_273 : i32 to vector<16xi32>
        %add3A_275 = arith.addi %mul3A_3, %add3A_274 : vector<16xi32>
        tpu.vector_store_idx %arg7[%add3A_275], %get3A_271 : memref<20480xf32, #tpu.memory_space<vmem>>[vector<16xi32>], vector<16xf32>,
        %get3A_276 = arith.constant 26 : i32
        %get3A_277 = arith.index_cast %get3A_276 : i32 to index
        %get3A_278 = arith.index_cast %mul3A_68 : i32 to index
        %get3A_279 = tpu.vector_load %arg5[%get3A_277, %get3A_278] {strides = array<i32>} : memref<32x512xf32, #tpu.memory_space<vmem>>, vector<16xf32>,
        %add3A_280 = arith.constant 26 : i32
        %add3A_281 = arith.addi %mul3A_66, %add3A_280 : i32
        %add3A_282 = vector.broadcast %add3A_281 : i32 to vector<16xi32>
        %add3A_283 = arith.addi %mul3A_3, %add3A_282 : vector<16xi32>
        tpu.vector_store_idx %arg7[%add3A_283], %get3A_279 : memref<20480xf32, #tpu.memory_space<vmem>>[vector<16xi32>], vector<16xf32>,
        %get3A_284 = arith.constant 27 : i32
        %get3A_285 = arith.index_cast %get3A_284 : i32 to index
        %get3A_286 = arith.index_cast %mul3A_68 : i32 to index
        %get3A_287 = tpu.vector_load %arg5[%get3A_285, %get3A_286] {strides = array<i32>} : memref<32x512xf32, #tpu.memory_space<vmem>>, vector<16xf32>,
        %add3A_288 = arith.constant 27 : i32
        %add3A_289 = arith.addi %mul3A_66, %add3A_288 : i32
        %add3A_290 = vector.broadcast %add3A_289 : i32 to vector<16xi32>
        %add3A_291 = arith.addi %mul3A_3, %add3A_290 : vector<16xi32>
        tpu.vector_store_idx %arg7[%add3A_291], %get3A_287 : memref<20480xf32, #tpu.memory_space<vmem>>[vector<16xi32>], vector<16xf32>,
        %get3A_292 = arith.constant 28 : i32
        %get3A_293 = arith.index_cast %get3A_292 : i32 to index
        %get3A_294 = arith.index_cast %mul3A_68 : i32 to index
        %get3A_295 = tpu.vector_load %arg5[%get3A_293, %get3A_294] {strides = array<i32>} : memref<32x512xf32, #tpu.memory_space<vmem>>, vector<16xf32>,
        %add3A_296 = arith.constant 28 : i32
        %add3A_297 = arith.addi %mul3A_66, %add3A_296 : i32
        %add3A_298 = vector.broadcast %add3A_297 : i32 to vector<16xi32>
        %add3A_299 = arith.addi %mul3A_3, %add3A_298 : vector<16xi32>
        tpu.vector_store_idx %arg7[%add3A_299], %get3A_295 : memref<20480xf32, #tpu.memory_space<vmem>>[vector<16xi32>], vector<16xf32>,
        %get3A_300 = arith.constant 29 : i32
        %get3A_301 = arith.index_cast %get3A_300 : i32 to index
        %get3A_302 = arith.index_cast %mul3A_68 : i32 to index
        %get3A_303 = tpu.vector_load %arg5[%get3A_301, %get3A_302] {strides = array<i32>} : memref<32x512xf32, #tpu.memory_space<vmem>>, vector<16xf32>,
        %add3A_304 = arith.constant 29 : i32
        %add3A_305 = arith.addi %mul3A_66, %add3A_304 : i32
        %add3A_306 = vector.broadcast %add3A_305 : i32 to vector<16xi32>
        %add3A_307 = arith.addi %mul3A_3, %add3A_306 : vector<16xi32>
        tpu.vector_store_idx %arg7[%add3A_307], %get3A_303 : memref<20480xf32, #tpu.memory_space<vmem>>[vector<16xi32>], vector<16xf32>,
        %get3A_308 = arith.constant 30 : i32
        %get3A_309 = arith.index_cast %get3A_308 : i32 to index
        %get3A_310 = arith.index_cast %mul3A_68 : i32 to index
        %get3A_311 = tpu.vector_load %arg5[%get3A_309, %get3A_310] {strides = array<i32>} : memref<32x512xf32, #tpu.memory_space<vmem>>, vector<16xf32>,
        %add3A_312 = arith.constant 30 : i32
        %add3A_313 = arith.addi %mul3A_66, %add3A_312 : i32
        %add3A_314 = vector.broadcast %add3A_313 : i32 to vector<16xi32>
        %add3A_315 = arith.addi %mul3A_3, %add3A_314 : vector<16xi32>
        tpu.vector_store_idx %arg7[%add3A_315], %get3A_311 : memref<20480xf32, #tpu.memory_space<vmem>>[vector<16xi32>], vector<16xf32>,
        %get3A_316 = arith.constant 31 : i32
        %get3A_317 = arith.index_cast %get3A_316 : i32 to index
        %get3A_318 = arith.index_cast %mul3A_68 : i32 to index
        %get3A_319 = tpu.vector_load %arg5[%get3A_317, %get3A_318] {strides = array<i32>} : memref<32x512xf32, #tpu.memory_space<vmem>>, vector<16xf32>,
        %add3A_320 = arith.constant 31 : i32
        %add3A_321 = arith.addi %mul3A_66, %add3A_320 : i32
        %add3A_322 = vector.broadcast %add3A_321 : i32 to vector<16xi32>
        %add3A_323 = arith.addi %mul3A_3, %add3A_322 : vector<16xi32>
        tpu.vector_store_idx %arg7[%add3A_323], %get3A_319 : memref<20480xf32, #tpu.memory_space<vmem>>[vector<16xi32>], vector<16xf32>,
      }
      %scan3A_50 = arith.constant 32 : i32
      %mul3A_51 = arith.constant 512 : i32
      %mul3A_52 = arith.muli %add3A_23, %mul3A_51 : i32
      %mul3A_53 = arith.constant 40 : i32
      %mul3A_54 = arith.muli %mul3A_52, %mul3A_53 : i32
      %dma_start3A_55 = tpu.memref_slice %arg4[%mul3A_54] : memref<40002560xf32, #tpu.memory_space<hbm>> -> memref<20480xf32, #tpu.memory_space<hbm>>
      %dma_start3A_56 = tpu.memref_slice %arg4[%mul3A_54] : memref<40002560xf32, #tpu.memory_space<hbm>> -> memref<20480xf32, #tpu.memory_space<hbm>>
      tpu.enqueue_dma source(%arg7 : memref<20480xf32, #tpu.memory_space<vmem>>) target(%dma_start3A_56 : memref<20480xf32, #tpu.memory_space<hbm>>) target_semaphore(%arg12 : memref<!tpu.dma_semaphore, #tpu.memory_space<semaphore_mem>>)
      %lt3A_57 = arith.constant 1953 : i32
      %lt3A_58 = arith.cmpi slt, %add3A_25, %lt3A_57 : i32
      %convert_element_type3A_59 = arith.extui %lt3A_58 : i1 to i32
      %cond3A_60 = arith.constant 0 : i32
      %cond3A_61 = arith.cmpi ne, %convert_element_type3A_59, %cond3A_60 : i32
      scf.if %cond3A_61 {
        %dma_wait3A_62 = arith.constant 0 : i32
        %dma_wait3A_63 = arith.constant 0 : i32
        %dma_wait3A_64 = tpu.memref_slice %arg2[%dma_wait3A_62, %dma_wait3A_63] : memref<32x1000001xf32, #tpu.memory_space<hbm>> -> memref<32x512xf32, #tpu.memory_space<hbm>>
        %dma_wait3A_65 = arith.constant 0 : i32
        %dma_wait3A_66 = arith.constant 0 : i32
        %dma_wait3A_67 = tpu.memref_slice %arg2[%dma_wait3A_65, %dma_wait3A_66] : memref<32x1000001xf32, #tpu.memory_space<hbm>> -> memref<32x512xf32, #tpu.memory_space<hbm>>
        tpu.wait_dma2 semaphore(%arg11 : memref<!tpu.dma_semaphore, #tpu.memory_space<semaphore_mem>>) src(%dma_wait3A_67 : memref<32x512xf32, #tpu.memory_space<hbm>>) dst(%arg6 : memref<32x512xf32, #tpu.memory_space<vmem>>)
        %gt3A_68 = arith.constant 0 : i32
        %gt3A_69 = arith.cmpi sgt, %scan3A_18, %gt3A_68 : i32
        %convert_element_type3A_70 = arith.extui %gt3A_69 : i1 to i32
        %cond3A_71 = arith.constant 0 : i32
        %cond3A_72 = arith.cmpi ne, %convert_element_type3A_70, %cond3A_71 : i32
        scf.if %cond3A_72 {
          %dma_wait3A_85 = arith.constant 0 : i32
          %dma_wait3A_86 = tpu.memref_slice %arg4[%dma_wait3A_85] : memref<40002560xf32, #tpu.memory_space<hbm>> -> memref<20480xf32, #tpu.memory_space<hbm>>
          %dma_wait3A_87 = arith.constant 0 : i32
          %dma_wait3A_88 = tpu.memref_slice %arg4[%dma_wait3A_87] : memref<40002560xf32, #tpu.memory_space<hbm>> -> memref<20480xf32, #tpu.memory_space<hbm>>
          tpu.wait_dma2 semaphore(%arg13 : memref<!tpu.dma_semaphore, #tpu.memory_space<semaphore_mem>>) src(%dma_wait3A_88 : memref<20480xf32, #tpu.memory_space<hbm>>) dst(%arg8 : memref<20480xf32, #tpu.memory_space<vmem>>)
        } else {
        }
        %scan3A_73 = arith.constant 0 : i32
        %scan3A_74 = arith.constant 0 : i32
        %scan3A_75 = arith.constant 32 : i32
        %scan3A_76 = arith.addi %scan3A_74, %scan3A_75 : i32
        %scan3A_77 = arith.constant 1 : i32
        scf.for %scan3A_85 = %scan3A_74 to %scan3A_76 step %scan3A_77  : i32 {
          %mul3A_86 = arith.constant 16 : i32
          %mul3A_87 = arith.muli %scan3A_85, %mul3A_86 : i32
          %mul3A_88 = arith.constant 40 : i32
          %mul3A_89 = arith.muli %mul3A_87, %mul3A_88 : i32
          %mul3A_90 = arith.constant 16 : i32
          %mul3A_91 = arith.muli %scan3A_85, %mul3A_90 : i32
          %get3A = arith.constant 0 : i32
          %get3A_92 = arith.index_cast %get3A : i32 to index
          %get3A_93 = arith.index_cast %mul3A_91 : i32 to index
          %get3A_94 = tpu.vector_load %arg6[%get3A_92, %get3A_93] {strides = array<i32>} : memref<32x512xf32, #tpu.memory_space<vmem>>, vector<16xf32>,
          %add3A_95 = arith.constant 0 : i32
          %add3A_96 = arith.addi %mul3A_89, %add3A_95 : i32
          %add3A_97 = vector.broadcast %add3A_96 : i32 to vector<16xi32>
          %add3A_98 = arith.addi %mul3A_3, %add3A_97 : vector<16xi32>
          tpu.vector_store_idx %arg8[%add3A_98], %get3A_94 : memref<20480xf32, #tpu.memory_space<vmem>>[vector<16xi32>], vector<16xf32>,
          %get3A_99 = arith.constant 1 : i32
          %get3A_100 = arith.index_cast %get3A_99 : i32 to index
          %get3A_101 = arith.index_cast %mul3A_91 : i32 to index
          %get3A_102 = tpu.vector_load %arg6[%get3A_100, %get3A_101] {strides = array<i32>} : memref<32x512xf32, #tpu.memory_space<vmem>>, vector<16xf32>,
          %add3A_103 = arith.constant 1 : i32
          %add3A_104 = arith.addi %mul3A_89, %add3A_103 : i32
          %add3A_105 = vector.broadcast %add3A_104 : i32 to vector<16xi32>
          %add3A_106 = arith.addi %mul3A_3, %add3A_105 : vector<16xi32>
          tpu.vector_store_idx %arg8[%add3A_106], %get3A_102 : memref<20480xf32, #tpu.memory_space<vmem>>[vector<16xi32>], vector<16xf32>,
          %get3A_107 = arith.constant 2 : i32
          %get3A_108 = arith.index_cast %get3A_107 : i32 to index
          %get3A_109 = arith.index_cast %mul3A_91 : i32 to index
          %get3A_110 = tpu.vector_load %arg6[%get3A_108, %get3A_109] {strides = array<i32>} : memref<32x512xf32, #tpu.memory_space<vmem>>, vector<16xf32>,
          %add3A_111 = arith.constant 2 : i32
          %add3A_112 = arith.addi %mul3A_89, %add3A_111 : i32
          %add3A_113 = vector.broadcast %add3A_112 : i32 to vector<16xi32>
          %add3A_114 = arith.addi %mul3A_3, %add3A_113 : vector<16xi32>
          tpu.vector_store_idx %arg8[%add3A_114], %get3A_110 : memref<20480xf32, #tpu.memory_space<vmem>>[vector<16xi32>], vector<16xf32>,
          %get3A_115 = arith.constant 3 : i32
          %get3A_116 = arith.index_cast %get3A_115 : i32 to index
          %get3A_117 = arith.index_cast %mul3A_91 : i32 to index
          %get3A_118 = tpu.vector_load %arg6[%get3A_116, %get3A_117] {strides = array<i32>} : memref<32x512xf32, #tpu.memory_space<vmem>>, vector<16xf32>,
          %add3A_119 = arith.constant 3 : i32
          %add3A_120 = arith.addi %mul3A_89, %add3A_119 : i32
          %add3A_121 = vector.broadcast %add3A_120 : i32 to vector<16xi32>
          %add3A_122 = arith.addi %mul3A_3, %add3A_121 : vector<16xi32>
          tpu.vector_store_idx %arg8[%add3A_122], %get3A_118 : memref<20480xf32, #tpu.memory_space<vmem>>[vector<16xi32>], vector<16xf32>,
          %get3A_123 = arith.constant 4 : i32
          %get3A_124 = arith.index_cast %get3A_123 : i32 to index
          %get3A_125 = arith.index_cast %mul3A_91 : i32 to index
          %get3A_126 = tpu.vector_load %arg6[%get3A_124, %get3A_125] {strides = array<i32>} : memref<32x512xf32, #tpu.memory_space<vmem>>, vector<16xf32>,
          %add3A_127 = arith.constant 4 : i32
          %add3A_128 = arith.addi %mul3A_89, %add3A_127 : i32
          %add3A_129 = vector.broadcast %add3A_128 : i32 to vector<16xi32>
          %add3A_130 = arith.addi %mul3A_3, %add3A_129 : vector<16xi32>
          tpu.vector_store_idx %arg8[%add3A_130], %get3A_126 : memref<20480xf32, #tpu.memory_space<vmem>>[vector<16xi32>], vector<16xf32>,
          %get3A_131 = arith.constant 5 : i32
          %get3A_132 = arith.index_cast %get3A_131 : i32 to index
          %get3A_133 = arith.index_cast %mul3A_91 : i32 to index
          %get3A_134 = tpu.vector_load %arg6[%get3A_132, %get3A_133] {strides = array<i32>} : memref<32x512xf32, #tpu.memory_space<vmem>>, vector<16xf32>,
          %add3A_135 = arith.constant 5 : i32
          %add3A_136 = arith.addi %mul3A_89, %add3A_135 : i32
          %add3A_137 = vector.broadcast %add3A_136 : i32 to vector<16xi32>
          %add3A_138 = arith.addi %mul3A_3, %add3A_137 : vector<16xi32>
          tpu.vector_store_idx %arg8[%add3A_138], %get3A_134 : memref<20480xf32, #tpu.memory_space<vmem>>[vector<16xi32>], vector<16xf32>,
          %get3A_139 = arith.constant 6 : i32
          %get3A_140 = arith.index_cast %get3A_139 : i32 to index
          %get3A_141 = arith.index_cast %mul3A_91 : i32 to index
          %get3A_142 = tpu.vector_load %arg6[%get3A_140, %get3A_141] {strides = array<i32>} : memref<32x512xf32, #tpu.memory_space<vmem>>, vector<16xf32>,
          %add3A_143 = arith.constant 6 : i32
          %add3A_144 = arith.addi %mul3A_89, %add3A_143 : i32
          %add3A_145 = vector.broadcast %add3A_144 : i32 to vector<16xi32>
          %add3A_146 = arith.addi %mul3A_3, %add3A_145 : vector<16xi32>
          tpu.vector_store_idx %arg8[%add3A_146], %get3A_142 : memref<20480xf32, #tpu.memory_space<vmem>>[vector<16xi32>], vector<16xf32>,
          %get3A_147 = arith.constant 7 : i32
          %get3A_148 = arith.index_cast %get3A_147 : i32 to index
          %get3A_149 = arith.index_cast %mul3A_91 : i32 to index
          %get3A_150 = tpu.vector_load %arg6[%get3A_148, %get3A_149] {strides = array<i32>} : memref<32x512xf32, #tpu.memory_space<vmem>>, vector<16xf32>,
          %add3A_151 = arith.constant 7 : i32
          %add3A_152 = arith.addi %mul3A_89, %add3A_151 : i32
          %add3A_153 = vector.broadcast %add3A_152 : i32 to vector<16xi32>
          %add3A_154 = arith.addi %mul3A_3, %add3A_153 : vector<16xi32>
          tpu.vector_store_idx %arg8[%add3A_154], %get3A_150 : memref<20480xf32, #tpu.memory_space<vmem>>[vector<16xi32>], vector<16xf32>,
          %get3A_155 = arith.constant 8 : i32
          %get3A_156 = arith.index_cast %get3A_155 : i32 to index
          %get3A_157 = arith.index_cast %mul3A_91 : i32 to index
          %get3A_158 = tpu.vector_load %arg6[%get3A_156, %get3A_157] {strides = array<i32>} : memref<32x512xf32, #tpu.memory_space<vmem>>, vector<16xf32>,
          %add3A_159 = arith.constant 8 : i32
          %add3A_160 = arith.addi %mul3A_89, %add3A_159 : i32
          %add3A_161 = vector.broadcast %add3A_160 : i32 to vector<16xi32>
          %add3A_162 = arith.addi %mul3A_3, %add3A_161 : vector<16xi32>
          tpu.vector_store_idx %arg8[%add3A_162], %get3A_158 : memref<20480xf32, #tpu.memory_space<vmem>>[vector<16xi32>], vector<16xf32>,
          %get3A_163 = arith.constant 9 : i32
          %get3A_164 = arith.index_cast %get3A_163 : i32 to index
          %get3A_165 = arith.index_cast %mul3A_91 : i32 to index
          %get3A_166 = tpu.vector_load %arg6[%get3A_164, %get3A_165] {strides = array<i32>} : memref<32x512xf32, #tpu.memory_space<vmem>>, vector<16xf32>,
          %add3A_167 = arith.constant 9 : i32
          %add3A_168 = arith.addi %mul3A_89, %add3A_167 : i32
          %add3A_169 = vector.broadcast %add3A_168 : i32 to vector<16xi32>
          %add3A_170 = arith.addi %mul3A_3, %add3A_169 : vector<16xi32>
          tpu.vector_store_idx %arg8[%add3A_170], %get3A_166 : memref<20480xf32, #tpu.memory_space<vmem>>[vector<16xi32>], vector<16xf32>,
          %get3A_171 = arith.constant 10 : i32
          %get3A_172 = arith.index_cast %get3A_171 : i32 to index
          %get3A_173 = arith.index_cast %mul3A_91 : i32 to index
          %get3A_174 = tpu.vector_load %arg6[%get3A_172, %get3A_173] {strides = array<i32>} : memref<32x512xf32, #tpu.memory_space<vmem>>, vector<16xf32>,
          %add3A_175 = arith.constant 10 : i32
          %add3A_176 = arith.addi %mul3A_89, %add3A_175 : i32
          %add3A_177 = vector.broadcast %add3A_176 : i32 to vector<16xi32>
          %add3A_178 = arith.addi %mul3A_3, %add3A_177 : vector<16xi32>
          tpu.vector_store_idx %arg8[%add3A_178], %get3A_174 : memref<20480xf32, #tpu.memory_space<vmem>>[vector<16xi32>], vector<16xf32>,
          %get3A_179 = arith.constant 11 : i32
          %get3A_180 = arith.index_cast %get3A_179 : i32 to index
          %get3A_181 = arith.index_cast %mul3A_91 : i32 to index
          %get3A_182 = tpu.vector_load %arg6[%get3A_180, %get3A_181] {strides = array<i32>} : memref<32x512xf32, #tpu.memory_space<vmem>>, vector<16xf32>,
          %add3A_183 = arith.constant 11 : i32
          %add3A_184 = arith.addi %mul3A_89, %add3A_183 : i32
          %add3A_185 = vector.broadcast %add3A_184 : i32 to vector<16xi32>
          %add3A_186 = arith.addi %mul3A_3, %add3A_185 : vector<16xi32>
          tpu.vector_store_idx %arg8[%add3A_186], %get3A_182 : memref<20480xf32, #tpu.memory_space<vmem>>[vector<16xi32>], vector<16xf32>,
          %get3A_187 = arith.constant 12 : i32
          %get3A_188 = arith.index_cast %get3A_187 : i32 to index
          %get3A_189 = arith.index_cast %mul3A_91 : i32 to index
          %get3A_190 = tpu.vector_load %arg6[%get3A_188, %get3A_189] {strides = array<i32>} : memref<32x512xf32, #tpu.memory_space<vmem>>, vector<16xf32>,
          %add3A_191 = arith.constant 12 : i32
          %add3A_192 = arith.addi %mul3A_89, %add3A_191 : i32
          %add3A_193 = vector.broadcast %add3A_192 : i32 to vector<16xi32>
          %add3A_194 = arith.addi %mul3A_3, %add3A_193 : vector<16xi32>
          tpu.vector_store_idx %arg8[%add3A_194], %get3A_190 : memref<20480xf32, #tpu.memory_space<vmem>>[vector<16xi32>], vector<16xf32>,
          %get3A_195 = arith.constant 13 : i32
          %get3A_196 = arith.index_cast %get3A_195 : i32 to index
          %get3A_197 = arith.index_cast %mul3A_91 : i32 to index
          %get3A_198 = tpu.vector_load %arg6[%get3A_196, %get3A_197] {strides = array<i32>} : memref<32x512xf32, #tpu.memory_space<vmem>>, vector<16xf32>,
          %add3A_199 = arith.constant 13 : i32
          %add3A_200 = arith.addi %mul3A_89, %add3A_199 : i32
          %add3A_201 = vector.broadcast %add3A_200 : i32 to vector<16xi32>
          %add3A_202 = arith.addi %mul3A_3, %add3A_201 : vector<16xi32>
          tpu.vector_store_idx %arg8[%add3A_202], %get3A_198 : memref<20480xf32, #tpu.memory_space<vmem>>[vector<16xi32>], vector<16xf32>,
          %get3A_203 = arith.constant 14 : i32
          %get3A_204 = arith.index_cast %get3A_203 : i32 to index
          %get3A_205 = arith.index_cast %mul3A_91 : i32 to index
          %get3A_206 = tpu.vector_load %arg6[%get3A_204, %get3A_205] {strides = array<i32>} : memref<32x512xf32, #tpu.memory_space<vmem>>, vector<16xf32>,
          %add3A_207 = arith.constant 14 : i32
          %add3A_208 = arith.addi %mul3A_89, %add3A_207 : i32
          %add3A_209 = vector.broadcast %add3A_208 : i32 to vector<16xi32>
          %add3A_210 = arith.addi %mul3A_3, %add3A_209 : vector<16xi32>
          tpu.vector_store_idx %arg8[%add3A_210], %get3A_206 : memref<20480xf32, #tpu.memory_space<vmem>>[vector<16xi32>], vector<16xf32>,
          %get3A_211 = arith.constant 15 : i32
          %get3A_212 = arith.index_cast %get3A_211 : i32 to index
          %get3A_213 = arith.index_cast %mul3A_91 : i32 to index
          %get3A_214 = tpu.vector_load %arg6[%get3A_212, %get3A_213] {strides = array<i32>} : memref<32x512xf32, #tpu.memory_space<vmem>>, vector<16xf32>,
          %add3A_215 = arith.constant 15 : i32
          %add3A_216 = arith.addi %mul3A_89, %add3A_215 : i32
          %add3A_217 = vector.broadcast %add3A_216 : i32 to vector<16xi32>
          %add3A_218 = arith.addi %mul3A_3, %add3A_217 : vector<16xi32>
          tpu.vector_store_idx %arg8[%add3A_218], %get3A_214 : memref<20480xf32, #tpu.memory_space<vmem>>[vector<16xi32>], vector<16xf32>,
          %get3A_219 = arith.constant 16 : i32
          %get3A_220 = arith.index_cast %get3A_219 : i32 to index
          %get3A_221 = arith.index_cast %mul3A_91 : i32 to index
          %get3A_222 = tpu.vector_load %arg6[%get3A_220, %get3A_221] {strides = array<i32>} : memref<32x512xf32, #tpu.memory_space<vmem>>, vector<16xf32>,
          %add3A_223 = arith.constant 16 : i32
          %add3A_224 = arith.addi %mul3A_89, %add3A_223 : i32
          %add3A_225 = vector.broadcast %add3A_224 : i32 to vector<16xi32>
          %add3A_226 = arith.addi %mul3A_3, %add3A_225 : vector<16xi32>
          tpu.vector_store_idx %arg8[%add3A_226], %get3A_222 : memref<20480xf32, #tpu.memory_space<vmem>>[vector<16xi32>], vector<16xf32>,
          %get3A_227 = arith.constant 17 : i32
          %get3A_228 = arith.index_cast %get3A_227 : i32 to index
          %get3A_229 = arith.index_cast %mul3A_91 : i32 to index
          %get3A_230 = tpu.vector_load %arg6[%get3A_228, %get3A_229] {strides = array<i32>} : memref<32x512xf32, #tpu.memory_space<vmem>>, vector<16xf32>,
          %add3A_231 = arith.constant 17 : i32
          %add3A_232 = arith.addi %mul3A_89, %add3A_231 : i32
          %add3A_233 = vector.broadcast %add3A_232 : i32 to vector<16xi32>
          %add3A_234 = arith.addi %mul3A_3, %add3A_233 : vector<16xi32>
          tpu.vector_store_idx %arg8[%add3A_234], %get3A_230 : memref<20480xf32, #tpu.memory_space<vmem>>[vector<16xi32>], vector<16xf32>,
          %get3A_235 = arith.constant 18 : i32
          %get3A_236 = arith.index_cast %get3A_235 : i32 to index
          %get3A_237 = arith.index_cast %mul3A_91 : i32 to index
          %get3A_238 = tpu.vector_load %arg6[%get3A_236, %get3A_237] {strides = array<i32>} : memref<32x512xf32, #tpu.memory_space<vmem>>, vector<16xf32>,
          %add3A_239 = arith.constant 18 : i32
          %add3A_240 = arith.addi %mul3A_89, %add3A_239 : i32
          %add3A_241 = vector.broadcast %add3A_240 : i32 to vector<16xi32>
          %add3A_242 = arith.addi %mul3A_3, %add3A_241 : vector<16xi32>
          tpu.vector_store_idx %arg8[%add3A_242], %get3A_238 : memref<20480xf32, #tpu.memory_space<vmem>>[vector<16xi32>], vector<16xf32>,
          %get3A_243 = arith.constant 19 : i32
          %get3A_244 = arith.index_cast %get3A_243 : i32 to index
          %get3A_245 = arith.index_cast %mul3A_91 : i32 to index
          %get3A_246 = tpu.vector_load %arg6[%get3A_244, %get3A_245] {strides = array<i32>} : memref<32x512xf32, #tpu.memory_space<vmem>>, vector<16xf32>,
          %add3A_247 = arith.constant 19 : i32
          %add3A_248 = arith.addi %mul3A_89, %add3A_247 : i32
          %add3A_249 = vector.broadcast %add3A_248 : i32 to vector<16xi32>
          %add3A_250 = arith.addi %mul3A_3, %add3A_249 : vector<16xi32>
          tpu.vector_store_idx %arg8[%add3A_250], %get3A_246 : memref<20480xf32, #tpu.memory_space<vmem>>[vector<16xi32>], vector<16xf32>,
          %get3A_251 = arith.constant 20 : i32
          %get3A_252 = arith.index_cast %get3A_251 : i32 to index
          %get3A_253 = arith.index_cast %mul3A_91 : i32 to index
          %get3A_254 = tpu.vector_load %arg6[%get3A_252, %get3A_253] {strides = array<i32>} : memref<32x512xf32, #tpu.memory_space<vmem>>, vector<16xf32>,
          %add3A_255 = arith.constant 20 : i32
          %add3A_256 = arith.addi %mul3A_89, %add3A_255 : i32
          %add3A_257 = vector.broadcast %add3A_256 : i32 to vector<16xi32>
          %add3A_258 = arith.addi %mul3A_3, %add3A_257 : vector<16xi32>
          tpu.vector_store_idx %arg8[%add3A_258], %get3A_254 : memref<20480xf32, #tpu.memory_space<vmem>>[vector<16xi32>], vector<16xf32>,
          %get3A_259 = arith.constant 21 : i32
          %get3A_260 = arith.index_cast %get3A_259 : i32 to index
          %get3A_261 = arith.index_cast %mul3A_91 : i32 to index
          %get3A_262 = tpu.vector_load %arg6[%get3A_260, %get3A_261] {strides = array<i32>} : memref<32x512xf32, #tpu.memory_space<vmem>>, vector<16xf32>,
          %add3A_263 = arith.constant 21 : i32
          %add3A_264 = arith.addi %mul3A_89, %add3A_263 : i32
          %add3A_265 = vector.broadcast %add3A_264 : i32 to vector<16xi32>
          %add3A_266 = arith.addi %mul3A_3, %add3A_265 : vector<16xi32>
          tpu.vector_store_idx %arg8[%add3A_266], %get3A_262 : memref<20480xf32, #tpu.memory_space<vmem>>[vector<16xi32>], vector<16xf32>,
          %get3A_267 = arith.constant 22 : i32
          %get3A_268 = arith.index_cast %get3A_267 : i32 to index
          %get3A_269 = arith.index_cast %mul3A_91 : i32 to index
          %get3A_270 = tpu.vector_load %arg6[%get3A_268, %get3A_269] {strides = array<i32>} : memref<32x512xf32, #tpu.memory_space<vmem>>, vector<16xf32>,
          %add3A_271 = arith.constant 22 : i32
          %add3A_272 = arith.addi %mul3A_89, %add3A_271 : i32
          %add3A_273 = vector.broadcast %add3A_272 : i32 to vector<16xi32>
          %add3A_274 = arith.addi %mul3A_3, %add3A_273 : vector<16xi32>
          tpu.vector_store_idx %arg8[%add3A_274], %get3A_270 : memref<20480xf32, #tpu.memory_space<vmem>>[vector<16xi32>], vector<16xf32>,
          %get3A_275 = arith.constant 23 : i32
          %get3A_276 = arith.index_cast %get3A_275 : i32 to index
          %get3A_277 = arith.index_cast %mul3A_91 : i32 to index
          %get3A_278 = tpu.vector_load %arg6[%get3A_276, %get3A_277] {strides = array<i32>} : memref<32x512xf32, #tpu.memory_space<vmem>>, vector<16xf32>,
          %add3A_279 = arith.constant 23 : i32
          %add3A_280 = arith.addi %mul3A_89, %add3A_279 : i32
          %add3A_281 = vector.broadcast %add3A_280 : i32 to vector<16xi32>
          %add3A_282 = arith.addi %mul3A_3, %add3A_281 : vector<16xi32>
          tpu.vector_store_idx %arg8[%add3A_282], %get3A_278 : memref<20480xf32, #tpu.memory_space<vmem>>[vector<16xi32>], vector<16xf32>,
          %get3A_283 = arith.constant 24 : i32
          %get3A_284 = arith.index_cast %get3A_283 : i32 to index
          %get3A_285 = arith.index_cast %mul3A_91 : i32 to index
          %get3A_286 = tpu.vector_load %arg6[%get3A_284, %get3A_285] {strides = array<i32>} : memref<32x512xf32, #tpu.memory_space<vmem>>, vector<16xf32>,
          %add3A_287 = arith.constant 24 : i32
          %add3A_288 = arith.addi %mul3A_89, %add3A_287 : i32
          %add3A_289 = vector.broadcast %add3A_288 : i32 to vector<16xi32>
          %add3A_290 = arith.addi %mul3A_3, %add3A_289 : vector<16xi32>
          tpu.vector_store_idx %arg8[%add3A_290], %get3A_286 : memref<20480xf32, #tpu.memory_space<vmem>>[vector<16xi32>], vector<16xf32>,
          %get3A_291 = arith.constant 25 : i32
          %get3A_292 = arith.index_cast %get3A_291 : i32 to index
          %get3A_293 = arith.index_cast %mul3A_91 : i32 to index
          %get3A_294 = tpu.vector_load %arg6[%get3A_292, %get3A_293] {strides = array<i32>} : memref<32x512xf32, #tpu.memory_space<vmem>>, vector<16xf32>,
          %add3A_295 = arith.constant 25 : i32
          %add3A_296 = arith.addi %mul3A_89, %add3A_295 : i32
          %add3A_297 = vector.broadcast %add3A_296 : i32 to vector<16xi32>
          %add3A_298 = arith.addi %mul3A_3, %add3A_297 : vector<16xi32>
          tpu.vector_store_idx %arg8[%add3A_298], %get3A_294 : memref<20480xf32, #tpu.memory_space<vmem>>[vector<16xi32>], vector<16xf32>,
          %get3A_299 = arith.constant 26 : i32
          %get3A_300 = arith.index_cast %get3A_299 : i32 to index
          %get3A_301 = arith.index_cast %mul3A_91 : i32 to index
          %get3A_302 = tpu.vector_load %arg6[%get3A_300, %get3A_301] {strides = array<i32>} : memref<32x512xf32, #tpu.memory_space<vmem>>, vector<16xf32>,
          %add3A_303 = arith.constant 26 : i32
          %add3A_304 = arith.addi %mul3A_89, %add3A_303 : i32
          %add3A_305 = vector.broadcast %add3A_304 : i32 to vector<16xi32>
          %add3A_306 = arith.addi %mul3A_3, %add3A_305 : vector<16xi32>
          tpu.vector_store_idx %arg8[%add3A_306], %get3A_302 : memref<20480xf32, #tpu.memory_space<vmem>>[vector<16xi32>], vector<16xf32>,
          %get3A_307 = arith.constant 27 : i32
          %get3A_308 = arith.index_cast %get3A_307 : i32 to index
          %get3A_309 = arith.index_cast %mul3A_91 : i32 to index
          %get3A_310 = tpu.vector_load %arg6[%get3A_308, %get3A_309] {strides = array<i32>} : memref<32x512xf32, #tpu.memory_space<vmem>>, vector<16xf32>,
          %add3A_311 = arith.constant 27 : i32
          %add3A_312 = arith.addi %mul3A_89, %add3A_311 : i32
          %add3A_313 = vector.broadcast %add3A_312 : i32 to vector<16xi32>
          %add3A_314 = arith.addi %mul3A_3, %add3A_313 : vector<16xi32>
          tpu.vector_store_idx %arg8[%add3A_314], %get3A_310 : memref<20480xf32, #tpu.memory_space<vmem>>[vector<16xi32>], vector<16xf32>,
          %get3A_315 = arith.constant 28 : i32
          %get3A_316 = arith.index_cast %get3A_315 : i32 to index
          %get3A_317 = arith.index_cast %mul3A_91 : i32 to index
          %get3A_318 = tpu.vector_load %arg6[%get3A_316, %get3A_317] {strides = array<i32>} : memref<32x512xf32, #tpu.memory_space<vmem>>, vector<16xf32>,
          %add3A_319 = arith.constant 28 : i32
          %add3A_320 = arith.addi %mul3A_89, %add3A_319 : i32
          %add3A_321 = vector.broadcast %add3A_320 : i32 to vector<16xi32>
          %add3A_322 = arith.addi %mul3A_3, %add3A_321 : vector<16xi32>
          tpu.vector_store_idx %arg8[%add3A_322], %get3A_318 : memref<20480xf32, #tpu.memory_space<vmem>>[vector<16xi32>], vector<16xf32>,
          %get3A_323 = arith.constant 29 : i32
          %get3A_324 = arith.index_cast %get3A_323 : i32 to index
          %get3A_325 = arith.index_cast %mul3A_91 : i32 to index
          %get3A_326 = tpu.vector_load %arg6[%get3A_324, %get3A_325] {strides = array<i32>} : memref<32x512xf32, #tpu.memory_space<vmem>>, vector<16xf32>,
          %add3A_327 = arith.constant 29 : i32
          %add3A_328 = arith.addi %mul3A_89, %add3A_327 : i32
          %add3A_329 = vector.broadcast %add3A_328 : i32 to vector<16xi32>
          %add3A_330 = arith.addi %mul3A_3, %add3A_329 : vector<16xi32>
          tpu.vector_store_idx %arg8[%add3A_330], %get3A_326 : memref<20480xf32, #tpu.memory_space<vmem>>[vector<16xi32>], vector<16xf32>,
          %get3A_331 = arith.constant 30 : i32
          %get3A_332 = arith.index_cast %get3A_331 : i32 to index
          %get3A_333 = arith.index_cast %mul3A_91 : i32 to index
          %get3A_334 = tpu.vector_load %arg6[%get3A_332, %get3A_333] {strides = array<i32>} : memref<32x512xf32, #tpu.memory_space<vmem>>, vector<16xf32>,
          %add3A_335 = arith.constant 30 : i32
          %add3A_336 = arith.addi %mul3A_89, %add3A_335 : i32
          %add3A_337 = vector.broadcast %add3A_336 : i32 to vector<16xi32>
          %add3A_338 = arith.addi %mul3A_3, %add3A_337 : vector<16xi32>
          tpu.vector_store_idx %arg8[%add3A_338], %get3A_334 : memref<20480xf32, #tpu.memory_space<vmem>>[vector<16xi32>], vector<16xf32>,
          %get3A_339 = arith.constant 31 : i32
          %get3A_340 = arith.index_cast %get3A_339 : i32 to index
          %get3A_341 = arith.index_cast %mul3A_91 : i32 to index
          %get3A_342 = tpu.vector_load %arg6[%get3A_340, %get3A_341] {strides = array<i32>} : memref<32x512xf32, #tpu.memory_space<vmem>>, vector<16xf32>,
          %add3A_343 = arith.constant 31 : i32
          %add3A_344 = arith.addi %mul3A_89, %add3A_343 : i32
          %add3A_345 = vector.broadcast %add3A_344 : i32 to vector<16xi32>
          %add3A_346 = arith.addi %mul3A_3, %add3A_345 : vector<16xi32>
          tpu.vector_store_idx %arg8[%add3A_346], %get3A_342 : memref<20480xf32, #tpu.memory_space<vmem>>[vector<16xi32>], vector<16xf32>,
        }
        %scan3A_78 = arith.constant 32 : i32
        %mul3A_79 = arith.constant 512 : i32
        %mul3A_80 = arith.muli %add3A_25, %mul3A_79 : i32
        %mul3A_81 = arith.constant 40 : i32
        %mul3A_82 = arith.muli %mul3A_80, %mul3A_81 : i32
        %dma_start3A_83 = tpu.memref_slice %arg4[%mul3A_82] : memref<40002560xf32, #tpu.memory_space<hbm>> -> memref<20480xf32, #tpu.memory_space<hbm>>
        %dma_start3A_84 = tpu.memref_slice %arg4[%mul3A_82] : memref<40002560xf32, #tpu.memory_space<hbm>> -> memref<20480xf32, #tpu.memory_space<hbm>>
        tpu.enqueue_dma source(%arg8 : memref<20480xf32, #tpu.memory_space<vmem>>) target(%dma_start3A_84 : memref<20480xf32, #tpu.memory_space<hbm>>) target_semaphore(%arg13 : memref<!tpu.dma_semaphore, #tpu.memory_space<semaphore_mem>>)
      } else {
      }
    }
    %scan3A_8 = arith.constant 31 : i32
    %dma_wait3A = arith.constant 0 : i32
    %dma_wait3A_9 = tpu.memref_slice %arg4[%dma_wait3A] : memref<40002560xf32, #tpu.memory_space<hbm>> -> memref<20480xf32, #tpu.memory_space<hbm>>
    %dma_wait3A_10 = arith.constant 0 : i32
    %dma_wait3A_11 = tpu.memref_slice %arg4[%dma_wait3A_10] : memref<40002560xf32, #tpu.memory_space<hbm>> -> memref<20480xf32, #tpu.memory_space<hbm>>
    tpu.wait_dma2 semaphore(%arg12 : memref<!tpu.dma_semaphore, #tpu.memory_space<semaphore_mem>>) src(%dma_wait3A_11 : memref<20480xf32, #tpu.memory_space<hbm>>) dst(%arg7 : memref<20480xf32, #tpu.memory_space<vmem>>)
    %dma_wait3A_12 = arith.constant 0 : i32
    %dma_wait3A_13 = tpu.memref_slice %arg4[%dma_wait3A_12] : memref<40002560xf32, #tpu.memory_space<hbm>> -> memref<20480xf32, #tpu.memory_space<hbm>>
    %dma_wait3A_14 = arith.constant 0 : i32
    %dma_wait3A_15 = tpu.memref_slice %arg4[%dma_wait3A_14] : memref<40002560xf32, #tpu.memory_space<hbm>> -> memref<20480xf32, #tpu.memory_space<hbm>>
    tpu.wait_dma2 semaphore(%arg13 : memref<!tpu.dma_semaphore, #tpu.memory_space<semaphore_mem>>) src(%dma_wait3A_15 : memref<20480xf32, #tpu.memory_space<hbm>>) dst(%arg8 : memref<20480xf32, #tpu.memory_space<vmem>>)
    %eq3A = arith.constant 0 : i32
    %eq3A_16 = arith.cmpi eq, %add3A, %eq3A : i32
    %convert_element_type3A = arith.extui %eq3A_16 : i1 to i32
    %cond3A = arith.constant 0 : i32
    %cond3A_17 = arith.cmpi ne, %convert_element_type3A, %cond3A : i32
    scf.if %cond3A_17 {
      "tpu.region"() ({
        %run_scoped3A = tpu.sem_alloc : memref<!tpu.dma_semaphore, #tpu.memory_space<semaphore_mem>>
        tpu.enqueue_dma source(%arg3 : memref<2080xf32, #tpu.memory_space<hbm>>) target(%arg9 : memref<2080xf32, #tpu.memory_space<vmem>>) target_semaphore(%run_scoped3A : memref<!tpu.dma_semaphore, #tpu.memory_space<semaphore_mem>>)
        tpu.wait_dma2 semaphore(%run_scoped3A : memref<!tpu.dma_semaphore, #tpu.memory_space<semaphore_mem>>) src(%arg3 : memref<2080xf32, #tpu.memory_space<hbm>>) dst(%arg9 : memref<2080xf32, #tpu.memory_space<vmem>>)
        tpu.yield
      }) : () -> ()
      %mul3A_18 = arith.constant 32 : i32
      %mul3A_19 = vector.broadcast %mul3A_18 : i32 to vector<16xi32>
      %mul3A_20 = arith.muli %iota3A, %mul3A_19 : vector<16xi32>
      %add3A_21 = arith.constant 0 : i32
      %add3A_22 = vector.broadcast %add3A_21 : i32 to vector<16xi32>
      %add3A_23 = arith.addi %add3A_22, %iota3A : vector<16xi32>
      %lt3A = arith.constant 65 : i32
      %lt3A_24 = vector.broadcast %lt3A : i32 to vector<16xi32>
      %lt3A_25 = arith.cmpi slt, %add3A_23, %lt3A_24 : vector<16xi32>
      %add3A_26 = arith.constant 0 : i32
      %add3A_27 = vector.broadcast %add3A_26 : i32 to vector<16xi32>
      %add3A_28 = arith.addi %mul3A_20, %add3A_27 : vector<16xi32>
      %gather3A = tpu.vector_load_idx %arg9[%add3A_28] masked %lt3A_25 : memref<2080xf32, #tpu.memory_space<vmem>>[vector<16xi32>], vector<16xf32>, vector<16xi1>
      %add3A_29 = arith.constant 0 : i32
      %add3A_30 = vector.broadcast %add3A_29 : i32 to vector<16xi32>
      %add3A_31 = arith.addi %mul3A_3, %add3A_30 : vector<16xi32>
      tpu.vector_store_idx %arg7[%add3A_31], %gather3A masked %lt3A_25 : memref<20480xf32, #tpu.memory_space<vmem>>[vector<16xi32>], vector<16xf32>, vector<16xi1>
      %add3A_32 = arith.constant 1 : i32
      %add3A_33 = vector.broadcast %add3A_32 : i32 to vector<16xi32>
      %add3A_34 = arith.addi %mul3A_20, %add3A_33 : vector<16xi32>
      %gather3A_35 = tpu.vector_load_idx %arg9[%add3A_34] masked %lt3A_25 : memref<2080xf32, #tpu.memory_space<vmem>>[vector<16xi32>], vector<16xf32>, vector<16xi1>
      %add3A_36 = arith.constant 1 : i32
      %add3A_37 = vector.broadcast %add3A_36 : i32 to vector<16xi32>
      %add3A_38 = arith.addi %mul3A_3, %add3A_37 : vector<16xi32>
      tpu.vector_store_idx %arg7[%add3A_38], %gather3A_35 masked %lt3A_25 : memref<20480xf32, #tpu.memory_space<vmem>>[vector<16xi32>], vector<16xf32>, vector<16xi1>
      %add3A_39 = arith.constant 2 : i32
      %add3A_40 = vector.broadcast %add3A_39 : i32 to vector<16xi32>
      %add3A_41 = arith.addi %mul3A_20, %add3A_40 : vector<16xi32>
      %gather3A_42 = tpu.vector_load_idx %arg9[%add3A_41] masked %lt3A_25 : memref<2080xf32, #tpu.memory_space<vmem>>[vector<16xi32>], vector<16xf32>, vector<16xi1>
      %add3A_43 = arith.constant 2 : i32
      %add3A_44 = vector.broadcast %add3A_43 : i32 to vector<16xi32>
      %add3A_45 = arith.addi %mul3A_3, %add3A_44 : vector<16xi32>
      tpu.vector_store_idx %arg7[%add3A_45], %gather3A_42 masked %lt3A_25 : memref<20480xf32, #tpu.memory_space<vmem>>[vector<16xi32>], vector<16xf32>, vector<16xi1>
      %add3A_46 = arith.constant 3 : i32
      %add3A_47 = vector.broadcast %add3A_46 : i32 to vector<16xi32>
      %add3A_48 = arith.addi %mul3A_20, %add3A_47 : vector<16xi32>
      %gather3A_49 = tpu.vector_load_idx %arg9[%add3A_48] masked %lt3A_25 : memref<2080xf32, #tpu.memory_space<vmem>>[vector<16xi32>], vector<16xf32>, vector<16xi1>
      %add3A_50 = arith.constant 3 : i32
      %add3A_51 = vector.broadcast %add3A_50 : i32 to vector<16xi32>
      %add3A_52 = arith.addi %mul3A_3, %add3A_51 : vector<16xi32>
      tpu.vector_store_idx %arg7[%add3A_52], %gather3A_49 masked %lt3A_25 : memref<20480xf32, #tpu.memory_space<vmem>>[vector<16xi32>], vector<16xf32>, vector<16xi1>
      %add3A_53 = arith.constant 4 : i32
      %add3A_54 = vector.broadcast %add3A_53 : i32 to vector<16xi32>
      %add3A_55 = arith.addi %mul3A_20, %add3A_54 : vector<16xi32>
      %gather3A_56 = tpu.vector_load_idx %arg9[%add3A_55] masked %lt3A_25 : memref<2080xf32, #tpu.memory_space<vmem>>[vector<16xi32>], vector<16xf32>, vector<16xi1>
      %add3A_57 = arith.constant 4 : i32
      %add3A_58 = vector.broadcast %add3A_57 : i32 to vector<16xi32>
      %add3A_59 = arith.addi %mul3A_3, %add3A_58 : vector<16xi32>
      tpu.vector_store_idx %arg7[%add3A_59], %gather3A_56 masked %lt3A_25 : memref<20480xf32, #tpu.memory_space<vmem>>[vector<16xi32>], vector<16xf32>, vector<16xi1>
      %add3A_60 = arith.constant 5 : i32
      %add3A_61 = vector.broadcast %add3A_60 : i32 to vector<16xi32>
      %add3A_62 = arith.addi %mul3A_20, %add3A_61 : vector<16xi32>
      %gather3A_63 = tpu.vector_load_idx %arg9[%add3A_62] masked %lt3A_25 : memref<2080xf32, #tpu.memory_space<vmem>>[vector<16xi32>], vector<16xf32>, vector<16xi1>
      %add3A_64 = arith.constant 5 : i32
      %add3A_65 = vector.broadcast %add3A_64 : i32 to vector<16xi32>
      %add3A_66 = arith.addi %mul3A_3, %add3A_65 : vector<16xi32>
      tpu.vector_store_idx %arg7[%add3A_66], %gather3A_63 masked %lt3A_25 : memref<20480xf32, #tpu.memory_space<vmem>>[vector<16xi32>], vector<16xf32>, vector<16xi1>
      %add3A_67 = arith.constant 6 : i32
      %add3A_68 = vector.broadcast %add3A_67 : i32 to vector<16xi32>
      %add3A_69 = arith.addi %mul3A_20, %add3A_68 : vector<16xi32>
      %gather3A_70 = tpu.vector_load_idx %arg9[%add3A_69] masked %lt3A_25 : memref<2080xf32, #tpu.memory_space<vmem>>[vector<16xi32>], vector<16xf32>, vector<16xi1>
      %add3A_71 = arith.constant 6 : i32
      %add3A_72 = vector.broadcast %add3A_71 : i32 to vector<16xi32>
      %add3A_73 = arith.addi %mul3A_3, %add3A_72 : vector<16xi32>
      tpu.vector_store_idx %arg7[%add3A_73], %gather3A_70 masked %lt3A_25 : memref<20480xf32, #tpu.memory_space<vmem>>[vector<16xi32>], vector<16xf32>, vector<16xi1>
      %add3A_74 = arith.constant 7 : i32
      %add3A_75 = vector.broadcast %add3A_74 : i32 to vector<16xi32>
      %add3A_76 = arith.addi %mul3A_20, %add3A_75 : vector<16xi32>
      %gather3A_77 = tpu.vector_load_idx %arg9[%add3A_76] masked %lt3A_25 : memref<2080xf32, #tpu.memory_space<vmem>>[vector<16xi32>], vector<16xf32>, vector<16xi1>
      %add3A_78 = arith.constant 7 : i32
      %add3A_79 = vector.broadcast %add3A_78 : i32 to vector<16xi32>
      %add3A_80 = arith.addi %mul3A_3, %add3A_79 : vector<16xi32>
      tpu.vector_store_idx %arg7[%add3A_80], %gather3A_77 masked %lt3A_25 : memref<20480xf32, #tpu.memory_space<vmem>>[vector<16xi32>], vector<16xf32>, vector<16xi1>
      %add3A_81 = arith.constant 8 : i32
      %add3A_82 = vector.broadcast %add3A_81 : i32 to vector<16xi32>
      %add3A_83 = arith.addi %mul3A_20, %add3A_82 : vector<16xi32>
      %gather3A_84 = tpu.vector_load_idx %arg9[%add3A_83] masked %lt3A_25 : memref<2080xf32, #tpu.memory_space<vmem>>[vector<16xi32>], vector<16xf32>, vector<16xi1>
      %add3A_85 = arith.constant 8 : i32
      %add3A_86 = vector.broadcast %add3A_85 : i32 to vector<16xi32>
      %add3A_87 = arith.addi %mul3A_3, %add3A_86 : vector<16xi32>
      tpu.vector_store_idx %arg7[%add3A_87], %gather3A_84 masked %lt3A_25 : memref<20480xf32, #tpu.memory_space<vmem>>[vector<16xi32>], vector<16xf32>, vector<16xi1>
      %add3A_88 = arith.constant 9 : i32
      %add3A_89 = vector.broadcast %add3A_88 : i32 to vector<16xi32>
      %add3A_90 = arith.addi %mul3A_20, %add3A_89 : vector<16xi32>
      %gather3A_91 = tpu.vector_load_idx %arg9[%add3A_90] masked %lt3A_25 : memref<2080xf32, #tpu.memory_space<vmem>>[vector<16xi32>], vector<16xf32>, vector<16xi1>
      %add3A_92 = arith.constant 9 : i32
      %add3A_93 = vector.broadcast %add3A_92 : i32 to vector<16xi32>
      %add3A_94 = arith.addi %mul3A_3, %add3A_93 : vector<16xi32>
      tpu.vector_store_idx %arg7[%add3A_94], %gather3A_91 masked %lt3A_25 : memref<20480xf32, #tpu.memory_space<vmem>>[vector<16xi32>], vector<16xf32>, vector<16xi1>
      %add3A_95 = arith.constant 10 : i32
      %add3A_96 = vector.broadcast %add3A_95 : i32 to vector<16xi32>
      %add3A_97 = arith.addi %mul3A_20, %add3A_96 : vector<16xi32>
      %gather3A_98 = tpu.vector_load_idx %arg9[%add3A_97] masked %lt3A_25 : memref<2080xf32, #tpu.memory_space<vmem>>[vector<16xi32>], vector<16xf32>, vector<16xi1>
      %add3A_99 = arith.constant 10 : i32
      %add3A_100 = vector.broadcast %add3A_99 : i32 to vector<16xi32>
      %add3A_101 = arith.addi %mul3A_3, %add3A_100 : vector<16xi32>
      tpu.vector_store_idx %arg7[%add3A_101], %gather3A_98 masked %lt3A_25 : memref<20480xf32, #tpu.memory_space<vmem>>[vector<16xi32>], vector<16xf32>, vector<16xi1>
      %add3A_102 = arith.constant 11 : i32
      %add3A_103 = vector.broadcast %add3A_102 : i32 to vector<16xi32>
      %add3A_104 = arith.addi %mul3A_20, %add3A_103 : vector<16xi32>
      %gather3A_105 = tpu.vector_load_idx %arg9[%add3A_104] masked %lt3A_25 : memref<2080xf32, #tpu.memory_space<vmem>>[vector<16xi32>], vector<16xf32>, vector<16xi1>
      %add3A_106 = arith.constant 11 : i32
      %add3A_107 = vector.broadcast %add3A_106 : i32 to vector<16xi32>
      %add3A_108 = arith.addi %mul3A_3, %add3A_107 : vector<16xi32>
      tpu.vector_store_idx %arg7[%add3A_108], %gather3A_105 masked %lt3A_25 : memref<20480xf32, #tpu.memory_space<vmem>>[vector<16xi32>], vector<16xf32>, vector<16xi1>
      %add3A_109 = arith.constant 12 : i32
      %add3A_110 = vector.broadcast %add3A_109 : i32 to vector<16xi32>
      %add3A_111 = arith.addi %mul3A_20, %add3A_110 : vector<16xi32>
      %gather3A_112 = tpu.vector_load_idx %arg9[%add3A_111] masked %lt3A_25 : memref<2080xf32, #tpu.memory_space<vmem>>[vector<16xi32>], vector<16xf32>, vector<16xi1>
      %add3A_113 = arith.constant 12 : i32
      %add3A_114 = vector.broadcast %add3A_113 : i32 to vector<16xi32>
      %add3A_115 = arith.addi %mul3A_3, %add3A_114 : vector<16xi32>
      tpu.vector_store_idx %arg7[%add3A_115], %gather3A_112 masked %lt3A_25 : memref<20480xf32, #tpu.memory_space<vmem>>[vector<16xi32>], vector<16xf32>, vector<16xi1>
      %add3A_116 = arith.constant 13 : i32
      %add3A_117 = vector.broadcast %add3A_116 : i32 to vector<16xi32>
      %add3A_118 = arith.addi %mul3A_20, %add3A_117 : vector<16xi32>
      %gather3A_119 = tpu.vector_load_idx %arg9[%add3A_118] masked %lt3A_25 : memref<2080xf32, #tpu.memory_space<vmem>>[vector<16xi32>], vector<16xf32>, vector<16xi1>
      %add3A_120 = arith.constant 13 : i32
      %add3A_121 = vector.broadcast %add3A_120 : i32 to vector<16xi32>
      %add3A_122 = arith.addi %mul3A_3, %add3A_121 : vector<16xi32>
      tpu.vector_store_idx %arg7[%add3A_122], %gather3A_119 masked %lt3A_25 : memref<20480xf32, #tpu.memory_space<vmem>>[vector<16xi32>], vector<16xf32>, vector<16xi1>
      %add3A_123 = arith.constant 14 : i32
      %add3A_124 = vector.broadcast %add3A_123 : i32 to vector<16xi32>
      %add3A_125 = arith.addi %mul3A_20, %add3A_124 : vector<16xi32>
      %gather3A_126 = tpu.vector_load_idx %arg9[%add3A_125] masked %lt3A_25 : memref<2080xf32, #tpu.memory_space<vmem>>[vector<16xi32>], vector<16xf32>, vector<16xi1>
      %add3A_127 = arith.constant 14 : i32
      %add3A_128 = vector.broadcast %add3A_127 : i32 to vector<16xi32>
      %add3A_129 = arith.addi %mul3A_3, %add3A_128 : vector<16xi32>
      tpu.vector_store_idx %arg7[%add3A_129], %gather3A_126 masked %lt3A_25 : memref<20480xf32, #tpu.memory_space<vmem>>[vector<16xi32>], vector<16xf32>, vector<16xi1>
      %add3A_130 = arith.constant 15 : i32
      %add3A_131 = vector.broadcast %add3A_130 : i32 to vector<16xi32>
      %add3A_132 = arith.addi %mul3A_20, %add3A_131 : vector<16xi32>
      %gather3A_133 = tpu.vector_load_idx %arg9[%add3A_132] masked %lt3A_25 : memref<2080xf32, #tpu.memory_space<vmem>>[vector<16xi32>], vector<16xf32>, vector<16xi1>
      %add3A_134 = arith.constant 15 : i32
      %add3A_135 = vector.broadcast %add3A_134 : i32 to vector<16xi32>
      %add3A_136 = arith.addi %mul3A_3, %add3A_135 : vector<16xi32>
      tpu.vector_store_idx %arg7[%add3A_136], %gather3A_133 masked %lt3A_25 : memref<20480xf32, #tpu.memory_space<vmem>>[vector<16xi32>], vector<16xf32>, vector<16xi1>
      %add3A_137 = arith.constant 16 : i32
      %add3A_138 = vector.broadcast %add3A_137 : i32 to vector<16xi32>
      %add3A_139 = arith.addi %mul3A_20, %add3A_138 : vector<16xi32>
      %gather3A_140 = tpu.vector_load_idx %arg9[%add3A_139] masked %lt3A_25 : memref<2080xf32, #tpu.memory_space<vmem>>[vector<16xi32>], vector<16xf32>, vector<16xi1>
      %add3A_141 = arith.constant 16 : i32
      %add3A_142 = vector.broadcast %add3A_141 : i32 to vector<16xi32>
      %add3A_143 = arith.addi %mul3A_3, %add3A_142 : vector<16xi32>
      tpu.vector_store_idx %arg7[%add3A_143], %gather3A_140 masked %lt3A_25 : memref<20480xf32, #tpu.memory_space<vmem>>[vector<16xi32>], vector<16xf32>, vector<16xi1>
      %add3A_144 = arith.constant 17 : i32
      %add3A_145 = vector.broadcast %add3A_144 : i32 to vector<16xi32>
      %add3A_146 = arith.addi %mul3A_20, %add3A_145 : vector<16xi32>
      %gather3A_147 = tpu.vector_load_idx %arg9[%add3A_146] masked %lt3A_25 : memref<2080xf32, #tpu.memory_space<vmem>>[vector<16xi32>], vector<16xf32>, vector<16xi1>
      %add3A_148 = arith.constant 17 : i32
      %add3A_149 = vector.broadcast %add3A_148 : i32 to vector<16xi32>
      %add3A_150 = arith.addi %mul3A_3, %add3A_149 : vector<16xi32>
      tpu.vector_store_idx %arg7[%add3A_150], %gather3A_147 masked %lt3A_25 : memref<20480xf32, #tpu.memory_space<vmem>>[vector<16xi32>], vector<16xf32>, vector<16xi1>
      %add3A_151 = arith.constant 18 : i32
      %add3A_152 = vector.broadcast %add3A_151 : i32 to vector<16xi32>
      %add3A_153 = arith.addi %mul3A_20, %add3A_152 : vector<16xi32>
      %gather3A_154 = tpu.vector_load_idx %arg9[%add3A_153] masked %lt3A_25 : memref<2080xf32, #tpu.memory_space<vmem>>[vector<16xi32>], vector<16xf32>, vector<16xi1>
      %add3A_155 = arith.constant 18 : i32
      %add3A_156 = vector.broadcast %add3A_155 : i32 to vector<16xi32>
      %add3A_157 = arith.addi %mul3A_3, %add3A_156 : vector<16xi32>
      tpu.vector_store_idx %arg7[%add3A_157], %gather3A_154 masked %lt3A_25 : memref<20480xf32, #tpu.memory_space<vmem>>[vector<16xi32>], vector<16xf32>, vector<16xi1>
      %add3A_158 = arith.constant 19 : i32
      %add3A_159 = vector.broadcast %add3A_158 : i32 to vector<16xi32>
      %add3A_160 = arith.addi %mul3A_20, %add3A_159 : vector<16xi32>
      %gather3A_161 = tpu.vector_load_idx %arg9[%add3A_160] masked %lt3A_25 : memref<2080xf32, #tpu.memory_space<vmem>>[vector<16xi32>], vector<16xf32>, vector<16xi1>
      %add3A_162 = arith.constant 19 : i32
      %add3A_163 = vector.broadcast %add3A_162 : i32 to vector<16xi32>
      %add3A_164 = arith.addi %mul3A_3, %add3A_163 : vector<16xi32>
      tpu.vector_store_idx %arg7[%add3A_164], %gather3A_161 masked %lt3A_25 : memref<20480xf32, #tpu.memory_space<vmem>>[vector<16xi32>], vector<16xf32>, vector<16xi1>
      %add3A_165 = arith.constant 20 : i32
      %add3A_166 = vector.broadcast %add3A_165 : i32 to vector<16xi32>
      %add3A_167 = arith.addi %mul3A_20, %add3A_166 : vector<16xi32>
      %gather3A_168 = tpu.vector_load_idx %arg9[%add3A_167] masked %lt3A_25 : memref<2080xf32, #tpu.memory_space<vmem>>[vector<16xi32>], vector<16xf32>, vector<16xi1>
      %add3A_169 = arith.constant 20 : i32
      %add3A_170 = vector.broadcast %add3A_169 : i32 to vector<16xi32>
      %add3A_171 = arith.addi %mul3A_3, %add3A_170 : vector<16xi32>
      tpu.vector_store_idx %arg7[%add3A_171], %gather3A_168 masked %lt3A_25 : memref<20480xf32, #tpu.memory_space<vmem>>[vector<16xi32>], vector<16xf32>, vector<16xi1>
      %add3A_172 = arith.constant 21 : i32
      %add3A_173 = vector.broadcast %add3A_172 : i32 to vector<16xi32>
      %add3A_174 = arith.addi %mul3A_20, %add3A_173 : vector<16xi32>
      %gather3A_175 = tpu.vector_load_idx %arg9[%add3A_174] masked %lt3A_25 : memref<2080xf32, #tpu.memory_space<vmem>>[vector<16xi32>], vector<16xf32>, vector<16xi1>
      %add3A_176 = arith.constant 21 : i32
      %add3A_177 = vector.broadcast %add3A_176 : i32 to vector<16xi32>
      %add3A_178 = arith.addi %mul3A_3, %add3A_177 : vector<16xi32>
      tpu.vector_store_idx %arg7[%add3A_178], %gather3A_175 masked %lt3A_25 : memref<20480xf32, #tpu.memory_space<vmem>>[vector<16xi32>], vector<16xf32>, vector<16xi1>
      %add3A_179 = arith.constant 22 : i32
      %add3A_180 = vector.broadcast %add3A_179 : i32 to vector<16xi32>
      %add3A_181 = arith.addi %mul3A_20, %add3A_180 : vector<16xi32>
      %gather3A_182 = tpu.vector_load_idx %arg9[%add3A_181] masked %lt3A_25 : memref<2080xf32, #tpu.memory_space<vmem>>[vector<16xi32>], vector<16xf32>, vector<16xi1>
      %add3A_183 = arith.constant 22 : i32
      %add3A_184 = vector.broadcast %add3A_183 : i32 to vector<16xi32>
      %add3A_185 = arith.addi %mul3A_3, %add3A_184 : vector<16xi32>
      tpu.vector_store_idx %arg7[%add3A_185], %gather3A_182 masked %lt3A_25 : memref<20480xf32, #tpu.memory_space<vmem>>[vector<16xi32>], vector<16xf32>, vector<16xi1>
      %add3A_186 = arith.constant 23 : i32
      %add3A_187 = vector.broadcast %add3A_186 : i32 to vector<16xi32>
      %add3A_188 = arith.addi %mul3A_20, %add3A_187 : vector<16xi32>
      %gather3A_189 = tpu.vector_load_idx %arg9[%add3A_188] masked %lt3A_25 : memref<2080xf32, #tpu.memory_space<vmem>>[vector<16xi32>], vector<16xf32>, vector<16xi1>
      %add3A_190 = arith.constant 23 : i32
      %add3A_191 = vector.broadcast %add3A_190 : i32 to vector<16xi32>
      %add3A_192 = arith.addi %mul3A_3, %add3A_191 : vector<16xi32>
      tpu.vector_store_idx %arg7[%add3A_192], %gather3A_189 masked %lt3A_25 : memref<20480xf32, #tpu.memory_space<vmem>>[vector<16xi32>], vector<16xf32>, vector<16xi1>
      %add3A_193 = arith.constant 24 : i32
      %add3A_194 = vector.broadcast %add3A_193 : i32 to vector<16xi32>
      %add3A_195 = arith.addi %mul3A_20, %add3A_194 : vector<16xi32>
      %gather3A_196 = tpu.vector_load_idx %arg9[%add3A_195] masked %lt3A_25 : memref<2080xf32, #tpu.memory_space<vmem>>[vector<16xi32>], vector<16xf32>, vector<16xi1>
      %add3A_197 = arith.constant 24 : i32
      %add3A_198 = vector.broadcast %add3A_197 : i32 to vector<16xi32>
      %add3A_199 = arith.addi %mul3A_3, %add3A_198 : vector<16xi32>
      tpu.vector_store_idx %arg7[%add3A_199], %gather3A_196 masked %lt3A_25 : memref<20480xf32, #tpu.memory_space<vmem>>[vector<16xi32>], vector<16xf32>, vector<16xi1>
      %add3A_200 = arith.constant 25 : i32
      %add3A_201 = vector.broadcast %add3A_200 : i32 to vector<16xi32>
      %add3A_202 = arith.addi %mul3A_20, %add3A_201 : vector<16xi32>
      %gather3A_203 = tpu.vector_load_idx %arg9[%add3A_202] masked %lt3A_25 : memref<2080xf32, #tpu.memory_space<vmem>>[vector<16xi32>], vector<16xf32>, vector<16xi1>
      %add3A_204 = arith.constant 25 : i32
      %add3A_205 = vector.broadcast %add3A_204 : i32 to vector<16xi32>
      %add3A_206 = arith.addi %mul3A_3, %add3A_205 : vector<16xi32>
      tpu.vector_store_idx %arg7[%add3A_206], %gather3A_203 masked %lt3A_25 : memref<20480xf32, #tpu.memory_space<vmem>>[vector<16xi32>], vector<16xf32>, vector<16xi1>
      %add3A_207 = arith.constant 26 : i32
      %add3A_208 = vector.broadcast %add3A_207 : i32 to vector<16xi32>
      %add3A_209 = arith.addi %mul3A_20, %add3A_208 : vector<16xi32>
      %gather3A_210 = tpu.vector_load_idx %arg9[%add3A_209] masked %lt3A_25 : memref<2080xf32, #tpu.memory_space<vmem>>[vector<16xi32>], vector<16xf32>, vector<16xi1>
      %add3A_211 = arith.constant 26 : i32
      %add3A_212 = vector.broadcast %add3A_211 : i32 to vector<16xi32>
      %add3A_213 = arith.addi %mul3A_3, %add3A_212 : vector<16xi32>
      tpu.vector_store_idx %arg7[%add3A_213], %gather3A_210 masked %lt3A_25 : memref<20480xf32, #tpu.memory_space<vmem>>[vector<16xi32>], vector<16xf32>, vector<16xi1>
      %add3A_214 = arith.constant 27 : i32
      %add3A_215 = vector.broadcast %add3A_214 : i32 to vector<16xi32>
      %add3A_216 = arith.addi %mul3A_20, %add3A_215 : vector<16xi32>
      %gather3A_217 = tpu.vector_load_idx %arg9[%add3A_216] masked %lt3A_25 : memref<2080xf32, #tpu.memory_space<vmem>>[vector<16xi32>], vector<16xf32>, vector<16xi1>
      %add3A_218 = arith.constant 27 : i32
      %add3A_219 = vector.broadcast %add3A_218 : i32 to vector<16xi32>
      %add3A_220 = arith.addi %mul3A_3, %add3A_219 : vector<16xi32>
      tpu.vector_store_idx %arg7[%add3A_220], %gather3A_217 masked %lt3A_25 : memref<20480xf32, #tpu.memory_space<vmem>>[vector<16xi32>], vector<16xf32>, vector<16xi1>
      %add3A_221 = arith.constant 28 : i32
      %add3A_222 = vector.broadcast %add3A_221 : i32 to vector<16xi32>
      %add3A_223 = arith.addi %mul3A_20, %add3A_222 : vector<16xi32>
      %gather3A_224 = tpu.vector_load_idx %arg9[%add3A_223] masked %lt3A_25 : memref<2080xf32, #tpu.memory_space<vmem>>[vector<16xi32>], vector<16xf32>, vector<16xi1>
      %add3A_225 = arith.constant 28 : i32
      %add3A_226 = vector.broadcast %add3A_225 : i32 to vector<16xi32>
      %add3A_227 = arith.addi %mul3A_3, %add3A_226 : vector<16xi32>
      tpu.vector_store_idx %arg7[%add3A_227], %gather3A_224 masked %lt3A_25 : memref<20480xf32, #tpu.memory_space<vmem>>[vector<16xi32>], vector<16xf32>, vector<16xi1>
      %add3A_228 = arith.constant 29 : i32
      %add3A_229 = vector.broadcast %add3A_228 : i32 to vector<16xi32>
      %add3A_230 = arith.addi %mul3A_20, %add3A_229 : vector<16xi32>
      %gather3A_231 = tpu.vector_load_idx %arg9[%add3A_230] masked %lt3A_25 : memref<2080xf32, #tpu.memory_space<vmem>>[vector<16xi32>], vector<16xf32>, vector<16xi1>
      %add3A_232 = arith.constant 29 : i32
      %add3A_233 = vector.broadcast %add3A_232 : i32 to vector<16xi32>
      %add3A_234 = arith.addi %mul3A_3, %add3A_233 : vector<16xi32>
      tpu.vector_store_idx %arg7[%add3A_234], %gather3A_231 masked %lt3A_25 : memref<20480xf32, #tpu.memory_space<vmem>>[vector<16xi32>], vector<16xf32>, vector<16xi1>
      %add3A_235 = arith.constant 30 : i32
      %add3A_236 = vector.broadcast %add3A_235 : i32 to vector<16xi32>
      %add3A_237 = arith.addi %mul3A_20, %add3A_236 : vector<16xi32>
      %gather3A_238 = tpu.vector_load_idx %arg9[%add3A_237] masked %lt3A_25 : memref<2080xf32, #tpu.memory_space<vmem>>[vector<16xi32>], vector<16xf32>, vector<16xi1>
      %add3A_239 = arith.constant 30 : i32
      %add3A_240 = vector.broadcast %add3A_239 : i32 to vector<16xi32>
      %add3A_241 = arith.addi %mul3A_3, %add3A_240 : vector<16xi32>
      tpu.vector_store_idx %arg7[%add3A_241], %gather3A_238 masked %lt3A_25 : memref<20480xf32, #tpu.memory_space<vmem>>[vector<16xi32>], vector<16xf32>, vector<16xi1>
      %add3A_242 = arith.constant 31 : i32
      %add3A_243 = vector.broadcast %add3A_242 : i32 to vector<16xi32>
      %add3A_244 = arith.addi %mul3A_20, %add3A_243 : vector<16xi32>
      %gather3A_245 = tpu.vector_load_idx %arg9[%add3A_244] masked %lt3A_25 : memref<2080xf32, #tpu.memory_space<vmem>>[vector<16xi32>], vector<16xf32>, vector<16xi1>
      %add3A_246 = arith.constant 31 : i32
      %add3A_247 = vector.broadcast %add3A_246 : i32 to vector<16xi32>
      %add3A_248 = arith.addi %mul3A_3, %add3A_247 : vector<16xi32>
      tpu.vector_store_idx %arg7[%add3A_248], %gather3A_245 masked %lt3A_25 : memref<20480xf32, #tpu.memory_space<vmem>>[vector<16xi32>], vector<16xf32>, vector<16xi1>
      %add3A_249 = arith.constant 16 : i32
      %add3A_250 = vector.broadcast %add3A_249 : i32 to vector<16xi32>
      %add3A_251 = arith.addi %add3A_250, %iota3A : vector<16xi32>
      %lt3A_252 = arith.constant 65 : i32
      %lt3A_253 = vector.broadcast %lt3A_252 : i32 to vector<16xi32>
      %lt3A_254 = arith.cmpi slt, %add3A_251, %lt3A_253 : vector<16xi32>
      %add3A_255 = arith.constant 512 : i32
      %add3A_256 = vector.broadcast %add3A_255 : i32 to vector<16xi32>
      %add3A_257 = arith.addi %mul3A_20, %add3A_256 : vector<16xi32>
      %gather3A_258 = tpu.vector_load_idx %arg9[%add3A_257] masked %lt3A_254 : memref<2080xf32, #tpu.memory_space<vmem>>[vector<16xi32>], vector<16xf32>, vector<16xi1>
      %add3A_259 = arith.constant 640 : i32
      %add3A_260 = vector.broadcast %add3A_259 : i32 to vector<16xi32>
      %add3A_261 = arith.addi %mul3A_3, %add3A_260 : vector<16xi32>
      tpu.vector_store_idx %arg7[%add3A_261], %gather3A_258 masked %lt3A_254 : memref<20480xf32, #tpu.memory_space<vmem>>[vector<16xi32>], vector<16xf32>, vector<16xi1>
      %add3A_262 = arith.constant 513 : i32
      %add3A_263 = vector.broadcast %add3A_262 : i32 to vector<16xi32>
      %add3A_264 = arith.addi %mul3A_20, %add3A_263 : vector<16xi32>
      %gather3A_265 = tpu.vector_load_idx %arg9[%add3A_264] masked %lt3A_254 : memref<2080xf32, #tpu.memory_space<vmem>>[vector<16xi32>], vector<16xf32>, vector<16xi1>
      %add3A_266 = arith.constant 641 : i32
      %add3A_267 = vector.broadcast %add3A_266 : i32 to vector<16xi32>
      %add3A_268 = arith.addi %mul3A_3, %add3A_267 : vector<16xi32>
      tpu.vector_store_idx %arg7[%add3A_268], %gather3A_265 masked %lt3A_254 : memref<20480xf32, #tpu.memory_space<vmem>>[vector<16xi32>], vector<16xf32>, vector<16xi1>
      %add3A_269 = arith.constant 514 : i32
      %add3A_270 = vector.broadcast %add3A_269 : i32 to vector<16xi32>
      %add3A_271 = arith.addi %mul3A_20, %add3A_270 : vector<16xi32>
      %gather3A_272 = tpu.vector_load_idx %arg9[%add3A_271] masked %lt3A_254 : memref<2080xf32, #tpu.memory_space<vmem>>[vector<16xi32>], vector<16xf32>, vector<16xi1>
      %add3A_273 = arith.constant 642 : i32
      %add3A_274 = vector.broadcast %add3A_273 : i32 to vector<16xi32>
      %add3A_275 = arith.addi %mul3A_3, %add3A_274 : vector<16xi32>
      tpu.vector_store_idx %arg7[%add3A_275], %gather3A_272 masked %lt3A_254 : memref<20480xf32, #tpu.memory_space<vmem>>[vector<16xi32>], vector<16xf32>, vector<16xi1>
      %add3A_276 = arith.constant 515 : i32
      %add3A_277 = vector.broadcast %add3A_276 : i32 to vector<16xi32>
      %add3A_278 = arith.addi %mul3A_20, %add3A_277 : vector<16xi32>
      %gather3A_279 = tpu.vector_load_idx %arg9[%add3A_278] masked %lt3A_254 : memref<2080xf32, #tpu.memory_space<vmem>>[vector<16xi32>], vector<16xf32>, vector<16xi1>
      %add3A_280 = arith.constant 643 : i32
      %add3A_281 = vector.broadcast %add3A_280 : i32 to vector<16xi32>
      %add3A_282 = arith.addi %mul3A_3, %add3A_281 : vector<16xi32>
      tpu.vector_store_idx %arg7[%add3A_282], %gather3A_279 masked %lt3A_254 : memref<20480xf32, #tpu.memory_space<vmem>>[vector<16xi32>], vector<16xf32>, vector<16xi1>
      %add3A_283 = arith.constant 516 : i32
      %add3A_284 = vector.broadcast %add3A_283 : i32 to vector<16xi32>
      %add3A_285 = arith.addi %mul3A_20, %add3A_284 : vector<16xi32>
      %gather3A_286 = tpu.vector_load_idx %arg9[%add3A_285] masked %lt3A_254 : memref<2080xf32, #tpu.memory_space<vmem>>[vector<16xi32>], vector<16xf32>, vector<16xi1>
      %add3A_287 = arith.constant 644 : i32
      %add3A_288 = vector.broadcast %add3A_287 : i32 to vector<16xi32>
      %add3A_289 = arith.addi %mul3A_3, %add3A_288 : vector<16xi32>
      tpu.vector_store_idx %arg7[%add3A_289], %gather3A_286 masked %lt3A_254 : memref<20480xf32, #tpu.memory_space<vmem>>[vector<16xi32>], vector<16xf32>, vector<16xi1>
      %add3A_290 = arith.constant 517 : i32
      %add3A_291 = vector.broadcast %add3A_290 : i32 to vector<16xi32>
      %add3A_292 = arith.addi %mul3A_20, %add3A_291 : vector<16xi32>
      %gather3A_293 = tpu.vector_load_idx %arg9[%add3A_292] masked %lt3A_254 : memref<2080xf32, #tpu.memory_space<vmem>>[vector<16xi32>], vector<16xf32>, vector<16xi1>
      %add3A_294 = arith.constant 645 : i32
      %add3A_295 = vector.broadcast %add3A_294 : i32 to vector<16xi32>
      %add3A_296 = arith.addi %mul3A_3, %add3A_295 : vector<16xi32>
      tpu.vector_store_idx %arg7[%add3A_296], %gather3A_293 masked %lt3A_254 : memref<20480xf32, #tpu.memory_space<vmem>>[vector<16xi32>], vector<16xf32>, vector<16xi1>
      %add3A_297 = arith.constant 518 : i32
      %add3A_298 = vector.broadcast %add3A_297 : i32 to vector<16xi32>
      %add3A_299 = arith.addi %mul3A_20, %add3A_298 : vector<16xi32>
      %gather3A_300 = tpu.vector_load_idx %arg9[%add3A_299] masked %lt3A_254 : memref<2080xf32, #tpu.memory_space<vmem>>[vector<16xi32>], vector<16xf32>, vector<16xi1>
      %add3A_301 = arith.constant 646 : i32
      %add3A_302 = vector.broadcast %add3A_301 : i32 to vector<16xi32>
      %add3A_303 = arith.addi %mul3A_3, %add3A_302 : vector<16xi32>
      tpu.vector_store_idx %arg7[%add3A_303], %gather3A_300 masked %lt3A_254 : memref<20480xf32, #tpu.memory_space<vmem>>[vector<16xi32>], vector<16xf32>, vector<16xi1>
      %add3A_304 = arith.constant 519 : i32
      %add3A_305 = vector.broadcast %add3A_304 : i32 to vector<16xi32>
      %add3A_306 = arith.addi %mul3A_20, %add3A_305 : vector<16xi32>
      %gather3A_307 = tpu.vector_load_idx %arg9[%add3A_306] masked %lt3A_254 : memref<2080xf32, #tpu.memory_space<vmem>>[vector<16xi32>], vector<16xf32>, vector<16xi1>
      %add3A_308 = arith.constant 647 : i32
      %add3A_309 = vector.broadcast %add3A_308 : i32 to vector<16xi32>
      %add3A_310 = arith.addi %mul3A_3, %add3A_309 : vector<16xi32>
      tpu.vector_store_idx %arg7[%add3A_310], %gather3A_307 masked %lt3A_254 : memref<20480xf32, #tpu.memory_space<vmem>>[vector<16xi32>], vector<16xf32>, vector<16xi1>
      %add3A_311 = arith.constant 520 : i32
      %add3A_312 = vector.broadcast %add3A_311 : i32 to vector<16xi32>
      %add3A_313 = arith.addi %mul3A_20, %add3A_312 : vector<16xi32>
      %gather3A_314 = tpu.vector_load_idx %arg9[%add3A_313] masked %lt3A_254 : memref<2080xf32, #tpu.memory_space<vmem>>[vector<16xi32>], vector<16xf32>, vector<16xi1>
      %add3A_315 = arith.constant 648 : i32
      %add3A_316 = vector.broadcast %add3A_315 : i32 to vector<16xi32>
      %add3A_317 = arith.addi %mul3A_3, %add3A_316 : vector<16xi32>
      tpu.vector_store_idx %arg7[%add3A_317], %gather3A_314 masked %lt3A_254 : memref<20480xf32, #tpu.memory_space<vmem>>[vector<16xi32>], vector<16xf32>, vector<16xi1>
      %add3A_318 = arith.constant 521 : i32
      %add3A_319 = vector.broadcast %add3A_318 : i32 to vector<16xi32>
      %add3A_320 = arith.addi %mul3A_20, %add3A_319 : vector<16xi32>
      %gather3A_321 = tpu.vector_load_idx %arg9[%add3A_320] masked %lt3A_254 : memref<2080xf32, #tpu.memory_space<vmem>>[vector<16xi32>], vector<16xf32>, vector<16xi1>
      %add3A_322 = arith.constant 649 : i32
      %add3A_323 = vector.broadcast %add3A_322 : i32 to vector<16xi32>
      %add3A_324 = arith.addi %mul3A_3, %add3A_323 : vector<16xi32>
      tpu.vector_store_idx %arg7[%add3A_324], %gather3A_321 masked %lt3A_254 : memref<20480xf32, #tpu.memory_space<vmem>>[vector<16xi32>], vector<16xf32>, vector<16xi1>
      %add3A_325 = arith.constant 522 : i32
      %add3A_326 = vector.broadcast %add3A_325 : i32 to vector<16xi32>
      %add3A_327 = arith.addi %mul3A_20, %add3A_326 : vector<16xi32>
      %gather3A_328 = tpu.vector_load_idx %arg9[%add3A_327] masked %lt3A_254 : memref<2080xf32, #tpu.memory_space<vmem>>[vector<16xi32>], vector<16xf32>, vector<16xi1>
      %add3A_329 = arith.constant 650 : i32
      %add3A_330 = vector.broadcast %add3A_329 : i32 to vector<16xi32>
      %add3A_331 = arith.addi %mul3A_3, %add3A_330 : vector<16xi32>
      tpu.vector_store_idx %arg7[%add3A_331], %gather3A_328 masked %lt3A_254 : memref<20480xf32, #tpu.memory_space<vmem>>[vector<16xi32>], vector<16xf32>, vector<16xi1>
      %add3A_332 = arith.constant 523 : i32
      %add3A_333 = vector.broadcast %add3A_332 : i32 to vector<16xi32>
      %add3A_334 = arith.addi %mul3A_20, %add3A_333 : vector<16xi32>
      %gather3A_335 = tpu.vector_load_idx %arg9[%add3A_334] masked %lt3A_254 : memref<2080xf32, #tpu.memory_space<vmem>>[vector<16xi32>], vector<16xf32>, vector<16xi1>
      %add3A_336 = arith.constant 651 : i32
      %add3A_337 = vector.broadcast %add3A_336 : i32 to vector<16xi32>
      %add3A_338 = arith.addi %mul3A_3, %add3A_337 : vector<16xi32>
      tpu.vector_store_idx %arg7[%add3A_338], %gather3A_335 masked %lt3A_254 : memref<20480xf32, #tpu.memory_space<vmem>>[vector<16xi32>], vector<16xf32>, vector<16xi1>
      %add3A_339 = arith.constant 524 : i32
      %add3A_340 = vector.broadcast %add3A_339 : i32 to vector<16xi32>
      %add3A_341 = arith.addi %mul3A_20, %add3A_340 : vector<16xi32>
      %gather3A_342 = tpu.vector_load_idx %arg9[%add3A_341] masked %lt3A_254 : memref<2080xf32, #tpu.memory_space<vmem>>[vector<16xi32>], vector<16xf32>, vector<16xi1>
      %add3A_343 = arith.constant 652 : i32
      %add3A_344 = vector.broadcast %add3A_343 : i32 to vector<16xi32>
      %add3A_345 = arith.addi %mul3A_3, %add3A_344 : vector<16xi32>
      tpu.vector_store_idx %arg7[%add3A_345], %gather3A_342 masked %lt3A_254 : memref<20480xf32, #tpu.memory_space<vmem>>[vector<16xi32>], vector<16xf32>, vector<16xi1>
      %add3A_346 = arith.constant 525 : i32
      %add3A_347 = vector.broadcast %add3A_346 : i32 to vector<16xi32>
      %add3A_348 = arith.addi %mul3A_20, %add3A_347 : vector<16xi32>
      %gather3A_349 = tpu.vector_load_idx %arg9[%add3A_348] masked %lt3A_254 : memref<2080xf32, #tpu.memory_space<vmem>>[vector<16xi32>], vector<16xf32>, vector<16xi1>
      %add3A_350 = arith.constant 653 : i32
      %add3A_351 = vector.broadcast %add3A_350 : i32 to vector<16xi32>
      %add3A_352 = arith.addi %mul3A_3, %add3A_351 : vector<16xi32>
      tpu.vector_store_idx %arg7[%add3A_352], %gather3A_349 masked %lt3A_254 : memref<20480xf32, #tpu.memory_space<vmem>>[vector<16xi32>], vector<16xf32>, vector<16xi1>
      %add3A_353 = arith.constant 526 : i32
      %add3A_354 = vector.broadcast %add3A_353 : i32 to vector<16xi32>
      %add3A_355 = arith.addi %mul3A_20, %add3A_354 : vector<16xi32>
      %gather3A_356 = tpu.vector_load_idx %arg9[%add3A_355] masked %lt3A_254 : memref<2080xf32, #tpu.memory_space<vmem>>[vector<16xi32>], vector<16xf32>, vector<16xi1>
      %add3A_357 = arith.constant 654 : i32
      %add3A_358 = vector.broadcast %add3A_357 : i32 to vector<16xi32>
      %add3A_359 = arith.addi %mul3A_3, %add3A_358 : vector<16xi32>
      tpu.vector_store_idx %arg7[%add3A_359], %gather3A_356 masked %lt3A_254 : memref<20480xf32, #tpu.memory_space<vmem>>[vector<16xi32>], vector<16xf32>, vector<16xi1>
      %add3A_360 = arith.constant 527 : i32
      %add3A_361 = vector.broadcast %add3A_360 : i32 to vector<16xi32>
      %add3A_362 = arith.addi %mul3A_20, %add3A_361 : vector<16xi32>
      %gather3A_363 = tpu.vector_load_idx %arg9[%add3A_362] masked %lt3A_254 : memref<2080xf32, #tpu.memory_space<vmem>>[vector<16xi32>], vector<16xf32>, vector<16xi1>
      %add3A_364 = arith.constant 655 : i32
      %add3A_365 = vector.broadcast %add3A_364 : i32 to vector<16xi32>
      %add3A_366 = arith.addi %mul3A_3, %add3A_365 : vector<16xi32>
      tpu.vector_store_idx %arg7[%add3A_366], %gather3A_363 masked %lt3A_254 : memref<20480xf32, #tpu.memory_space<vmem>>[vector<16xi32>], vector<16xf32>, vector<16xi1>
      %add3A_367 = arith.constant 528 : i32
      %add3A_368 = vector.broadcast %add3A_367 : i32 to vector<16xi32>
      %add3A_369 = arith.addi %mul3A_20, %add3A_368 : vector<16xi32>
      %gather3A_370 = tpu.vector_load_idx %arg9[%add3A_369] masked %lt3A_254 : memref<2080xf32, #tpu.memory_space<vmem>>[vector<16xi32>], vector<16xf32>, vector<16xi1>
      %add3A_371 = arith.constant 656 : i32
      %add3A_372 = vector.broadcast %add3A_371 : i32 to vector<16xi32>
      %add3A_373 = arith.addi %mul3A_3, %add3A_372 : vector<16xi32>
      tpu.vector_store_idx %arg7[%add3A_373], %gather3A_370 masked %lt3A_254 : memref<20480xf32, #tpu.memory_space<vmem>>[vector<16xi32>], vector<16xf32>, vector<16xi1>
      %add3A_374 = arith.constant 529 : i32
      %add3A_375 = vector.broadcast %add3A_374 : i32 to vector<16xi32>
      %add3A_376 = arith.addi %mul3A_20, %add3A_375 : vector<16xi32>
      %gather3A_377 = tpu.vector_load_idx %arg9[%add3A_376] masked %lt3A_254 : memref<2080xf32, #tpu.memory_space<vmem>>[vector<16xi32>], vector<16xf32>, vector<16xi1>
      %add3A_378 = arith.constant 657 : i32
      %add3A_379 = vector.broadcast %add3A_378 : i32 to vector<16xi32>
      %add3A_380 = arith.addi %mul3A_3, %add3A_379 : vector<16xi32>
      tpu.vector_store_idx %arg7[%add3A_380], %gather3A_377 masked %lt3A_254 : memref<20480xf32, #tpu.memory_space<vmem>>[vector<16xi32>], vector<16xf32>, vector<16xi1>
      %add3A_381 = arith.constant 530 : i32
      %add3A_382 = vector.broadcast %add3A_381 : i32 to vector<16xi32>
      %add3A_383 = arith.addi %mul3A_20, %add3A_382 : vector<16xi32>
      %gather3A_384 = tpu.vector_load_idx %arg9[%add3A_383] masked %lt3A_254 : memref<2080xf32, #tpu.memory_space<vmem>>[vector<16xi32>], vector<16xf32>, vector<16xi1>
      %add3A_385 = arith.constant 658 : i32
      %add3A_386 = vector.broadcast %add3A_385 : i32 to vector<16xi32>
      %add3A_387 = arith.addi %mul3A_3, %add3A_386 : vector<16xi32>
      tpu.vector_store_idx %arg7[%add3A_387], %gather3A_384 masked %lt3A_254 : memref<20480xf32, #tpu.memory_space<vmem>>[vector<16xi32>], vector<16xf32>, vector<16xi1>
      %add3A_388 = arith.constant 531 : i32
      %add3A_389 = vector.broadcast %add3A_388 : i32 to vector<16xi32>
      %add3A_390 = arith.addi %mul3A_20, %add3A_389 : vector<16xi32>
      %gather3A_391 = tpu.vector_load_idx %arg9[%add3A_390] masked %lt3A_254 : memref<2080xf32, #tpu.memory_space<vmem>>[vector<16xi32>], vector<16xf32>, vector<16xi1>
      %add3A_392 = arith.constant 659 : i32
      %add3A_393 = vector.broadcast %add3A_392 : i32 to vector<16xi32>
      %add3A_394 = arith.addi %mul3A_3, %add3A_393 : vector<16xi32>
      tpu.vector_store_idx %arg7[%add3A_394], %gather3A_391 masked %lt3A_254 : memref<20480xf32, #tpu.memory_space<vmem>>[vector<16xi32>], vector<16xf32>, vector<16xi1>
      %add3A_395 = arith.constant 532 : i32
      %add3A_396 = vector.broadcast %add3A_395 : i32 to vector<16xi32>
      %add3A_397 = arith.addi %mul3A_20, %add3A_396 : vector<16xi32>
      %gather3A_398 = tpu.vector_load_idx %arg9[%add3A_397] masked %lt3A_254 : memref<2080xf32, #tpu.memory_space<vmem>>[vector<16xi32>], vector<16xf32>, vector<16xi1>
      %add3A_399 = arith.constant 660 : i32
      %add3A_400 = vector.broadcast %add3A_399 : i32 to vector<16xi32>
      %add3A_401 = arith.addi %mul3A_3, %add3A_400 : vector<16xi32>
      tpu.vector_store_idx %arg7[%add3A_401], %gather3A_398 masked %lt3A_254 : memref<20480xf32, #tpu.memory_space<vmem>>[vector<16xi32>], vector<16xf32>, vector<16xi1>
      %add3A_402 = arith.constant 533 : i32
      %add3A_403 = vector.broadcast %add3A_402 : i32 to vector<16xi32>
      %add3A_404 = arith.addi %mul3A_20, %add3A_403 : vector<16xi32>
      %gather3A_405 = tpu.vector_load_idx %arg9[%add3A_404] masked %lt3A_254 : memref<2080xf32, #tpu.memory_space<vmem>>[vector<16xi32>], vector<16xf32>, vector<16xi1>
      %add3A_406 = arith.constant 661 : i32
      %add3A_407 = vector.broadcast %add3A_406 : i32 to vector<16xi32>
      %add3A_408 = arith.addi %mul3A_3, %add3A_407 : vector<16xi32>
      tpu.vector_store_idx %arg7[%add3A_408], %gather3A_405 masked %lt3A_254 : memref<20480xf32, #tpu.memory_space<vmem>>[vector<16xi32>], vector<16xf32>, vector<16xi1>
      %add3A_409 = arith.constant 534 : i32
      %add3A_410 = vector.broadcast %add3A_409 : i32 to vector<16xi32>
      %add3A_411 = arith.addi %mul3A_20, %add3A_410 : vector<16xi32>
      %gather3A_412 = tpu.vector_load_idx %arg9[%add3A_411] masked %lt3A_254 : memref<2080xf32, #tpu.memory_space<vmem>>[vector<16xi32>], vector<16xf32>, vector<16xi1>
      %add3A_413 = arith.constant 662 : i32
      %add3A_414 = vector.broadcast %add3A_413 : i32 to vector<16xi32>
      %add3A_415 = arith.addi %mul3A_3, %add3A_414 : vector<16xi32>
      tpu.vector_store_idx %arg7[%add3A_415], %gather3A_412 masked %lt3A_254 : memref<20480xf32, #tpu.memory_space<vmem>>[vector<16xi32>], vector<16xf32>, vector<16xi1>
      %add3A_416 = arith.constant 535 : i32
      %add3A_417 = vector.broadcast %add3A_416 : i32 to vector<16xi32>
      %add3A_418 = arith.addi %mul3A_20, %add3A_417 : vector<16xi32>
      %gather3A_419 = tpu.vector_load_idx %arg9[%add3A_418] masked %lt3A_254 : memref<2080xf32, #tpu.memory_space<vmem>>[vector<16xi32>], vector<16xf32>, vector<16xi1>
      %add3A_420 = arith.constant 663 : i32
      %add3A_421 = vector.broadcast %add3A_420 : i32 to vector<16xi32>
      %add3A_422 = arith.addi %mul3A_3, %add3A_421 : vector<16xi32>
      tpu.vector_store_idx %arg7[%add3A_422], %gather3A_419 masked %lt3A_254 : memref<20480xf32, #tpu.memory_space<vmem>>[vector<16xi32>], vector<16xf32>, vector<16xi1>
      %add3A_423 = arith.constant 536 : i32
      %add3A_424 = vector.broadcast %add3A_423 : i32 to vector<16xi32>
      %add3A_425 = arith.addi %mul3A_20, %add3A_424 : vector<16xi32>
      %gather3A_426 = tpu.vector_load_idx %arg9[%add3A_425] masked %lt3A_254 : memref<2080xf32, #tpu.memory_space<vmem>>[vector<16xi32>], vector<16xf32>, vector<16xi1>
      %add3A_427 = arith.constant 664 : i32
      %add3A_428 = vector.broadcast %add3A_427 : i32 to vector<16xi32>
      %add3A_429 = arith.addi %mul3A_3, %add3A_428 : vector<16xi32>
      tpu.vector_store_idx %arg7[%add3A_429], %gather3A_426 masked %lt3A_254 : memref<20480xf32, #tpu.memory_space<vmem>>[vector<16xi32>], vector<16xf32>, vector<16xi1>
      %add3A_430 = arith.constant 537 : i32
      %add3A_431 = vector.broadcast %add3A_430 : i32 to vector<16xi32>
      %add3A_432 = arith.addi %mul3A_20, %add3A_431 : vector<16xi32>
      %gather3A_433 = tpu.vector_load_idx %arg9[%add3A_432] masked %lt3A_254 : memref<2080xf32, #tpu.memory_space<vmem>>[vector<16xi32>], vector<16xf32>, vector<16xi1>
      %add3A_434 = arith.constant 665 : i32
      %add3A_435 = vector.broadcast %add3A_434 : i32 to vector<16xi32>
      %add3A_436 = arith.addi %mul3A_3, %add3A_435 : vector<16xi32>
      tpu.vector_store_idx %arg7[%add3A_436], %gather3A_433 masked %lt3A_254 : memref<20480xf32, #tpu.memory_space<vmem>>[vector<16xi32>], vector<16xf32>, vector<16xi1>
      %add3A_437 = arith.constant 538 : i32
      %add3A_438 = vector.broadcast %add3A_437 : i32 to vector<16xi32>
      %add3A_439 = arith.addi %mul3A_20, %add3A_438 : vector<16xi32>
      %gather3A_440 = tpu.vector_load_idx %arg9[%add3A_439] masked %lt3A_254 : memref<2080xf32, #tpu.memory_space<vmem>>[vector<16xi32>], vector<16xf32>, vector<16xi1>
      %add3A_441 = arith.constant 666 : i32
      %add3A_442 = vector.broadcast %add3A_441 : i32 to vector<16xi32>
      %add3A_443 = arith.addi %mul3A_3, %add3A_442 : vector<16xi32>
      tpu.vector_store_idx %arg7[%add3A_443], %gather3A_440 masked %lt3A_254 : memref<20480xf32, #tpu.memory_space<vmem>>[vector<16xi32>], vector<16xf32>, vector<16xi1>
      %add3A_444 = arith.constant 539 : i32
      %add3A_445 = vector.broadcast %add3A_444 : i32 to vector<16xi32>
      %add3A_446 = arith.addi %mul3A_20, %add3A_445 : vector<16xi32>
      %gather3A_447 = tpu.vector_load_idx %arg9[%add3A_446] masked %lt3A_254 : memref<2080xf32, #tpu.memory_space<vmem>>[vector<16xi32>], vector<16xf32>, vector<16xi1>
      %add3A_448 = arith.constant 667 : i32
      %add3A_449 = vector.broadcast %add3A_448 : i32 to vector<16xi32>
      %add3A_450 = arith.addi %mul3A_3, %add3A_449 : vector<16xi32>
      tpu.vector_store_idx %arg7[%add3A_450], %gather3A_447 masked %lt3A_254 : memref<20480xf32, #tpu.memory_space<vmem>>[vector<16xi32>], vector<16xf32>, vector<16xi1>
      %add3A_451 = arith.constant 540 : i32
      %add3A_452 = vector.broadcast %add3A_451 : i32 to vector<16xi32>
      %add3A_453 = arith.addi %mul3A_20, %add3A_452 : vector<16xi32>
      %gather3A_454 = tpu.vector_load_idx %arg9[%add3A_453] masked %lt3A_254 : memref<2080xf32, #tpu.memory_space<vmem>>[vector<16xi32>], vector<16xf32>, vector<16xi1>
      %add3A_455 = arith.constant 668 : i32
      %add3A_456 = vector.broadcast %add3A_455 : i32 to vector<16xi32>
      %add3A_457 = arith.addi %mul3A_3, %add3A_456 : vector<16xi32>
      tpu.vector_store_idx %arg7[%add3A_457], %gather3A_454 masked %lt3A_254 : memref<20480xf32, #tpu.memory_space<vmem>>[vector<16xi32>], vector<16xf32>, vector<16xi1>
      %add3A_458 = arith.constant 541 : i32
      %add3A_459 = vector.broadcast %add3A_458 : i32 to vector<16xi32>
      %add3A_460 = arith.addi %mul3A_20, %add3A_459 : vector<16xi32>
      %gather3A_461 = tpu.vector_load_idx %arg9[%add3A_460] masked %lt3A_254 : memref<2080xf32, #tpu.memory_space<vmem>>[vector<16xi32>], vector<16xf32>, vector<16xi1>
      %add3A_462 = arith.constant 669 : i32
      %add3A_463 = vector.broadcast %add3A_462 : i32 to vector<16xi32>
      %add3A_464 = arith.addi %mul3A_3, %add3A_463 : vector<16xi32>
      tpu.vector_store_idx %arg7[%add3A_464], %gather3A_461 masked %lt3A_254 : memref<20480xf32, #tpu.memory_space<vmem>>[vector<16xi32>], vector<16xf32>, vector<16xi1>
      %add3A_465 = arith.constant 542 : i32
      %add3A_466 = vector.broadcast %add3A_465 : i32 to vector<16xi32>
      %add3A_467 = arith.addi %mul3A_20, %add3A_466 : vector<16xi32>
      %gather3A_468 = tpu.vector_load_idx %arg9[%add3A_467] masked %lt3A_254 : memref<2080xf32, #tpu.memory_space<vmem>>[vector<16xi32>], vector<16xf32>, vector<16xi1>
      %add3A_469 = arith.constant 670 : i32
      %add3A_470 = vector.broadcast %add3A_469 : i32 to vector<16xi32>
      %add3A_471 = arith.addi %mul3A_3, %add3A_470 : vector<16xi32>
      tpu.vector_store_idx %arg7[%add3A_471], %gather3A_468 masked %lt3A_254 : memref<20480xf32, #tpu.memory_space<vmem>>[vector<16xi32>], vector<16xf32>, vector<16xi1>
      %add3A_472 = arith.constant 543 : i32
      %add3A_473 = vector.broadcast %add3A_472 : i32 to vector<16xi32>
      %add3A_474 = arith.addi %mul3A_20, %add3A_473 : vector<16xi32>
      %gather3A_475 = tpu.vector_load_idx %arg9[%add3A_474] masked %lt3A_254 : memref<2080xf32, #tpu.memory_space<vmem>>[vector<16xi32>], vector<16xf32>, vector<16xi1>
      %add3A_476 = arith.constant 671 : i32
      %add3A_477 = vector.broadcast %add3A_476 : i32 to vector<16xi32>
      %add3A_478 = arith.addi %mul3A_3, %add3A_477 : vector<16xi32>
      tpu.vector_store_idx %arg7[%add3A_478], %gather3A_475 masked %lt3A_254 : memref<20480xf32, #tpu.memory_space<vmem>>[vector<16xi32>], vector<16xf32>, vector<16xi1>
      %add3A_479 = arith.constant 32 : i32
      %add3A_480 = vector.broadcast %add3A_479 : i32 to vector<16xi32>
      %add3A_481 = arith.addi %add3A_480, %iota3A : vector<16xi32>
      %lt3A_482 = arith.constant 65 : i32
      %lt3A_483 = vector.broadcast %lt3A_482 : i32 to vector<16xi32>
      %lt3A_484 = arith.cmpi slt, %add3A_481, %lt3A_483 : vector<16xi32>
      %add3A_485 = arith.constant 1024 : i32
      %add3A_486 = vector.broadcast %add3A_485 : i32 to vector<16xi32>
      %add3A_487 = arith.addi %mul3A_20, %add3A_486 : vector<16xi32>
      %gather3A_488 = tpu.vector_load_idx %arg9[%add3A_487] masked %lt3A_484 : memref<2080xf32, #tpu.memory_space<vmem>>[vector<16xi32>], vector<16xf32>, vector<16xi1>
      %add3A_489 = arith.constant 1280 : i32
      %add3A_490 = vector.broadcast %add3A_489 : i32 to vector<16xi32>
      %add3A_491 = arith.addi %mul3A_3, %add3A_490 : vector<16xi32>
      tpu.vector_store_idx %arg7[%add3A_491], %gather3A_488 masked %lt3A_484 : memref<20480xf32, #tpu.memory_space<vmem>>[vector<16xi32>], vector<16xf32>, vector<16xi1>
      %add3A_492 = arith.constant 1025 : i32
      %add3A_493 = vector.broadcast %add3A_492 : i32 to vector<16xi32>
      %add3A_494 = arith.addi %mul3A_20, %add3A_493 : vector<16xi32>
      %gather3A_495 = tpu.vector_load_idx %arg9[%add3A_494] masked %lt3A_484 : memref<2080xf32, #tpu.memory_space<vmem>>[vector<16xi32>], vector<16xf32>, vector<16xi1>
      %add3A_496 = arith.constant 1281 : i32
      %add3A_497 = vector.broadcast %add3A_496 : i32 to vector<16xi32>
      %add3A_498 = arith.addi %mul3A_3, %add3A_497 : vector<16xi32>
      tpu.vector_store_idx %arg7[%add3A_498], %gather3A_495 masked %lt3A_484 : memref<20480xf32, #tpu.memory_space<vmem>>[vector<16xi32>], vector<16xf32>, vector<16xi1>
      %add3A_499 = arith.constant 1026 : i32
      %add3A_500 = vector.broadcast %add3A_499 : i32 to vector<16xi32>
      %add3A_501 = arith.addi %mul3A_20, %add3A_500 : vector<16xi32>
      %gather3A_502 = tpu.vector_load_idx %arg9[%add3A_501] masked %lt3A_484 : memref<2080xf32, #tpu.memory_space<vmem>>[vector<16xi32>], vector<16xf32>, vector<16xi1>
      %add3A_503 = arith.constant 1282 : i32
      %add3A_504 = vector.broadcast %add3A_503 : i32 to vector<16xi32>
      %add3A_505 = arith.addi %mul3A_3, %add3A_504 : vector<16xi32>
      tpu.vector_store_idx %arg7[%add3A_505], %gather3A_502 masked %lt3A_484 : memref<20480xf32, #tpu.memory_space<vmem>>[vector<16xi32>], vector<16xf32>, vector<16xi1>
      %add3A_506 = arith.constant 1027 : i32
      %add3A_507 = vector.broadcast %add3A_506 : i32 to vector<16xi32>
      %add3A_508 = arith.addi %mul3A_20, %add3A_507 : vector<16xi32>
      %gather3A_509 = tpu.vector_load_idx %arg9[%add3A_508] masked %lt3A_484 : memref<2080xf32, #tpu.memory_space<vmem>>[vector<16xi32>], vector<16xf32>, vector<16xi1>
      %add3A_510 = arith.constant 1283 : i32
      %add3A_511 = vector.broadcast %add3A_510 : i32 to vector<16xi32>
      %add3A_512 = arith.addi %mul3A_3, %add3A_511 : vector<16xi32>
      tpu.vector_store_idx %arg7[%add3A_512], %gather3A_509 masked %lt3A_484 : memref<20480xf32, #tpu.memory_space<vmem>>[vector<16xi32>], vector<16xf32>, vector<16xi1>
      %add3A_513 = arith.constant 1028 : i32
      %add3A_514 = vector.broadcast %add3A_513 : i32 to vector<16xi32>
      %add3A_515 = arith.addi %mul3A_20, %add3A_514 : vector<16xi32>
      %gather3A_516 = tpu.vector_load_idx %arg9[%add3A_515] masked %lt3A_484 : memref<2080xf32, #tpu.memory_space<vmem>>[vector<16xi32>], vector<16xf32>, vector<16xi1>
      %add3A_517 = arith.constant 1284 : i32
      %add3A_518 = vector.broadcast %add3A_517 : i32 to vector<16xi32>
      %add3A_519 = arith.addi %mul3A_3, %add3A_518 : vector<16xi32>
      tpu.vector_store_idx %arg7[%add3A_519], %gather3A_516 masked %lt3A_484 : memref<20480xf32, #tpu.memory_space<vmem>>[vector<16xi32>], vector<16xf32>, vector<16xi1>
      %add3A_520 = arith.constant 1029 : i32
      %add3A_521 = vector.broadcast %add3A_520 : i32 to vector<16xi32>
      %add3A_522 = arith.addi %mul3A_20, %add3A_521 : vector<16xi32>
      %gather3A_523 = tpu.vector_load_idx %arg9[%add3A_522] masked %lt3A_484 : memref<2080xf32, #tpu.memory_space<vmem>>[vector<16xi32>], vector<16xf32>, vector<16xi1>
      %add3A_524 = arith.constant 1285 : i32
      %add3A_525 = vector.broadcast %add3A_524 : i32 to vector<16xi32>
      %add3A_526 = arith.addi %mul3A_3, %add3A_525 : vector<16xi32>
      tpu.vector_store_idx %arg7[%add3A_526], %gather3A_523 masked %lt3A_484 : memref<20480xf32, #tpu.memory_space<vmem>>[vector<16xi32>], vector<16xf32>, vector<16xi1>
      %add3A_527 = arith.constant 1030 : i32
      %add3A_528 = vector.broadcast %add3A_527 : i32 to vector<16xi32>
      %add3A_529 = arith.addi %mul3A_20, %add3A_528 : vector<16xi32>
      %gather3A_530 = tpu.vector_load_idx %arg9[%add3A_529] masked %lt3A_484 : memref<2080xf32, #tpu.memory_space<vmem>>[vector<16xi32>], vector<16xf32>, vector<16xi1>
      %add3A_531 = arith.constant 1286 : i32
      %add3A_532 = vector.broadcast %add3A_531 : i32 to vector<16xi32>
      %add3A_533 = arith.addi %mul3A_3, %add3A_532 : vector<16xi32>
      tpu.vector_store_idx %arg7[%add3A_533], %gather3A_530 masked %lt3A_484 : memref<20480xf32, #tpu.memory_space<vmem>>[vector<16xi32>], vector<16xf32>, vector<16xi1>
      %add3A_534 = arith.constant 1031 : i32
      %add3A_535 = vector.broadcast %add3A_534 : i32 to vector<16xi32>
      %add3A_536 = arith.addi %mul3A_20, %add3A_535 : vector<16xi32>
      %gather3A_537 = tpu.vector_load_idx %arg9[%add3A_536] masked %lt3A_484 : memref<2080xf32, #tpu.memory_space<vmem>>[vector<16xi32>], vector<16xf32>, vector<16xi1>
      %add3A_538 = arith.constant 1287 : i32
      %add3A_539 = vector.broadcast %add3A_538 : i32 to vector<16xi32>
      %add3A_540 = arith.addi %mul3A_3, %add3A_539 : vector<16xi32>
      tpu.vector_store_idx %arg7[%add3A_540], %gather3A_537 masked %lt3A_484 : memref<20480xf32, #tpu.memory_space<vmem>>[vector<16xi32>], vector<16xf32>, vector<16xi1>
      %add3A_541 = arith.constant 1032 : i32
      %add3A_542 = vector.broadcast %add3A_541 : i32 to vector<16xi32>
      %add3A_543 = arith.addi %mul3A_20, %add3A_542 : vector<16xi32>
      %gather3A_544 = tpu.vector_load_idx %arg9[%add3A_543] masked %lt3A_484 : memref<2080xf32, #tpu.memory_space<vmem>>[vector<16xi32>], vector<16xf32>, vector<16xi1>
      %add3A_545 = arith.constant 1288 : i32
      %add3A_546 = vector.broadcast %add3A_545 : i32 to vector<16xi32>
      %add3A_547 = arith.addi %mul3A_3, %add3A_546 : vector<16xi32>
      tpu.vector_store_idx %arg7[%add3A_547], %gather3A_544 masked %lt3A_484 : memref<20480xf32, #tpu.memory_space<vmem>>[vector<16xi32>], vector<16xf32>, vector<16xi1>
      %add3A_548 = arith.constant 1033 : i32
      %add3A_549 = vector.broadcast %add3A_548 : i32 to vector<16xi32>
      %add3A_550 = arith.addi %mul3A_20, %add3A_549 : vector<16xi32>
      %gather3A_551 = tpu.vector_load_idx %arg9[%add3A_550] masked %lt3A_484 : memref<2080xf32, #tpu.memory_space<vmem>>[vector<16xi32>], vector<16xf32>, vector<16xi1>
      %add3A_552 = arith.constant 1289 : i32
      %add3A_553 = vector.broadcast %add3A_552 : i32 to vector<16xi32>
      %add3A_554 = arith.addi %mul3A_3, %add3A_553 : vector<16xi32>
      tpu.vector_store_idx %arg7[%add3A_554], %gather3A_551 masked %lt3A_484 : memref<20480xf32, #tpu.memory_space<vmem>>[vector<16xi32>], vector<16xf32>, vector<16xi1>
      %add3A_555 = arith.constant 1034 : i32
      %add3A_556 = vector.broadcast %add3A_555 : i32 to vector<16xi32>
      %add3A_557 = arith.addi %mul3A_20, %add3A_556 : vector<16xi32>
      %gather3A_558 = tpu.vector_load_idx %arg9[%add3A_557] masked %lt3A_484 : memref<2080xf32, #tpu.memory_space<vmem>>[vector<16xi32>], vector<16xf32>, vector<16xi1>
      %add3A_559 = arith.constant 1290 : i32
      %add3A_560 = vector.broadcast %add3A_559 : i32 to vector<16xi32>
      %add3A_561 = arith.addi %mul3A_3, %add3A_560 : vector<16xi32>
      tpu.vector_store_idx %arg7[%add3A_561], %gather3A_558 masked %lt3A_484 : memref<20480xf32, #tpu.memory_space<vmem>>[vector<16xi32>], vector<16xf32>, vector<16xi1>
      %add3A_562 = arith.constant 1035 : i32
      %add3A_563 = vector.broadcast %add3A_562 : i32 to vector<16xi32>
      %add3A_564 = arith.addi %mul3A_20, %add3A_563 : vector<16xi32>
      %gather3A_565 = tpu.vector_load_idx %arg9[%add3A_564] masked %lt3A_484 : memref<2080xf32, #tpu.memory_space<vmem>>[vector<16xi32>], vector<16xf32>, vector<16xi1>
      %add3A_566 = arith.constant 1291 : i32
      %add3A_567 = vector.broadcast %add3A_566 : i32 to vector<16xi32>
      %add3A_568 = arith.addi %mul3A_3, %add3A_567 : vector<16xi32>
      tpu.vector_store_idx %arg7[%add3A_568], %gather3A_565 masked %lt3A_484 : memref<20480xf32, #tpu.memory_space<vmem>>[vector<16xi32>], vector<16xf32>, vector<16xi1>
      %add3A_569 = arith.constant 1036 : i32
      %add3A_570 = vector.broadcast %add3A_569 : i32 to vector<16xi32>
      %add3A_571 = arith.addi %mul3A_20, %add3A_570 : vector<16xi32>
      %gather3A_572 = tpu.vector_load_idx %arg9[%add3A_571] masked %lt3A_484 : memref<2080xf32, #tpu.memory_space<vmem>>[vector<16xi32>], vector<16xf32>, vector<16xi1>
      %add3A_573 = arith.constant 1292 : i32
      %add3A_574 = vector.broadcast %add3A_573 : i32 to vector<16xi32>
      %add3A_575 = arith.addi %mul3A_3, %add3A_574 : vector<16xi32>
      tpu.vector_store_idx %arg7[%add3A_575], %gather3A_572 masked %lt3A_484 : memref<20480xf32, #tpu.memory_space<vmem>>[vector<16xi32>], vector<16xf32>, vector<16xi1>
      %add3A_576 = arith.constant 1037 : i32
      %add3A_577 = vector.broadcast %add3A_576 : i32 to vector<16xi32>
      %add3A_578 = arith.addi %mul3A_20, %add3A_577 : vector<16xi32>
      %gather3A_579 = tpu.vector_load_idx %arg9[%add3A_578] masked %lt3A_484 : memref<2080xf32, #tpu.memory_space<vmem>>[vector<16xi32>], vector<16xf32>, vector<16xi1>
      %add3A_580 = arith.constant 1293 : i32
      %add3A_581 = vector.broadcast %add3A_580 : i32 to vector<16xi32>
      %add3A_582 = arith.addi %mul3A_3, %add3A_581 : vector<16xi32>
      tpu.vector_store_idx %arg7[%add3A_582], %gather3A_579 masked %lt3A_484 : memref<20480xf32, #tpu.memory_space<vmem>>[vector<16xi32>], vector<16xf32>, vector<16xi1>
      %add3A_583 = arith.constant 1038 : i32
      %add3A_584 = vector.broadcast %add3A_583 : i32 to vector<16xi32>
      %add3A_585 = arith.addi %mul3A_20, %add3A_584 : vector<16xi32>
      %gather3A_586 = tpu.vector_load_idx %arg9[%add3A_585] masked %lt3A_484 : memref<2080xf32, #tpu.memory_space<vmem>>[vector<16xi32>], vector<16xf32>, vector<16xi1>
      %add3A_587 = arith.constant 1294 : i32
      %add3A_588 = vector.broadcast %add3A_587 : i32 to vector<16xi32>
      %add3A_589 = arith.addi %mul3A_3, %add3A_588 : vector<16xi32>
      tpu.vector_store_idx %arg7[%add3A_589], %gather3A_586 masked %lt3A_484 : memref<20480xf32, #tpu.memory_space<vmem>>[vector<16xi32>], vector<16xf32>, vector<16xi1>
      %add3A_590 = arith.constant 1039 : i32
      %add3A_591 = vector.broadcast %add3A_590 : i32 to vector<16xi32>
      %add3A_592 = arith.addi %mul3A_20, %add3A_591 : vector<16xi32>
      %gather3A_593 = tpu.vector_load_idx %arg9[%add3A_592] masked %lt3A_484 : memref<2080xf32, #tpu.memory_space<vmem>>[vector<16xi32>], vector<16xf32>, vector<16xi1>
      %add3A_594 = arith.constant 1295 : i32
      %add3A_595 = vector.broadcast %add3A_594 : i32 to vector<16xi32>
      %add3A_596 = arith.addi %mul3A_3, %add3A_595 : vector<16xi32>
      tpu.vector_store_idx %arg7[%add3A_596], %gather3A_593 masked %lt3A_484 : memref<20480xf32, #tpu.memory_space<vmem>>[vector<16xi32>], vector<16xf32>, vector<16xi1>
      %add3A_597 = arith.constant 1040 : i32
      %add3A_598 = vector.broadcast %add3A_597 : i32 to vector<16xi32>
      %add3A_599 = arith.addi %mul3A_20, %add3A_598 : vector<16xi32>
      %gather3A_600 = tpu.vector_load_idx %arg9[%add3A_599] masked %lt3A_484 : memref<2080xf32, #tpu.memory_space<vmem>>[vector<16xi32>], vector<16xf32>, vector<16xi1>
      %add3A_601 = arith.constant 1296 : i32
      %add3A_602 = vector.broadcast %add3A_601 : i32 to vector<16xi32>
      %add3A_603 = arith.addi %mul3A_3, %add3A_602 : vector<16xi32>
      tpu.vector_store_idx %arg7[%add3A_603], %gather3A_600 masked %lt3A_484 : memref<20480xf32, #tpu.memory_space<vmem>>[vector<16xi32>], vector<16xf32>, vector<16xi1>
      %add3A_604 = arith.constant 1041 : i32
      %add3A_605 = vector.broadcast %add3A_604 : i32 to vector<16xi32>
      %add3A_606 = arith.addi %mul3A_20, %add3A_605 : vector<16xi32>
      %gather3A_607 = tpu.vector_load_idx %arg9[%add3A_606] masked %lt3A_484 : memref<2080xf32, #tpu.memory_space<vmem>>[vector<16xi32>], vector<16xf32>, vector<16xi1>
      %add3A_608 = arith.constant 1297 : i32
      %add3A_609 = vector.broadcast %add3A_608 : i32 to vector<16xi32>
      %add3A_610 = arith.addi %mul3A_3, %add3A_609 : vector<16xi32>
      tpu.vector_store_idx %arg7[%add3A_610], %gather3A_607 masked %lt3A_484 : memref<20480xf32, #tpu.memory_space<vmem>>[vector<16xi32>], vector<16xf32>, vector<16xi1>
      %add3A_611 = arith.constant 1042 : i32
      %add3A_612 = vector.broadcast %add3A_611 : i32 to vector<16xi32>
      %add3A_613 = arith.addi %mul3A_20, %add3A_612 : vector<16xi32>
      %gather3A_614 = tpu.vector_load_idx %arg9[%add3A_613] masked %lt3A_484 : memref<2080xf32, #tpu.memory_space<vmem>>[vector<16xi32>], vector<16xf32>, vector<16xi1>
      %add3A_615 = arith.constant 1298 : i32
      %add3A_616 = vector.broadcast %add3A_615 : i32 to vector<16xi32>
      %add3A_617 = arith.addi %mul3A_3, %add3A_616 : vector<16xi32>
      tpu.vector_store_idx %arg7[%add3A_617], %gather3A_614 masked %lt3A_484 : memref<20480xf32, #tpu.memory_space<vmem>>[vector<16xi32>], vector<16xf32>, vector<16xi1>
      %add3A_618 = arith.constant 1043 : i32
      %add3A_619 = vector.broadcast %add3A_618 : i32 to vector<16xi32>
      %add3A_620 = arith.addi %mul3A_20, %add3A_619 : vector<16xi32>
      %gather3A_621 = tpu.vector_load_idx %arg9[%add3A_620] masked %lt3A_484 : memref<2080xf32, #tpu.memory_space<vmem>>[vector<16xi32>], vector<16xf32>, vector<16xi1>
      %add3A_622 = arith.constant 1299 : i32
      %add3A_623 = vector.broadcast %add3A_622 : i32 to vector<16xi32>
      %add3A_624 = arith.addi %mul3A_3, %add3A_623 : vector<16xi32>
      tpu.vector_store_idx %arg7[%add3A_624], %gather3A_621 masked %lt3A_484 : memref<20480xf32, #tpu.memory_space<vmem>>[vector<16xi32>], vector<16xf32>, vector<16xi1>
      %add3A_625 = arith.constant 1044 : i32
      %add3A_626 = vector.broadcast %add3A_625 : i32 to vector<16xi32>
      %add3A_627 = arith.addi %mul3A_20, %add3A_626 : vector<16xi32>
      %gather3A_628 = tpu.vector_load_idx %arg9[%add3A_627] masked %lt3A_484 : memref<2080xf32, #tpu.memory_space<vmem>>[vector<16xi32>], vector<16xf32>, vector<16xi1>
      %add3A_629 = arith.constant 1300 : i32
      %add3A_630 = vector.broadcast %add3A_629 : i32 to vector<16xi32>
      %add3A_631 = arith.addi %mul3A_3, %add3A_630 : vector<16xi32>
      tpu.vector_store_idx %arg7[%add3A_631], %gather3A_628 masked %lt3A_484 : memref<20480xf32, #tpu.memory_space<vmem>>[vector<16xi32>], vector<16xf32>, vector<16xi1>
      %add3A_632 = arith.constant 1045 : i32
      %add3A_633 = vector.broadcast %add3A_632 : i32 to vector<16xi32>
      %add3A_634 = arith.addi %mul3A_20, %add3A_633 : vector<16xi32>
      %gather3A_635 = tpu.vector_load_idx %arg9[%add3A_634] masked %lt3A_484 : memref<2080xf32, #tpu.memory_space<vmem>>[vector<16xi32>], vector<16xf32>, vector<16xi1>
      %add3A_636 = arith.constant 1301 : i32
      %add3A_637 = vector.broadcast %add3A_636 : i32 to vector<16xi32>
      %add3A_638 = arith.addi %mul3A_3, %add3A_637 : vector<16xi32>
      tpu.vector_store_idx %arg7[%add3A_638], %gather3A_635 masked %lt3A_484 : memref<20480xf32, #tpu.memory_space<vmem>>[vector<16xi32>], vector<16xf32>, vector<16xi1>
      %add3A_639 = arith.constant 1046 : i32
      %add3A_640 = vector.broadcast %add3A_639 : i32 to vector<16xi32>
      %add3A_641 = arith.addi %mul3A_20, %add3A_640 : vector<16xi32>
      %gather3A_642 = tpu.vector_load_idx %arg9[%add3A_641] masked %lt3A_484 : memref<2080xf32, #tpu.memory_space<vmem>>[vector<16xi32>], vector<16xf32>, vector<16xi1>
      %add3A_643 = arith.constant 1302 : i32
      %add3A_644 = vector.broadcast %add3A_643 : i32 to vector<16xi32>
      %add3A_645 = arith.addi %mul3A_3, %add3A_644 : vector<16xi32>
      tpu.vector_store_idx %arg7[%add3A_645], %gather3A_642 masked %lt3A_484 : memref<20480xf32, #tpu.memory_space<vmem>>[vector<16xi32>], vector<16xf32>, vector<16xi1>
      %add3A_646 = arith.constant 1047 : i32
      %add3A_647 = vector.broadcast %add3A_646 : i32 to vector<16xi32>
      %add3A_648 = arith.addi %mul3A_20, %add3A_647 : vector<16xi32>
      %gather3A_649 = tpu.vector_load_idx %arg9[%add3A_648] masked %lt3A_484 : memref<2080xf32, #tpu.memory_space<vmem>>[vector<16xi32>], vector<16xf32>, vector<16xi1>
      %add3A_650 = arith.constant 1303 : i32
      %add3A_651 = vector.broadcast %add3A_650 : i32 to vector<16xi32>
      %add3A_652 = arith.addi %mul3A_3, %add3A_651 : vector<16xi32>
      tpu.vector_store_idx %arg7[%add3A_652], %gather3A_649 masked %lt3A_484 : memref<20480xf32, #tpu.memory_space<vmem>>[vector<16xi32>], vector<16xf32>, vector<16xi1>
      %add3A_653 = arith.constant 1048 : i32
      %add3A_654 = vector.broadcast %add3A_653 : i32 to vector<16xi32>
      %add3A_655 = arith.addi %mul3A_20, %add3A_654 : vector<16xi32>
      %gather3A_656 = tpu.vector_load_idx %arg9[%add3A_655] masked %lt3A_484 : memref<2080xf32, #tpu.memory_space<vmem>>[vector<16xi32>], vector<16xf32>, vector<16xi1>
      %add3A_657 = arith.constant 1304 : i32
      %add3A_658 = vector.broadcast %add3A_657 : i32 to vector<16xi32>
      %add3A_659 = arith.addi %mul3A_3, %add3A_658 : vector<16xi32>
      tpu.vector_store_idx %arg7[%add3A_659], %gather3A_656 masked %lt3A_484 : memref<20480xf32, #tpu.memory_space<vmem>>[vector<16xi32>], vector<16xf32>, vector<16xi1>
      %add3A_660 = arith.constant 1049 : i32
      %add3A_661 = vector.broadcast %add3A_660 : i32 to vector<16xi32>
      %add3A_662 = arith.addi %mul3A_20, %add3A_661 : vector<16xi32>
      %gather3A_663 = tpu.vector_load_idx %arg9[%add3A_662] masked %lt3A_484 : memref<2080xf32, #tpu.memory_space<vmem>>[vector<16xi32>], vector<16xf32>, vector<16xi1>
      %add3A_664 = arith.constant 1305 : i32
      %add3A_665 = vector.broadcast %add3A_664 : i32 to vector<16xi32>
      %add3A_666 = arith.addi %mul3A_3, %add3A_665 : vector<16xi32>
      tpu.vector_store_idx %arg7[%add3A_666], %gather3A_663 masked %lt3A_484 : memref<20480xf32, #tpu.memory_space<vmem>>[vector<16xi32>], vector<16xf32>, vector<16xi1>
      %add3A_667 = arith.constant 1050 : i32
      %add3A_668 = vector.broadcast %add3A_667 : i32 to vector<16xi32>
      %add3A_669 = arith.addi %mul3A_20, %add3A_668 : vector<16xi32>
      %gather3A_670 = tpu.vector_load_idx %arg9[%add3A_669] masked %lt3A_484 : memref<2080xf32, #tpu.memory_space<vmem>>[vector<16xi32>], vector<16xf32>, vector<16xi1>
      %add3A_671 = arith.constant 1306 : i32
      %add3A_672 = vector.broadcast %add3A_671 : i32 to vector<16xi32>
      %add3A_673 = arith.addi %mul3A_3, %add3A_672 : vector<16xi32>
      tpu.vector_store_idx %arg7[%add3A_673], %gather3A_670 masked %lt3A_484 : memref<20480xf32, #tpu.memory_space<vmem>>[vector<16xi32>], vector<16xf32>, vector<16xi1>
      %add3A_674 = arith.constant 1051 : i32
      %add3A_675 = vector.broadcast %add3A_674 : i32 to vector<16xi32>
      %add3A_676 = arith.addi %mul3A_20, %add3A_675 : vector<16xi32>
      %gather3A_677 = tpu.vector_load_idx %arg9[%add3A_676] masked %lt3A_484 : memref<2080xf32, #tpu.memory_space<vmem>>[vector<16xi32>], vector<16xf32>, vector<16xi1>
      %add3A_678 = arith.constant 1307 : i32
      %add3A_679 = vector.broadcast %add3A_678 : i32 to vector<16xi32>
      %add3A_680 = arith.addi %mul3A_3, %add3A_679 : vector<16xi32>
      tpu.vector_store_idx %arg7[%add3A_680], %gather3A_677 masked %lt3A_484 : memref<20480xf32, #tpu.memory_space<vmem>>[vector<16xi32>], vector<16xf32>, vector<16xi1>
      %add3A_681 = arith.constant 1052 : i32
      %add3A_682 = vector.broadcast %add3A_681 : i32 to vector<16xi32>
      %add3A_683 = arith.addi %mul3A_20, %add3A_682 : vector<16xi32>
      %gather3A_684 = tpu.vector_load_idx %arg9[%add3A_683] masked %lt3A_484 : memref<2080xf32, #tpu.memory_space<vmem>>[vector<16xi32>], vector<16xf32>, vector<16xi1>
      %add3A_685 = arith.constant 1308 : i32
      %add3A_686 = vector.broadcast %add3A_685 : i32 to vector<16xi32>
      %add3A_687 = arith.addi %mul3A_3, %add3A_686 : vector<16xi32>
      tpu.vector_store_idx %arg7[%add3A_687], %gather3A_684 masked %lt3A_484 : memref<20480xf32, #tpu.memory_space<vmem>>[vector<16xi32>], vector<16xf32>, vector<16xi1>
      %add3A_688 = arith.constant 1053 : i32
      %add3A_689 = vector.broadcast %add3A_688 : i32 to vector<16xi32>
      %add3A_690 = arith.addi %mul3A_20, %add3A_689 : vector<16xi32>
      %gather3A_691 = tpu.vector_load_idx %arg9[%add3A_690] masked %lt3A_484 : memref<2080xf32, #tpu.memory_space<vmem>>[vector<16xi32>], vector<16xf32>, vector<16xi1>
      %add3A_692 = arith.constant 1309 : i32
      %add3A_693 = vector.broadcast %add3A_692 : i32 to vector<16xi32>
      %add3A_694 = arith.addi %mul3A_3, %add3A_693 : vector<16xi32>
      tpu.vector_store_idx %arg7[%add3A_694], %gather3A_691 masked %lt3A_484 : memref<20480xf32, #tpu.memory_space<vmem>>[vector<16xi32>], vector<16xf32>, vector<16xi1>
      %add3A_695 = arith.constant 1054 : i32
      %add3A_696 = vector.broadcast %add3A_695 : i32 to vector<16xi32>
      %add3A_697 = arith.addi %mul3A_20, %add3A_696 : vector<16xi32>
      %gather3A_698 = tpu.vector_load_idx %arg9[%add3A_697] masked %lt3A_484 : memref<2080xf32, #tpu.memory_space<vmem>>[vector<16xi32>], vector<16xf32>, vector<16xi1>
      %add3A_699 = arith.constant 1310 : i32
      %add3A_700 = vector.broadcast %add3A_699 : i32 to vector<16xi32>
      %add3A_701 = arith.addi %mul3A_3, %add3A_700 : vector<16xi32>
      tpu.vector_store_idx %arg7[%add3A_701], %gather3A_698 masked %lt3A_484 : memref<20480xf32, #tpu.memory_space<vmem>>[vector<16xi32>], vector<16xf32>, vector<16xi1>
      %add3A_702 = arith.constant 1055 : i32
      %add3A_703 = vector.broadcast %add3A_702 : i32 to vector<16xi32>
      %add3A_704 = arith.addi %mul3A_20, %add3A_703 : vector<16xi32>
      %gather3A_705 = tpu.vector_load_idx %arg9[%add3A_704] masked %lt3A_484 : memref<2080xf32, #tpu.memory_space<vmem>>[vector<16xi32>], vector<16xf32>, vector<16xi1>
      %add3A_706 = arith.constant 1311 : i32
      %add3A_707 = vector.broadcast %add3A_706 : i32 to vector<16xi32>
      %add3A_708 = arith.addi %mul3A_3, %add3A_707 : vector<16xi32>
      tpu.vector_store_idx %arg7[%add3A_708], %gather3A_705 masked %lt3A_484 : memref<20480xf32, #tpu.memory_space<vmem>>[vector<16xi32>], vector<16xf32>, vector<16xi1>
      %add3A_709 = arith.constant 48 : i32
      %add3A_710 = vector.broadcast %add3A_709 : i32 to vector<16xi32>
      %add3A_711 = arith.addi %add3A_710, %iota3A : vector<16xi32>
      %lt3A_712 = arith.constant 65 : i32
      %lt3A_713 = vector.broadcast %lt3A_712 : i32 to vector<16xi32>
      %lt3A_714 = arith.cmpi slt, %add3A_711, %lt3A_713 : vector<16xi32>
      %add3A_715 = arith.constant 1536 : i32
      %add3A_716 = vector.broadcast %add3A_715 : i32 to vector<16xi32>
      %add3A_717 = arith.addi %mul3A_20, %add3A_716 : vector<16xi32>
      %gather3A_718 = tpu.vector_load_idx %arg9[%add3A_717] masked %lt3A_714 : memref<2080xf32, #tpu.memory_space<vmem>>[vector<16xi32>], vector<16xf32>, vector<16xi1>
      %add3A_719 = arith.constant 1920 : i32
      %add3A_720 = vector.broadcast %add3A_719 : i32 to vector<16xi32>
      %add3A_721 = arith.addi %mul3A_3, %add3A_720 : vector<16xi32>
      tpu.vector_store_idx %arg7[%add3A_721], %gather3A_718 masked %lt3A_714 : memref<20480xf32, #tpu.memory_space<vmem>>[vector<16xi32>], vector<16xf32>, vector<16xi1>
      %add3A_722 = arith.constant 1537 : i32
      %add3A_723 = vector.broadcast %add3A_722 : i32 to vector<16xi32>
      %add3A_724 = arith.addi %mul3A_20, %add3A_723 : vector<16xi32>
      %gather3A_725 = tpu.vector_load_idx %arg9[%add3A_724] masked %lt3A_714 : memref<2080xf32, #tpu.memory_space<vmem>>[vector<16xi32>], vector<16xf32>, vector<16xi1>
      %add3A_726 = arith.constant 1921 : i32
      %add3A_727 = vector.broadcast %add3A_726 : i32 to vector<16xi32>
      %add3A_728 = arith.addi %mul3A_3, %add3A_727 : vector<16xi32>
      tpu.vector_store_idx %arg7[%add3A_728], %gather3A_725 masked %lt3A_714 : memref<20480xf32, #tpu.memory_space<vmem>>[vector<16xi32>], vector<16xf32>, vector<16xi1>
      %add3A_729 = arith.constant 1538 : i32
      %add3A_730 = vector.broadcast %add3A_729 : i32 to vector<16xi32>
      %add3A_731 = arith.addi %mul3A_20, %add3A_730 : vector<16xi32>
      %gather3A_732 = tpu.vector_load_idx %arg9[%add3A_731] masked %lt3A_714 : memref<2080xf32, #tpu.memory_space<vmem>>[vector<16xi32>], vector<16xf32>, vector<16xi1>
      %add3A_733 = arith.constant 1922 : i32
      %add3A_734 = vector.broadcast %add3A_733 : i32 to vector<16xi32>
      %add3A_735 = arith.addi %mul3A_3, %add3A_734 : vector<16xi32>
      tpu.vector_store_idx %arg7[%add3A_735], %gather3A_732 masked %lt3A_714 : memref<20480xf32, #tpu.memory_space<vmem>>[vector<16xi32>], vector<16xf32>, vector<16xi1>
      %add3A_736 = arith.constant 1539 : i32
      %add3A_737 = vector.broadcast %add3A_736 : i32 to vector<16xi32>
      %add3A_738 = arith.addi %mul3A_20, %add3A_737 : vector<16xi32>
      %gather3A_739 = tpu.vector_load_idx %arg9[%add3A_738] masked %lt3A_714 : memref<2080xf32, #tpu.memory_space<vmem>>[vector<16xi32>], vector<16xf32>, vector<16xi1>
      %add3A_740 = arith.constant 1923 : i32
      %add3A_741 = vector.broadcast %add3A_740 : i32 to vector<16xi32>
      %add3A_742 = arith.addi %mul3A_3, %add3A_741 : vector<16xi32>
      tpu.vector_store_idx %arg7[%add3A_742], %gather3A_739 masked %lt3A_714 : memref<20480xf32, #tpu.memory_space<vmem>>[vector<16xi32>], vector<16xf32>, vector<16xi1>
      %add3A_743 = arith.constant 1540 : i32
      %add3A_744 = vector.broadcast %add3A_743 : i32 to vector<16xi32>
      %add3A_745 = arith.addi %mul3A_20, %add3A_744 : vector<16xi32>
      %gather3A_746 = tpu.vector_load_idx %arg9[%add3A_745] masked %lt3A_714 : memref<2080xf32, #tpu.memory_space<vmem>>[vector<16xi32>], vector<16xf32>, vector<16xi1>
      %add3A_747 = arith.constant 1924 : i32
      %add3A_748 = vector.broadcast %add3A_747 : i32 to vector<16xi32>
      %add3A_749 = arith.addi %mul3A_3, %add3A_748 : vector<16xi32>
      tpu.vector_store_idx %arg7[%add3A_749], %gather3A_746 masked %lt3A_714 : memref<20480xf32, #tpu.memory_space<vmem>>[vector<16xi32>], vector<16xf32>, vector<16xi1>
      %add3A_750 = arith.constant 1541 : i32
      %add3A_751 = vector.broadcast %add3A_750 : i32 to vector<16xi32>
      %add3A_752 = arith.addi %mul3A_20, %add3A_751 : vector<16xi32>
      %gather3A_753 = tpu.vector_load_idx %arg9[%add3A_752] masked %lt3A_714 : memref<2080xf32, #tpu.memory_space<vmem>>[vector<16xi32>], vector<16xf32>, vector<16xi1>
      %add3A_754 = arith.constant 1925 : i32
      %add3A_755 = vector.broadcast %add3A_754 : i32 to vector<16xi32>
      %add3A_756 = arith.addi %mul3A_3, %add3A_755 : vector<16xi32>
      tpu.vector_store_idx %arg7[%add3A_756], %gather3A_753 masked %lt3A_714 : memref<20480xf32, #tpu.memory_space<vmem>>[vector<16xi32>], vector<16xf32>, vector<16xi1>
      %add3A_757 = arith.constant 1542 : i32
      %add3A_758 = vector.broadcast %add3A_757 : i32 to vector<16xi32>
      %add3A_759 = arith.addi %mul3A_20, %add3A_758 : vector<16xi32>
      %gather3A_760 = tpu.vector_load_idx %arg9[%add3A_759] masked %lt3A_714 : memref<2080xf32, #tpu.memory_space<vmem>>[vector<16xi32>], vector<16xf32>, vector<16xi1>
      %add3A_761 = arith.constant 1926 : i32
      %add3A_762 = vector.broadcast %add3A_761 : i32 to vector<16xi32>
      %add3A_763 = arith.addi %mul3A_3, %add3A_762 : vector<16xi32>
      tpu.vector_store_idx %arg7[%add3A_763], %gather3A_760 masked %lt3A_714 : memref<20480xf32, #tpu.memory_space<vmem>>[vector<16xi32>], vector<16xf32>, vector<16xi1>
      %add3A_764 = arith.constant 1543 : i32
      %add3A_765 = vector.broadcast %add3A_764 : i32 to vector<16xi32>
      %add3A_766 = arith.addi %mul3A_20, %add3A_765 : vector<16xi32>
      %gather3A_767 = tpu.vector_load_idx %arg9[%add3A_766] masked %lt3A_714 : memref<2080xf32, #tpu.memory_space<vmem>>[vector<16xi32>], vector<16xf32>, vector<16xi1>
      %add3A_768 = arith.constant 1927 : i32
      %add3A_769 = vector.broadcast %add3A_768 : i32 to vector<16xi32>
      %add3A_770 = arith.addi %mul3A_3, %add3A_769 : vector<16xi32>
      tpu.vector_store_idx %arg7[%add3A_770], %gather3A_767 masked %lt3A_714 : memref<20480xf32, #tpu.memory_space<vmem>>[vector<16xi32>], vector<16xf32>, vector<16xi1>
      %add3A_771 = arith.constant 1544 : i32
      %add3A_772 = vector.broadcast %add3A_771 : i32 to vector<16xi32>
      %add3A_773 = arith.addi %mul3A_20, %add3A_772 : vector<16xi32>
      %gather3A_774 = tpu.vector_load_idx %arg9[%add3A_773] masked %lt3A_714 : memref<2080xf32, #tpu.memory_space<vmem>>[vector<16xi32>], vector<16xf32>, vector<16xi1>
      %add3A_775 = arith.constant 1928 : i32
      %add3A_776 = vector.broadcast %add3A_775 : i32 to vector<16xi32>
      %add3A_777 = arith.addi %mul3A_3, %add3A_776 : vector<16xi32>
      tpu.vector_store_idx %arg7[%add3A_777], %gather3A_774 masked %lt3A_714 : memref<20480xf32, #tpu.memory_space<vmem>>[vector<16xi32>], vector<16xf32>, vector<16xi1>
      %add3A_778 = arith.constant 1545 : i32
      %add3A_779 = vector.broadcast %add3A_778 : i32 to vector<16xi32>
      %add3A_780 = arith.addi %mul3A_20, %add3A_779 : vector<16xi32>
      %gather3A_781 = tpu.vector_load_idx %arg9[%add3A_780] masked %lt3A_714 : memref<2080xf32, #tpu.memory_space<vmem>>[vector<16xi32>], vector<16xf32>, vector<16xi1>
      %add3A_782 = arith.constant 1929 : i32
      %add3A_783 = vector.broadcast %add3A_782 : i32 to vector<16xi32>
      %add3A_784 = arith.addi %mul3A_3, %add3A_783 : vector<16xi32>
      tpu.vector_store_idx %arg7[%add3A_784], %gather3A_781 masked %lt3A_714 : memref<20480xf32, #tpu.memory_space<vmem>>[vector<16xi32>], vector<16xf32>, vector<16xi1>
      %add3A_785 = arith.constant 1546 : i32
      %add3A_786 = vector.broadcast %add3A_785 : i32 to vector<16xi32>
      %add3A_787 = arith.addi %mul3A_20, %add3A_786 : vector<16xi32>
      %gather3A_788 = tpu.vector_load_idx %arg9[%add3A_787] masked %lt3A_714 : memref<2080xf32, #tpu.memory_space<vmem>>[vector<16xi32>], vector<16xf32>, vector<16xi1>
      %add3A_789 = arith.constant 1930 : i32
      %add3A_790 = vector.broadcast %add3A_789 : i32 to vector<16xi32>
      %add3A_791 = arith.addi %mul3A_3, %add3A_790 : vector<16xi32>
      tpu.vector_store_idx %arg7[%add3A_791], %gather3A_788 masked %lt3A_714 : memref<20480xf32, #tpu.memory_space<vmem>>[vector<16xi32>], vector<16xf32>, vector<16xi1>
      %add3A_792 = arith.constant 1547 : i32
      %add3A_793 = vector.broadcast %add3A_792 : i32 to vector<16xi32>
      %add3A_794 = arith.addi %mul3A_20, %add3A_793 : vector<16xi32>
      %gather3A_795 = tpu.vector_load_idx %arg9[%add3A_794] masked %lt3A_714 : memref<2080xf32, #tpu.memory_space<vmem>>[vector<16xi32>], vector<16xf32>, vector<16xi1>
      %add3A_796 = arith.constant 1931 : i32
      %add3A_797 = vector.broadcast %add3A_796 : i32 to vector<16xi32>
      %add3A_798 = arith.addi %mul3A_3, %add3A_797 : vector<16xi32>
      tpu.vector_store_idx %arg7[%add3A_798], %gather3A_795 masked %lt3A_714 : memref<20480xf32, #tpu.memory_space<vmem>>[vector<16xi32>], vector<16xf32>, vector<16xi1>
      %add3A_799 = arith.constant 1548 : i32
      %add3A_800 = vector.broadcast %add3A_799 : i32 to vector<16xi32>
      %add3A_801 = arith.addi %mul3A_20, %add3A_800 : vector<16xi32>
      %gather3A_802 = tpu.vector_load_idx %arg9[%add3A_801] masked %lt3A_714 : memref<2080xf32, #tpu.memory_space<vmem>>[vector<16xi32>], vector<16xf32>, vector<16xi1>
      %add3A_803 = arith.constant 1932 : i32
      %add3A_804 = vector.broadcast %add3A_803 : i32 to vector<16xi32>
      %add3A_805 = arith.addi %mul3A_3, %add3A_804 : vector<16xi32>
      tpu.vector_store_idx %arg7[%add3A_805], %gather3A_802 masked %lt3A_714 : memref<20480xf32, #tpu.memory_space<vmem>>[vector<16xi32>], vector<16xf32>, vector<16xi1>
      %add3A_806 = arith.constant 1549 : i32
      %add3A_807 = vector.broadcast %add3A_806 : i32 to vector<16xi32>
      %add3A_808 = arith.addi %mul3A_20, %add3A_807 : vector<16xi32>
      %gather3A_809 = tpu.vector_load_idx %arg9[%add3A_808] masked %lt3A_714 : memref<2080xf32, #tpu.memory_space<vmem>>[vector<16xi32>], vector<16xf32>, vector<16xi1>
      %add3A_810 = arith.constant 1933 : i32
      %add3A_811 = vector.broadcast %add3A_810 : i32 to vector<16xi32>
      %add3A_812 = arith.addi %mul3A_3, %add3A_811 : vector<16xi32>
      tpu.vector_store_idx %arg7[%add3A_812], %gather3A_809 masked %lt3A_714 : memref<20480xf32, #tpu.memory_space<vmem>>[vector<16xi32>], vector<16xf32>, vector<16xi1>
      %add3A_813 = arith.constant 1550 : i32
      %add3A_814 = vector.broadcast %add3A_813 : i32 to vector<16xi32>
      %add3A_815 = arith.addi %mul3A_20, %add3A_814 : vector<16xi32>
      %gather3A_816 = tpu.vector_load_idx %arg9[%add3A_815] masked %lt3A_714 : memref<2080xf32, #tpu.memory_space<vmem>>[vector<16xi32>], vector<16xf32>, vector<16xi1>
      %add3A_817 = arith.constant 1934 : i32
      %add3A_818 = vector.broadcast %add3A_817 : i32 to vector<16xi32>
      %add3A_819 = arith.addi %mul3A_3, %add3A_818 : vector<16xi32>
      tpu.vector_store_idx %arg7[%add3A_819], %gather3A_816 masked %lt3A_714 : memref<20480xf32, #tpu.memory_space<vmem>>[vector<16xi32>], vector<16xf32>, vector<16xi1>
      %add3A_820 = arith.constant 1551 : i32
      %add3A_821 = vector.broadcast %add3A_820 : i32 to vector<16xi32>
      %add3A_822 = arith.addi %mul3A_20, %add3A_821 : vector<16xi32>
      %gather3A_823 = tpu.vector_load_idx %arg9[%add3A_822] masked %lt3A_714 : memref<2080xf32, #tpu.memory_space<vmem>>[vector<16xi32>], vector<16xf32>, vector<16xi1>
      %add3A_824 = arith.constant 1935 : i32
      %add3A_825 = vector.broadcast %add3A_824 : i32 to vector<16xi32>
      %add3A_826 = arith.addi %mul3A_3, %add3A_825 : vector<16xi32>
      tpu.vector_store_idx %arg7[%add3A_826], %gather3A_823 masked %lt3A_714 : memref<20480xf32, #tpu.memory_space<vmem>>[vector<16xi32>], vector<16xf32>, vector<16xi1>
      %add3A_827 = arith.constant 1552 : i32
      %add3A_828 = vector.broadcast %add3A_827 : i32 to vector<16xi32>
      %add3A_829 = arith.addi %mul3A_20, %add3A_828 : vector<16xi32>
      %gather3A_830 = tpu.vector_load_idx %arg9[%add3A_829] masked %lt3A_714 : memref<2080xf32, #tpu.memory_space<vmem>>[vector<16xi32>], vector<16xf32>, vector<16xi1>
      %add3A_831 = arith.constant 1936 : i32
      %add3A_832 = vector.broadcast %add3A_831 : i32 to vector<16xi32>
      %add3A_833 = arith.addi %mul3A_3, %add3A_832 : vector<16xi32>
      tpu.vector_store_idx %arg7[%add3A_833], %gather3A_830 masked %lt3A_714 : memref<20480xf32, #tpu.memory_space<vmem>>[vector<16xi32>], vector<16xf32>, vector<16xi1>
      %add3A_834 = arith.constant 1553 : i32
      %add3A_835 = vector.broadcast %add3A_834 : i32 to vector<16xi32>
      %add3A_836 = arith.addi %mul3A_20, %add3A_835 : vector<16xi32>
      %gather3A_837 = tpu.vector_load_idx %arg9[%add3A_836] masked %lt3A_714 : memref<2080xf32, #tpu.memory_space<vmem>>[vector<16xi32>], vector<16xf32>, vector<16xi1>
      %add3A_838 = arith.constant 1937 : i32
      %add3A_839 = vector.broadcast %add3A_838 : i32 to vector<16xi32>
      %add3A_840 = arith.addi %mul3A_3, %add3A_839 : vector<16xi32>
      tpu.vector_store_idx %arg7[%add3A_840], %gather3A_837 masked %lt3A_714 : memref<20480xf32, #tpu.memory_space<vmem>>[vector<16xi32>], vector<16xf32>, vector<16xi1>
      %add3A_841 = arith.constant 1554 : i32
      %add3A_842 = vector.broadcast %add3A_841 : i32 to vector<16xi32>
      %add3A_843 = arith.addi %mul3A_20, %add3A_842 : vector<16xi32>
      %gather3A_844 = tpu.vector_load_idx %arg9[%add3A_843] masked %lt3A_714 : memref<2080xf32, #tpu.memory_space<vmem>>[vector<16xi32>], vector<16xf32>, vector<16xi1>
      %add3A_845 = arith.constant 1938 : i32
      %add3A_846 = vector.broadcast %add3A_845 : i32 to vector<16xi32>
      %add3A_847 = arith.addi %mul3A_3, %add3A_846 : vector<16xi32>
      tpu.vector_store_idx %arg7[%add3A_847], %gather3A_844 masked %lt3A_714 : memref<20480xf32, #tpu.memory_space<vmem>>[vector<16xi32>], vector<16xf32>, vector<16xi1>
      %add3A_848 = arith.constant 1555 : i32
      %add3A_849 = vector.broadcast %add3A_848 : i32 to vector<16xi32>
      %add3A_850 = arith.addi %mul3A_20, %add3A_849 : vector<16xi32>
      %gather3A_851 = tpu.vector_load_idx %arg9[%add3A_850] masked %lt3A_714 : memref<2080xf32, #tpu.memory_space<vmem>>[vector<16xi32>], vector<16xf32>, vector<16xi1>
      %add3A_852 = arith.constant 1939 : i32
      %add3A_853 = vector.broadcast %add3A_852 : i32 to vector<16xi32>
      %add3A_854 = arith.addi %mul3A_3, %add3A_853 : vector<16xi32>
      tpu.vector_store_idx %arg7[%add3A_854], %gather3A_851 masked %lt3A_714 : memref<20480xf32, #tpu.memory_space<vmem>>[vector<16xi32>], vector<16xf32>, vector<16xi1>
      %add3A_855 = arith.constant 1556 : i32
      %add3A_856 = vector.broadcast %add3A_855 : i32 to vector<16xi32>
      %add3A_857 = arith.addi %mul3A_20, %add3A_856 : vector<16xi32>
      %gather3A_858 = tpu.vector_load_idx %arg9[%add3A_857] masked %lt3A_714 : memref<2080xf32, #tpu.memory_space<vmem>>[vector<16xi32>], vector<16xf32>, vector<16xi1>
      %add3A_859 = arith.constant 1940 : i32
      %add3A_860 = vector.broadcast %add3A_859 : i32 to vector<16xi32>
      %add3A_861 = arith.addi %mul3A_3, %add3A_860 : vector<16xi32>
      tpu.vector_store_idx %arg7[%add3A_861], %gather3A_858 masked %lt3A_714 : memref<20480xf32, #tpu.memory_space<vmem>>[vector<16xi32>], vector<16xf32>, vector<16xi1>
      %add3A_862 = arith.constant 1557 : i32
      %add3A_863 = vector.broadcast %add3A_862 : i32 to vector<16xi32>
      %add3A_864 = arith.addi %mul3A_20, %add3A_863 : vector<16xi32>
      %gather3A_865 = tpu.vector_load_idx %arg9[%add3A_864] masked %lt3A_714 : memref<2080xf32, #tpu.memory_space<vmem>>[vector<16xi32>], vector<16xf32>, vector<16xi1>
      %add3A_866 = arith.constant 1941 : i32
      %add3A_867 = vector.broadcast %add3A_866 : i32 to vector<16xi32>
      %add3A_868 = arith.addi %mul3A_3, %add3A_867 : vector<16xi32>
      tpu.vector_store_idx %arg7[%add3A_868], %gather3A_865 masked %lt3A_714 : memref<20480xf32, #tpu.memory_space<vmem>>[vector<16xi32>], vector<16xf32>, vector<16xi1>
      %add3A_869 = arith.constant 1558 : i32
      %add3A_870 = vector.broadcast %add3A_869 : i32 to vector<16xi32>
      %add3A_871 = arith.addi %mul3A_20, %add3A_870 : vector<16xi32>
      %gather3A_872 = tpu.vector_load_idx %arg9[%add3A_871] masked %lt3A_714 : memref<2080xf32, #tpu.memory_space<vmem>>[vector<16xi32>], vector<16xf32>, vector<16xi1>
      %add3A_873 = arith.constant 1942 : i32
      %add3A_874 = vector.broadcast %add3A_873 : i32 to vector<16xi32>
      %add3A_875 = arith.addi %mul3A_3, %add3A_874 : vector<16xi32>
      tpu.vector_store_idx %arg7[%add3A_875], %gather3A_872 masked %lt3A_714 : memref<20480xf32, #tpu.memory_space<vmem>>[vector<16xi32>], vector<16xf32>, vector<16xi1>
      %add3A_876 = arith.constant 1559 : i32
      %add3A_877 = vector.broadcast %add3A_876 : i32 to vector<16xi32>
      %add3A_878 = arith.addi %mul3A_20, %add3A_877 : vector<16xi32>
      %gather3A_879 = tpu.vector_load_idx %arg9[%add3A_878] masked %lt3A_714 : memref<2080xf32, #tpu.memory_space<vmem>>[vector<16xi32>], vector<16xf32>, vector<16xi1>
      %add3A_880 = arith.constant 1943 : i32
      %add3A_881 = vector.broadcast %add3A_880 : i32 to vector<16xi32>
      %add3A_882 = arith.addi %mul3A_3, %add3A_881 : vector<16xi32>
      tpu.vector_store_idx %arg7[%add3A_882], %gather3A_879 masked %lt3A_714 : memref<20480xf32, #tpu.memory_space<vmem>>[vector<16xi32>], vector<16xf32>, vector<16xi1>
      %add3A_883 = arith.constant 1560 : i32
      %add3A_884 = vector.broadcast %add3A_883 : i32 to vector<16xi32>
      %add3A_885 = arith.addi %mul3A_20, %add3A_884 : vector<16xi32>
      %gather3A_886 = tpu.vector_load_idx %arg9[%add3A_885] masked %lt3A_714 : memref<2080xf32, #tpu.memory_space<vmem>>[vector<16xi32>], vector<16xf32>, vector<16xi1>
      %add3A_887 = arith.constant 1944 : i32
      %add3A_888 = vector.broadcast %add3A_887 : i32 to vector<16xi32>
      %add3A_889 = arith.addi %mul3A_3, %add3A_888 : vector<16xi32>
      tpu.vector_store_idx %arg7[%add3A_889], %gather3A_886 masked %lt3A_714 : memref<20480xf32, #tpu.memory_space<vmem>>[vector<16xi32>], vector<16xf32>, vector<16xi1>
      %add3A_890 = arith.constant 1561 : i32
      %add3A_891 = vector.broadcast %add3A_890 : i32 to vector<16xi32>
      %add3A_892 = arith.addi %mul3A_20, %add3A_891 : vector<16xi32>
      %gather3A_893 = tpu.vector_load_idx %arg9[%add3A_892] masked %lt3A_714 : memref<2080xf32, #tpu.memory_space<vmem>>[vector<16xi32>], vector<16xf32>, vector<16xi1>
      %add3A_894 = arith.constant 1945 : i32
      %add3A_895 = vector.broadcast %add3A_894 : i32 to vector<16xi32>
      %add3A_896 = arith.addi %mul3A_3, %add3A_895 : vector<16xi32>
      tpu.vector_store_idx %arg7[%add3A_896], %gather3A_893 masked %lt3A_714 : memref<20480xf32, #tpu.memory_space<vmem>>[vector<16xi32>], vector<16xf32>, vector<16xi1>
      %add3A_897 = arith.constant 1562 : i32
      %add3A_898 = vector.broadcast %add3A_897 : i32 to vector<16xi32>
      %add3A_899 = arith.addi %mul3A_20, %add3A_898 : vector<16xi32>
      %gather3A_900 = tpu.vector_load_idx %arg9[%add3A_899] masked %lt3A_714 : memref<2080xf32, #tpu.memory_space<vmem>>[vector<16xi32>], vector<16xf32>, vector<16xi1>
      %add3A_901 = arith.constant 1946 : i32
      %add3A_902 = vector.broadcast %add3A_901 : i32 to vector<16xi32>
      %add3A_903 = arith.addi %mul3A_3, %add3A_902 : vector<16xi32>
      tpu.vector_store_idx %arg7[%add3A_903], %gather3A_900 masked %lt3A_714 : memref<20480xf32, #tpu.memory_space<vmem>>[vector<16xi32>], vector<16xf32>, vector<16xi1>
      %add3A_904 = arith.constant 1563 : i32
      %add3A_905 = vector.broadcast %add3A_904 : i32 to vector<16xi32>
      %add3A_906 = arith.addi %mul3A_20, %add3A_905 : vector<16xi32>
      %gather3A_907 = tpu.vector_load_idx %arg9[%add3A_906] masked %lt3A_714 : memref<2080xf32, #tpu.memory_space<vmem>>[vector<16xi32>], vector<16xf32>, vector<16xi1>
      %add3A_908 = arith.constant 1947 : i32
      %add3A_909 = vector.broadcast %add3A_908 : i32 to vector<16xi32>
      %add3A_910 = arith.addi %mul3A_3, %add3A_909 : vector<16xi32>
      tpu.vector_store_idx %arg7[%add3A_910], %gather3A_907 masked %lt3A_714 : memref<20480xf32, #tpu.memory_space<vmem>>[vector<16xi32>], vector<16xf32>, vector<16xi1>
      %add3A_911 = arith.constant 1564 : i32
      %add3A_912 = vector.broadcast %add3A_911 : i32 to vector<16xi32>
      %add3A_913 = arith.addi %mul3A_20, %add3A_912 : vector<16xi32>
      %gather3A_914 = tpu.vector_load_idx %arg9[%add3A_913] masked %lt3A_714 : memref<2080xf32, #tpu.memory_space<vmem>>[vector<16xi32>], vector<16xf32>, vector<16xi1>
      %add3A_915 = arith.constant 1948 : i32
      %add3A_916 = vector.broadcast %add3A_915 : i32 to vector<16xi32>
      %add3A_917 = arith.addi %mul3A_3, %add3A_916 : vector<16xi32>
      tpu.vector_store_idx %arg7[%add3A_917], %gather3A_914 masked %lt3A_714 : memref<20480xf32, #tpu.memory_space<vmem>>[vector<16xi32>], vector<16xf32>, vector<16xi1>
      %add3A_918 = arith.constant 1565 : i32
      %add3A_919 = vector.broadcast %add3A_918 : i32 to vector<16xi32>
      %add3A_920 = arith.addi %mul3A_20, %add3A_919 : vector<16xi32>
      %gather3A_921 = tpu.vector_load_idx %arg9[%add3A_920] masked %lt3A_714 : memref<2080xf32, #tpu.memory_space<vmem>>[vector<16xi32>], vector<16xf32>, vector<16xi1>
      %add3A_922 = arith.constant 1949 : i32
      %add3A_923 = vector.broadcast %add3A_922 : i32 to vector<16xi32>
      %add3A_924 = arith.addi %mul3A_3, %add3A_923 : vector<16xi32>
      tpu.vector_store_idx %arg7[%add3A_924], %gather3A_921 masked %lt3A_714 : memref<20480xf32, #tpu.memory_space<vmem>>[vector<16xi32>], vector<16xf32>, vector<16xi1>
      %add3A_925 = arith.constant 1566 : i32
      %add3A_926 = vector.broadcast %add3A_925 : i32 to vector<16xi32>
      %add3A_927 = arith.addi %mul3A_20, %add3A_926 : vector<16xi32>
      %gather3A_928 = tpu.vector_load_idx %arg9[%add3A_927] masked %lt3A_714 : memref<2080xf32, #tpu.memory_space<vmem>>[vector<16xi32>], vector<16xf32>, vector<16xi1>
      %add3A_929 = arith.constant 1950 : i32
      %add3A_930 = vector.broadcast %add3A_929 : i32 to vector<16xi32>
      %add3A_931 = arith.addi %mul3A_3, %add3A_930 : vector<16xi32>
      tpu.vector_store_idx %arg7[%add3A_931], %gather3A_928 masked %lt3A_714 : memref<20480xf32, #tpu.memory_space<vmem>>[vector<16xi32>], vector<16xf32>, vector<16xi1>
      %add3A_932 = arith.constant 1567 : i32
      %add3A_933 = vector.broadcast %add3A_932 : i32 to vector<16xi32>
      %add3A_934 = arith.addi %mul3A_20, %add3A_933 : vector<16xi32>
      %gather3A_935 = tpu.vector_load_idx %arg9[%add3A_934] masked %lt3A_714 : memref<2080xf32, #tpu.memory_space<vmem>>[vector<16xi32>], vector<16xf32>, vector<16xi1>
      %add3A_936 = arith.constant 1951 : i32
      %add3A_937 = vector.broadcast %add3A_936 : i32 to vector<16xi32>
      %add3A_938 = arith.addi %mul3A_3, %add3A_937 : vector<16xi32>
      tpu.vector_store_idx %arg7[%add3A_938], %gather3A_935 masked %lt3A_714 : memref<20480xf32, #tpu.memory_space<vmem>>[vector<16xi32>], vector<16xf32>, vector<16xi1>
      %add3A_939 = arith.constant 64 : i32
      %add3A_940 = vector.broadcast %add3A_939 : i32 to vector<16xi32>
      %add3A_941 = arith.addi %add3A_940, %iota3A : vector<16xi32>
      %lt3A_942 = arith.constant 65 : i32
      %lt3A_943 = vector.broadcast %lt3A_942 : i32 to vector<16xi32>
      %lt3A_944 = arith.cmpi slt, %add3A_941, %lt3A_943 : vector<16xi32>
      %add3A_945 = arith.constant 2048 : i32
      %add3A_946 = vector.broadcast %add3A_945 : i32 to vector<16xi32>
      %add3A_947 = arith.addi %mul3A_20, %add3A_946 : vector<16xi32>
      %gather3A_948 = tpu.vector_load_idx %arg9[%add3A_947] masked %lt3A_944 : memref<2080xf32, #tpu.memory_space<vmem>>[vector<16xi32>], vector<16xf32>, vector<16xi1>
      %add3A_949 = arith.constant 2560 : i32
      %add3A_950 = vector.broadcast %add3A_949 : i32 to vector<16xi32>
      %add3A_951 = arith.addi %mul3A_3, %add3A_950 : vector<16xi32>
      tpu.vector_store_idx %arg7[%add3A_951], %gather3A_948 masked %lt3A_944 : memref<20480xf32, #tpu.memory_space<vmem>>[vector<16xi32>], vector<16xf32>, vector<16xi1>
      %add3A_952 = arith.constant 2049 : i32
      %add3A_953 = vector.broadcast %add3A_952 : i32 to vector<16xi32>
      %add3A_954 = arith.addi %mul3A_20, %add3A_953 : vector<16xi32>
      %gather3A_955 = tpu.vector_load_idx %arg9[%add3A_954] masked %lt3A_944 : memref<2080xf32, #tpu.memory_space<vmem>>[vector<16xi32>], vector<16xf32>, vector<16xi1>
      %add3A_956 = arith.constant 2561 : i32
      %add3A_957 = vector.broadcast %add3A_956 : i32 to vector<16xi32>
      %add3A_958 = arith.addi %mul3A_3, %add3A_957 : vector<16xi32>
      tpu.vector_store_idx %arg7[%add3A_958], %gather3A_955 masked %lt3A_944 : memref<20480xf32, #tpu.memory_space<vmem>>[vector<16xi32>], vector<16xf32>, vector<16xi1>
      %add3A_959 = arith.constant 2050 : i32
      %add3A_960 = vector.broadcast %add3A_959 : i32 to vector<16xi32>
      %add3A_961 = arith.addi %mul3A_20, %add3A_960 : vector<16xi32>
      %gather3A_962 = tpu.vector_load_idx %arg9[%add3A_961] masked %lt3A_944 : memref<2080xf32, #tpu.memory_space<vmem>>[vector<16xi32>], vector<16xf32>, vector<16xi1>
      %add3A_963 = arith.constant 2562 : i32
      %add3A_964 = vector.broadcast %add3A_963 : i32 to vector<16xi32>
      %add3A_965 = arith.addi %mul3A_3, %add3A_964 : vector<16xi32>
      tpu.vector_store_idx %arg7[%add3A_965], %gather3A_962 masked %lt3A_944 : memref<20480xf32, #tpu.memory_space<vmem>>[vector<16xi32>], vector<16xf32>, vector<16xi1>
      %add3A_966 = arith.constant 2051 : i32
      %add3A_967 = vector.broadcast %add3A_966 : i32 to vector<16xi32>
      %add3A_968 = arith.addi %mul3A_20, %add3A_967 : vector<16xi32>
      %gather3A_969 = tpu.vector_load_idx %arg9[%add3A_968] masked %lt3A_944 : memref<2080xf32, #tpu.memory_space<vmem>>[vector<16xi32>], vector<16xf32>, vector<16xi1>
      %add3A_970 = arith.constant 2563 : i32
      %add3A_971 = vector.broadcast %add3A_970 : i32 to vector<16xi32>
      %add3A_972 = arith.addi %mul3A_3, %add3A_971 : vector<16xi32>
      tpu.vector_store_idx %arg7[%add3A_972], %gather3A_969 masked %lt3A_944 : memref<20480xf32, #tpu.memory_space<vmem>>[vector<16xi32>], vector<16xf32>, vector<16xi1>
      %add3A_973 = arith.constant 2052 : i32
      %add3A_974 = vector.broadcast %add3A_973 : i32 to vector<16xi32>
      %add3A_975 = arith.addi %mul3A_20, %add3A_974 : vector<16xi32>
      %gather3A_976 = tpu.vector_load_idx %arg9[%add3A_975] masked %lt3A_944 : memref<2080xf32, #tpu.memory_space<vmem>>[vector<16xi32>], vector<16xf32>, vector<16xi1>
      %add3A_977 = arith.constant 2564 : i32
      %add3A_978 = vector.broadcast %add3A_977 : i32 to vector<16xi32>
      %add3A_979 = arith.addi %mul3A_3, %add3A_978 : vector<16xi32>
      tpu.vector_store_idx %arg7[%add3A_979], %gather3A_976 masked %lt3A_944 : memref<20480xf32, #tpu.memory_space<vmem>>[vector<16xi32>], vector<16xf32>, vector<16xi1>
      %add3A_980 = arith.constant 2053 : i32
      %add3A_981 = vector.broadcast %add3A_980 : i32 to vector<16xi32>
      %add3A_982 = arith.addi %mul3A_20, %add3A_981 : vector<16xi32>
      %gather3A_983 = tpu.vector_load_idx %arg9[%add3A_982] masked %lt3A_944 : memref<2080xf32, #tpu.memory_space<vmem>>[vector<16xi32>], vector<16xf32>, vector<16xi1>
      %add3A_984 = arith.constant 2565 : i32
      %add3A_985 = vector.broadcast %add3A_984 : i32 to vector<16xi32>
      %add3A_986 = arith.addi %mul3A_3, %add3A_985 : vector<16xi32>
      tpu.vector_store_idx %arg7[%add3A_986], %gather3A_983 masked %lt3A_944 : memref<20480xf32, #tpu.memory_space<vmem>>[vector<16xi32>], vector<16xf32>, vector<16xi1>
      %add3A_987 = arith.constant 2054 : i32
      %add3A_988 = vector.broadcast %add3A_987 : i32 to vector<16xi32>
      %add3A_989 = arith.addi %mul3A_20, %add3A_988 : vector<16xi32>
      %gather3A_990 = tpu.vector_load_idx %arg9[%add3A_989] masked %lt3A_944 : memref<2080xf32, #tpu.memory_space<vmem>>[vector<16xi32>], vector<16xf32>, vector<16xi1>
      %add3A_991 = arith.constant 2566 : i32
      %add3A_992 = vector.broadcast %add3A_991 : i32 to vector<16xi32>
      %add3A_993 = arith.addi %mul3A_3, %add3A_992 : vector<16xi32>
      tpu.vector_store_idx %arg7[%add3A_993], %gather3A_990 masked %lt3A_944 : memref<20480xf32, #tpu.memory_space<vmem>>[vector<16xi32>], vector<16xf32>, vector<16xi1>
      %add3A_994 = arith.constant 2055 : i32
      %add3A_995 = vector.broadcast %add3A_994 : i32 to vector<16xi32>
      %add3A_996 = arith.addi %mul3A_20, %add3A_995 : vector<16xi32>
      %gather3A_997 = tpu.vector_load_idx %arg9[%add3A_996] masked %lt3A_944 : memref<2080xf32, #tpu.memory_space<vmem>>[vector<16xi32>], vector<16xf32>, vector<16xi1>
      %add3A_998 = arith.constant 2567 : i32
      %add3A_999 = vector.broadcast %add3A_998 : i32 to vector<16xi32>
      %add3A_1000 = arith.addi %mul3A_3, %add3A_999 : vector<16xi32>
      tpu.vector_store_idx %arg7[%add3A_1000], %gather3A_997 masked %lt3A_944 : memref<20480xf32, #tpu.memory_space<vmem>>[vector<16xi32>], vector<16xf32>, vector<16xi1>
      %add3A_1001 = arith.constant 2056 : i32
      %add3A_1002 = vector.broadcast %add3A_1001 : i32 to vector<16xi32>
      %add3A_1003 = arith.addi %mul3A_20, %add3A_1002 : vector<16xi32>
      %gather3A_1004 = tpu.vector_load_idx %arg9[%add3A_1003] masked %lt3A_944 : memref<2080xf32, #tpu.memory_space<vmem>>[vector<16xi32>], vector<16xf32>, vector<16xi1>
      %add3A_1005 = arith.constant 2568 : i32
      %add3A_1006 = vector.broadcast %add3A_1005 : i32 to vector<16xi32>
      %add3A_1007 = arith.addi %mul3A_3, %add3A_1006 : vector<16xi32>
      tpu.vector_store_idx %arg7[%add3A_1007], %gather3A_1004 masked %lt3A_944 : memref<20480xf32, #tpu.memory_space<vmem>>[vector<16xi32>], vector<16xf32>, vector<16xi1>
      %add3A_1008 = arith.constant 2057 : i32
      %add3A_1009 = vector.broadcast %add3A_1008 : i32 to vector<16xi32>
      %add3A_1010 = arith.addi %mul3A_20, %add3A_1009 : vector<16xi32>
      %gather3A_1011 = tpu.vector_load_idx %arg9[%add3A_1010] masked %lt3A_944 : memref<2080xf32, #tpu.memory_space<vmem>>[vector<16xi32>], vector<16xf32>, vector<16xi1>
      %add3A_1012 = arith.constant 2569 : i32
      %add3A_1013 = vector.broadcast %add3A_1012 : i32 to vector<16xi32>
      %add3A_1014 = arith.addi %mul3A_3, %add3A_1013 : vector<16xi32>
      tpu.vector_store_idx %arg7[%add3A_1014], %gather3A_1011 masked %lt3A_944 : memref<20480xf32, #tpu.memory_space<vmem>>[vector<16xi32>], vector<16xf32>, vector<16xi1>
      %add3A_1015 = arith.constant 2058 : i32
      %add3A_1016 = vector.broadcast %add3A_1015 : i32 to vector<16xi32>
      %add3A_1017 = arith.addi %mul3A_20, %add3A_1016 : vector<16xi32>
      %gather3A_1018 = tpu.vector_load_idx %arg9[%add3A_1017] masked %lt3A_944 : memref<2080xf32, #tpu.memory_space<vmem>>[vector<16xi32>], vector<16xf32>, vector<16xi1>
      %add3A_1019 = arith.constant 2570 : i32
      %add3A_1020 = vector.broadcast %add3A_1019 : i32 to vector<16xi32>
      %add3A_1021 = arith.addi %mul3A_3, %add3A_1020 : vector<16xi32>
      tpu.vector_store_idx %arg7[%add3A_1021], %gather3A_1018 masked %lt3A_944 : memref<20480xf32, #tpu.memory_space<vmem>>[vector<16xi32>], vector<16xf32>, vector<16xi1>
      %add3A_1022 = arith.constant 2059 : i32
      %add3A_1023 = vector.broadcast %add3A_1022 : i32 to vector<16xi32>
      %add3A_1024 = arith.addi %mul3A_20, %add3A_1023 : vector<16xi32>
      %gather3A_1025 = tpu.vector_load_idx %arg9[%add3A_1024] masked %lt3A_944 : memref<2080xf32, #tpu.memory_space<vmem>>[vector<16xi32>], vector<16xf32>, vector<16xi1>
      %add3A_1026 = arith.constant 2571 : i32
      %add3A_1027 = vector.broadcast %add3A_1026 : i32 to vector<16xi32>
      %add3A_1028 = arith.addi %mul3A_3, %add3A_1027 : vector<16xi32>
      tpu.vector_store_idx %arg7[%add3A_1028], %gather3A_1025 masked %lt3A_944 : memref<20480xf32, #tpu.memory_space<vmem>>[vector<16xi32>], vector<16xf32>, vector<16xi1>
      %add3A_1029 = arith.constant 2060 : i32
      %add3A_1030 = vector.broadcast %add3A_1029 : i32 to vector<16xi32>
      %add3A_1031 = arith.addi %mul3A_20, %add3A_1030 : vector<16xi32>
      %gather3A_1032 = tpu.vector_load_idx %arg9[%add3A_1031] masked %lt3A_944 : memref<2080xf32, #tpu.memory_space<vmem>>[vector<16xi32>], vector<16xf32>, vector<16xi1>
      %add3A_1033 = arith.constant 2572 : i32
      %add3A_1034 = vector.broadcast %add3A_1033 : i32 to vector<16xi32>
      %add3A_1035 = arith.addi %mul3A_3, %add3A_1034 : vector<16xi32>
      tpu.vector_store_idx %arg7[%add3A_1035], %gather3A_1032 masked %lt3A_944 : memref<20480xf32, #tpu.memory_space<vmem>>[vector<16xi32>], vector<16xf32>, vector<16xi1>
      %add3A_1036 = arith.constant 2061 : i32
      %add3A_1037 = vector.broadcast %add3A_1036 : i32 to vector<16xi32>
      %add3A_1038 = arith.addi %mul3A_20, %add3A_1037 : vector<16xi32>
      %gather3A_1039 = tpu.vector_load_idx %arg9[%add3A_1038] masked %lt3A_944 : memref<2080xf32, #tpu.memory_space<vmem>>[vector<16xi32>], vector<16xf32>, vector<16xi1>
      %add3A_1040 = arith.constant 2573 : i32
      %add3A_1041 = vector.broadcast %add3A_1040 : i32 to vector<16xi32>
      %add3A_1042 = arith.addi %mul3A_3, %add3A_1041 : vector<16xi32>
      tpu.vector_store_idx %arg7[%add3A_1042], %gather3A_1039 masked %lt3A_944 : memref<20480xf32, #tpu.memory_space<vmem>>[vector<16xi32>], vector<16xf32>, vector<16xi1>
      %add3A_1043 = arith.constant 2062 : i32
      %add3A_1044 = vector.broadcast %add3A_1043 : i32 to vector<16xi32>
      %add3A_1045 = arith.addi %mul3A_20, %add3A_1044 : vector<16xi32>
      %gather3A_1046 = tpu.vector_load_idx %arg9[%add3A_1045] masked %lt3A_944 : memref<2080xf32, #tpu.memory_space<vmem>>[vector<16xi32>], vector<16xf32>, vector<16xi1>
      %add3A_1047 = arith.constant 2574 : i32
      %add3A_1048 = vector.broadcast %add3A_1047 : i32 to vector<16xi32>
      %add3A_1049 = arith.addi %mul3A_3, %add3A_1048 : vector<16xi32>
      tpu.vector_store_idx %arg7[%add3A_1049], %gather3A_1046 masked %lt3A_944 : memref<20480xf32, #tpu.memory_space<vmem>>[vector<16xi32>], vector<16xf32>, vector<16xi1>
      %add3A_1050 = arith.constant 2063 : i32
      %add3A_1051 = vector.broadcast %add3A_1050 : i32 to vector<16xi32>
      %add3A_1052 = arith.addi %mul3A_20, %add3A_1051 : vector<16xi32>
      %gather3A_1053 = tpu.vector_load_idx %arg9[%add3A_1052] masked %lt3A_944 : memref<2080xf32, #tpu.memory_space<vmem>>[vector<16xi32>], vector<16xf32>, vector<16xi1>
      %add3A_1054 = arith.constant 2575 : i32
      %add3A_1055 = vector.broadcast %add3A_1054 : i32 to vector<16xi32>
      %add3A_1056 = arith.addi %mul3A_3, %add3A_1055 : vector<16xi32>
      tpu.vector_store_idx %arg7[%add3A_1056], %gather3A_1053 masked %lt3A_944 : memref<20480xf32, #tpu.memory_space<vmem>>[vector<16xi32>], vector<16xf32>, vector<16xi1>
      %add3A_1057 = arith.constant 2064 : i32
      %add3A_1058 = vector.broadcast %add3A_1057 : i32 to vector<16xi32>
      %add3A_1059 = arith.addi %mul3A_20, %add3A_1058 : vector<16xi32>
      %gather3A_1060 = tpu.vector_load_idx %arg9[%add3A_1059] masked %lt3A_944 : memref<2080xf32, #tpu.memory_space<vmem>>[vector<16xi32>], vector<16xf32>, vector<16xi1>
      %add3A_1061 = arith.constant 2576 : i32
      %add3A_1062 = vector.broadcast %add3A_1061 : i32 to vector<16xi32>
      %add3A_1063 = arith.addi %mul3A_3, %add3A_1062 : vector<16xi32>
      tpu.vector_store_idx %arg7[%add3A_1063], %gather3A_1060 masked %lt3A_944 : memref<20480xf32, #tpu.memory_space<vmem>>[vector<16xi32>], vector<16xf32>, vector<16xi1>
      %add3A_1064 = arith.constant 2065 : i32
      %add3A_1065 = vector.broadcast %add3A_1064 : i32 to vector<16xi32>
      %add3A_1066 = arith.addi %mul3A_20, %add3A_1065 : vector<16xi32>
      %gather3A_1067 = tpu.vector_load_idx %arg9[%add3A_1066] masked %lt3A_944 : memref<2080xf32, #tpu.memory_space<vmem>>[vector<16xi32>], vector<16xf32>, vector<16xi1>
      %add3A_1068 = arith.constant 2577 : i32
      %add3A_1069 = vector.broadcast %add3A_1068 : i32 to vector<16xi32>
      %add3A_1070 = arith.addi %mul3A_3, %add3A_1069 : vector<16xi32>
      tpu.vector_store_idx %arg7[%add3A_1070], %gather3A_1067 masked %lt3A_944 : memref<20480xf32, #tpu.memory_space<vmem>>[vector<16xi32>], vector<16xf32>, vector<16xi1>
      %add3A_1071 = arith.constant 2066 : i32
      %add3A_1072 = vector.broadcast %add3A_1071 : i32 to vector<16xi32>
      %add3A_1073 = arith.addi %mul3A_20, %add3A_1072 : vector<16xi32>
      %gather3A_1074 = tpu.vector_load_idx %arg9[%add3A_1073] masked %lt3A_944 : memref<2080xf32, #tpu.memory_space<vmem>>[vector<16xi32>], vector<16xf32>, vector<16xi1>
      %add3A_1075 = arith.constant 2578 : i32
      %add3A_1076 = vector.broadcast %add3A_1075 : i32 to vector<16xi32>
      %add3A_1077 = arith.addi %mul3A_3, %add3A_1076 : vector<16xi32>
      tpu.vector_store_idx %arg7[%add3A_1077], %gather3A_1074 masked %lt3A_944 : memref<20480xf32, #tpu.memory_space<vmem>>[vector<16xi32>], vector<16xf32>, vector<16xi1>
      %add3A_1078 = arith.constant 2067 : i32
      %add3A_1079 = vector.broadcast %add3A_1078 : i32 to vector<16xi32>
      %add3A_1080 = arith.addi %mul3A_20, %add3A_1079 : vector<16xi32>
      %gather3A_1081 = tpu.vector_load_idx %arg9[%add3A_1080] masked %lt3A_944 : memref<2080xf32, #tpu.memory_space<vmem>>[vector<16xi32>], vector<16xf32>, vector<16xi1>
      %add3A_1082 = arith.constant 2579 : i32
      %add3A_1083 = vector.broadcast %add3A_1082 : i32 to vector<16xi32>
      %add3A_1084 = arith.addi %mul3A_3, %add3A_1083 : vector<16xi32>
      tpu.vector_store_idx %arg7[%add3A_1084], %gather3A_1081 masked %lt3A_944 : memref<20480xf32, #tpu.memory_space<vmem>>[vector<16xi32>], vector<16xf32>, vector<16xi1>
      %add3A_1085 = arith.constant 2068 : i32
      %add3A_1086 = vector.broadcast %add3A_1085 : i32 to vector<16xi32>
      %add3A_1087 = arith.addi %mul3A_20, %add3A_1086 : vector<16xi32>
      %gather3A_1088 = tpu.vector_load_idx %arg9[%add3A_1087] masked %lt3A_944 : memref<2080xf32, #tpu.memory_space<vmem>>[vector<16xi32>], vector<16xf32>, vector<16xi1>
      %add3A_1089 = arith.constant 2580 : i32
      %add3A_1090 = vector.broadcast %add3A_1089 : i32 to vector<16xi32>
      %add3A_1091 = arith.addi %mul3A_3, %add3A_1090 : vector<16xi32>
      tpu.vector_store_idx %arg7[%add3A_1091], %gather3A_1088 masked %lt3A_944 : memref<20480xf32, #tpu.memory_space<vmem>>[vector<16xi32>], vector<16xf32>, vector<16xi1>
      %add3A_1092 = arith.constant 2069 : i32
      %add3A_1093 = vector.broadcast %add3A_1092 : i32 to vector<16xi32>
      %add3A_1094 = arith.addi %mul3A_20, %add3A_1093 : vector<16xi32>
      %gather3A_1095 = tpu.vector_load_idx %arg9[%add3A_1094] masked %lt3A_944 : memref<2080xf32, #tpu.memory_space<vmem>>[vector<16xi32>], vector<16xf32>, vector<16xi1>
      %add3A_1096 = arith.constant 2581 : i32
      %add3A_1097 = vector.broadcast %add3A_1096 : i32 to vector<16xi32>
      %add3A_1098 = arith.addi %mul3A_3, %add3A_1097 : vector<16xi32>
      tpu.vector_store_idx %arg7[%add3A_1098], %gather3A_1095 masked %lt3A_944 : memref<20480xf32, #tpu.memory_space<vmem>>[vector<16xi32>], vector<16xf32>, vector<16xi1>
      %add3A_1099 = arith.constant 2070 : i32
      %add3A_1100 = vector.broadcast %add3A_1099 : i32 to vector<16xi32>
      %add3A_1101 = arith.addi %mul3A_20, %add3A_1100 : vector<16xi32>
      %gather3A_1102 = tpu.vector_load_idx %arg9[%add3A_1101] masked %lt3A_944 : memref<2080xf32, #tpu.memory_space<vmem>>[vector<16xi32>], vector<16xf32>, vector<16xi1>
      %add3A_1103 = arith.constant 2582 : i32
      %add3A_1104 = vector.broadcast %add3A_1103 : i32 to vector<16xi32>
      %add3A_1105 = arith.addi %mul3A_3, %add3A_1104 : vector<16xi32>
      tpu.vector_store_idx %arg7[%add3A_1105], %gather3A_1102 masked %lt3A_944 : memref<20480xf32, #tpu.memory_space<vmem>>[vector<16xi32>], vector<16xf32>, vector<16xi1>
      %add3A_1106 = arith.constant 2071 : i32
      %add3A_1107 = vector.broadcast %add3A_1106 : i32 to vector<16xi32>
      %add3A_1108 = arith.addi %mul3A_20, %add3A_1107 : vector<16xi32>
      %gather3A_1109 = tpu.vector_load_idx %arg9[%add3A_1108] masked %lt3A_944 : memref<2080xf32, #tpu.memory_space<vmem>>[vector<16xi32>], vector<16xf32>, vector<16xi1>
      %add3A_1110 = arith.constant 2583 : i32
      %add3A_1111 = vector.broadcast %add3A_1110 : i32 to vector<16xi32>
      %add3A_1112 = arith.addi %mul3A_3, %add3A_1111 : vector<16xi32>
      tpu.vector_store_idx %arg7[%add3A_1112], %gather3A_1109 masked %lt3A_944 : memref<20480xf32, #tpu.memory_space<vmem>>[vector<16xi32>], vector<16xf32>, vector<16xi1>
      %add3A_1113 = arith.constant 2072 : i32
      %add3A_1114 = vector.broadcast %add3A_1113 : i32 to vector<16xi32>
      %add3A_1115 = arith.addi %mul3A_20, %add3A_1114 : vector<16xi32>
      %gather3A_1116 = tpu.vector_load_idx %arg9[%add3A_1115] masked %lt3A_944 : memref<2080xf32, #tpu.memory_space<vmem>>[vector<16xi32>], vector<16xf32>, vector<16xi1>
      %add3A_1117 = arith.constant 2584 : i32
      %add3A_1118 = vector.broadcast %add3A_1117 : i32 to vector<16xi32>
      %add3A_1119 = arith.addi %mul3A_3, %add3A_1118 : vector<16xi32>
      tpu.vector_store_idx %arg7[%add3A_1119], %gather3A_1116 masked %lt3A_944 : memref<20480xf32, #tpu.memory_space<vmem>>[vector<16xi32>], vector<16xf32>, vector<16xi1>
      %add3A_1120 = arith.constant 2073 : i32
      %add3A_1121 = vector.broadcast %add3A_1120 : i32 to vector<16xi32>
      %add3A_1122 = arith.addi %mul3A_20, %add3A_1121 : vector<16xi32>
      %gather3A_1123 = tpu.vector_load_idx %arg9[%add3A_1122] masked %lt3A_944 : memref<2080xf32, #tpu.memory_space<vmem>>[vector<16xi32>], vector<16xf32>, vector<16xi1>
      %add3A_1124 = arith.constant 2585 : i32
      %add3A_1125 = vector.broadcast %add3A_1124 : i32 to vector<16xi32>
      %add3A_1126 = arith.addi %mul3A_3, %add3A_1125 : vector<16xi32>
      tpu.vector_store_idx %arg7[%add3A_1126], %gather3A_1123 masked %lt3A_944 : memref<20480xf32, #tpu.memory_space<vmem>>[vector<16xi32>], vector<16xf32>, vector<16xi1>
      %add3A_1127 = arith.constant 2074 : i32
      %add3A_1128 = vector.broadcast %add3A_1127 : i32 to vector<16xi32>
      %add3A_1129 = arith.addi %mul3A_20, %add3A_1128 : vector<16xi32>
      %gather3A_1130 = tpu.vector_load_idx %arg9[%add3A_1129] masked %lt3A_944 : memref<2080xf32, #tpu.memory_space<vmem>>[vector<16xi32>], vector<16xf32>, vector<16xi1>
      %add3A_1131 = arith.constant 2586 : i32
      %add3A_1132 = vector.broadcast %add3A_1131 : i32 to vector<16xi32>
      %add3A_1133 = arith.addi %mul3A_3, %add3A_1132 : vector<16xi32>
      tpu.vector_store_idx %arg7[%add3A_1133], %gather3A_1130 masked %lt3A_944 : memref<20480xf32, #tpu.memory_space<vmem>>[vector<16xi32>], vector<16xf32>, vector<16xi1>
      %add3A_1134 = arith.constant 2075 : i32
      %add3A_1135 = vector.broadcast %add3A_1134 : i32 to vector<16xi32>
      %add3A_1136 = arith.addi %mul3A_20, %add3A_1135 : vector<16xi32>
      %gather3A_1137 = tpu.vector_load_idx %arg9[%add3A_1136] masked %lt3A_944 : memref<2080xf32, #tpu.memory_space<vmem>>[vector<16xi32>], vector<16xf32>, vector<16xi1>
      %add3A_1138 = arith.constant 2587 : i32
      %add3A_1139 = vector.broadcast %add3A_1138 : i32 to vector<16xi32>
      %add3A_1140 = arith.addi %mul3A_3, %add3A_1139 : vector<16xi32>
      tpu.vector_store_idx %arg7[%add3A_1140], %gather3A_1137 masked %lt3A_944 : memref<20480xf32, #tpu.memory_space<vmem>>[vector<16xi32>], vector<16xf32>, vector<16xi1>
      %add3A_1141 = arith.constant 2076 : i32
      %add3A_1142 = vector.broadcast %add3A_1141 : i32 to vector<16xi32>
      %add3A_1143 = arith.addi %mul3A_20, %add3A_1142 : vector<16xi32>
      %gather3A_1144 = tpu.vector_load_idx %arg9[%add3A_1143] masked %lt3A_944 : memref<2080xf32, #tpu.memory_space<vmem>>[vector<16xi32>], vector<16xf32>, vector<16xi1>
      %add3A_1145 = arith.constant 2588 : i32
      %add3A_1146 = vector.broadcast %add3A_1145 : i32 to vector<16xi32>
      %add3A_1147 = arith.addi %mul3A_3, %add3A_1146 : vector<16xi32>
      tpu.vector_store_idx %arg7[%add3A_1147], %gather3A_1144 masked %lt3A_944 : memref<20480xf32, #tpu.memory_space<vmem>>[vector<16xi32>], vector<16xf32>, vector<16xi1>
      %add3A_1148 = arith.constant 2077 : i32
      %add3A_1149 = vector.broadcast %add3A_1148 : i32 to vector<16xi32>
      %add3A_1150 = arith.addi %mul3A_20, %add3A_1149 : vector<16xi32>
      %gather3A_1151 = tpu.vector_load_idx %arg9[%add3A_1150] masked %lt3A_944 : memref<2080xf32, #tpu.memory_space<vmem>>[vector<16xi32>], vector<16xf32>, vector<16xi1>
      %add3A_1152 = arith.constant 2589 : i32
      %add3A_1153 = vector.broadcast %add3A_1152 : i32 to vector<16xi32>
      %add3A_1154 = arith.addi %mul3A_3, %add3A_1153 : vector<16xi32>
      tpu.vector_store_idx %arg7[%add3A_1154], %gather3A_1151 masked %lt3A_944 : memref<20480xf32, #tpu.memory_space<vmem>>[vector<16xi32>], vector<16xf32>, vector<16xi1>
      %add3A_1155 = arith.constant 2078 : i32
      %add3A_1156 = vector.broadcast %add3A_1155 : i32 to vector<16xi32>
      %add3A_1157 = arith.addi %mul3A_20, %add3A_1156 : vector<16xi32>
      %gather3A_1158 = tpu.vector_load_idx %arg9[%add3A_1157] masked %lt3A_944 : memref<2080xf32, #tpu.memory_space<vmem>>[vector<16xi32>], vector<16xf32>, vector<16xi1>
      %add3A_1159 = arith.constant 2590 : i32
      %add3A_1160 = vector.broadcast %add3A_1159 : i32 to vector<16xi32>
      %add3A_1161 = arith.addi %mul3A_3, %add3A_1160 : vector<16xi32>
      tpu.vector_store_idx %arg7[%add3A_1161], %gather3A_1158 masked %lt3A_944 : memref<20480xf32, #tpu.memory_space<vmem>>[vector<16xi32>], vector<16xf32>, vector<16xi1>
      %add3A_1162 = arith.constant 2079 : i32
      %add3A_1163 = vector.broadcast %add3A_1162 : i32 to vector<16xi32>
      %add3A_1164 = arith.addi %mul3A_20, %add3A_1163 : vector<16xi32>
      %gather3A_1165 = tpu.vector_load_idx %arg9[%add3A_1164] masked %lt3A_944 : memref<2080xf32, #tpu.memory_space<vmem>>[vector<16xi32>], vector<16xf32>, vector<16xi1>
      %add3A_1166 = arith.constant 2591 : i32
      %add3A_1167 = vector.broadcast %add3A_1166 : i32 to vector<16xi32>
      %add3A_1168 = arith.addi %mul3A_3, %add3A_1167 : vector<16xi32>
      tpu.vector_store_idx %arg7[%add3A_1168], %gather3A_1165 masked %lt3A_944 : memref<20480xf32, #tpu.memory_space<vmem>>[vector<16xi32>], vector<16xf32>, vector<16xi1>
      "tpu.region"() ({
        %run_scoped3A = tpu.sem_alloc : memref<!tpu.dma_semaphore, #tpu.memory_space<semaphore_mem>>
        %dma_start3A = arith.constant 0 : i32
        %dma_start3A_1169 = tpu.memref_slice %arg7[%dma_start3A] : memref<20480xf32, #tpu.memory_space<vmem>> -> memref<2600xf32, #tpu.memory_space<vmem>>
        %dma_start3A_1170 = arith.constant 39997440 : i32
        %dma_start3A_1171 = tpu.memref_slice %arg4[%dma_start3A_1170] : memref<40002560xf32, #tpu.memory_space<hbm>> -> memref<2600xf32, #tpu.memory_space<hbm>>
        %dma_start3A_1172 = arith.constant 39997440 : i32
        %dma_start3A_1173 = tpu.memref_slice %arg4[%dma_start3A_1172] : memref<40002560xf32, #tpu.memory_space<hbm>> -> memref<2600xf32, #tpu.memory_space<hbm>>
        %dma_start3A_1174 = arith.constant 0 : i32
        %dma_start3A_1175 = tpu.memref_slice %arg7[%dma_start3A_1174] : memref<20480xf32, #tpu.memory_space<vmem>> -> memref<2600xf32, #tpu.memory_space<vmem>>
        tpu.enqueue_dma source(%dma_start3A_1175 : memref<2600xf32, #tpu.memory_space<vmem>>) target(%dma_start3A_1173 : memref<2600xf32, #tpu.memory_space<hbm>>) target_semaphore(%run_scoped3A : memref<!tpu.dma_semaphore, #tpu.memory_space<semaphore_mem>>)
        %dma_wait3A_1176 = arith.constant 0 : i32
        %dma_wait3A_1177 = tpu.memref_slice %arg7[%dma_wait3A_1176] : memref<20480xf32, #tpu.memory_space<vmem>> -> memref<2600xf32, #tpu.memory_space<vmem>>
        %dma_wait3A_1178 = arith.constant 39997440 : i32
        %dma_wait3A_1179 = tpu.memref_slice %arg4[%dma_wait3A_1178] : memref<40002560xf32, #tpu.memory_space<hbm>> -> memref<2600xf32, #tpu.memory_space<hbm>>
        %dma_wait3A_1180 = arith.constant 39997440 : i32
        %dma_wait3A_1181 = tpu.memref_slice %arg4[%dma_wait3A_1180] : memref<40002560xf32, #tpu.memory_space<hbm>> -> memref<2600xf32, #tpu.memory_space<hbm>>
        %dma_wait3A_1182 = arith.constant 0 : i32
        %dma_wait3A_1183 = tpu.memref_slice %arg7[%dma_wait3A_1182] : memref<20480xf32, #tpu.memory_space<vmem>> -> memref<2600xf32, #tpu.memory_space<vmem>>
        tpu.wait_dma2 semaphore(%run_scoped3A : memref<!tpu.dma_semaphore, #tpu.memory_space<semaphore_mem>>) src(%dma_wait3A_1183 : memref<2600xf32, #tpu.memory_space<vmem>>) dst(%dma_wait3A_1181 : memref<2600xf32, #tpu.memory_space<hbm>>)
        tpu.yield
      }) : () -> ()
    } else {
    }
    return
  }
}

#map = affine_map<(d0, d1) -> (0, 0)>
#map1 = affine_map<(d0, d1) -> (0)>
module attributes {stable_mosaic.version = 14 : i64} {
  func.func @gather_kernel(%arg0: i32, %arg1: i32, %arg2: memref<1000064x40xf32, #tpu.memory_space<hbm>>, %arg3: memref<819200xi32, #tpu.memory_space<hbm>>, %arg4: memref<800x32768xf32, #tpu.memory_space<hbm>>, %arg5: memref<512xi32, #tpu.memory_space<vmem>>, %arg6: memref<512xi32, #tpu.memory_space<vmem>>, %arg7: memref<512x40xf32, #tpu.memory_space<vmem>>, %arg8: memref<512x40xf32, #tpu.memory_space<vmem>>, %arg9: memref<4x4096xf32, #tpu.memory_space<vmem>>, %arg10: memref<4x4096xf32, #tpu.memory_space<vmem>>, %arg11: memref<!tpu.dma_semaphore, #tpu.memory_space<semaphore_mem>>, %arg12: memref<!tpu.dma_semaphore, #tpu.memory_space<semaphore_mem>>, %arg13: memref<!tpu.dma_semaphore, #tpu.memory_space<semaphore_mem>>, %arg14: memref<!tpu.dma_semaphore, #tpu.memory_space<semaphore_mem>>) attributes {dimension_semantics = [#tpu.dimension_semantics<core_parallel>, #tpu.dimension_semantics<subcore_parallel>], iteration_bounds = array<i64: 2, 16>, scalar_prefetch = 0 : i64, scratch_operands = 10 : i64, tpu.core_type = #tpu.core_type<sc_vector_subcore>, window_params = [{transform_indices = #map}, {transform_indices = #map1}, {transform_indices = #map}]} {
    %mul3A = arith.constant 2 : i32
    %mul3A_0 = arith.muli %arg1, %mul3A : i32
    %add3A = arith.addi %mul3A_0, %arg0 : i32
    %mul3A_1 = arith.constant 50 : i32
    %mul3A_2 = arith.muli %add3A, %mul3A_1 : i32
    %iota3A = tpu.iota {dimensions = array<i32: 0>} : vector<16xi32>
    %mul3A_3 = arith.constant 0 : i32
    %mul3A_4 = vector.broadcast %mul3A_3 : i32 to vector<16xi32>
    %mul3A_5 = arith.muli %iota3A, %mul3A_4 : vector<16xi32>
    %mul3A_6 = arith.constant 512 : i32
    %mul3A_7 = arith.muli %mul3A_2, %mul3A_6 : i32
    "tpu.region"() ({
      %run_scoped3A = tpu.sem_alloc : memref<!tpu.dma_semaphore, #tpu.memory_space<semaphore_mem>>
      %dma_start3A_33 = tpu.memref_slice %arg3[%mul3A_7] : memref<819200xi32, #tpu.memory_space<hbm>> -> memref<512xi32, #tpu.memory_space<hbm>>
      %dma_start3A_34 = tpu.memref_slice %arg3[%mul3A_7] : memref<819200xi32, #tpu.memory_space<hbm>> -> memref<512xi32, #tpu.memory_space<hbm>>
      tpu.enqueue_dma source(%dma_start3A_34 : memref<512xi32, #tpu.memory_space<hbm>>) target(%arg5 : memref<512xi32, #tpu.memory_space<vmem>>) target_semaphore(%run_scoped3A : memref<!tpu.dma_semaphore, #tpu.memory_space<semaphore_mem>>)
      %dma_wait3A_35 = tpu.memref_slice %arg3[%mul3A_7] : memref<819200xi32, #tpu.memory_space<hbm>> -> memref<512xi32, #tpu.memory_space<hbm>>
      %dma_wait3A_36 = tpu.memref_slice %arg3[%mul3A_7] : memref<819200xi32, #tpu.memory_space<hbm>> -> memref<512xi32, #tpu.memory_space<hbm>>
      tpu.wait_dma2 semaphore(%run_scoped3A : memref<!tpu.dma_semaphore, #tpu.memory_space<semaphore_mem>>) src(%dma_wait3A_36 : memref<512xi32, #tpu.memory_space<hbm>>) dst(%arg5 : memref<512xi32, #tpu.memory_space<vmem>>)
      tpu.yield
    }) : () -> ()
    %dma_start3A = arith.constant 0 : i32
    %dma_start3A_8 = arith.constant 0 : i32
    %dma_start3A_9 = tpu.memref_slice %arg2[%dma_start3A, %dma_start3A_8] : memref<1000064x40xf32, #tpu.memory_space<hbm>> -> memref<1000064x40xf32, #tpu.memory_space<hbm>>
    tpu.enqueue_indirect_dma source(%dma_start3A_9 : memref<1000064x40xf32, #tpu.memory_space<hbm>>) target(%arg7 : memref<512x40xf32, #tpu.memory_space<vmem>>) offsets(%arg5 : memref<512xi32, #tpu.memory_space<vmem>>) semaphore(%arg11 : memref<!tpu.dma_semaphore, #tpu.memory_space<semaphore_mem>>)
    %add3A_10 = arith.constant 1 : i32
    %add3A_11 = arith.addi %mul3A_2, %add3A_10 : i32
    %mul3A_12 = arith.constant 512 : i32
    %mul3A_13 = arith.muli %add3A_11, %mul3A_12 : i32
    "tpu.region"() ({
      %run_scoped3A = tpu.sem_alloc : memref<!tpu.dma_semaphore, #tpu.memory_space<semaphore_mem>>
      %dma_start3A_33 = tpu.memref_slice %arg3[%mul3A_13] : memref<819200xi32, #tpu.memory_space<hbm>> -> memref<512xi32, #tpu.memory_space<hbm>>
      %dma_start3A_34 = tpu.memref_slice %arg3[%mul3A_13] : memref<819200xi32, #tpu.memory_space<hbm>> -> memref<512xi32, #tpu.memory_space<hbm>>
      tpu.enqueue_dma source(%dma_start3A_34 : memref<512xi32, #tpu.memory_space<hbm>>) target(%arg6 : memref<512xi32, #tpu.memory_space<vmem>>) target_semaphore(%run_scoped3A : memref<!tpu.dma_semaphore, #tpu.memory_space<semaphore_mem>>)
      %dma_wait3A_35 = tpu.memref_slice %arg3[%mul3A_13] : memref<819200xi32, #tpu.memory_space<hbm>> -> memref<512xi32, #tpu.memory_space<hbm>>
      %dma_wait3A_36 = tpu.memref_slice %arg3[%mul3A_13] : memref<819200xi32, #tpu.memory_space<hbm>> -> memref<512xi32, #tpu.memory_space<hbm>>
      tpu.wait_dma2 semaphore(%run_scoped3A : memref<!tpu.dma_semaphore, #tpu.memory_space<semaphore_mem>>) src(%dma_wait3A_36 : memref<512xi32, #tpu.memory_space<hbm>>) dst(%arg6 : memref<512xi32, #tpu.memory_space<vmem>>)
      tpu.yield
    }) : () -> ()
    %dma_start3A_14 = arith.constant 0 : i32
    %dma_start3A_15 = arith.constant 0 : i32
    %dma_start3A_16 = tpu.memref_slice %arg2[%dma_start3A_14, %dma_start3A_15] : memref<1000064x40xf32, #tpu.memory_space<hbm>> -> memref<1000064x40xf32, #tpu.memory_space<hbm>>
    tpu.enqueue_indirect_dma source(%dma_start3A_16 : memref<1000064x40xf32, #tpu.memory_space<hbm>>) target(%arg8 : memref<512x40xf32, #tpu.memory_space<vmem>>) offsets(%arg6 : memref<512xi32, #tpu.memory_space<vmem>>) semaphore(%arg12 : memref<!tpu.dma_semaphore, #tpu.memory_space<semaphore_mem>>)
    %scan3A = arith.constant 0 : i32
    %scan3A_17 = arith.constant 0 : i32
    %scan3A_18 = arith.constant 25 : i32
    %scan3A_19 = arith.addi %scan3A_17, %scan3A_18 : i32
    %scan3A_20 = arith.constant 1 : i32
    scf.for %scan3A_33 = %scan3A_17 to %scan3A_19 step %scan3A_20  : i32 {
      %mul3A_34 = arith.constant 2 : i32
      %mul3A_35 = arith.muli %mul3A_34, %scan3A_33 : i32
      %add3A_36 = arith.addi %mul3A_2, %mul3A_35 : i32
      %add3A_37 = arith.constant 1 : i32
      %add3A_38 = arith.addi %add3A_36, %add3A_37 : i32
      %dma_wait3A_39 = arith.constant 0 : i32
      %dma_wait3A_40 = arith.constant 0 : i32
      %dma_wait3A_41 = tpu.memref_slice %arg2[%dma_wait3A_39, %dma_wait3A_40] : memref<1000064x40xf32, #tpu.memory_space<hbm>> -> memref<512x40xf32, #tpu.memory_space<hbm>>
      %dma_wait3A_42 = arith.constant 0 : i32
      %dma_wait3A_43 = arith.constant 0 : i32
      %dma_wait3A_44 = tpu.memref_slice %arg2[%dma_wait3A_42, %dma_wait3A_43] : memref<1000064x40xf32, #tpu.memory_space<hbm>> -> memref<512x40xf32, #tpu.memory_space<hbm>>
      tpu.wait_dma2 semaphore(%arg11 : memref<!tpu.dma_semaphore, #tpu.memory_space<semaphore_mem>>) src(%dma_wait3A_44 : memref<512x40xf32, #tpu.memory_space<hbm>>) dst(%arg7 : memref<512x40xf32, #tpu.memory_space<vmem>>)
      %gt3A = arith.constant 0 : i32
      %gt3A_45 = arith.cmpi sgt, %scan3A_33, %gt3A : i32
      %convert_element_type3A = arith.extui %gt3A_45 : i1 to i32
      %cond3A = arith.constant 0 : i32
      %cond3A_46 = arith.cmpi ne, %convert_element_type3A, %cond3A : i32
      scf.if %cond3A_46 {
        %dma_wait3A_135 = arith.constant 0 : i32
        %dma_wait3A_136 = arith.constant 0 : i32
        %dma_wait3A_137 = tpu.memref_slice %arg4[%dma_wait3A_135, %dma_wait3A_136] : memref<800x32768xf32, #tpu.memory_space<hbm>> -> memref<4x4096xf32, #tpu.memory_space<hbm>>
        %dma_wait3A_138 = arith.constant 0 : i32
        %dma_wait3A_139 = arith.constant 0 : i32
        %dma_wait3A_140 = tpu.memref_slice %arg4[%dma_wait3A_138, %dma_wait3A_139] : memref<800x32768xf32, #tpu.memory_space<hbm>> -> memref<4x4096xf32, #tpu.memory_space<hbm>>
        tpu.wait_dma2 semaphore(%arg13 : memref<!tpu.dma_semaphore, #tpu.memory_space<semaphore_mem>>) src(%dma_wait3A_140 : memref<4x4096xf32, #tpu.memory_space<hbm>>) dst(%arg9 : memref<4x4096xf32, #tpu.memory_space<vmem>>)
      } else {
      }
      %scan3A_47 = arith.constant 0 : i32
      %scan3A_48 = arith.constant 0 : i32
      %scan3A_49 = arith.constant 32 : i32
      %scan3A_50 = arith.addi %scan3A_48, %scan3A_49 : i32
      %scan3A_51 = arith.constant 1 : i32
      scf.for %scan3A_135 = %scan3A_48 to %scan3A_50 step %scan3A_51  : i32 {
        %mul3A_136 = arith.constant 16 : i32
        %mul3A_137 = arith.muli %scan3A_135, %mul3A_136 : i32
        %add3A_138 = vector.broadcast %mul3A_137 : i32 to vector<16xi32>
        %add3A_139 = arith.addi %iota3A, %add3A_138 : vector<16xi32>
        %jit3A_140 = arith.constant 8 : i32
        %div3A_141 = arith.divsi %scan3A_135, %jit3A_140 : i32
        %sign3A_142 = arith.constant 0 : i32
        %sign3A_143 = arith.cmpi sgt, %scan3A_135, %sign3A_142 : i32
        %sign3A_144 = arith.extui %sign3A_143 : i1 to i32
        %sign3A_145 = arith.constant 0 : i32
        %sign3A_146 = arith.cmpi slt, %scan3A_135, %sign3A_145 : i32
        %sign3A_147 = arith.extui %sign3A_146 : i1 to i32
        %sign3A_148 = arith.subi %sign3A_144, %sign3A_147 : i32
        %sign3A_149 = arith.constant 0 : i32
        %sign3A_150 = arith.cmpi sgt, %jit3A_140, %sign3A_149 : i32
        %sign3A_151 = arith.extui %sign3A_150 : i1 to i32
        %sign3A_152 = arith.constant 0 : i32
        %sign3A_153 = arith.cmpi slt, %jit3A_140, %sign3A_152 : i32
        %sign3A_154 = arith.extui %sign3A_153 : i1 to i32
        %sign3A_155 = arith.subi %sign3A_151, %sign3A_154 : i32
        %ne3A_156 = arith.cmpi ne, %sign3A_148, %sign3A_155 : i32
        %rem3A_157 = arith.remsi %scan3A_135, %jit3A_140 : i32
        %ne3A_158 = arith.constant 0 : i32
        %ne3A_159 = arith.cmpi ne, %rem3A_157, %ne3A_158 : i32
        %and3A_160 = arith.andi %ne3A_156, %ne3A_159 : i1
        %sub3A_161 = arith.constant 1 : i32
        %sub3A_162 = arith.subi %div3A_141, %sub3A_161 : i32
        %select_n3A_163 = arith.select %and3A_160, %sub3A_162, %div3A_141 : i32
        %mul3A_164 = arith.constant 1024 : i32
        %mul3A_165 = arith.muli %select_n3A_163, %mul3A_164 : i32
        %rem3A_166 = arith.constant 8 : i32
        %rem3A_167 = arith.remsi %scan3A_135, %rem3A_166 : i32
        %mul3A_168 = arith.constant 16 : i32
        %mul3A_169 = arith.muli %rem3A_167, %mul3A_168 : i32
        %add3A_170 = arith.addi %mul3A_165, %mul3A_169 : i32
        %add3A_171 = arith.constant 0 : i32
        %add3A_172 = vector.broadcast %add3A_171 : i32 to vector<16xi32>
        %add3A_173 = arith.addi %mul3A_5, %add3A_172 : vector<16xi32>
        %gather3A = tpu.vector_load_idx %arg7[%add3A_139, %add3A_173] : memref<512x40xf32, #tpu.memory_space<vmem>>[vector<16xi32>, vector<16xi32>], vector<16xf32>,
        %add3A_174 = arith.constant 0 : i32
        %add3A_175 = arith.addi %add3A_170, %add3A_174 : i32
        %swap3A = arith.constant 0 : i32
        %swap3A_176 = arith.index_cast %swap3A : i32 to index
        %swap3A_177 = arith.index_cast %add3A_175 : i32 to index
        %swap3A_178 = tpu.vector_load %arg9[%swap3A_176, %swap3A_177] {strides = array<i32>} : memref<4x4096xf32, #tpu.memory_space<vmem>>, vector<16xf32>,
        tpu.vector_store %arg9[%swap3A_176, %swap3A_177], %gather3A {strides = array<i32>} : memref<4x4096xf32, #tpu.memory_space<vmem>>, vector<16xf32>,
        %add3A_179 = arith.constant 1 : i32
        %add3A_180 = vector.broadcast %add3A_179 : i32 to vector<16xi32>
        %add3A_181 = arith.addi %mul3A_5, %add3A_180 : vector<16xi32>
        %gather3A_182 = tpu.vector_load_idx %arg7[%add3A_139, %add3A_181] : memref<512x40xf32, #tpu.memory_space<vmem>>[vector<16xi32>, vector<16xi32>], vector<16xf32>,
        %add3A_183 = arith.constant 128 : i32
        %add3A_184 = arith.addi %add3A_170, %add3A_183 : i32
        %swap3A_185 = arith.constant 0 : i32
        %swap3A_186 = arith.index_cast %swap3A_185 : i32 to index
        %swap3A_187 = arith.index_cast %add3A_184 : i32 to index
        %swap3A_188 = tpu.vector_load %arg9[%swap3A_186, %swap3A_187] {strides = array<i32>} : memref<4x4096xf32, #tpu.memory_space<vmem>>, vector<16xf32>,
        tpu.vector_store %arg9[%swap3A_186, %swap3A_187], %gather3A_182 {strides = array<i32>} : memref<4x4096xf32, #tpu.memory_space<vmem>>, vector<16xf32>,
        %add3A_189 = arith.constant 2 : i32
        %add3A_190 = vector.broadcast %add3A_189 : i32 to vector<16xi32>
        %add3A_191 = arith.addi %mul3A_5, %add3A_190 : vector<16xi32>
        %gather3A_192 = tpu.vector_load_idx %arg7[%add3A_139, %add3A_191] : memref<512x40xf32, #tpu.memory_space<vmem>>[vector<16xi32>, vector<16xi32>], vector<16xf32>,
        %add3A_193 = arith.constant 256 : i32
        %add3A_194 = arith.addi %add3A_170, %add3A_193 : i32
        %swap3A_195 = arith.constant 0 : i32
        %swap3A_196 = arith.index_cast %swap3A_195 : i32 to index
        %swap3A_197 = arith.index_cast %add3A_194 : i32 to index
        %swap3A_198 = tpu.vector_load %arg9[%swap3A_196, %swap3A_197] {strides = array<i32>} : memref<4x4096xf32, #tpu.memory_space<vmem>>, vector<16xf32>,
        tpu.vector_store %arg9[%swap3A_196, %swap3A_197], %gather3A_192 {strides = array<i32>} : memref<4x4096xf32, #tpu.memory_space<vmem>>, vector<16xf32>,
        %add3A_199 = arith.constant 3 : i32
        %add3A_200 = vector.broadcast %add3A_199 : i32 to vector<16xi32>
        %add3A_201 = arith.addi %mul3A_5, %add3A_200 : vector<16xi32>
        %gather3A_202 = tpu.vector_load_idx %arg7[%add3A_139, %add3A_201] : memref<512x40xf32, #tpu.memory_space<vmem>>[vector<16xi32>, vector<16xi32>], vector<16xf32>,
        %add3A_203 = arith.constant 384 : i32
        %add3A_204 = arith.addi %add3A_170, %add3A_203 : i32
        %swap3A_205 = arith.constant 0 : i32
        %swap3A_206 = arith.index_cast %swap3A_205 : i32 to index
        %swap3A_207 = arith.index_cast %add3A_204 : i32 to index
        %swap3A_208 = tpu.vector_load %arg9[%swap3A_206, %swap3A_207] {strides = array<i32>} : memref<4x4096xf32, #tpu.memory_space<vmem>>, vector<16xf32>,
        tpu.vector_store %arg9[%swap3A_206, %swap3A_207], %gather3A_202 {strides = array<i32>} : memref<4x4096xf32, #tpu.memory_space<vmem>>, vector<16xf32>,
        %add3A_209 = arith.constant 4 : i32
        %add3A_210 = vector.broadcast %add3A_209 : i32 to vector<16xi32>
        %add3A_211 = arith.addi %mul3A_5, %add3A_210 : vector<16xi32>
        %gather3A_212 = tpu.vector_load_idx %arg7[%add3A_139, %add3A_211] : memref<512x40xf32, #tpu.memory_space<vmem>>[vector<16xi32>, vector<16xi32>], vector<16xf32>,
        %add3A_213 = arith.constant 512 : i32
        %add3A_214 = arith.addi %add3A_170, %add3A_213 : i32
        %swap3A_215 = arith.constant 0 : i32
        %swap3A_216 = arith.index_cast %swap3A_215 : i32 to index
        %swap3A_217 = arith.index_cast %add3A_214 : i32 to index
        %swap3A_218 = tpu.vector_load %arg9[%swap3A_216, %swap3A_217] {strides = array<i32>} : memref<4x4096xf32, #tpu.memory_space<vmem>>, vector<16xf32>,
        tpu.vector_store %arg9[%swap3A_216, %swap3A_217], %gather3A_212 {strides = array<i32>} : memref<4x4096xf32, #tpu.memory_space<vmem>>, vector<16xf32>,
        %add3A_219 = arith.constant 5 : i32
        %add3A_220 = vector.broadcast %add3A_219 : i32 to vector<16xi32>
        %add3A_221 = arith.addi %mul3A_5, %add3A_220 : vector<16xi32>
        %gather3A_222 = tpu.vector_load_idx %arg7[%add3A_139, %add3A_221] : memref<512x40xf32, #tpu.memory_space<vmem>>[vector<16xi32>, vector<16xi32>], vector<16xf32>,
        %add3A_223 = arith.constant 640 : i32
        %add3A_224 = arith.addi %add3A_170, %add3A_223 : i32
        %swap3A_225 = arith.constant 0 : i32
        %swap3A_226 = arith.index_cast %swap3A_225 : i32 to index
        %swap3A_227 = arith.index_cast %add3A_224 : i32 to index
        %swap3A_228 = tpu.vector_load %arg9[%swap3A_226, %swap3A_227] {strides = array<i32>} : memref<4x4096xf32, #tpu.memory_space<vmem>>, vector<16xf32>,
        tpu.vector_store %arg9[%swap3A_226, %swap3A_227], %gather3A_222 {strides = array<i32>} : memref<4x4096xf32, #tpu.memory_space<vmem>>, vector<16xf32>,
        %add3A_229 = arith.constant 6 : i32
        %add3A_230 = vector.broadcast %add3A_229 : i32 to vector<16xi32>
        %add3A_231 = arith.addi %mul3A_5, %add3A_230 : vector<16xi32>
        %gather3A_232 = tpu.vector_load_idx %arg7[%add3A_139, %add3A_231] : memref<512x40xf32, #tpu.memory_space<vmem>>[vector<16xi32>, vector<16xi32>], vector<16xf32>,
        %add3A_233 = arith.constant 768 : i32
        %add3A_234 = arith.addi %add3A_170, %add3A_233 : i32
        %swap3A_235 = arith.constant 0 : i32
        %swap3A_236 = arith.index_cast %swap3A_235 : i32 to index
        %swap3A_237 = arith.index_cast %add3A_234 : i32 to index
        %swap3A_238 = tpu.vector_load %arg9[%swap3A_236, %swap3A_237] {strides = array<i32>} : memref<4x4096xf32, #tpu.memory_space<vmem>>, vector<16xf32>,
        tpu.vector_store %arg9[%swap3A_236, %swap3A_237], %gather3A_232 {strides = array<i32>} : memref<4x4096xf32, #tpu.memory_space<vmem>>, vector<16xf32>,
        %add3A_239 = arith.constant 7 : i32
        %add3A_240 = vector.broadcast %add3A_239 : i32 to vector<16xi32>
        %add3A_241 = arith.addi %mul3A_5, %add3A_240 : vector<16xi32>
        %gather3A_242 = tpu.vector_load_idx %arg7[%add3A_139, %add3A_241] : memref<512x40xf32, #tpu.memory_space<vmem>>[vector<16xi32>, vector<16xi32>], vector<16xf32>,
        %add3A_243 = arith.constant 896 : i32
        %add3A_244 = arith.addi %add3A_170, %add3A_243 : i32
        %swap3A_245 = arith.constant 0 : i32
        %swap3A_246 = arith.index_cast %swap3A_245 : i32 to index
        %swap3A_247 = arith.index_cast %add3A_244 : i32 to index
        %swap3A_248 = tpu.vector_load %arg9[%swap3A_246, %swap3A_247] {strides = array<i32>} : memref<4x4096xf32, #tpu.memory_space<vmem>>, vector<16xf32>,
        tpu.vector_store %arg9[%swap3A_246, %swap3A_247], %gather3A_242 {strides = array<i32>} : memref<4x4096xf32, #tpu.memory_space<vmem>>, vector<16xf32>,
        %add3A_249 = arith.constant 8 : i32
        %add3A_250 = vector.broadcast %add3A_249 : i32 to vector<16xi32>
        %add3A_251 = arith.addi %mul3A_5, %add3A_250 : vector<16xi32>
        %gather3A_252 = tpu.vector_load_idx %arg7[%add3A_139, %add3A_251] : memref<512x40xf32, #tpu.memory_space<vmem>>[vector<16xi32>, vector<16xi32>], vector<16xf32>,
        %add3A_253 = arith.constant 0 : i32
        %add3A_254 = arith.addi %add3A_170, %add3A_253 : i32
        %swap3A_255 = arith.constant 1 : i32
        %swap3A_256 = arith.index_cast %swap3A_255 : i32 to index
        %swap3A_257 = arith.index_cast %add3A_254 : i32 to index
        %swap3A_258 = tpu.vector_load %arg9[%swap3A_256, %swap3A_257] {strides = array<i32>} : memref<4x4096xf32, #tpu.memory_space<vmem>>, vector<16xf32>,
        tpu.vector_store %arg9[%swap3A_256, %swap3A_257], %gather3A_252 {strides = array<i32>} : memref<4x4096xf32, #tpu.memory_space<vmem>>, vector<16xf32>,
        %add3A_259 = arith.constant 9 : i32
        %add3A_260 = vector.broadcast %add3A_259 : i32 to vector<16xi32>
        %add3A_261 = arith.addi %mul3A_5, %add3A_260 : vector<16xi32>
        %gather3A_262 = tpu.vector_load_idx %arg7[%add3A_139, %add3A_261] : memref<512x40xf32, #tpu.memory_space<vmem>>[vector<16xi32>, vector<16xi32>], vector<16xf32>,
        %add3A_263 = arith.constant 128 : i32
        %add3A_264 = arith.addi %add3A_170, %add3A_263 : i32
        %swap3A_265 = arith.constant 1 : i32
        %swap3A_266 = arith.index_cast %swap3A_265 : i32 to index
        %swap3A_267 = arith.index_cast %add3A_264 : i32 to index
        %swap3A_268 = tpu.vector_load %arg9[%swap3A_266, %swap3A_267] {strides = array<i32>} : memref<4x4096xf32, #tpu.memory_space<vmem>>, vector<16xf32>,
        tpu.vector_store %arg9[%swap3A_266, %swap3A_267], %gather3A_262 {strides = array<i32>} : memref<4x4096xf32, #tpu.memory_space<vmem>>, vector<16xf32>,
        %add3A_269 = arith.constant 10 : i32
        %add3A_270 = vector.broadcast %add3A_269 : i32 to vector<16xi32>
        %add3A_271 = arith.addi %mul3A_5, %add3A_270 : vector<16xi32>
        %gather3A_272 = tpu.vector_load_idx %arg7[%add3A_139, %add3A_271] : memref<512x40xf32, #tpu.memory_space<vmem>>[vector<16xi32>, vector<16xi32>], vector<16xf32>,
        %add3A_273 = arith.constant 256 : i32
        %add3A_274 = arith.addi %add3A_170, %add3A_273 : i32
        %swap3A_275 = arith.constant 1 : i32
        %swap3A_276 = arith.index_cast %swap3A_275 : i32 to index
        %swap3A_277 = arith.index_cast %add3A_274 : i32 to index
        %swap3A_278 = tpu.vector_load %arg9[%swap3A_276, %swap3A_277] {strides = array<i32>} : memref<4x4096xf32, #tpu.memory_space<vmem>>, vector<16xf32>,
        tpu.vector_store %arg9[%swap3A_276, %swap3A_277], %gather3A_272 {strides = array<i32>} : memref<4x4096xf32, #tpu.memory_space<vmem>>, vector<16xf32>,
        %add3A_279 = arith.constant 11 : i32
        %add3A_280 = vector.broadcast %add3A_279 : i32 to vector<16xi32>
        %add3A_281 = arith.addi %mul3A_5, %add3A_280 : vector<16xi32>
        %gather3A_282 = tpu.vector_load_idx %arg7[%add3A_139, %add3A_281] : memref<512x40xf32, #tpu.memory_space<vmem>>[vector<16xi32>, vector<16xi32>], vector<16xf32>,
        %add3A_283 = arith.constant 384 : i32
        %add3A_284 = arith.addi %add3A_170, %add3A_283 : i32
        %swap3A_285 = arith.constant 1 : i32
        %swap3A_286 = arith.index_cast %swap3A_285 : i32 to index
        %swap3A_287 = arith.index_cast %add3A_284 : i32 to index
        %swap3A_288 = tpu.vector_load %arg9[%swap3A_286, %swap3A_287] {strides = array<i32>} : memref<4x4096xf32, #tpu.memory_space<vmem>>, vector<16xf32>,
        tpu.vector_store %arg9[%swap3A_286, %swap3A_287], %gather3A_282 {strides = array<i32>} : memref<4x4096xf32, #tpu.memory_space<vmem>>, vector<16xf32>,
        %add3A_289 = arith.constant 12 : i32
        %add3A_290 = vector.broadcast %add3A_289 : i32 to vector<16xi32>
        %add3A_291 = arith.addi %mul3A_5, %add3A_290 : vector<16xi32>
        %gather3A_292 = tpu.vector_load_idx %arg7[%add3A_139, %add3A_291] : memref<512x40xf32, #tpu.memory_space<vmem>>[vector<16xi32>, vector<16xi32>], vector<16xf32>,
        %add3A_293 = arith.constant 512 : i32
        %add3A_294 = arith.addi %add3A_170, %add3A_293 : i32
        %swap3A_295 = arith.constant 1 : i32
        %swap3A_296 = arith.index_cast %swap3A_295 : i32 to index
        %swap3A_297 = arith.index_cast %add3A_294 : i32 to index
        %swap3A_298 = tpu.vector_load %arg9[%swap3A_296, %swap3A_297] {strides = array<i32>} : memref<4x4096xf32, #tpu.memory_space<vmem>>, vector<16xf32>,
        tpu.vector_store %arg9[%swap3A_296, %swap3A_297], %gather3A_292 {strides = array<i32>} : memref<4x4096xf32, #tpu.memory_space<vmem>>, vector<16xf32>,
        %add3A_299 = arith.constant 13 : i32
        %add3A_300 = vector.broadcast %add3A_299 : i32 to vector<16xi32>
        %add3A_301 = arith.addi %mul3A_5, %add3A_300 : vector<16xi32>
        %gather3A_302 = tpu.vector_load_idx %arg7[%add3A_139, %add3A_301] : memref<512x40xf32, #tpu.memory_space<vmem>>[vector<16xi32>, vector<16xi32>], vector<16xf32>,
        %add3A_303 = arith.constant 640 : i32
        %add3A_304 = arith.addi %add3A_170, %add3A_303 : i32
        %swap3A_305 = arith.constant 1 : i32
        %swap3A_306 = arith.index_cast %swap3A_305 : i32 to index
        %swap3A_307 = arith.index_cast %add3A_304 : i32 to index
        %swap3A_308 = tpu.vector_load %arg9[%swap3A_306, %swap3A_307] {strides = array<i32>} : memref<4x4096xf32, #tpu.memory_space<vmem>>, vector<16xf32>,
        tpu.vector_store %arg9[%swap3A_306, %swap3A_307], %gather3A_302 {strides = array<i32>} : memref<4x4096xf32, #tpu.memory_space<vmem>>, vector<16xf32>,
        %add3A_309 = arith.constant 14 : i32
        %add3A_310 = vector.broadcast %add3A_309 : i32 to vector<16xi32>
        %add3A_311 = arith.addi %mul3A_5, %add3A_310 : vector<16xi32>
        %gather3A_312 = tpu.vector_load_idx %arg7[%add3A_139, %add3A_311] : memref<512x40xf32, #tpu.memory_space<vmem>>[vector<16xi32>, vector<16xi32>], vector<16xf32>,
        %add3A_313 = arith.constant 768 : i32
        %add3A_314 = arith.addi %add3A_170, %add3A_313 : i32
        %swap3A_315 = arith.constant 1 : i32
        %swap3A_316 = arith.index_cast %swap3A_315 : i32 to index
        %swap3A_317 = arith.index_cast %add3A_314 : i32 to index
        %swap3A_318 = tpu.vector_load %arg9[%swap3A_316, %swap3A_317] {strides = array<i32>} : memref<4x4096xf32, #tpu.memory_space<vmem>>, vector<16xf32>,
        tpu.vector_store %arg9[%swap3A_316, %swap3A_317], %gather3A_312 {strides = array<i32>} : memref<4x4096xf32, #tpu.memory_space<vmem>>, vector<16xf32>,
        %add3A_319 = arith.constant 15 : i32
        %add3A_320 = vector.broadcast %add3A_319 : i32 to vector<16xi32>
        %add3A_321 = arith.addi %mul3A_5, %add3A_320 : vector<16xi32>
        %gather3A_322 = tpu.vector_load_idx %arg7[%add3A_139, %add3A_321] : memref<512x40xf32, #tpu.memory_space<vmem>>[vector<16xi32>, vector<16xi32>], vector<16xf32>,
        %add3A_323 = arith.constant 896 : i32
        %add3A_324 = arith.addi %add3A_170, %add3A_323 : i32
        %swap3A_325 = arith.constant 1 : i32
        %swap3A_326 = arith.index_cast %swap3A_325 : i32 to index
        %swap3A_327 = arith.index_cast %add3A_324 : i32 to index
        %swap3A_328 = tpu.vector_load %arg9[%swap3A_326, %swap3A_327] {strides = array<i32>} : memref<4x4096xf32, #tpu.memory_space<vmem>>, vector<16xf32>,
        tpu.vector_store %arg9[%swap3A_326, %swap3A_327], %gather3A_322 {strides = array<i32>} : memref<4x4096xf32, #tpu.memory_space<vmem>>, vector<16xf32>,
        %add3A_329 = arith.constant 16 : i32
        %add3A_330 = vector.broadcast %add3A_329 : i32 to vector<16xi32>
        %add3A_331 = arith.addi %mul3A_5, %add3A_330 : vector<16xi32>
        %gather3A_332 = tpu.vector_load_idx %arg7[%add3A_139, %add3A_331] : memref<512x40xf32, #tpu.memory_space<vmem>>[vector<16xi32>, vector<16xi32>], vector<16xf32>,
        %add3A_333 = arith.constant 0 : i32
        %add3A_334 = arith.addi %add3A_170, %add3A_333 : i32
        %swap3A_335 = arith.constant 2 : i32
        %swap3A_336 = arith.index_cast %swap3A_335 : i32 to index
        %swap3A_337 = arith.index_cast %add3A_334 : i32 to index
        %swap3A_338 = tpu.vector_load %arg9[%swap3A_336, %swap3A_337] {strides = array<i32>} : memref<4x4096xf32, #tpu.memory_space<vmem>>, vector<16xf32>,
        tpu.vector_store %arg9[%swap3A_336, %swap3A_337], %gather3A_332 {strides = array<i32>} : memref<4x4096xf32, #tpu.memory_space<vmem>>, vector<16xf32>,
        %add3A_339 = arith.constant 17 : i32
        %add3A_340 = vector.broadcast %add3A_339 : i32 to vector<16xi32>
        %add3A_341 = arith.addi %mul3A_5, %add3A_340 : vector<16xi32>
        %gather3A_342 = tpu.vector_load_idx %arg7[%add3A_139, %add3A_341] : memref<512x40xf32, #tpu.memory_space<vmem>>[vector<16xi32>, vector<16xi32>], vector<16xf32>,
        %add3A_343 = arith.constant 128 : i32
        %add3A_344 = arith.addi %add3A_170, %add3A_343 : i32
        %swap3A_345 = arith.constant 2 : i32
        %swap3A_346 = arith.index_cast %swap3A_345 : i32 to index
        %swap3A_347 = arith.index_cast %add3A_344 : i32 to index
        %swap3A_348 = tpu.vector_load %arg9[%swap3A_346, %swap3A_347] {strides = array<i32>} : memref<4x4096xf32, #tpu.memory_space<vmem>>, vector<16xf32>,
        tpu.vector_store %arg9[%swap3A_346, %swap3A_347], %gather3A_342 {strides = array<i32>} : memref<4x4096xf32, #tpu.memory_space<vmem>>, vector<16xf32>,
        %add3A_349 = arith.constant 18 : i32
        %add3A_350 = vector.broadcast %add3A_349 : i32 to vector<16xi32>
        %add3A_351 = arith.addi %mul3A_5, %add3A_350 : vector<16xi32>
        %gather3A_352 = tpu.vector_load_idx %arg7[%add3A_139, %add3A_351] : memref<512x40xf32, #tpu.memory_space<vmem>>[vector<16xi32>, vector<16xi32>], vector<16xf32>,
        %add3A_353 = arith.constant 256 : i32
        %add3A_354 = arith.addi %add3A_170, %add3A_353 : i32
        %swap3A_355 = arith.constant 2 : i32
        %swap3A_356 = arith.index_cast %swap3A_355 : i32 to index
        %swap3A_357 = arith.index_cast %add3A_354 : i32 to index
        %swap3A_358 = tpu.vector_load %arg9[%swap3A_356, %swap3A_357] {strides = array<i32>} : memref<4x4096xf32, #tpu.memory_space<vmem>>, vector<16xf32>,
        tpu.vector_store %arg9[%swap3A_356, %swap3A_357], %gather3A_352 {strides = array<i32>} : memref<4x4096xf32, #tpu.memory_space<vmem>>, vector<16xf32>,
        %add3A_359 = arith.constant 19 : i32
        %add3A_360 = vector.broadcast %add3A_359 : i32 to vector<16xi32>
        %add3A_361 = arith.addi %mul3A_5, %add3A_360 : vector<16xi32>
        %gather3A_362 = tpu.vector_load_idx %arg7[%add3A_139, %add3A_361] : memref<512x40xf32, #tpu.memory_space<vmem>>[vector<16xi32>, vector<16xi32>], vector<16xf32>,
        %add3A_363 = arith.constant 384 : i32
        %add3A_364 = arith.addi %add3A_170, %add3A_363 : i32
        %swap3A_365 = arith.constant 2 : i32
        %swap3A_366 = arith.index_cast %swap3A_365 : i32 to index
        %swap3A_367 = arith.index_cast %add3A_364 : i32 to index
        %swap3A_368 = tpu.vector_load %arg9[%swap3A_366, %swap3A_367] {strides = array<i32>} : memref<4x4096xf32, #tpu.memory_space<vmem>>, vector<16xf32>,
        tpu.vector_store %arg9[%swap3A_366, %swap3A_367], %gather3A_362 {strides = array<i32>} : memref<4x4096xf32, #tpu.memory_space<vmem>>, vector<16xf32>,
        %add3A_369 = arith.constant 20 : i32
        %add3A_370 = vector.broadcast %add3A_369 : i32 to vector<16xi32>
        %add3A_371 = arith.addi %mul3A_5, %add3A_370 : vector<16xi32>
        %gather3A_372 = tpu.vector_load_idx %arg7[%add3A_139, %add3A_371] : memref<512x40xf32, #tpu.memory_space<vmem>>[vector<16xi32>, vector<16xi32>], vector<16xf32>,
        %add3A_373 = arith.constant 512 : i32
        %add3A_374 = arith.addi %add3A_170, %add3A_373 : i32
        %swap3A_375 = arith.constant 2 : i32
        %swap3A_376 = arith.index_cast %swap3A_375 : i32 to index
        %swap3A_377 = arith.index_cast %add3A_374 : i32 to index
        %swap3A_378 = tpu.vector_load %arg9[%swap3A_376, %swap3A_377] {strides = array<i32>} : memref<4x4096xf32, #tpu.memory_space<vmem>>, vector<16xf32>,
        tpu.vector_store %arg9[%swap3A_376, %swap3A_377], %gather3A_372 {strides = array<i32>} : memref<4x4096xf32, #tpu.memory_space<vmem>>, vector<16xf32>,
        %add3A_379 = arith.constant 21 : i32
        %add3A_380 = vector.broadcast %add3A_379 : i32 to vector<16xi32>
        %add3A_381 = arith.addi %mul3A_5, %add3A_380 : vector<16xi32>
        %gather3A_382 = tpu.vector_load_idx %arg7[%add3A_139, %add3A_381] : memref<512x40xf32, #tpu.memory_space<vmem>>[vector<16xi32>, vector<16xi32>], vector<16xf32>,
        %add3A_383 = arith.constant 640 : i32
        %add3A_384 = arith.addi %add3A_170, %add3A_383 : i32
        %swap3A_385 = arith.constant 2 : i32
        %swap3A_386 = arith.index_cast %swap3A_385 : i32 to index
        %swap3A_387 = arith.index_cast %add3A_384 : i32 to index
        %swap3A_388 = tpu.vector_load %arg9[%swap3A_386, %swap3A_387] {strides = array<i32>} : memref<4x4096xf32, #tpu.memory_space<vmem>>, vector<16xf32>,
        tpu.vector_store %arg9[%swap3A_386, %swap3A_387], %gather3A_382 {strides = array<i32>} : memref<4x4096xf32, #tpu.memory_space<vmem>>, vector<16xf32>,
        %add3A_389 = arith.constant 22 : i32
        %add3A_390 = vector.broadcast %add3A_389 : i32 to vector<16xi32>
        %add3A_391 = arith.addi %mul3A_5, %add3A_390 : vector<16xi32>
        %gather3A_392 = tpu.vector_load_idx %arg7[%add3A_139, %add3A_391] : memref<512x40xf32, #tpu.memory_space<vmem>>[vector<16xi32>, vector<16xi32>], vector<16xf32>,
        %add3A_393 = arith.constant 768 : i32
        %add3A_394 = arith.addi %add3A_170, %add3A_393 : i32
        %swap3A_395 = arith.constant 2 : i32
        %swap3A_396 = arith.index_cast %swap3A_395 : i32 to index
        %swap3A_397 = arith.index_cast %add3A_394 : i32 to index
        %swap3A_398 = tpu.vector_load %arg9[%swap3A_396, %swap3A_397] {strides = array<i32>} : memref<4x4096xf32, #tpu.memory_space<vmem>>, vector<16xf32>,
        tpu.vector_store %arg9[%swap3A_396, %swap3A_397], %gather3A_392 {strides = array<i32>} : memref<4x4096xf32, #tpu.memory_space<vmem>>, vector<16xf32>,
        %add3A_399 = arith.constant 23 : i32
        %add3A_400 = vector.broadcast %add3A_399 : i32 to vector<16xi32>
        %add3A_401 = arith.addi %mul3A_5, %add3A_400 : vector<16xi32>
        %gather3A_402 = tpu.vector_load_idx %arg7[%add3A_139, %add3A_401] : memref<512x40xf32, #tpu.memory_space<vmem>>[vector<16xi32>, vector<16xi32>], vector<16xf32>,
        %add3A_403 = arith.constant 896 : i32
        %add3A_404 = arith.addi %add3A_170, %add3A_403 : i32
        %swap3A_405 = arith.constant 2 : i32
        %swap3A_406 = arith.index_cast %swap3A_405 : i32 to index
        %swap3A_407 = arith.index_cast %add3A_404 : i32 to index
        %swap3A_408 = tpu.vector_load %arg9[%swap3A_406, %swap3A_407] {strides = array<i32>} : memref<4x4096xf32, #tpu.memory_space<vmem>>, vector<16xf32>,
        tpu.vector_store %arg9[%swap3A_406, %swap3A_407], %gather3A_402 {strides = array<i32>} : memref<4x4096xf32, #tpu.memory_space<vmem>>, vector<16xf32>,
        %add3A_409 = arith.constant 24 : i32
        %add3A_410 = vector.broadcast %add3A_409 : i32 to vector<16xi32>
        %add3A_411 = arith.addi %mul3A_5, %add3A_410 : vector<16xi32>
        %gather3A_412 = tpu.vector_load_idx %arg7[%add3A_139, %add3A_411] : memref<512x40xf32, #tpu.memory_space<vmem>>[vector<16xi32>, vector<16xi32>], vector<16xf32>,
        %add3A_413 = arith.constant 0 : i32
        %add3A_414 = arith.addi %add3A_170, %add3A_413 : i32
        %swap3A_415 = arith.constant 3 : i32
        %swap3A_416 = arith.index_cast %swap3A_415 : i32 to index
        %swap3A_417 = arith.index_cast %add3A_414 : i32 to index
        %swap3A_418 = tpu.vector_load %arg9[%swap3A_416, %swap3A_417] {strides = array<i32>} : memref<4x4096xf32, #tpu.memory_space<vmem>>, vector<16xf32>,
        tpu.vector_store %arg9[%swap3A_416, %swap3A_417], %gather3A_412 {strides = array<i32>} : memref<4x4096xf32, #tpu.memory_space<vmem>>, vector<16xf32>,
        %add3A_419 = arith.constant 25 : i32
        %add3A_420 = vector.broadcast %add3A_419 : i32 to vector<16xi32>
        %add3A_421 = arith.addi %mul3A_5, %add3A_420 : vector<16xi32>
        %gather3A_422 = tpu.vector_load_idx %arg7[%add3A_139, %add3A_421] : memref<512x40xf32, #tpu.memory_space<vmem>>[vector<16xi32>, vector<16xi32>], vector<16xf32>,
        %add3A_423 = arith.constant 128 : i32
        %add3A_424 = arith.addi %add3A_170, %add3A_423 : i32
        %swap3A_425 = arith.constant 3 : i32
        %swap3A_426 = arith.index_cast %swap3A_425 : i32 to index
        %swap3A_427 = arith.index_cast %add3A_424 : i32 to index
        %swap3A_428 = tpu.vector_load %arg9[%swap3A_426, %swap3A_427] {strides = array<i32>} : memref<4x4096xf32, #tpu.memory_space<vmem>>, vector<16xf32>,
        tpu.vector_store %arg9[%swap3A_426, %swap3A_427], %gather3A_422 {strides = array<i32>} : memref<4x4096xf32, #tpu.memory_space<vmem>>, vector<16xf32>,
        %add3A_429 = arith.constant 26 : i32
        %add3A_430 = vector.broadcast %add3A_429 : i32 to vector<16xi32>
        %add3A_431 = arith.addi %mul3A_5, %add3A_430 : vector<16xi32>
        %gather3A_432 = tpu.vector_load_idx %arg7[%add3A_139, %add3A_431] : memref<512x40xf32, #tpu.memory_space<vmem>>[vector<16xi32>, vector<16xi32>], vector<16xf32>,
        %add3A_433 = arith.constant 256 : i32
        %add3A_434 = arith.addi %add3A_170, %add3A_433 : i32
        %swap3A_435 = arith.constant 3 : i32
        %swap3A_436 = arith.index_cast %swap3A_435 : i32 to index
        %swap3A_437 = arith.index_cast %add3A_434 : i32 to index
        %swap3A_438 = tpu.vector_load %arg9[%swap3A_436, %swap3A_437] {strides = array<i32>} : memref<4x4096xf32, #tpu.memory_space<vmem>>, vector<16xf32>,
        tpu.vector_store %arg9[%swap3A_436, %swap3A_437], %gather3A_432 {strides = array<i32>} : memref<4x4096xf32, #tpu.memory_space<vmem>>, vector<16xf32>,
        %add3A_439 = arith.constant 27 : i32
        %add3A_440 = vector.broadcast %add3A_439 : i32 to vector<16xi32>
        %add3A_441 = arith.addi %mul3A_5, %add3A_440 : vector<16xi32>
        %gather3A_442 = tpu.vector_load_idx %arg7[%add3A_139, %add3A_441] : memref<512x40xf32, #tpu.memory_space<vmem>>[vector<16xi32>, vector<16xi32>], vector<16xf32>,
        %add3A_443 = arith.constant 384 : i32
        %add3A_444 = arith.addi %add3A_170, %add3A_443 : i32
        %swap3A_445 = arith.constant 3 : i32
        %swap3A_446 = arith.index_cast %swap3A_445 : i32 to index
        %swap3A_447 = arith.index_cast %add3A_444 : i32 to index
        %swap3A_448 = tpu.vector_load %arg9[%swap3A_446, %swap3A_447] {strides = array<i32>} : memref<4x4096xf32, #tpu.memory_space<vmem>>, vector<16xf32>,
        tpu.vector_store %arg9[%swap3A_446, %swap3A_447], %gather3A_442 {strides = array<i32>} : memref<4x4096xf32, #tpu.memory_space<vmem>>, vector<16xf32>,
        %add3A_449 = arith.constant 28 : i32
        %add3A_450 = vector.broadcast %add3A_449 : i32 to vector<16xi32>
        %add3A_451 = arith.addi %mul3A_5, %add3A_450 : vector<16xi32>
        %gather3A_452 = tpu.vector_load_idx %arg7[%add3A_139, %add3A_451] : memref<512x40xf32, #tpu.memory_space<vmem>>[vector<16xi32>, vector<16xi32>], vector<16xf32>,
        %add3A_453 = arith.constant 512 : i32
        %add3A_454 = arith.addi %add3A_170, %add3A_453 : i32
        %swap3A_455 = arith.constant 3 : i32
        %swap3A_456 = arith.index_cast %swap3A_455 : i32 to index
        %swap3A_457 = arith.index_cast %add3A_454 : i32 to index
        %swap3A_458 = tpu.vector_load %arg9[%swap3A_456, %swap3A_457] {strides = array<i32>} : memref<4x4096xf32, #tpu.memory_space<vmem>>, vector<16xf32>,
        tpu.vector_store %arg9[%swap3A_456, %swap3A_457], %gather3A_452 {strides = array<i32>} : memref<4x4096xf32, #tpu.memory_space<vmem>>, vector<16xf32>,
        %add3A_459 = arith.constant 29 : i32
        %add3A_460 = vector.broadcast %add3A_459 : i32 to vector<16xi32>
        %add3A_461 = arith.addi %mul3A_5, %add3A_460 : vector<16xi32>
        %gather3A_462 = tpu.vector_load_idx %arg7[%add3A_139, %add3A_461] : memref<512x40xf32, #tpu.memory_space<vmem>>[vector<16xi32>, vector<16xi32>], vector<16xf32>,
        %add3A_463 = arith.constant 640 : i32
        %add3A_464 = arith.addi %add3A_170, %add3A_463 : i32
        %swap3A_465 = arith.constant 3 : i32
        %swap3A_466 = arith.index_cast %swap3A_465 : i32 to index
        %swap3A_467 = arith.index_cast %add3A_464 : i32 to index
        %swap3A_468 = tpu.vector_load %arg9[%swap3A_466, %swap3A_467] {strides = array<i32>} : memref<4x4096xf32, #tpu.memory_space<vmem>>, vector<16xf32>,
        tpu.vector_store %arg9[%swap3A_466, %swap3A_467], %gather3A_462 {strides = array<i32>} : memref<4x4096xf32, #tpu.memory_space<vmem>>, vector<16xf32>,
        %add3A_469 = arith.constant 30 : i32
        %add3A_470 = vector.broadcast %add3A_469 : i32 to vector<16xi32>
        %add3A_471 = arith.addi %mul3A_5, %add3A_470 : vector<16xi32>
        %gather3A_472 = tpu.vector_load_idx %arg7[%add3A_139, %add3A_471] : memref<512x40xf32, #tpu.memory_space<vmem>>[vector<16xi32>, vector<16xi32>], vector<16xf32>,
        %add3A_473 = arith.constant 768 : i32
        %add3A_474 = arith.addi %add3A_170, %add3A_473 : i32
        %swap3A_475 = arith.constant 3 : i32
        %swap3A_476 = arith.index_cast %swap3A_475 : i32 to index
        %swap3A_477 = arith.index_cast %add3A_474 : i32 to index
        %swap3A_478 = tpu.vector_load %arg9[%swap3A_476, %swap3A_477] {strides = array<i32>} : memref<4x4096xf32, #tpu.memory_space<vmem>>, vector<16xf32>,
        tpu.vector_store %arg9[%swap3A_476, %swap3A_477], %gather3A_472 {strides = array<i32>} : memref<4x4096xf32, #tpu.memory_space<vmem>>, vector<16xf32>,
        %add3A_479 = arith.constant 31 : i32
        %add3A_480 = vector.broadcast %add3A_479 : i32 to vector<16xi32>
        %add3A_481 = arith.addi %mul3A_5, %add3A_480 : vector<16xi32>
        %gather3A_482 = tpu.vector_load_idx %arg7[%add3A_139, %add3A_481] : memref<512x40xf32, #tpu.memory_space<vmem>>[vector<16xi32>, vector<16xi32>], vector<16xf32>,
        %add3A_483 = arith.constant 896 : i32
        %add3A_484 = arith.addi %add3A_170, %add3A_483 : i32
        %swap3A_485 = arith.constant 3 : i32
        %swap3A_486 = arith.index_cast %swap3A_485 : i32 to index
        %swap3A_487 = arith.index_cast %add3A_484 : i32 to index
        %swap3A_488 = tpu.vector_load %arg9[%swap3A_486, %swap3A_487] {strides = array<i32>} : memref<4x4096xf32, #tpu.memory_space<vmem>>, vector<16xf32>,
        tpu.vector_store %arg9[%swap3A_486, %swap3A_487], %gather3A_482 {strides = array<i32>} : memref<4x4096xf32, #tpu.memory_space<vmem>>, vector<16xf32>,
      }
      %scan3A_52 = arith.constant 32 : i32
      %lt3A = arith.constant 24 : i32
      %lt3A_53 = arith.cmpi slt, %scan3A_33, %lt3A : i32
      %convert_element_type3A_54 = arith.extui %lt3A_53 : i1 to i32
      %cond3A_55 = arith.constant 0 : i32
      %cond3A_56 = arith.cmpi ne, %convert_element_type3A_54, %cond3A_55 : i32
      scf.if %cond3A_56 {
        %add3A_135 = arith.constant 2 : i32
        %add3A_136 = arith.addi %add3A_36, %add3A_135 : i32
        %mul3A_137 = arith.constant 512 : i32
        %mul3A_138 = arith.muli %add3A_136, %mul3A_137 : i32
        "tpu.region"() ({
          %run_scoped3A = tpu.sem_alloc : memref<!tpu.dma_semaphore, #tpu.memory_space<semaphore_mem>>
          %dma_start3A_142 = tpu.memref_slice %arg3[%mul3A_138] : memref<819200xi32, #tpu.memory_space<hbm>> -> memref<512xi32, #tpu.memory_space<hbm>>
          %dma_start3A_143 = tpu.memref_slice %arg3[%mul3A_138] : memref<819200xi32, #tpu.memory_space<hbm>> -> memref<512xi32, #tpu.memory_space<hbm>>
          tpu.enqueue_dma source(%dma_start3A_143 : memref<512xi32, #tpu.memory_space<hbm>>) target(%arg5 : memref<512xi32, #tpu.memory_space<vmem>>) target_semaphore(%run_scoped3A : memref<!tpu.dma_semaphore, #tpu.memory_space<semaphore_mem>>)
          %dma_wait3A_144 = tpu.memref_slice %arg3[%mul3A_138] : memref<819200xi32, #tpu.memory_space<hbm>> -> memref<512xi32, #tpu.memory_space<hbm>>
          %dma_wait3A_145 = tpu.memref_slice %arg3[%mul3A_138] : memref<819200xi32, #tpu.memory_space<hbm>> -> memref<512xi32, #tpu.memory_space<hbm>>
          tpu.wait_dma2 semaphore(%run_scoped3A : memref<!tpu.dma_semaphore, #tpu.memory_space<semaphore_mem>>) src(%dma_wait3A_145 : memref<512xi32, #tpu.memory_space<hbm>>) dst(%arg5 : memref<512xi32, #tpu.memory_space<vmem>>)
          tpu.yield
        }) : () -> ()
        %dma_start3A_139 = arith.constant 0 : i32
        %dma_start3A_140 = arith.constant 0 : i32
        %dma_start3A_141 = tpu.memref_slice %arg2[%dma_start3A_139, %dma_start3A_140] : memref<1000064x40xf32, #tpu.memory_space<hbm>> -> memref<1000064x40xf32, #tpu.memory_space<hbm>>
        tpu.enqueue_indirect_dma source(%dma_start3A_141 : memref<1000064x40xf32, #tpu.memory_space<hbm>>) target(%arg7 : memref<512x40xf32, #tpu.memory_space<vmem>>) offsets(%arg5 : memref<512xi32, #tpu.memory_space<vmem>>) semaphore(%arg11 : memref<!tpu.dma_semaphore, #tpu.memory_space<semaphore_mem>>)
      } else {
      }
      %jit3A = arith.constant 8 : i32
      %div3A = arith.divsi %add3A_36, %jit3A : i32
      %sign3A = arith.constant 0 : i32
      %sign3A_57 = arith.cmpi sgt, %add3A_36, %sign3A : i32
      %sign3A_58 = arith.extui %sign3A_57 : i1 to i32
      %sign3A_59 = arith.constant 0 : i32
      %sign3A_60 = arith.cmpi slt, %add3A_36, %sign3A_59 : i32
      %sign3A_61 = arith.extui %sign3A_60 : i1 to i32
      %sign3A_62 = arith.subi %sign3A_58, %sign3A_61 : i32
      %sign3A_63 = arith.constant 0 : i32
      %sign3A_64 = arith.cmpi sgt, %jit3A, %sign3A_63 : i32
      %sign3A_65 = arith.extui %sign3A_64 : i1 to i32
      %sign3A_66 = arith.constant 0 : i32
      %sign3A_67 = arith.cmpi slt, %jit3A, %sign3A_66 : i32
      %sign3A_68 = arith.extui %sign3A_67 : i1 to i32
      %sign3A_69 = arith.subi %sign3A_65, %sign3A_68 : i32
      %ne3A = arith.cmpi ne, %sign3A_62, %sign3A_69 : i32
      %rem3A = arith.remsi %add3A_36, %jit3A : i32
      %ne3A_70 = arith.constant 0 : i32
      %ne3A_71 = arith.cmpi ne, %rem3A, %ne3A_70 : i32
      %and3A = arith.andi %ne3A, %ne3A_71 : i1
      %sub3A = arith.constant 1 : i32
      %sub3A_72 = arith.subi %div3A, %sub3A : i32
      %select_n3A = arith.select %and3A, %sub3A_72, %div3A : i32
      %rem3A_73 = arith.constant 8 : i32
      %rem3A_74 = arith.remsi %add3A_36, %rem3A_73 : i32
      %mul3A_75 = arith.constant 4 : i32
      %mul3A_76 = arith.muli %select_n3A, %mul3A_75 : i32
      %mul3A_77 = arith.constant 4096 : i32
      %mul3A_78 = arith.muli %rem3A_74, %mul3A_77 : i32
      %dma_start3A_79 = tpu.memref_slice %arg4[%mul3A_76, %mul3A_78] : memref<800x32768xf32, #tpu.memory_space<hbm>> -> memref<4x4096xf32, #tpu.memory_space<hbm>>
      %dma_start3A_80 = tpu.memref_slice %arg4[%mul3A_76, %mul3A_78] : memref<800x32768xf32, #tpu.memory_space<hbm>> -> memref<4x4096xf32, #tpu.memory_space<hbm>>
      tpu.enqueue_dma source(%arg9 : memref<4x4096xf32, #tpu.memory_space<vmem>>) target(%dma_start3A_80 : memref<4x4096xf32, #tpu.memory_space<hbm>>) target_semaphore(%arg13 : memref<!tpu.dma_semaphore, #tpu.memory_space<semaphore_mem>>)
      %dma_wait3A_81 = arith.constant 0 : i32
      %dma_wait3A_82 = arith.constant 0 : i32
      %dma_wait3A_83 = tpu.memref_slice %arg2[%dma_wait3A_81, %dma_wait3A_82] : memref<1000064x40xf32, #tpu.memory_space<hbm>> -> memref<512x40xf32, #tpu.memory_space<hbm>>
      %dma_wait3A_84 = arith.constant 0 : i32
      %dma_wait3A_85 = arith.constant 0 : i32
      %dma_wait3A_86 = tpu.memref_slice %arg2[%dma_wait3A_84, %dma_wait3A_85] : memref<1000064x40xf32, #tpu.memory_space<hbm>> -> memref<512x40xf32, #tpu.memory_space<hbm>>
      tpu.wait_dma2 semaphore(%arg12 : memref<!tpu.dma_semaphore, #tpu.memory_space<semaphore_mem>>) src(%dma_wait3A_86 : memref<512x40xf32, #tpu.memory_space<hbm>>) dst(%arg8 : memref<512x40xf32, #tpu.memory_space<vmem>>)
      %gt3A_87 = arith.constant 0 : i32
      %gt3A_88 = arith.cmpi sgt, %scan3A_33, %gt3A_87 : i32
      %convert_element_type3A_89 = arith.extui %gt3A_88 : i1 to i32
      %cond3A_90 = arith.constant 0 : i32
      %cond3A_91 = arith.cmpi ne, %convert_element_type3A_89, %cond3A_90 : i32
      scf.if %cond3A_91 {
        %dma_wait3A_135 = arith.constant 0 : i32
        %dma_wait3A_136 = arith.constant 0 : i32
        %dma_wait3A_137 = tpu.memref_slice %arg4[%dma_wait3A_135, %dma_wait3A_136] : memref<800x32768xf32, #tpu.memory_space<hbm>> -> memref<4x4096xf32, #tpu.memory_space<hbm>>
        %dma_wait3A_138 = arith.constant 0 : i32
        %dma_wait3A_139 = arith.constant 0 : i32
        %dma_wait3A_140 = tpu.memref_slice %arg4[%dma_wait3A_138, %dma_wait3A_139] : memref<800x32768xf32, #tpu.memory_space<hbm>> -> memref<4x4096xf32, #tpu.memory_space<hbm>>
        tpu.wait_dma2 semaphore(%arg14 : memref<!tpu.dma_semaphore, #tpu.memory_space<semaphore_mem>>) src(%dma_wait3A_140 : memref<4x4096xf32, #tpu.memory_space<hbm>>) dst(%arg10 : memref<4x4096xf32, #tpu.memory_space<vmem>>)
      } else {
      }
      %scan3A_92 = arith.constant 0 : i32
      %scan3A_93 = arith.constant 0 : i32
      %scan3A_94 = arith.constant 32 : i32
      %scan3A_95 = arith.addi %scan3A_93, %scan3A_94 : i32
      %scan3A_96 = arith.constant 1 : i32
      scf.for %scan3A_135 = %scan3A_93 to %scan3A_95 step %scan3A_96  : i32 {
        %mul3A_136 = arith.constant 16 : i32
        %mul3A_137 = arith.muli %scan3A_135, %mul3A_136 : i32
        %add3A_138 = vector.broadcast %mul3A_137 : i32 to vector<16xi32>
        %add3A_139 = arith.addi %iota3A, %add3A_138 : vector<16xi32>
        %jit3A_140 = arith.constant 8 : i32
        %div3A_141 = arith.divsi %scan3A_135, %jit3A_140 : i32
        %sign3A_142 = arith.constant 0 : i32
        %sign3A_143 = arith.cmpi sgt, %scan3A_135, %sign3A_142 : i32
        %sign3A_144 = arith.extui %sign3A_143 : i1 to i32
        %sign3A_145 = arith.constant 0 : i32
        %sign3A_146 = arith.cmpi slt, %scan3A_135, %sign3A_145 : i32
        %sign3A_147 = arith.extui %sign3A_146 : i1 to i32
        %sign3A_148 = arith.subi %sign3A_144, %sign3A_147 : i32
        %sign3A_149 = arith.constant 0 : i32
        %sign3A_150 = arith.cmpi sgt, %jit3A_140, %sign3A_149 : i32
        %sign3A_151 = arith.extui %sign3A_150 : i1 to i32
        %sign3A_152 = arith.constant 0 : i32
        %sign3A_153 = arith.cmpi slt, %jit3A_140, %sign3A_152 : i32
        %sign3A_154 = arith.extui %sign3A_153 : i1 to i32
        %sign3A_155 = arith.subi %sign3A_151, %sign3A_154 : i32
        %ne3A_156 = arith.cmpi ne, %sign3A_148, %sign3A_155 : i32
        %rem3A_157 = arith.remsi %scan3A_135, %jit3A_140 : i32
        %ne3A_158 = arith.constant 0 : i32
        %ne3A_159 = arith.cmpi ne, %rem3A_157, %ne3A_158 : i32
        %and3A_160 = arith.andi %ne3A_156, %ne3A_159 : i1
        %sub3A_161 = arith.constant 1 : i32
        %sub3A_162 = arith.subi %div3A_141, %sub3A_161 : i32
        %select_n3A_163 = arith.select %and3A_160, %sub3A_162, %div3A_141 : i32
        %mul3A_164 = arith.constant 1024 : i32
        %mul3A_165 = arith.muli %select_n3A_163, %mul3A_164 : i32
        %rem3A_166 = arith.constant 8 : i32
        %rem3A_167 = arith.remsi %scan3A_135, %rem3A_166 : i32
        %mul3A_168 = arith.constant 16 : i32
        %mul3A_169 = arith.muli %rem3A_167, %mul3A_168 : i32
        %add3A_170 = arith.addi %mul3A_165, %mul3A_169 : i32
        %add3A_171 = arith.constant 0 : i32
        %add3A_172 = vector.broadcast %add3A_171 : i32 to vector<16xi32>
        %add3A_173 = arith.addi %mul3A_5, %add3A_172 : vector<16xi32>
        %gather3A = tpu.vector_load_idx %arg8[%add3A_139, %add3A_173] : memref<512x40xf32, #tpu.memory_space<vmem>>[vector<16xi32>, vector<16xi32>], vector<16xf32>,
        %add3A_174 = arith.constant 0 : i32
        %add3A_175 = arith.addi %add3A_170, %add3A_174 : i32
        %swap3A = arith.constant 0 : i32
        %swap3A_176 = arith.index_cast %swap3A : i32 to index
        %swap3A_177 = arith.index_cast %add3A_175 : i32 to index
        %swap3A_178 = tpu.vector_load %arg10[%swap3A_176, %swap3A_177] {strides = array<i32>} : memref<4x4096xf32, #tpu.memory_space<vmem>>, vector<16xf32>,
        tpu.vector_store %arg10[%swap3A_176, %swap3A_177], %gather3A {strides = array<i32>} : memref<4x4096xf32, #tpu.memory_space<vmem>>, vector<16xf32>,
        %add3A_179 = arith.constant 1 : i32
        %add3A_180 = vector.broadcast %add3A_179 : i32 to vector<16xi32>
        %add3A_181 = arith.addi %mul3A_5, %add3A_180 : vector<16xi32>
        %gather3A_182 = tpu.vector_load_idx %arg8[%add3A_139, %add3A_181] : memref<512x40xf32, #tpu.memory_space<vmem>>[vector<16xi32>, vector<16xi32>], vector<16xf32>,
        %add3A_183 = arith.constant 128 : i32
        %add3A_184 = arith.addi %add3A_170, %add3A_183 : i32
        %swap3A_185 = arith.constant 0 : i32
        %swap3A_186 = arith.index_cast %swap3A_185 : i32 to index
        %swap3A_187 = arith.index_cast %add3A_184 : i32 to index
        %swap3A_188 = tpu.vector_load %arg10[%swap3A_186, %swap3A_187] {strides = array<i32>} : memref<4x4096xf32, #tpu.memory_space<vmem>>, vector<16xf32>,
        tpu.vector_store %arg10[%swap3A_186, %swap3A_187], %gather3A_182 {strides = array<i32>} : memref<4x4096xf32, #tpu.memory_space<vmem>>, vector<16xf32>,
        %add3A_189 = arith.constant 2 : i32
        %add3A_190 = vector.broadcast %add3A_189 : i32 to vector<16xi32>
        %add3A_191 = arith.addi %mul3A_5, %add3A_190 : vector<16xi32>
        %gather3A_192 = tpu.vector_load_idx %arg8[%add3A_139, %add3A_191] : memref<512x40xf32, #tpu.memory_space<vmem>>[vector<16xi32>, vector<16xi32>], vector<16xf32>,
        %add3A_193 = arith.constant 256 : i32
        %add3A_194 = arith.addi %add3A_170, %add3A_193 : i32
        %swap3A_195 = arith.constant 0 : i32
        %swap3A_196 = arith.index_cast %swap3A_195 : i32 to index
        %swap3A_197 = arith.index_cast %add3A_194 : i32 to index
        %swap3A_198 = tpu.vector_load %arg10[%swap3A_196, %swap3A_197] {strides = array<i32>} : memref<4x4096xf32, #tpu.memory_space<vmem>>, vector<16xf32>,
        tpu.vector_store %arg10[%swap3A_196, %swap3A_197], %gather3A_192 {strides = array<i32>} : memref<4x4096xf32, #tpu.memory_space<vmem>>, vector<16xf32>,
        %add3A_199 = arith.constant 3 : i32
        %add3A_200 = vector.broadcast %add3A_199 : i32 to vector<16xi32>
        %add3A_201 = arith.addi %mul3A_5, %add3A_200 : vector<16xi32>
        %gather3A_202 = tpu.vector_load_idx %arg8[%add3A_139, %add3A_201] : memref<512x40xf32, #tpu.memory_space<vmem>>[vector<16xi32>, vector<16xi32>], vector<16xf32>,
        %add3A_203 = arith.constant 384 : i32
        %add3A_204 = arith.addi %add3A_170, %add3A_203 : i32
        %swap3A_205 = arith.constant 0 : i32
        %swap3A_206 = arith.index_cast %swap3A_205 : i32 to index
        %swap3A_207 = arith.index_cast %add3A_204 : i32 to index
        %swap3A_208 = tpu.vector_load %arg10[%swap3A_206, %swap3A_207] {strides = array<i32>} : memref<4x4096xf32, #tpu.memory_space<vmem>>, vector<16xf32>,
        tpu.vector_store %arg10[%swap3A_206, %swap3A_207], %gather3A_202 {strides = array<i32>} : memref<4x4096xf32, #tpu.memory_space<vmem>>, vector<16xf32>,
        %add3A_209 = arith.constant 4 : i32
        %add3A_210 = vector.broadcast %add3A_209 : i32 to vector<16xi32>
        %add3A_211 = arith.addi %mul3A_5, %add3A_210 : vector<16xi32>
        %gather3A_212 = tpu.vector_load_idx %arg8[%add3A_139, %add3A_211] : memref<512x40xf32, #tpu.memory_space<vmem>>[vector<16xi32>, vector<16xi32>], vector<16xf32>,
        %add3A_213 = arith.constant 512 : i32
        %add3A_214 = arith.addi %add3A_170, %add3A_213 : i32
        %swap3A_215 = arith.constant 0 : i32
        %swap3A_216 = arith.index_cast %swap3A_215 : i32 to index
        %swap3A_217 = arith.index_cast %add3A_214 : i32 to index
        %swap3A_218 = tpu.vector_load %arg10[%swap3A_216, %swap3A_217] {strides = array<i32>} : memref<4x4096xf32, #tpu.memory_space<vmem>>, vector<16xf32>,
        tpu.vector_store %arg10[%swap3A_216, %swap3A_217], %gather3A_212 {strides = array<i32>} : memref<4x4096xf32, #tpu.memory_space<vmem>>, vector<16xf32>,
        %add3A_219 = arith.constant 5 : i32
        %add3A_220 = vector.broadcast %add3A_219 : i32 to vector<16xi32>
        %add3A_221 = arith.addi %mul3A_5, %add3A_220 : vector<16xi32>
        %gather3A_222 = tpu.vector_load_idx %arg8[%add3A_139, %add3A_221] : memref<512x40xf32, #tpu.memory_space<vmem>>[vector<16xi32>, vector<16xi32>], vector<16xf32>,
        %add3A_223 = arith.constant 640 : i32
        %add3A_224 = arith.addi %add3A_170, %add3A_223 : i32
        %swap3A_225 = arith.constant 0 : i32
        %swap3A_226 = arith.index_cast %swap3A_225 : i32 to index
        %swap3A_227 = arith.index_cast %add3A_224 : i32 to index
        %swap3A_228 = tpu.vector_load %arg10[%swap3A_226, %swap3A_227] {strides = array<i32>} : memref<4x4096xf32, #tpu.memory_space<vmem>>, vector<16xf32>,
        tpu.vector_store %arg10[%swap3A_226, %swap3A_227], %gather3A_222 {strides = array<i32>} : memref<4x4096xf32, #tpu.memory_space<vmem>>, vector<16xf32>,
        %add3A_229 = arith.constant 6 : i32
        %add3A_230 = vector.broadcast %add3A_229 : i32 to vector<16xi32>
        %add3A_231 = arith.addi %mul3A_5, %add3A_230 : vector<16xi32>
        %gather3A_232 = tpu.vector_load_idx %arg8[%add3A_139, %add3A_231] : memref<512x40xf32, #tpu.memory_space<vmem>>[vector<16xi32>, vector<16xi32>], vector<16xf32>,
        %add3A_233 = arith.constant 768 : i32
        %add3A_234 = arith.addi %add3A_170, %add3A_233 : i32
        %swap3A_235 = arith.constant 0 : i32
        %swap3A_236 = arith.index_cast %swap3A_235 : i32 to index
        %swap3A_237 = arith.index_cast %add3A_234 : i32 to index
        %swap3A_238 = tpu.vector_load %arg10[%swap3A_236, %swap3A_237] {strides = array<i32>} : memref<4x4096xf32, #tpu.memory_space<vmem>>, vector<16xf32>,
        tpu.vector_store %arg10[%swap3A_236, %swap3A_237], %gather3A_232 {strides = array<i32>} : memref<4x4096xf32, #tpu.memory_space<vmem>>, vector<16xf32>,
        %add3A_239 = arith.constant 7 : i32
        %add3A_240 = vector.broadcast %add3A_239 : i32 to vector<16xi32>
        %add3A_241 = arith.addi %mul3A_5, %add3A_240 : vector<16xi32>
        %gather3A_242 = tpu.vector_load_idx %arg8[%add3A_139, %add3A_241] : memref<512x40xf32, #tpu.memory_space<vmem>>[vector<16xi32>, vector<16xi32>], vector<16xf32>,
        %add3A_243 = arith.constant 896 : i32
        %add3A_244 = arith.addi %add3A_170, %add3A_243 : i32
        %swap3A_245 = arith.constant 0 : i32
        %swap3A_246 = arith.index_cast %swap3A_245 : i32 to index
        %swap3A_247 = arith.index_cast %add3A_244 : i32 to index
        %swap3A_248 = tpu.vector_load %arg10[%swap3A_246, %swap3A_247] {strides = array<i32>} : memref<4x4096xf32, #tpu.memory_space<vmem>>, vector<16xf32>,
        tpu.vector_store %arg10[%swap3A_246, %swap3A_247], %gather3A_242 {strides = array<i32>} : memref<4x4096xf32, #tpu.memory_space<vmem>>, vector<16xf32>,
        %add3A_249 = arith.constant 8 : i32
        %add3A_250 = vector.broadcast %add3A_249 : i32 to vector<16xi32>
        %add3A_251 = arith.addi %mul3A_5, %add3A_250 : vector<16xi32>
        %gather3A_252 = tpu.vector_load_idx %arg8[%add3A_139, %add3A_251] : memref<512x40xf32, #tpu.memory_space<vmem>>[vector<16xi32>, vector<16xi32>], vector<16xf32>,
        %add3A_253 = arith.constant 0 : i32
        %add3A_254 = arith.addi %add3A_170, %add3A_253 : i32
        %swap3A_255 = arith.constant 1 : i32
        %swap3A_256 = arith.index_cast %swap3A_255 : i32 to index
        %swap3A_257 = arith.index_cast %add3A_254 : i32 to index
        %swap3A_258 = tpu.vector_load %arg10[%swap3A_256, %swap3A_257] {strides = array<i32>} : memref<4x4096xf32, #tpu.memory_space<vmem>>, vector<16xf32>,
        tpu.vector_store %arg10[%swap3A_256, %swap3A_257], %gather3A_252 {strides = array<i32>} : memref<4x4096xf32, #tpu.memory_space<vmem>>, vector<16xf32>,
        %add3A_259 = arith.constant 9 : i32
        %add3A_260 = vector.broadcast %add3A_259 : i32 to vector<16xi32>
        %add3A_261 = arith.addi %mul3A_5, %add3A_260 : vector<16xi32>
        %gather3A_262 = tpu.vector_load_idx %arg8[%add3A_139, %add3A_261] : memref<512x40xf32, #tpu.memory_space<vmem>>[vector<16xi32>, vector<16xi32>], vector<16xf32>,
        %add3A_263 = arith.constant 128 : i32
        %add3A_264 = arith.addi %add3A_170, %add3A_263 : i32
        %swap3A_265 = arith.constant 1 : i32
        %swap3A_266 = arith.index_cast %swap3A_265 : i32 to index
        %swap3A_267 = arith.index_cast %add3A_264 : i32 to index
        %swap3A_268 = tpu.vector_load %arg10[%swap3A_266, %swap3A_267] {strides = array<i32>} : memref<4x4096xf32, #tpu.memory_space<vmem>>, vector<16xf32>,
        tpu.vector_store %arg10[%swap3A_266, %swap3A_267], %gather3A_262 {strides = array<i32>} : memref<4x4096xf32, #tpu.memory_space<vmem>>, vector<16xf32>,
        %add3A_269 = arith.constant 10 : i32
        %add3A_270 = vector.broadcast %add3A_269 : i32 to vector<16xi32>
        %add3A_271 = arith.addi %mul3A_5, %add3A_270 : vector<16xi32>
        %gather3A_272 = tpu.vector_load_idx %arg8[%add3A_139, %add3A_271] : memref<512x40xf32, #tpu.memory_space<vmem>>[vector<16xi32>, vector<16xi32>], vector<16xf32>,
        %add3A_273 = arith.constant 256 : i32
        %add3A_274 = arith.addi %add3A_170, %add3A_273 : i32
        %swap3A_275 = arith.constant 1 : i32
        %swap3A_276 = arith.index_cast %swap3A_275 : i32 to index
        %swap3A_277 = arith.index_cast %add3A_274 : i32 to index
        %swap3A_278 = tpu.vector_load %arg10[%swap3A_276, %swap3A_277] {strides = array<i32>} : memref<4x4096xf32, #tpu.memory_space<vmem>>, vector<16xf32>,
        tpu.vector_store %arg10[%swap3A_276, %swap3A_277], %gather3A_272 {strides = array<i32>} : memref<4x4096xf32, #tpu.memory_space<vmem>>, vector<16xf32>,
        %add3A_279 = arith.constant 11 : i32
        %add3A_280 = vector.broadcast %add3A_279 : i32 to vector<16xi32>
        %add3A_281 = arith.addi %mul3A_5, %add3A_280 : vector<16xi32>
        %gather3A_282 = tpu.vector_load_idx %arg8[%add3A_139, %add3A_281] : memref<512x40xf32, #tpu.memory_space<vmem>>[vector<16xi32>, vector<16xi32>], vector<16xf32>,
        %add3A_283 = arith.constant 384 : i32
        %add3A_284 = arith.addi %add3A_170, %add3A_283 : i32
        %swap3A_285 = arith.constant 1 : i32
        %swap3A_286 = arith.index_cast %swap3A_285 : i32 to index
        %swap3A_287 = arith.index_cast %add3A_284 : i32 to index
        %swap3A_288 = tpu.vector_load %arg10[%swap3A_286, %swap3A_287] {strides = array<i32>} : memref<4x4096xf32, #tpu.memory_space<vmem>>, vector<16xf32>,
        tpu.vector_store %arg10[%swap3A_286, %swap3A_287], %gather3A_282 {strides = array<i32>} : memref<4x4096xf32, #tpu.memory_space<vmem>>, vector<16xf32>,
        %add3A_289 = arith.constant 12 : i32
        %add3A_290 = vector.broadcast %add3A_289 : i32 to vector<16xi32>
        %add3A_291 = arith.addi %mul3A_5, %add3A_290 : vector<16xi32>
        %gather3A_292 = tpu.vector_load_idx %arg8[%add3A_139, %add3A_291] : memref<512x40xf32, #tpu.memory_space<vmem>>[vector<16xi32>, vector<16xi32>], vector<16xf32>,
        %add3A_293 = arith.constant 512 : i32
        %add3A_294 = arith.addi %add3A_170, %add3A_293 : i32
        %swap3A_295 = arith.constant 1 : i32
        %swap3A_296 = arith.index_cast %swap3A_295 : i32 to index
        %swap3A_297 = arith.index_cast %add3A_294 : i32 to index
        %swap3A_298 = tpu.vector_load %arg10[%swap3A_296, %swap3A_297] {strides = array<i32>} : memref<4x4096xf32, #tpu.memory_space<vmem>>, vector<16xf32>,
        tpu.vector_store %arg10[%swap3A_296, %swap3A_297], %gather3A_292 {strides = array<i32>} : memref<4x4096xf32, #tpu.memory_space<vmem>>, vector<16xf32>,
        %add3A_299 = arith.constant 13 : i32
        %add3A_300 = vector.broadcast %add3A_299 : i32 to vector<16xi32>
        %add3A_301 = arith.addi %mul3A_5, %add3A_300 : vector<16xi32>
        %gather3A_302 = tpu.vector_load_idx %arg8[%add3A_139, %add3A_301] : memref<512x40xf32, #tpu.memory_space<vmem>>[vector<16xi32>, vector<16xi32>], vector<16xf32>,
        %add3A_303 = arith.constant 640 : i32
        %add3A_304 = arith.addi %add3A_170, %add3A_303 : i32
        %swap3A_305 = arith.constant 1 : i32
        %swap3A_306 = arith.index_cast %swap3A_305 : i32 to index
        %swap3A_307 = arith.index_cast %add3A_304 : i32 to index
        %swap3A_308 = tpu.vector_load %arg10[%swap3A_306, %swap3A_307] {strides = array<i32>} : memref<4x4096xf32, #tpu.memory_space<vmem>>, vector<16xf32>,
        tpu.vector_store %arg10[%swap3A_306, %swap3A_307], %gather3A_302 {strides = array<i32>} : memref<4x4096xf32, #tpu.memory_space<vmem>>, vector<16xf32>,
        %add3A_309 = arith.constant 14 : i32
        %add3A_310 = vector.broadcast %add3A_309 : i32 to vector<16xi32>
        %add3A_311 = arith.addi %mul3A_5, %add3A_310 : vector<16xi32>
        %gather3A_312 = tpu.vector_load_idx %arg8[%add3A_139, %add3A_311] : memref<512x40xf32, #tpu.memory_space<vmem>>[vector<16xi32>, vector<16xi32>], vector<16xf32>,
        %add3A_313 = arith.constant 768 : i32
        %add3A_314 = arith.addi %add3A_170, %add3A_313 : i32
        %swap3A_315 = arith.constant 1 : i32
        %swap3A_316 = arith.index_cast %swap3A_315 : i32 to index
        %swap3A_317 = arith.index_cast %add3A_314 : i32 to index
        %swap3A_318 = tpu.vector_load %arg10[%swap3A_316, %swap3A_317] {strides = array<i32>} : memref<4x4096xf32, #tpu.memory_space<vmem>>, vector<16xf32>,
        tpu.vector_store %arg10[%swap3A_316, %swap3A_317], %gather3A_312 {strides = array<i32>} : memref<4x4096xf32, #tpu.memory_space<vmem>>, vector<16xf32>,
        %add3A_319 = arith.constant 15 : i32
        %add3A_320 = vector.broadcast %add3A_319 : i32 to vector<16xi32>
        %add3A_321 = arith.addi %mul3A_5, %add3A_320 : vector<16xi32>
        %gather3A_322 = tpu.vector_load_idx %arg8[%add3A_139, %add3A_321] : memref<512x40xf32, #tpu.memory_space<vmem>>[vector<16xi32>, vector<16xi32>], vector<16xf32>,
        %add3A_323 = arith.constant 896 : i32
        %add3A_324 = arith.addi %add3A_170, %add3A_323 : i32
        %swap3A_325 = arith.constant 1 : i32
        %swap3A_326 = arith.index_cast %swap3A_325 : i32 to index
        %swap3A_327 = arith.index_cast %add3A_324 : i32 to index
        %swap3A_328 = tpu.vector_load %arg10[%swap3A_326, %swap3A_327] {strides = array<i32>} : memref<4x4096xf32, #tpu.memory_space<vmem>>, vector<16xf32>,
        tpu.vector_store %arg10[%swap3A_326, %swap3A_327], %gather3A_322 {strides = array<i32>} : memref<4x4096xf32, #tpu.memory_space<vmem>>, vector<16xf32>,
        %add3A_329 = arith.constant 16 : i32
        %add3A_330 = vector.broadcast %add3A_329 : i32 to vector<16xi32>
        %add3A_331 = arith.addi %mul3A_5, %add3A_330 : vector<16xi32>
        %gather3A_332 = tpu.vector_load_idx %arg8[%add3A_139, %add3A_331] : memref<512x40xf32, #tpu.memory_space<vmem>>[vector<16xi32>, vector<16xi32>], vector<16xf32>,
        %add3A_333 = arith.constant 0 : i32
        %add3A_334 = arith.addi %add3A_170, %add3A_333 : i32
        %swap3A_335 = arith.constant 2 : i32
        %swap3A_336 = arith.index_cast %swap3A_335 : i32 to index
        %swap3A_337 = arith.index_cast %add3A_334 : i32 to index
        %swap3A_338 = tpu.vector_load %arg10[%swap3A_336, %swap3A_337] {strides = array<i32>} : memref<4x4096xf32, #tpu.memory_space<vmem>>, vector<16xf32>,
        tpu.vector_store %arg10[%swap3A_336, %swap3A_337], %gather3A_332 {strides = array<i32>} : memref<4x4096xf32, #tpu.memory_space<vmem>>, vector<16xf32>,
        %add3A_339 = arith.constant 17 : i32
        %add3A_340 = vector.broadcast %add3A_339 : i32 to vector<16xi32>
        %add3A_341 = arith.addi %mul3A_5, %add3A_340 : vector<16xi32>
        %gather3A_342 = tpu.vector_load_idx %arg8[%add3A_139, %add3A_341] : memref<512x40xf32, #tpu.memory_space<vmem>>[vector<16xi32>, vector<16xi32>], vector<16xf32>,
        %add3A_343 = arith.constant 128 : i32
        %add3A_344 = arith.addi %add3A_170, %add3A_343 : i32
        %swap3A_345 = arith.constant 2 : i32
        %swap3A_346 = arith.index_cast %swap3A_345 : i32 to index
        %swap3A_347 = arith.index_cast %add3A_344 : i32 to index
        %swap3A_348 = tpu.vector_load %arg10[%swap3A_346, %swap3A_347] {strides = array<i32>} : memref<4x4096xf32, #tpu.memory_space<vmem>>, vector<16xf32>,
        tpu.vector_store %arg10[%swap3A_346, %swap3A_347], %gather3A_342 {strides = array<i32>} : memref<4x4096xf32, #tpu.memory_space<vmem>>, vector<16xf32>,
        %add3A_349 = arith.constant 18 : i32
        %add3A_350 = vector.broadcast %add3A_349 : i32 to vector<16xi32>
        %add3A_351 = arith.addi %mul3A_5, %add3A_350 : vector<16xi32>
        %gather3A_352 = tpu.vector_load_idx %arg8[%add3A_139, %add3A_351] : memref<512x40xf32, #tpu.memory_space<vmem>>[vector<16xi32>, vector<16xi32>], vector<16xf32>,
        %add3A_353 = arith.constant 256 : i32
        %add3A_354 = arith.addi %add3A_170, %add3A_353 : i32
        %swap3A_355 = arith.constant 2 : i32
        %swap3A_356 = arith.index_cast %swap3A_355 : i32 to index
        %swap3A_357 = arith.index_cast %add3A_354 : i32 to index
        %swap3A_358 = tpu.vector_load %arg10[%swap3A_356, %swap3A_357] {strides = array<i32>} : memref<4x4096xf32, #tpu.memory_space<vmem>>, vector<16xf32>,
        tpu.vector_store %arg10[%swap3A_356, %swap3A_357], %gather3A_352 {strides = array<i32>} : memref<4x4096xf32, #tpu.memory_space<vmem>>, vector<16xf32>,
        %add3A_359 = arith.constant 19 : i32
        %add3A_360 = vector.broadcast %add3A_359 : i32 to vector<16xi32>
        %add3A_361 = arith.addi %mul3A_5, %add3A_360 : vector<16xi32>
        %gather3A_362 = tpu.vector_load_idx %arg8[%add3A_139, %add3A_361] : memref<512x40xf32, #tpu.memory_space<vmem>>[vector<16xi32>, vector<16xi32>], vector<16xf32>,
        %add3A_363 = arith.constant 384 : i32
        %add3A_364 = arith.addi %add3A_170, %add3A_363 : i32
        %swap3A_365 = arith.constant 2 : i32
        %swap3A_366 = arith.index_cast %swap3A_365 : i32 to index
        %swap3A_367 = arith.index_cast %add3A_364 : i32 to index
        %swap3A_368 = tpu.vector_load %arg10[%swap3A_366, %swap3A_367] {strides = array<i32>} : memref<4x4096xf32, #tpu.memory_space<vmem>>, vector<16xf32>,
        tpu.vector_store %arg10[%swap3A_366, %swap3A_367], %gather3A_362 {strides = array<i32>} : memref<4x4096xf32, #tpu.memory_space<vmem>>, vector<16xf32>,
        %add3A_369 = arith.constant 20 : i32
        %add3A_370 = vector.broadcast %add3A_369 : i32 to vector<16xi32>
        %add3A_371 = arith.addi %mul3A_5, %add3A_370 : vector<16xi32>
        %gather3A_372 = tpu.vector_load_idx %arg8[%add3A_139, %add3A_371] : memref<512x40xf32, #tpu.memory_space<vmem>>[vector<16xi32>, vector<16xi32>], vector<16xf32>,
        %add3A_373 = arith.constant 512 : i32
        %add3A_374 = arith.addi %add3A_170, %add3A_373 : i32
        %swap3A_375 = arith.constant 2 : i32
        %swap3A_376 = arith.index_cast %swap3A_375 : i32 to index
        %swap3A_377 = arith.index_cast %add3A_374 : i32 to index
        %swap3A_378 = tpu.vector_load %arg10[%swap3A_376, %swap3A_377] {strides = array<i32>} : memref<4x4096xf32, #tpu.memory_space<vmem>>, vector<16xf32>,
        tpu.vector_store %arg10[%swap3A_376, %swap3A_377], %gather3A_372 {strides = array<i32>} : memref<4x4096xf32, #tpu.memory_space<vmem>>, vector<16xf32>,
        %add3A_379 = arith.constant 21 : i32
        %add3A_380 = vector.broadcast %add3A_379 : i32 to vector<16xi32>
        %add3A_381 = arith.addi %mul3A_5, %add3A_380 : vector<16xi32>
        %gather3A_382 = tpu.vector_load_idx %arg8[%add3A_139, %add3A_381] : memref<512x40xf32, #tpu.memory_space<vmem>>[vector<16xi32>, vector<16xi32>], vector<16xf32>,
        %add3A_383 = arith.constant 640 : i32
        %add3A_384 = arith.addi %add3A_170, %add3A_383 : i32
        %swap3A_385 = arith.constant 2 : i32
        %swap3A_386 = arith.index_cast %swap3A_385 : i32 to index
        %swap3A_387 = arith.index_cast %add3A_384 : i32 to index
        %swap3A_388 = tpu.vector_load %arg10[%swap3A_386, %swap3A_387] {strides = array<i32>} : memref<4x4096xf32, #tpu.memory_space<vmem>>, vector<16xf32>,
        tpu.vector_store %arg10[%swap3A_386, %swap3A_387], %gather3A_382 {strides = array<i32>} : memref<4x4096xf32, #tpu.memory_space<vmem>>, vector<16xf32>,
        %add3A_389 = arith.constant 22 : i32
        %add3A_390 = vector.broadcast %add3A_389 : i32 to vector<16xi32>
        %add3A_391 = arith.addi %mul3A_5, %add3A_390 : vector<16xi32>
        %gather3A_392 = tpu.vector_load_idx %arg8[%add3A_139, %add3A_391] : memref<512x40xf32, #tpu.memory_space<vmem>>[vector<16xi32>, vector<16xi32>], vector<16xf32>,
        %add3A_393 = arith.constant 768 : i32
        %add3A_394 = arith.addi %add3A_170, %add3A_393 : i32
        %swap3A_395 = arith.constant 2 : i32
        %swap3A_396 = arith.index_cast %swap3A_395 : i32 to index
        %swap3A_397 = arith.index_cast %add3A_394 : i32 to index
        %swap3A_398 = tpu.vector_load %arg10[%swap3A_396, %swap3A_397] {strides = array<i32>} : memref<4x4096xf32, #tpu.memory_space<vmem>>, vector<16xf32>,
        tpu.vector_store %arg10[%swap3A_396, %swap3A_397], %gather3A_392 {strides = array<i32>} : memref<4x4096xf32, #tpu.memory_space<vmem>>, vector<16xf32>,
        %add3A_399 = arith.constant 23 : i32
        %add3A_400 = vector.broadcast %add3A_399 : i32 to vector<16xi32>
        %add3A_401 = arith.addi %mul3A_5, %add3A_400 : vector<16xi32>
        %gather3A_402 = tpu.vector_load_idx %arg8[%add3A_139, %add3A_401] : memref<512x40xf32, #tpu.memory_space<vmem>>[vector<16xi32>, vector<16xi32>], vector<16xf32>,
        %add3A_403 = arith.constant 896 : i32
        %add3A_404 = arith.addi %add3A_170, %add3A_403 : i32
        %swap3A_405 = arith.constant 2 : i32
        %swap3A_406 = arith.index_cast %swap3A_405 : i32 to index
        %swap3A_407 = arith.index_cast %add3A_404 : i32 to index
        %swap3A_408 = tpu.vector_load %arg10[%swap3A_406, %swap3A_407] {strides = array<i32>} : memref<4x4096xf32, #tpu.memory_space<vmem>>, vector<16xf32>,
        tpu.vector_store %arg10[%swap3A_406, %swap3A_407], %gather3A_402 {strides = array<i32>} : memref<4x4096xf32, #tpu.memory_space<vmem>>, vector<16xf32>,
        %add3A_409 = arith.constant 24 : i32
        %add3A_410 = vector.broadcast %add3A_409 : i32 to vector<16xi32>
        %add3A_411 = arith.addi %mul3A_5, %add3A_410 : vector<16xi32>
        %gather3A_412 = tpu.vector_load_idx %arg8[%add3A_139, %add3A_411] : memref<512x40xf32, #tpu.memory_space<vmem>>[vector<16xi32>, vector<16xi32>], vector<16xf32>,
        %add3A_413 = arith.constant 0 : i32
        %add3A_414 = arith.addi %add3A_170, %add3A_413 : i32
        %swap3A_415 = arith.constant 3 : i32
        %swap3A_416 = arith.index_cast %swap3A_415 : i32 to index
        %swap3A_417 = arith.index_cast %add3A_414 : i32 to index
        %swap3A_418 = tpu.vector_load %arg10[%swap3A_416, %swap3A_417] {strides = array<i32>} : memref<4x4096xf32, #tpu.memory_space<vmem>>, vector<16xf32>,
        tpu.vector_store %arg10[%swap3A_416, %swap3A_417], %gather3A_412 {strides = array<i32>} : memref<4x4096xf32, #tpu.memory_space<vmem>>, vector<16xf32>,
        %add3A_419 = arith.constant 25 : i32
        %add3A_420 = vector.broadcast %add3A_419 : i32 to vector<16xi32>
        %add3A_421 = arith.addi %mul3A_5, %add3A_420 : vector<16xi32>
        %gather3A_422 = tpu.vector_load_idx %arg8[%add3A_139, %add3A_421] : memref<512x40xf32, #tpu.memory_space<vmem>>[vector<16xi32>, vector<16xi32>], vector<16xf32>,
        %add3A_423 = arith.constant 128 : i32
        %add3A_424 = arith.addi %add3A_170, %add3A_423 : i32
        %swap3A_425 = arith.constant 3 : i32
        %swap3A_426 = arith.index_cast %swap3A_425 : i32 to index
        %swap3A_427 = arith.index_cast %add3A_424 : i32 to index
        %swap3A_428 = tpu.vector_load %arg10[%swap3A_426, %swap3A_427] {strides = array<i32>} : memref<4x4096xf32, #tpu.memory_space<vmem>>, vector<16xf32>,
        tpu.vector_store %arg10[%swap3A_426, %swap3A_427], %gather3A_422 {strides = array<i32>} : memref<4x4096xf32, #tpu.memory_space<vmem>>, vector<16xf32>,
        %add3A_429 = arith.constant 26 : i32
        %add3A_430 = vector.broadcast %add3A_429 : i32 to vector<16xi32>
        %add3A_431 = arith.addi %mul3A_5, %add3A_430 : vector<16xi32>
        %gather3A_432 = tpu.vector_load_idx %arg8[%add3A_139, %add3A_431] : memref<512x40xf32, #tpu.memory_space<vmem>>[vector<16xi32>, vector<16xi32>], vector<16xf32>,
        %add3A_433 = arith.constant 256 : i32
        %add3A_434 = arith.addi %add3A_170, %add3A_433 : i32
        %swap3A_435 = arith.constant 3 : i32
        %swap3A_436 = arith.index_cast %swap3A_435 : i32 to index
        %swap3A_437 = arith.index_cast %add3A_434 : i32 to index
        %swap3A_438 = tpu.vector_load %arg10[%swap3A_436, %swap3A_437] {strides = array<i32>} : memref<4x4096xf32, #tpu.memory_space<vmem>>, vector<16xf32>,
        tpu.vector_store %arg10[%swap3A_436, %swap3A_437], %gather3A_432 {strides = array<i32>} : memref<4x4096xf32, #tpu.memory_space<vmem>>, vector<16xf32>,
        %add3A_439 = arith.constant 27 : i32
        %add3A_440 = vector.broadcast %add3A_439 : i32 to vector<16xi32>
        %add3A_441 = arith.addi %mul3A_5, %add3A_440 : vector<16xi32>
        %gather3A_442 = tpu.vector_load_idx %arg8[%add3A_139, %add3A_441] : memref<512x40xf32, #tpu.memory_space<vmem>>[vector<16xi32>, vector<16xi32>], vector<16xf32>,
        %add3A_443 = arith.constant 384 : i32
        %add3A_444 = arith.addi %add3A_170, %add3A_443 : i32
        %swap3A_445 = arith.constant 3 : i32
        %swap3A_446 = arith.index_cast %swap3A_445 : i32 to index
        %swap3A_447 = arith.index_cast %add3A_444 : i32 to index
        %swap3A_448 = tpu.vector_load %arg10[%swap3A_446, %swap3A_447] {strides = array<i32>} : memref<4x4096xf32, #tpu.memory_space<vmem>>, vector<16xf32>,
        tpu.vector_store %arg10[%swap3A_446, %swap3A_447], %gather3A_442 {strides = array<i32>} : memref<4x4096xf32, #tpu.memory_space<vmem>>, vector<16xf32>,
        %add3A_449 = arith.constant 28 : i32
        %add3A_450 = vector.broadcast %add3A_449 : i32 to vector<16xi32>
        %add3A_451 = arith.addi %mul3A_5, %add3A_450 : vector<16xi32>
        %gather3A_452 = tpu.vector_load_idx %arg8[%add3A_139, %add3A_451] : memref<512x40xf32, #tpu.memory_space<vmem>>[vector<16xi32>, vector<16xi32>], vector<16xf32>,
        %add3A_453 = arith.constant 512 : i32
        %add3A_454 = arith.addi %add3A_170, %add3A_453 : i32
        %swap3A_455 = arith.constant 3 : i32
        %swap3A_456 = arith.index_cast %swap3A_455 : i32 to index
        %swap3A_457 = arith.index_cast %add3A_454 : i32 to index
        %swap3A_458 = tpu.vector_load %arg10[%swap3A_456, %swap3A_457] {strides = array<i32>} : memref<4x4096xf32, #tpu.memory_space<vmem>>, vector<16xf32>,
        tpu.vector_store %arg10[%swap3A_456, %swap3A_457], %gather3A_452 {strides = array<i32>} : memref<4x4096xf32, #tpu.memory_space<vmem>>, vector<16xf32>,
        %add3A_459 = arith.constant 29 : i32
        %add3A_460 = vector.broadcast %add3A_459 : i32 to vector<16xi32>
        %add3A_461 = arith.addi %mul3A_5, %add3A_460 : vector<16xi32>
        %gather3A_462 = tpu.vector_load_idx %arg8[%add3A_139, %add3A_461] : memref<512x40xf32, #tpu.memory_space<vmem>>[vector<16xi32>, vector<16xi32>], vector<16xf32>,
        %add3A_463 = arith.constant 640 : i32
        %add3A_464 = arith.addi %add3A_170, %add3A_463 : i32
        %swap3A_465 = arith.constant 3 : i32
        %swap3A_466 = arith.index_cast %swap3A_465 : i32 to index
        %swap3A_467 = arith.index_cast %add3A_464 : i32 to index
        %swap3A_468 = tpu.vector_load %arg10[%swap3A_466, %swap3A_467] {strides = array<i32>} : memref<4x4096xf32, #tpu.memory_space<vmem>>, vector<16xf32>,
        tpu.vector_store %arg10[%swap3A_466, %swap3A_467], %gather3A_462 {strides = array<i32>} : memref<4x4096xf32, #tpu.memory_space<vmem>>, vector<16xf32>,
        %add3A_469 = arith.constant 30 : i32
        %add3A_470 = vector.broadcast %add3A_469 : i32 to vector<16xi32>
        %add3A_471 = arith.addi %mul3A_5, %add3A_470 : vector<16xi32>
        %gather3A_472 = tpu.vector_load_idx %arg8[%add3A_139, %add3A_471] : memref<512x40xf32, #tpu.memory_space<vmem>>[vector<16xi32>, vector<16xi32>], vector<16xf32>,
        %add3A_473 = arith.constant 768 : i32
        %add3A_474 = arith.addi %add3A_170, %add3A_473 : i32
        %swap3A_475 = arith.constant 3 : i32
        %swap3A_476 = arith.index_cast %swap3A_475 : i32 to index
        %swap3A_477 = arith.index_cast %add3A_474 : i32 to index
        %swap3A_478 = tpu.vector_load %arg10[%swap3A_476, %swap3A_477] {strides = array<i32>} : memref<4x4096xf32, #tpu.memory_space<vmem>>, vector<16xf32>,
        tpu.vector_store %arg10[%swap3A_476, %swap3A_477], %gather3A_472 {strides = array<i32>} : memref<4x4096xf32, #tpu.memory_space<vmem>>, vector<16xf32>,
        %add3A_479 = arith.constant 31 : i32
        %add3A_480 = vector.broadcast %add3A_479 : i32 to vector<16xi32>
        %add3A_481 = arith.addi %mul3A_5, %add3A_480 : vector<16xi32>
        %gather3A_482 = tpu.vector_load_idx %arg8[%add3A_139, %add3A_481] : memref<512x40xf32, #tpu.memory_space<vmem>>[vector<16xi32>, vector<16xi32>], vector<16xf32>,
        %add3A_483 = arith.constant 896 : i32
        %add3A_484 = arith.addi %add3A_170, %add3A_483 : i32
        %swap3A_485 = arith.constant 3 : i32
        %swap3A_486 = arith.index_cast %swap3A_485 : i32 to index
        %swap3A_487 = arith.index_cast %add3A_484 : i32 to index
        %swap3A_488 = tpu.vector_load %arg10[%swap3A_486, %swap3A_487] {strides = array<i32>} : memref<4x4096xf32, #tpu.memory_space<vmem>>, vector<16xf32>,
        tpu.vector_store %arg10[%swap3A_486, %swap3A_487], %gather3A_482 {strides = array<i32>} : memref<4x4096xf32, #tpu.memory_space<vmem>>, vector<16xf32>,
      }
      %scan3A_97 = arith.constant 32 : i32
      %lt3A_98 = arith.constant 24 : i32
      %lt3A_99 = arith.cmpi slt, %scan3A_33, %lt3A_98 : i32
      %convert_element_type3A_100 = arith.extui %lt3A_99 : i1 to i32
      %cond3A_101 = arith.constant 0 : i32
      %cond3A_102 = arith.cmpi ne, %convert_element_type3A_100, %cond3A_101 : i32
      scf.if %cond3A_102 {
        %add3A_135 = arith.constant 2 : i32
        %add3A_136 = arith.addi %add3A_38, %add3A_135 : i32
        %mul3A_137 = arith.constant 512 : i32
        %mul3A_138 = arith.muli %add3A_136, %mul3A_137 : i32
        "tpu.region"() ({
          %run_scoped3A = tpu.sem_alloc : memref<!tpu.dma_semaphore, #tpu.memory_space<semaphore_mem>>
          %dma_start3A_142 = tpu.memref_slice %arg3[%mul3A_138] : memref<819200xi32, #tpu.memory_space<hbm>> -> memref<512xi32, #tpu.memory_space<hbm>>
          %dma_start3A_143 = tpu.memref_slice %arg3[%mul3A_138] : memref<819200xi32, #tpu.memory_space<hbm>> -> memref<512xi32, #tpu.memory_space<hbm>>
          tpu.enqueue_dma source(%dma_start3A_143 : memref<512xi32, #tpu.memory_space<hbm>>) target(%arg6 : memref<512xi32, #tpu.memory_space<vmem>>) target_semaphore(%run_scoped3A : memref<!tpu.dma_semaphore, #tpu.memory_space<semaphore_mem>>)
          %dma_wait3A_144 = tpu.memref_slice %arg3[%mul3A_138] : memref<819200xi32, #tpu.memory_space<hbm>> -> memref<512xi32, #tpu.memory_space<hbm>>
          %dma_wait3A_145 = tpu.memref_slice %arg3[%mul3A_138] : memref<819200xi32, #tpu.memory_space<hbm>> -> memref<512xi32, #tpu.memory_space<hbm>>
          tpu.wait_dma2 semaphore(%run_scoped3A : memref<!tpu.dma_semaphore, #tpu.memory_space<semaphore_mem>>) src(%dma_wait3A_145 : memref<512xi32, #tpu.memory_space<hbm>>) dst(%arg6 : memref<512xi32, #tpu.memory_space<vmem>>)
          tpu.yield
        }) : () -> ()
        %dma_start3A_139 = arith.constant 0 : i32
        %dma_start3A_140 = arith.constant 0 : i32
        %dma_start3A_141 = tpu.memref_slice %arg2[%dma_start3A_139, %dma_start3A_140] : memref<1000064x40xf32, #tpu.memory_space<hbm>> -> memref<1000064x40xf32, #tpu.memory_space<hbm>>
        tpu.enqueue_indirect_dma source(%dma_start3A_141 : memref<1000064x40xf32, #tpu.memory_space<hbm>>) target(%arg8 : memref<512x40xf32, #tpu.memory_space<vmem>>) offsets(%arg6 : memref<512xi32, #tpu.memory_space<vmem>>) semaphore(%arg12 : memref<!tpu.dma_semaphore, #tpu.memory_space<semaphore_mem>>)
      } else {
      }
      %jit3A_103 = arith.constant 8 : i32
      %div3A_104 = arith.divsi %add3A_38, %jit3A_103 : i32
      %sign3A_105 = arith.constant 0 : i32
      %sign3A_106 = arith.cmpi sgt, %add3A_38, %sign3A_105 : i32
      %sign3A_107 = arith.extui %sign3A_106 : i1 to i32
      %sign3A_108 = arith.constant 0 : i32
      %sign3A_109 = arith.cmpi slt, %add3A_38, %sign3A_108 : i32
      %sign3A_110 = arith.extui %sign3A_109 : i1 to i32
      %sign3A_111 = arith.subi %sign3A_107, %sign3A_110 : i32
      %sign3A_112 = arith.constant 0 : i32
      %sign3A_113 = arith.cmpi sgt, %jit3A_103, %sign3A_112 : i32
      %sign3A_114 = arith.extui %sign3A_113 : i1 to i32
      %sign3A_115 = arith.constant 0 : i32
      %sign3A_116 = arith.cmpi slt, %jit3A_103, %sign3A_115 : i32
      %sign3A_117 = arith.extui %sign3A_116 : i1 to i32
      %sign3A_118 = arith.subi %sign3A_114, %sign3A_117 : i32
      %ne3A_119 = arith.cmpi ne, %sign3A_111, %sign3A_118 : i32
      %rem3A_120 = arith.remsi %add3A_38, %jit3A_103 : i32
      %ne3A_121 = arith.constant 0 : i32
      %ne3A_122 = arith.cmpi ne, %rem3A_120, %ne3A_121 : i32
      %and3A_123 = arith.andi %ne3A_119, %ne3A_122 : i1
      %sub3A_124 = arith.constant 1 : i32
      %sub3A_125 = arith.subi %div3A_104, %sub3A_124 : i32
      %select_n3A_126 = arith.select %and3A_123, %sub3A_125, %div3A_104 : i32
      %rem3A_127 = arith.constant 8 : i32
      %rem3A_128 = arith.remsi %add3A_38, %rem3A_127 : i32
      %mul3A_129 = arith.constant 4 : i32
      %mul3A_130 = arith.muli %select_n3A_126, %mul3A_129 : i32
      %mul3A_131 = arith.constant 4096 : i32
      %mul3A_132 = arith.muli %rem3A_128, %mul3A_131 : i32
      %dma_start3A_133 = tpu.memref_slice %arg4[%mul3A_130, %mul3A_132] : memref<800x32768xf32, #tpu.memory_space<hbm>> -> memref<4x4096xf32, #tpu.memory_space<hbm>>
      %dma_start3A_134 = tpu.memref_slice %arg4[%mul3A_130, %mul3A_132] : memref<800x32768xf32, #tpu.memory_space<hbm>> -> memref<4x4096xf32, #tpu.memory_space<hbm>>
      tpu.enqueue_dma source(%arg10 : memref<4x4096xf32, #tpu.memory_space<vmem>>) target(%dma_start3A_134 : memref<4x4096xf32, #tpu.memory_space<hbm>>) target_semaphore(%arg14 : memref<!tpu.dma_semaphore, #tpu.memory_space<semaphore_mem>>)
    }
    %scan3A_21 = arith.constant 25 : i32
    %dma_wait3A = arith.constant 0 : i32
    %dma_wait3A_22 = arith.constant 0 : i32
    %dma_wait3A_23 = tpu.memref_slice %arg4[%dma_wait3A, %dma_wait3A_22] : memref<800x32768xf32, #tpu.memory_space<hbm>> -> memref<4x4096xf32, #tpu.memory_space<hbm>>
    %dma_wait3A_24 = arith.constant 0 : i32
    %dma_wait3A_25 = arith.constant 0 : i32
    %dma_wait3A_26 = tpu.memref_slice %arg4[%dma_wait3A_24, %dma_wait3A_25] : memref<800x32768xf32, #tpu.memory_space<hbm>> -> memref<4x4096xf32, #tpu.memory_space<hbm>>
    tpu.wait_dma2 semaphore(%arg13 : memref<!tpu.dma_semaphore, #tpu.memory_space<semaphore_mem>>) src(%dma_wait3A_26 : memref<4x4096xf32, #tpu.memory_space<hbm>>) dst(%arg9 : memref<4x4096xf32, #tpu.memory_space<vmem>>)
    %dma_wait3A_27 = arith.constant 0 : i32
    %dma_wait3A_28 = arith.constant 0 : i32
    %dma_wait3A_29 = tpu.memref_slice %arg4[%dma_wait3A_27, %dma_wait3A_28] : memref<800x32768xf32, #tpu.memory_space<hbm>> -> memref<4x4096xf32, #tpu.memory_space<hbm>>
    %dma_wait3A_30 = arith.constant 0 : i32
    %dma_wait3A_31 = arith.constant 0 : i32
    %dma_wait3A_32 = tpu.memref_slice %arg4[%dma_wait3A_30, %dma_wait3A_31] : memref<800x32768xf32, #tpu.memory_space<hbm>> -> memref<4x4096xf32, #tpu.memory_space<hbm>>
    tpu.wait_dma2 semaphore(%arg14 : memref<!tpu.dma_semaphore, #tpu.memory_space<semaphore_mem>>) src(%dma_wait3A_32 : memref<4x4096xf32, #tpu.memory_space<hbm>>) dst(%arg10 : memref<4x4096xf32, #tpu.memory_space<vmem>>)
    return
  }
}

</mosaic_0001>

<sc_bundles>
// kernel: kernel.4.cloned.1.call-start
scs
__scs_entry_jumppad:
0x0: {  	(pc) =	sbr.rel $0x88, $3  }
0x1: {  	(tag) =	ssettag $0x0;
	lr =	simm.s32 $0x1  }
0x2: {  	[smem:$0x3F9F] =	sst lr;
	_ =	strace $0xD0000000  }
0x3: {  	_ = 	snop  }
0x4: {  	_ = 	snop  }
0x5: {  	_ = 	snop  }
0x6: {  	_ = 	snop  }
0x7: {  	_ = 	snop  }
__scs_overlays_trampoline_lowered:
0x8: {  	[smem:$0x3FAE] =	sst s0  }
0x9: {  	[smem:$0x3FAF] =	sst s1  }
0xa: {  	[smem:$0x3FB0] =	sst s2  }
0xb: {  	[smem:$0x3FB1] =	sst s3  }
0xc: {  	[smem:$0x3FB2] =	sst s4  }
0xd: {  	[smem:$0x3FB3] =	sst s5  }
0xe: {  	[smem:$0x3FB4] =	sst s6  }
0xf: {  	[smem:$0x3FB5] =	sst s7  }
0x10: {  	[smem:$0x3FB6] =	sst s8  }
0x11: {  	[smem:$0x3FB7] =	sst s9;
	s0 =	simm.s32 @!p0 $0x0  }
0x12: {  	s1 =	sld [smem:$0x3F9D];
	s0 =	simm.s32 @p0 $0x1  }
0x13: {  	[smem:$0x3FB8] =	sst s0;
	s0 =	simm.s32 @!p1 $0x0  }
0x14: {  	s2 =	sld [smem:$0x3F9C];
	s0 =	simm.s32 @p1 $0x1  }
0x15: {  	[smem:$0x3FB9] =	sst s0;
	s0 =	simm.s32 @!p2 $0x0  }
0x16: {  	s3 =	sld [smem:$0x3FDB];
	s0 =	simm.s32 @p2 $0x1  }
0x17: {  	s4 =	simm.s32 $0x1BF5;
	[smem:$0x3FBB] =	sst s0  }
0x18: {  	s0 =	sld [smem:$0x3F9E];
	_ =	swait.ge [sflag:s4], $0x0  }
0x19: {  	s7 =	sld [smem:$0x3F9F]  }
0x1a: {  	s8 =	sadd.s32 $0xFFFFE003, lr  }
0x1b: {  	s9 =	sadd.s32 $0xFFFFFEF7, lr;
	s5 =	simm.s32 $0xFFFFFFFF;
	p2 =	slt.u32 s8, $0xFFFFF086  }
0x1c: {  	p1 =	slt.u32 s9, $0xF7A;
	s5 =	simm.s32 @!p2 $0x0  }
0x1d: {  	s5 =	simm.s32 @p1 $0x1;
	p0 =	seq.s32 s7, s2  }
0x1e: {  	s7 =	smul.u32 @!p0 $0xF7A, s2;
	p2 =	seq.s32 @!p0 s5, $0x0  }
0x1f: {  	s9 =	smul.u32 $0xF7A, s1;
	s8 =	simm.s32 @!p0 $0x1BF5;
	p2 =	por !p2, p0  }
0x20: {  	[sflag:s8] =	ssyncset.s32 @!p0 $0xFFFFF086;
	s6 =	sadd.s32 @!p0 s3, s7;
	s7 =	simm.s32 @!p0 $0x108  }
0x21: {  	s3 =	sadd.s32 s3, s9;
	s6 =	sadd.s32 @!p0 $0x88, s6;
	s7 =	simm.s32 @p2 $0x1082  }
0x22: {  	[simem:s7], [sflag:s8] =	dma.local @!p0 [hbm:s6], $0xF7A  }
0x23: {  	s9 =	sor.u32 $0xD0000000, s2;
	s6 =	simm.s32 $0x108;
	_ =	swait.ge @!p0 [sflag:s8], $0x0  }
0x24: {  	s3 =	sadd.s32 $0x88, s3;
	s6 =	simm.s32 @!p1 $0x1082;
	[sflag:s4] =	ssyncset.s32 $0xFFFFF086  }
0x25: {  	[simem:s6], [sflag:s4] =	dma.local [hbm:s3], $0xF7A  }
0x26: {  	[smem:$0x3F9F] =	sst s1;
	(tag) =	ssettag s2;
	_ =	strace s9  }
0x27: {  	s1 =	sld [smem:$0x3FAF]  }
0x28: {  	s2 =	sld [smem:$0x3FB0]  }
0x29: {  	s4 =	sld [smem:$0x3FB2]  }
0x2a: {  	p0 =	seq.s32 s5, $0x0;
	s5 =	sld [smem:$0x3FB3]  }
0x2b: {  	s6 =	sld [smem:$0x3FB4]  }
0x2c: {  	s7 =	sld [smem:$0x3FB5]  }
0x2d: {  	s3 =	simm.s32 $0x108;
	s8 =	sld [smem:$0x3FB6]  }
0x2e: {  	s3 =	simm.s32 @!p0 $0x1082;
	s9 =	sld [smem:$0x3FB7]  }
0x2f: {  	lr =	sadd.s32 s0, s3;
	s0 =	sld [smem:$0x3FAE]  }
0x30: {  	s3 =	sld [smem:$0x3FB1]  }
0x31: {  	[smem:$0x3FBA] =	sst s10  }
0x32: {  	s10 =	sld [smem:$0x3FB8];
	_ =	sdelay $0x3  }
0x33: {  	p0 =	seq.s32 s10, $0x1;
	s10 =	sld [smem:$0x3FBA];
	_ =	sdelay $0x3  }
0x34: {  	[smem:$0x3FBA] =	sst s10  }
0x35: {  	s10 =	sld [smem:$0x3FB9];
	_ =	sdelay $0x3  }
0x36: {  	p1 =	seq.s32 s10, $0x1;
	s10 =	sld [smem:$0x3FBA];
	_ =	sdelay $0x3  }
0x37: {  	[smem:$0x3FBA] =	sst s10  }
0x38: {  	s10 =	sld [smem:$0x3FBB]  }
0x39: {  	_ = 	snop;
	(pc) =	sbr.ind lr, $3  }
0x3a: {  	_ = 	snop  }
0x3b: {  	_ = 	snop  }
0x3c: {  	p2 =	seq.s32 s10, $0x1;
	s10 =	sld [smem:$0x3FBA]  }
0x3d: {  	_ =	shalt  }
0x3e: {  	_ =	shalt  }
0x3f: {  	_ =	shalt  }
0x40: {  	_ =	shalt  }
0x41: {  	_ =	shalt  }
0x42: {  	_ =	shalt  }
0x43: {  	_ =	shalt  }
0x44: {  	_ =	shalt  }
0x45: {  	_ =	shalt  }
0x46: {  	_ =	shalt  }
0x47: {  	_ =	shalt  }
0x48: {  	_ =	shalt  }
0x49: {  	_ =	shalt  }
0x4a: {  	_ =	shalt  }
0x4b: {  	_ =	shalt  }
0x4c: {  	_ =	shalt  }
0x4d: {  	_ =	shalt  }
0x4e: {  	_ =	shalt  }
0x4f: {  	_ =	shalt  }
0x50: {  	_ =	shalt  }
0x51: {  	_ =	shalt  }
0x52: {  	_ =	shalt  }
0x53: {  	_ =	shalt  }
0x54: {  	_ =	shalt  }
0x55: {  	_ =	shalt  }
0x56: {  	_ =	shalt  }
0x57: {  	_ =	shalt  }
0x58: {  	_ =	shalt  }
0x59: {  	_ =	shalt  }
0x5a: {  	_ =	shalt  }
0x5b: {  	_ =	shalt  }
0x5c: {  	_ =	shalt  }
0x5d: {  	_ =	shalt  }
0x5e: {  	_ =	shalt  }
0x5f: {  	_ =	shalt  }
0x60: {  	_ =	shalt  }
0x61: {  	_ =	shalt  }
0x62: {  	_ =	shalt  }
0x63: {  	_ =	shalt  }
0x64: {  	_ =	shalt  }
0x65: {  	_ =	shalt  }
0x66: {  	_ =	shalt  }
0x67: {  	_ =	shalt  }
0x68: {  	_ =	shalt  }
0x69: {  	_ =	shalt  }
0x6a: {  	_ =	shalt  }
0x6b: {  	_ =	shalt  }
0x6c: {  	_ =	shalt  }
0x6d: {  	_ =	shalt  }
0x6e: {  	_ =	shalt  }
0x6f: {  	_ =	shalt  }
0x70: {  	_ =	shalt  }
0x71: {  	_ =	shalt  }
0x72: {  	_ =	shalt  }
0x73: {  	_ =	shalt  }
0x74: {  	_ =	shalt  }
0x75: {  	_ =	shalt  }
0x76: {  	_ =	shalt  }
0x77: {  	_ =	shalt  }
0x78: {  	_ =	shalt  }
0x79: {  	_ =	shalt  }
0x7a: {  	_ =	shalt  }
0x7b: {  	_ =	shalt  }
0x7c: {  	_ =	shalt  }
0x7d: {  	_ =	shalt  }
0x7e: {  	_ =	shalt  }
0x7f: {  	_ =	shalt  }
0x80: {  	_ =	shalt  }
0x81: {  	_ =	shalt  }
0x82: {  	_ =	shalt  }
0x83: {  	_ =	shalt  }
0x84: {  	_ =	shalt  }
0x85: {  	_ =	shalt  }
0x86: {  	_ =	shalt  }
0x87: {  	_ =	shalt  }
.Lfunc_end0:
.L_simem_size_0:
called_computation_lowered:
.L_overlay_start_0:
0x88: {  	s2 =	sld [smem:$0x3FD9]  }
0x89: {  	s3 =	sld [smem:$0x3FFE];
	_ =	sdelay $0x1  }
0x8a: {  	s1 =	srdreg.scid  }
0x8b: {  	s0 =	sand.u32 $0x1, s1  }
0x8c: {  	s17 =	sshll.u32 s0, $0xA;
	s2 =	sadd.s32 s3, s2  }
0x8d: {  	s2 =	sadd.s32 s2, s17  }
0x8e: {  	[smem:$0x3FC6] =	sst s2  }
0x8f: {  	_ = 	snop  }
0x90: {  	s2 =	sld [smem:$0x3FC8]  }
0x91: {  	s18 =	sld [smem:$0x3FD0];
	(tm) =	ssettm $0x1  }
0x92: {  	s4 =	sld [smem:$0x3FFB];
	_ =	sdelay $0x3  }
0x93: {  	_ =	strace s4  }
0x94: {  	s4 =	sld [smem:$0x3FFC];
	_ =	sdelay $0x3  }
0x95: {  	_ =	strace s4  }
0x96: {  	s4 =	sld [smem:$0x3FFD];
	_ =	sdelay $0x3  }
0x97: {  	_ =	strace s4  }
0x98: {  	_ =	strace $0x8FFFFFFF  }
0x99: {  	s19 =	sld [smem:$0x3FDB];
	_ =	sdelay $0x1  }
0x9a: {  	s5 =	simm.s32 $_scs_section_size  }
0x9b: {  	s6 =	simm.s32 $_size__tile_overlayer_lowered;
	s7 =	simm.s32 $_tile_overlayer_lowered  }
0x9c: {  	s22 =	simm.s32 $0x1BFF;
	s21 =	sshll.u32 s7, $0x1;
	s4 =	sadd.s32 s5, s19  }
0x9d: {  	s8 =	simm.s32 $0x0;
	s20 =	sshll.u32 s6, $0x1;
	s6 =	sadd.s32 s21, s4  }
0x9e: {  	[timem:s8], [sflag:s22] =	dma.local [hbm:s6], s20  }
0x9f: {  	_ =	swait.ge [sflag:s22], s20  }
0xa0: {  	s5 =	ssub.s32 $0x0, s20;
	[sflag:s22] =	ssyncset.done $0x0  }
0xa1: {  	[sflag:s22] =	ssyncadd.s32 s5;
	_ =	sdelay $0x1  }
0xa2: {  	s23 =	simm.s32 $0x1B8B  }
0xa3: {  	_ =	swait.ge [sflag:s23], $0x1  }
0xa4: {  	[sflag:s23] =	ssyncset.done $0x0  }
0xa5: {  	s25 =	simm.s32 $0x1B8E;
	s24 =	sld [smem:$0x3FFE];
	[sflag:s23] =	ssyncadd.s32 $0xFFFFFFFF  }
0xa6: {  	s26 =	simm.s32 $execute0_lowered;
	[smem:$0x3FD2] =	sst s25  }
0xa7: {  	s6 =	sshll.u32 s26, $0x1;
	_ =	strace $0x80000046;
	[dreg:$0x1] =	wrdreg $0xFFFFFFFF  }
0xa8: {  	s28 =	simm.s32 $_size_execute0_lowered;
	s4 =	sadd.s32 s4, s6;
	[dreg:$0x0] =	wrdreg $0x0  }
0xa9: {  	s6 =	sshll.u32 s28, $0x1;
	[dreg:$0x2] =	wrdreg s4  }
0xaa: {  	[dreg:$0x3] =	wrdreg s6  }
0xab: {  	[dreg:$0x4] =	wrdreg $0xC0  }
0xac: {  	_ =	task [dreg:s8], $0x5FFFF  }
0xad: {  	[dreg:$0x1] =	wrdreg $0xFFFFFFFF  }
0xae: {  	[dreg:$0x0] =	wrdreg $0x60  }
0xaf: {  	[dreg:$0x2] =	wrdreg s2  }
0xb0: {  	[dreg:$0x3] =	wrdreg s18  }
0xb1: {  	[dreg:$0x4] =	wrdreg s24  }
0xb2: {  	[dreg:$0x5] =	wrdreg $0x9  }
0xb3: {  	_ =	task.clear_ibuf [dreg:s8], $0x6FFFF;
	_ =	strace $0x90000046  }
0xb4: {  	s29 =	simm.s32 $0x9;
	_ =	strace $0x80000048  }
0xb5: {  	_ =	swait.ge [sflag:s29], $0x1  }
0xb6: {  	[sflag:s29] =	ssyncadd.s32 $0xFFFFFFFF  }
0xb7: {  	_ =	strace $0x90000048  }
0xb8: {  	_ =	sfence  }
0xb9: {  	s30 =	sld [smem:$0x0];
	_ =	sdelay $0x2  }
0xba: {  	s31 =	sshll.u32 s1, $0xD;
	s1 =	sshrl.u32 s1, $0x2  }
0xbb: {  	s3 =	sand.u32 $0x4000, s31;
	s1 =	sadd.s32 s1, s30  }
0xbc: {  	s0 =	sor.u32 s3, s0;
	s1 =	sshll.u32 s1, $0x11  }
0xbd: {  	s0 =	sor.u32 s1, s0  }
0xbe: {  	s0 =	sadd.s32 $0x8F2B, s0  }
0xbf: {  	[sflag:s0] =	ssyncadd.remote.s32 $0x1  }
0xc0: {  	_ =	sfence.sel $0xFFFF  }
0xc1: {  	[dreg:$0x0] =	wrdreg $0xFFFFFFFF;
	(pc) =	sbr.abs _section_cstart, $3  }
0xc2: {  	[dreg:$0x1] =	wrdreg $0xFFFFFFFF  }
0xc3: {  	_ =	task.clear_ibuf [dreg:s8], $0x2FFFF;
	_ =	strace $0x9FFFFFFF  }
0xc4: {  	(tm) =	ssettm $0x7FFFFFFF  }
0xc5: {  	_ =	shalt  }
tec
execute0_lowered:
.L_overlay_start_1:
0x0: {  	(tag) =	ssettag $0x1  }
0x1: {  	v0 =	vimm.s32 $0x38106840;
	v1 =	vlaneseq.u32;
	v3 =	vimm.s32 $0x78502800  }
0x2: {  	v4 =	vimm.s32 $0x18704820;
	vm0 =	vcmask $0x1F10;
	v2 =	vunpack.c.0.s8.s32 v0  }
0x3: {  	v0 =	vimm.s32 $0x58300860;
	v3 =	vunpack.c.0.s8.s32 v3;
	v4 =	vunpack.c.0.s8.s32 v4  }
0x4: {  	v5 =	vunpack.c.0.s8.s32 v0;
	v0 =	vmul.u32 $0x20, v1;
	v1 =	vmul.u32 $0x28, v1  }
0x5: {  	v3 =	vsel vm0, v4, v3  }
0x6: {  	v2 =	vsel vm0, v5, v2;
	v6 =	vor.u32 $0x2, v1;
	v7 =	vor.u32 $0x3, v0  }
0x7: {  	v8 =	vor.u32 $0x3, v1;
	v9 =	vor.u32 $0x4, v0;
	v10 =	vor.u32 $0x4, v1  }
0x8: {  	v11 =	vor.u32 $0x5, v0;
	v12 =	vor.u32 $0x5, v1;
	v13 =	vor.u32 $0x6, v0  }
0x9: {  	v14 =	vor.u32 $0x6, v1;
	v15 =	vor.u32 $0x7, v0;
	v16 =	vor.u32 $0x7, v1  }
0xa: {  	v17 =	vor.u32 $0x8, v0;
	v18 =	vadd.s32 $0x8, v1;
	v19 =	vor.u32 $0x9, v0  }
0xb: {  	v20 =	vadd.s32 $0x9, v1;
	v21 =	vor.u32 $0xA, v0;
	v22 =	vadd.s32 $0xA, v1  }
0xc: {  	v23 =	vor.u32 $0xB, v0;
	v24 =	vadd.s32 $0xB, v1;
	v25 =	vor.u32 $0xC, v0  }
0xd: {  	v26 =	vadd.s32 $0xC, v1;
	v27 =	vor.u32 $0xD, v0;
	v28 =	vadd.s32 $0xD, v1  }
0xe: {  	v29 =	vor.u32 $0xE, v0;
	v30 =	vadd.s32 $0xE, v1;
	v31 =	vor.u32 $0xF, v0  }
0xf: {  	s0 =	rddreg [dreg:$0x0];
	v32 =	vadd.s32 $0xF, v1;
	v33 =	vor.u32 $0x10, v0;
	v34 =	vadd.s32 $0x10, v1  }
0x10: {  	s1 =	rddreg [dreg:$0x1];
	v35 =	vor.u32 $0x11, v0;
	v36 =	vadd.s32 $0x11, v1;
	v37 =	vor.u32 $0x12, v0  }
0x11: {  	s7 =	rddreg [dreg:$0x2];
	s4 =	srdreg.scid;
	v38 =	vadd.s32 $0x12, v1;
	v39 =	vor.u32 $0x13, v0;
	v40 =	vadd.s32 $0x13, v1  }
0x12: {  	s2 =	rddreg [dreg:$0x3];
	s3 =	simm.s32 $0x0;
	s10 =	simm.s32 $0x7A1400;
	v41 =	vor.u32 $0x14, v0;
	v42 =	vadd.s32 $0x14, v1;
	v43 =	vor.u32 $0x15, v0  }
0x13: {  	s11 =	simm.s32 $0x1;
	s12 =	simm.s32 $0x8000;
	s13 =	simm.s32 $0x2;
	v44 =	vadd.s32 $0x15, v1;
	v45 =	vor.u32 $0x16, v0;
	v46 =	vadd.s32 $0x16, v1  }
0x14: {  	s14 =	simm.s32 $0xD000;
	s15 =	simm.s32 $0x3;
	s16 =	simm.s32 $0x4;
	v47 =	vor.u32 $0x17, v0;
	v48 =	vadd.s32 $0x17, v1;
	v49 =	vor.u32 $0x18, v0  }
0x15: {  	s17 =	simm.s32 $0x12000;
	s18 =	simm.s32 $0x5;
	s19 =	simm.s32 $0x0;
	v50 =	vadd.s32 $0x18, v1;
	v51 =	vor.u32 $0x19, v0;
	v52 =	vadd.s32 $0x19, v1  }
.Ltmp0:
0x16: {  	s6 =	sand.u32 $0x1, s4;
	[smem:$0x7FF] =	sst s3;
	v53 =	vor.u32 $0x1A, v0;
	v2 =	vcombine.low v3, v2;
	v3 =	vor.u32 $0x1, v0;
	(pc) =	sbr.rel .LBB2_1-.Ltmp0, $4  }
0x17: {  	s4 =	stileid.u32;
	s5 =	sadd.s32 $0xA00, s7;
	s8 =	ssub.s32 $0x2, s6;
	v54 =	vadd.s32 $0x1A, v1;
	v55 =	vor.u32 $0x1B, v0;
	[tilespmem:$0x1FFD0] =	vst v3;
	v3 =	vor.u32 $0x1, v1  }
0x18: {  	s7 =	sadd.s32 $0x4C5400, s7;
	s31 =	sshll.u32 s4, $0x1;
	s9 =	sshrl.u32 s8, $0x1;
	v56 =	vadd.s32 $0x1B, v1;
	v57 =	vor.u32 $0x1C, v0;
	[tilespmem:$0x1FFE0] =	vst v3;
	v3 =	vor.u32 $0x2, v0  }
0x19: {  	s6 =	sor.u32 s6, s31;
	s8 =	ssub.s32 s8, s9;
	s9 =	simm.s32 $0x1000;
	v58 =	vadd.s32 $0x1C, v1;
	v59 =	vor.u32 $0x1D, v0;
	v60 =	vadd.s32 $0x1D, v1;
	[tilespmem:$0x1FFF0] =	vst v3  }
0x1a: {  	p0 =	sne.s32 s6, $0x0;
	v61 =	vor.u32 $0x1E, v0;
	v62 =	vadd.s32 $0x1E, v1;
	v63 =	vor.u32 $0x1F, v0;
	s8 =	smax.u32 s8, $0x1;
	_ =	strace $0x80000047  }
.LBB2_9:
0x1b: {  	_ =	swait.ge [sflag:s15], $0x5000  }
.Ltmp1:
0x1c: {  	[sflag:s15] =	ssyncset.done $0x0;
	(pc) =	sbr.rel @!p0 .LBB2_10-.Ltmp1, $4  }
0x1d: {  	[sflag:s15] =	ssyncadd.s32 $0xFFFFB000  }
0x1e: {  	_ =	swait.ge [sflag:s16], $0x5000  }
0x1f: {  	[sflag:s16] =	ssyncset.done $0x0  }
0x20: {  	[sflag:s16] =	ssyncadd.s32 $0xFFFFB000  }
.LBB2_11:
0x21: {  	s19 =	sadd.s32 $0x1, s19  }
0x22: {  	p1 =	sne.s32 s19, s8  }
.Ltmp2:
0x23: {  	_ = 	snop;
	(pc) =	sbr.rel @!p1 .LBB2_12-.Ltmp2, $1  }
0x24: {  	_ =	sdelay $0x3  }
.LBB2_1:
.Ltmp3:
0x25: {  	(pc) =	sbr.rel .LBB2_2-.Ltmp3, $2  }
0x26: {  	_ =	sdelay $0x2  }
0x27: {  	s20 =	simm.s32 $0x0  }
.LBB2_8:
0x28: {  	s20 =	sadd.s32 $0x1, s20  }
0x29: {  	p1 =	sne.s32 s20, $0x1F  }
.Ltmp4:
0x2a: {  	_ = 	snop;
	(pc) =	sbr.rel @!p1 .LBB2_9-.Ltmp4, $1  }
0x2b: {  	_ =	sdelay $0x3  }
.LBB2_2:
0x2c: {  	s21 =	sshll.u32 s20, $0x6  }
0x2d: {  	s22 =	sor.u32 s6, s21  }
0x2e: {  	s23 =	sshll.u32 s22, $0x9;
	s21 =	sor.u32 $0x20, s22  }
0x2f: {  	s23 =	sadd.s32 s0, s23;
	p2 =	sgt.u32 s21, $0x7A0  }
0x30: {  	[tilespmem:s3], [sflag:$0x1] =	stream.strided.gather [hbm4b:s23+s9], $0x4000, s10, s9, $0x38;
	[tilespmem:$0x12880] =	vst v63  }
0x31: {  	s23 =	sshll.u32 @!p2 s21, $0x9;
	s24 =	simm.s32 @!p2 $0x1000  }
0x32: {  	s25 =	simm.s32 @!p2 $0x7A1400;
	s26 =	simm.s32 @!p2 $0x4000;
	s23 =	sadd.s32 @!p2 s0, s23  }
0x33: {  	[tilespmem:s26], [sflag:$0x2] =	stream.strided.gather @!p2 [hbm4b:s23+s24], $0x4000, s25, s24, $0x38;
	[tilespmem:$0x12880] =	vst v63  }
0x34: {  	_ =	swait.ge [sflag:s11], $0x4000  }
0x35: {  	p1 =	seq.s32 s20, $0x0;
	[sflag:s11] =	ssyncset.done $0x0  }
0x36: {  	s23 =	simm.s32 @!p1 $0x3;
	[sflag:s11] =	ssyncadd.s32 $0xFFFFC000  }
0x37: {  	s30 =	simm.s32 $0x0;
	s24 =	simm.s32 $0x0;
	_ =	swait.ge @!p1 [sflag:s23], $0x5000  }
0x38: {  	v3 =	vadd.s32 s30, v1;
	s31 =	sand.u32 $0x70, s24;
	s28 =	sand.u32 $0xC00, s24;
	[sflag:s23] =	ssyncset.done @!p1 $0x0  }
0x39: {  	v3 =	vand.u32 $0xFF80, v3;
	s25 =	sor.u32 s31, s28;
	[sflag:s23] =	ssyncadd.s32 @!p1 $0xFFFFB000  }
0x3a: {  	v3 =	vor.u32 v2, v3;
	v4 =	vld [tilespmem:s25+$0x0];
	_ =	sdelay $0x4  }
0x3b: {  	s26 =	simm.s32 $0x1;
	[tilespmem:v3+s12+$0x0] =	vst.idx.msk $0xffff, v4  }
0x3c: {  	v4 =	vadd.s32 s26, v1;
	v3 =	vld [tilespmem:s25+$0x80];
	_ =	sdelay $0x4  }
0x3d: {  	s29 =	simm.s32 $0x2;
	[tilespmem:v4+s12+$0x0] =	vst.idx.msk $0xffff, v3  }
0x3e: {  	v4 =	vadd.s32 s29, v1;
	v3 =	vld [tilespmem:s25+$0x100];
	_ =	sdelay $0x4  }
0x3f: {  	s30 =	simm.s32 $0x3;
	[tilespmem:v4+s12+$0x0] =	vst.idx.msk $0xffff, v3  }
0x40: {  	v4 =	vadd.s32 s30, v1;
	v3 =	vld [tilespmem:s25+$0x180];
	_ =	sdelay $0x4  }
0x41: {  	s31 =	simm.s32 $0x4;
	[tilespmem:v4+s12+$0x0] =	vst.idx.msk $0xffff, v3  }
0x42: {  	v4 =	vadd.s32 s31, v1;
	v3 =	vld [tilespmem:s25+$0x200];
	_ =	sdelay $0x4  }
0x43: {  	s26 =	simm.s32 $0x5;
	[tilespmem:v4+s12+$0x0] =	vst.idx.msk $0xffff, v3  }
0x44: {  	v4 =	vadd.s32 s26, v1;
	v3 =	vld [tilespmem:s25+$0x280];
	_ =	sdelay $0x4  }
0x45: {  	s29 =	simm.s32 $0x6;
	[tilespmem:v4+s12+$0x0] =	vst.idx.msk $0xffff, v3  }
0x46: {  	v4 =	vadd.s32 s29, v1;
	v3 =	vld [tilespmem:s25+$0x300];
	_ =	sdelay $0x3  }
0x47: {  	s30 =	sor.u32 s24, s24  }
0x48: {  	s23 =	sor.u32 $0x380, s30;
	s31 =	simm.s32 $0x7;
	[tilespmem:v4+s12+$0x0] =	vst.idx.msk $0xffff, v3  }
0x49: {  	v4 =	vadd.s32 s31, v1;
	v3 =	vld [tilespmem:s23+$0x0];
	_ =	sdelay $0x4  }
0x4a: {  	s26 =	simm.s32 $0x8;
	[tilespmem:v4+s12+$0x0] =	vst.idx.msk $0xffff, v3  }
0x4b: {  	v4 =	vadd.s32 s26, v1;
	v3 =	vld [tilespmem:s25+$0x1000];
	_ =	sdelay $0x4  }
0x4c: {  	s29 =	simm.s32 $0x9;
	[tilespmem:v4+s12+$0x0] =	vst.idx.msk $0xffff, v3  }
0x4d: {  	v4 =	vadd.s32 s29, v1;
	v3 =	vld [tilespmem:s25+$0x1080];
	_ =	sdelay $0x4  }
0x4e: {  	s30 =	simm.s32 $0xA;
	[tilespmem:v4+s12+$0x0] =	vst.idx.msk $0xffff, v3  }
0x4f: {  	v4 =	vadd.s32 s30, v1;
	v3 =	vld [tilespmem:s25+$0x1100];
	_ =	sdelay $0x4  }
0x50: {  	s31 =	simm.s32 $0xB;
	[tilespmem:v4+s12+$0x0] =	vst.idx.msk $0xffff, v3  }
0x51: {  	v4 =	vadd.s32 s31, v1;
	v3 =	vld [tilespmem:s25+$0x1180];
	_ =	sdelay $0x4  }
0x52: {  	s24 =	simm.s32 $0xC;
	[tilespmem:v4+s12+$0x0] =	vst.idx.msk $0xffff, v3  }
0x53: {  	v4 =	vadd.s32 s24, v1;
	v3 =	vld [tilespmem:s25+$0x1200];
	_ =	sdelay $0x4  }
0x54: {  	s26 =	simm.s32 $0xD;
	[tilespmem:v4+s12+$0x0] =	vst.idx.msk $0xffff, v3  }
0x55: {  	v4 =	vadd.s32 s26, v1;
	v3 =	vld [tilespmem:s25+$0x1280];
	_ =	sdelay $0x4  }
0x56: {  	s29 =	simm.s32 $0xE;
	[tilespmem:v4+s12+$0x0] =	vst.idx.msk $0xffff, v3  }
0x57: {  	v4 =	vadd.s32 s29, v1;
	v3 =	vld [tilespmem:s25+$0x1300];
	_ =	sdelay $0x4  }
0x58: {  	s30 =	simm.s32 $0xF;
	[tilespmem:v4+s12+$0x0] =	vst.idx.msk $0xffff, v3  }
0x59: {  	v4 =	vadd.s32 s30, v1;
	v3 =	vld [tilespmem:s25+$0x1380];
	_ =	sdelay $0x4  }
0x5a: {  	s31 =	simm.s32 $0x10;
	[tilespmem:v4+s12+$0x0] =	vst.idx.msk $0xffff, v3  }
0x5b: {  	v4 =	vadd.s32 s31, v1;
	v3 =	vld [tilespmem:s25+$0x2000];
	_ =	sdelay $0x4  }
0x5c: {  	s24 =	simm.s32 $0x11;
	[tilespmem:v4+s12+$0x0] =	vst.idx.msk $0xffff, v3  }
0x5d: {  	v4 =	vadd.s32 s24, v1;
	v3 =	vld [tilespmem:s25+$0x2080];
	_ =	sdelay $0x4  }
0x5e: {  	s26 =	simm.s32 $0x12;
	[tilespmem:v4+s12+$0x0] =	vst.idx.msk $0xffff, v3  }
0x5f: {  	v4 =	vadd.s32 s26, v1;
	v3 =	vld [tilespmem:s25+$0x2100];
	_ =	sdelay $0x4  }
0x60: {  	s29 =	simm.s32 $0x13;
	[tilespmem:v4+s12+$0x0] =	vst.idx.msk $0xffff, v3  }
0x61: {  	v4 =	vadd.s32 s29, v1;
	v3 =	vld [tilespmem:s25+$0x2180];
	_ =	sdelay $0x4  }
0x62: {  	s30 =	simm.s32 $0x14;
	[tilespmem:v4+s12+$0x0] =	vst.idx.msk $0xffff, v3  }
0x63: {  	v4 =	vadd.s32 s30, v1;
	v3 =	vld [tilespmem:s25+$0x2200];
	_ =	sdelay $0x4  }
0x64: {  	s31 =	simm.s32 $0x15;
	[tilespmem:v4+s12+$0x0] =	vst.idx.msk $0xffff, v3  }
0x65: {  	v4 =	vadd.s32 s31, v1;
	v3 =	vld [tilespmem:s25+$0x2280];
	_ =	sdelay $0x4  }
0x66: {  	s24 =	simm.s32 $0x16;
	[tilespmem:v4+s12+$0x0] =	vst.idx.msk $0xffff, v3  }
0x67: {  	v4 =	vadd.s32 s24, v1;
	v3 =	vld [tilespmem:s25+$0x2300];
	_ =	sdelay $0x4  }
0x68: {  	s26 =	simm.s32 $0x17;
	[tilespmem:v4+s12+$0x0] =	vst.idx.msk $0xffff, v3  }
0x69: {  	v4 =	vadd.s32 s26, v1;
	v3 =	vld [tilespmem:s25+$0x2380];
	_ =	sdelay $0x4  }
0x6a: {  	s29 =	simm.s32 $0x18;
	[tilespmem:v4+s12+$0x0] =	vst.idx.msk $0xffff, v3  }
0x6b: {  	v4 =	vadd.s32 s29, v1;
	v3 =	vld [tilespmem:s25+$0x3000];
	_ =	sdelay $0x4  }
0x6c: {  	s30 =	simm.s32 $0x19;
	[tilespmem:v4+s12+$0x0] =	vst.idx.msk $0xffff, v3  }
0x6d: {  	v4 =	vadd.s32 s30, v1;
	v3 =	vld [tilespmem:s25+$0x3080];
	_ =	sdelay $0x4  }
0x6e: {  	s31 =	simm.s32 $0x1A;
	[tilespmem:v4+s12+$0x0] =	vst.idx.msk $0xffff, v3  }
0x6f: {  	v4 =	vadd.s32 s31, v1;
	v3 =	vld [tilespmem:s25+$0x3100];
	_ =	sdelay $0x4  }
0x70: {  	s24 =	simm.s32 $0x1B;
	[tilespmem:v4+s12+$0x0] =	vst.idx.msk $0xffff, v3  }
0x71: {  	v4 =	vadd.s32 s24, v1;
	v3 =	vld [tilespmem:s25+$0x3180];
	_ =	sdelay $0x4  }
0x72: {  	s26 =	simm.s32 $0x1C;
	[tilespmem:v4+s12+$0x0] =	vst.idx.msk $0xffff, v3  }
0x73: {  	v4 =	vadd.s32 s26, v1;
	v3 =	vld [tilespmem:s25+$0x3200];
	_ =	sdelay $0x4  }
0x74: {  	s29 =	simm.s32 $0x1D;
	[tilespmem:v4+s12+$0x0] =	vst.idx.msk $0xffff, v3  }
0x75: {  	v4 =	vadd.s32 s29, v1;
	v3 =	vld [tilespmem:s25+$0x3280];
	_ =	sdelay $0x4  }
0x76: {  	s30 =	simm.s32 $0x1E;
	[tilespmem:v4+s12+$0x0] =	vst.idx.msk $0xffff, v3  }
0x77: {  	v4 =	vadd.s32 s30, v1;
	v3 =	vld [tilespmem:s25+$0x3300];
	_ =	sdelay $0x4  }
0x78: {  	s31 =	simm.s32 $0x1F;
	[tilespmem:v4+s12+$0x0] =	vst.idx.msk $0xffff, v3  }
0x79: {  	v4 =	vadd.s32 s31, v1;
	v3 =	vld [tilespmem:s25+$0x3380];
	_ =	sdelay $0x1  }
0x7a: {  	s28 =	simm.s32 $0x280;
	s23 =	simm.s32 $0x29F  }
0x7b: {  	s24 =	simm.s32 $0x10;
	s26 =	simm.s32 $0x51F;
	s25 =	simm.s32 $0x80  }
.LBB2_3:
0x7c: {  	p3 =	sne.s32 s26, $0x4D9F;
	s29 =	sand.u32 $0x70, s24;
	s30 =	sand.u32 $0xC00, s25;
	v5 =	vadd.s32 s28, v1  }
0x7d: {  	s28 =	sor.u32 s29, s30;
	v5 =	vand.u32 $0xFF80, v5;
	[tilespmem:v4+s12+$0x0] =	vst.idx.msk $0xffff, v3  }
0x7e: {  	v3 =	vld [tilespmem:s28+$0x0];
	v4 =	vor.u32 v2, v5;
	_ =	sdelay $0x4  }
0x7f: {  	s29 =	sadd.s32 $0xFFFFFFE2, s23;
	[tilespmem:v4+s12+$0x0] =	vst.idx.msk $0xffff, v3  }
0x80: {  	v4 =	vadd.s32 s29, v1;
	v3 =	vld [tilespmem:s28+$0x80];
	_ =	sdelay $0x4  }
0x81: {  	s29 =	sadd.s32 $0xFFFFFFE3, s23;
	[tilespmem:v4+s12+$0x0] =	vst.idx.msk $0xffff, v3  }
0x82: {  	v4 =	vadd.s32 s29, v1;
	v3 =	vld [tilespmem:s28+$0x100];
	_ =	sdelay $0x4  }
0x83: {  	s29 =	sadd.s32 $0xFFFFFFE4, s23;
	[tilespmem:v4+s12+$0x0] =	vst.idx.msk $0xffff, v3  }
0x84: {  	v4 =	vadd.s32 s29, v1;
	v3 =	vld [tilespmem:s28+$0x180];
	_ =	sdelay $0x4  }
0x85: {  	s29 =	sadd.s32 $0xFFFFFFE5, s23;
	[tilespmem:v4+s12+$0x0] =	vst.idx.msk $0xffff, v3  }
0x86: {  	v4 =	vadd.s32 s29, v1;
	v3 =	vld [tilespmem:s28+$0x200];
	_ =	sdelay $0x4  }
0x87: {  	s29 =	sadd.s32 $0xFFFFFFE6, s23;
	[tilespmem:v4+s12+$0x0] =	vst.idx.msk $0xffff, v3  }
0x88: {  	v4 =	vadd.s32 s29, v1;
	v3 =	vld [tilespmem:s28+$0x280];
	_ =	sdelay $0x4  }
0x89: {  	s29 =	sadd.s32 $0xFFFFFFE7, s23;
	[tilespmem:v4+s12+$0x0] =	vst.idx.msk $0xffff, v3  }
0x8a: {  	v4 =	vadd.s32 s29, v1;
	v3 =	vld [tilespmem:s28+$0x300];
	_ =	sdelay $0x3  }
0x8b: {  	s29 =	sor.u32 s25, s24  }
0x8c: {  	s30 =	sadd.s32 $0xFFFFFFE8, s23;
	s29 =	sor.u32 $0x380, s29;
	[tilespmem:v4+s12+$0x0] =	vst.idx.msk $0xffff, v3  }
0x8d: {  	v4 =	vadd.s32 s30, v1;
	v3 =	vld [tilespmem:s29+$0x0];
	_ =	sdelay $0x4  }
0x8e: {  	s29 =	sadd.s32 $0xFFFFFFE9, s23;
	[tilespmem:v4+s12+$0x0] =	vst.idx.msk $0xffff, v3  }
0x8f: {  	v4 =	vadd.s32 s29, v1;
	v3 =	vld [tilespmem:s28+$0x1000];
	_ =	sdelay $0x4  }
0x90: {  	s29 =	sadd.s32 $0xFFFFFFEA, s23;
	[tilespmem:v4+s12+$0x0] =	vst.idx.msk $0xffff, v3  }
0x91: {  	v4 =	vadd.s32 s29, v1;
	v3 =	vld [tilespmem:s28+$0x1080];
	_ =	sdelay $0x4  }
0x92: {  	s29 =	sadd.s32 $0xFFFFFFEB, s23;
	[tilespmem:v4+s12+$0x0] =	vst.idx.msk $0xffff, v3  }
0x93: {  	v4 =	vadd.s32 s29, v1;
	v3 =	vld [tilespmem:s28+$0x1100];
	_ =	sdelay $0x4  }
0x94: {  	s29 =	sadd.s32 $0xFFFFFFEC, s23;
	[tilespmem:v4+s12+$0x0] =	vst.idx.msk $0xffff, v3  }
0x95: {  	v4 =	vadd.s32 s29, v1;
	v3 =	vld [tilespmem:s28+$0x1180];
	_ =	sdelay $0x4  }
0x96: {  	s29 =	sadd.s32 $0xFFFFFFED, s23;
	[tilespmem:v4+s12+$0x0] =	vst.idx.msk $0xffff, v3  }
0x97: {  	v4 =	vadd.s32 s29, v1;
	v3 =	vld [tilespmem:s28+$0x1200];
	_ =	sdelay $0x4  }
0x98: {  	s29 =	sadd.s32 $0xFFFFFFEE, s23;
	[tilespmem:v4+s12+$0x0] =	vst.idx.msk $0xffff, v3  }
0x99: {  	v4 =	vadd.s32 s29, v1;
	v3 =	vld [tilespmem:s28+$0x1280];
	_ =	sdelay $0x4  }
0x9a: {  	s29 =	sadd.s32 $0xFFFFFFEF, s23;
	[tilespmem:v4+s12+$0x0] =	vst.idx.msk $0xffff, v3  }
0x9b: {  	v4 =	vadd.s32 s29, v1;
	v3 =	vld [tilespmem:s28+$0x1300];
	_ =	sdelay $0x4  }
0x9c: {  	s29 =	sadd.s32 $0xFFFFFFF0, s23;
	[tilespmem:v4+s12+$0x0] =	vst.idx.msk $0xffff, v3  }
0x9d: {  	v4 =	vadd.s32 s29, v1;
	v3 =	vld [tilespmem:s28+$0x1380];
	_ =	sdelay $0x4  }
0x9e: {  	s29 =	sadd.s32 $0xFFFFFFF1, s23;
	[tilespmem:v4+s12+$0x0] =	vst.idx.msk $0xffff, v3  }
0x9f: {  	v4 =	vadd.s32 s29, v1;
	v3 =	vld [tilespmem:s28+$0x2000];
	_ =	sdelay $0x4  }
0xa0: {  	s29 =	sadd.s32 $0xFFFFFFF2, s23;
	[tilespmem:v4+s12+$0x0] =	vst.idx.msk $0xffff, v3  }
0xa1: {  	v4 =	vadd.s32 s29, v1;
	v3 =	vld [tilespmem:s28+$0x2080];
	_ =	sdelay $0x4  }
0xa2: {  	s29 =	sadd.s32 $0xFFFFFFF3, s23;
	[tilespmem:v4+s12+$0x0] =	vst.idx.msk $0xffff, v3  }
0xa3: {  	v4 =	vadd.s32 s29, v1;
	v3 =	vld [tilespmem:s28+$0x2100];
	_ =	sdelay $0x4  }
0xa4: {  	s29 =	sadd.s32 $0xFFFFFFF4, s23;
	[tilespmem:v4+s12+$0x0] =	vst.idx.msk $0xffff, v3  }
0xa5: {  	v4 =	vadd.s32 s29, v1;
	v3 =	vld [tilespmem:s28+$0x2180];
	_ =	sdelay $0x4  }
0xa6: {  	s29 =	sadd.s32 $0xFFFFFFF5, s23;
	[tilespmem:v4+s12+$0x0] =	vst.idx.msk $0xffff, v3  }
0xa7: {  	v4 =	vadd.s32 s29, v1;
	v3 =	vld [tilespmem:s28+$0x2200];
	_ =	sdelay $0x4  }
0xa8: {  	s29 =	sadd.s32 $0xFFFFFFF6, s23;
	[tilespmem:v4+s12+$0x0] =	vst.idx.msk $0xffff, v3  }
0xa9: {  	v4 =	vadd.s32 s29, v1;
	v3 =	vld [tilespmem:s28+$0x2280];
	_ =	sdelay $0x4  }
0xaa: {  	s29 =	sadd.s32 $0xFFFFFFF7, s23;
	[tilespmem:v4+s12+$0x0] =	vst.idx.msk $0xffff, v3  }
0xab: {  	v4 =	vadd.s32 s29, v1;
	v3 =	vld [tilespmem:s28+$0x2300];
	_ =	sdelay $0x4  }
0xac: {  	s29 =	sadd.s32 $0xFFFFFFF8, s23;
	[tilespmem:v4+s12+$0x0] =	vst.idx.msk $0xffff, v3  }
0xad: {  	v4 =	vadd.s32 s29, v1;
	v3 =	vld [tilespmem:s28+$0x2380];
	_ =	sdelay $0x4  }
0xae: {  	s29 =	sadd.s32 $0xFFFFFFF9, s23;
	[tilespmem:v4+s12+$0x0] =	vst.idx.msk $0xffff, v3  }
0xaf: {  	v4 =	vadd.s32 s29, v1;
	v3 =	vld [tilespmem:s28+$0x3000];
	_ =	sdelay $0x4  }
0xb0: {  	s29 =	sadd.s32 $0xFFFFFFFA, s23;
	[tilespmem:v4+s12+$0x0] =	vst.idx.msk $0xffff, v3  }
0xb1: {  	v4 =	vadd.s32 s29, v1;
	v3 =	vld [tilespmem:s28+$0x3080];
	_ =	sdelay $0x4  }
0xb2: {  	s29 =	sadd.s32 $0xFFFFFFFB, s23;
	[tilespmem:v4+s12+$0x0] =	vst.idx.msk $0xffff, v3  }
0xb3: {  	v4 =	vadd.s32 s29, v1;
	v3 =	vld [tilespmem:s28+$0x3100];
	_ =	sdelay $0x4  }
0xb4: {  	s29 =	sadd.s32 $0xFFFFFFFC, s23;
	[tilespmem:v4+s12+$0x0] =	vst.idx.msk $0xffff, v3  }
0xb5: {  	v4 =	vadd.s32 s29, v1;
	v3 =	vld [tilespmem:s28+$0x3180];
	_ =	sdelay $0x4  }
0xb6: {  	s29 =	sadd.s32 $0xFFFFFFFD, s23;
	[tilespmem:v4+s12+$0x0] =	vst.idx.msk $0xffff, v3  }
0xb7: {  	v4 =	vadd.s32 s29, v1;
	v3 =	vld [tilespmem:s28+$0x3200];
	_ =	sdelay $0x4  }
0xb8: {  	s29 =	sadd.s32 $0xFFFFFFFE, s23;
	[tilespmem:v4+s12+$0x0] =	vst.idx.msk $0xffff, v3  }
0xb9: {  	v4 =	vadd.s32 s29, v1;
	v3 =	vld [tilespmem:s28+$0x3280];
	_ =	sdelay $0x4  }
0xba: {  	s29 =	sadd.s32 $0xFFFFFFFF, s23;
	[tilespmem:v4+s12+$0x0] =	vst.idx.msk $0xffff, v3  }
0xbb: {  	v4 =	vadd.s32 s29, v1;
	v3 =	vld [tilespmem:s28+$0x3300];
	_ =	sdelay $0x4  }
.Ltmp5:
0xbc: {  	[tilespmem:v4+s12+$0x0] =	vst.idx.msk $0xffff, v3;
	(pc) =	sbr.rel @p3 .LBB2_3-.Ltmp5, $3  }
0xbd: {  	v4 =	vadd.s32 s23, v1;
	s23 =	smov.u32 s26;
	v3 =	vld [tilespmem:s28+$0x3380];
	_ =	sdelay $0x1  }
0xbe: {  	s24 =	sadd.s32 $0x10, s24  }
0xbf: {  	s25 =	sadd.s32 $0x80, s25;
	s26 =	sadd.s32 $0x280, s26;
	s28 =	sadd.s32 $0xFFFFFFE1, s23  }
0xc0: {  	_ =	sdelay $0x2  }
0xc1: {  	s26 =	sand.u32 $0x70, s24;
	s29 =	sand.u32 $0xC00, s25;
	v5 =	vadd.s32 s28, v1  }
0xc2: {  	s26 =	sor.u32 s26, s29;
	v5 =	vand.u32 $0xFF80, v5;
	[tilespmem:v4+s12+$0x0] =	vst.idx.msk $0xffff, v3  }
0xc3: {  	v3 =	vld [tilespmem:s26+$0x0];
	v4 =	vor.u32 v2, v5;
	_ =	sdelay $0x4  }
0xc4: {  	s29 =	sadd.s32 $0xFFFFFFE2, s23;
	[tilespmem:v4+s12+$0x0] =	vst.idx.msk $0xffff, v3  }
0xc5: {  	v4 =	vadd.s32 s29, v1;
	v3 =	vld [tilespmem:s26+$0x80];
	_ =	sdelay $0x4  }
0xc6: {  	s30 =	sadd.s32 $0xFFFFFFE3, s23;
	[tilespmem:v4+s12+$0x0] =	vst.idx.msk $0xffff, v3  }
0xc7: {  	v4 =	vadd.s32 s30, v1;
	v3 =	vld [tilespmem:s26+$0x100];
	_ =	sdelay $0x4  }
0xc8: {  	s31 =	sadd.s32 $0xFFFFFFE4, s23;
	[tilespmem:v4+s12+$0x0] =	vst.idx.msk $0xffff, v3  }
0xc9: {  	v4 =	vadd.s32 s31, v1;
	v3 =	vld [tilespmem:s26+$0x180];
	_ =	sdelay $0x4  }
0xca: {  	s29 =	sadd.s32 $0xFFFFFFE5, s23;
	[tilespmem:v4+s12+$0x0] =	vst.idx.msk $0xffff, v3  }
0xcb: {  	v4 =	vadd.s32 s29, v1;
	v3 =	vld [tilespmem:s26+$0x200];
	_ =	sdelay $0x4  }
0xcc: {  	s30 =	sadd.s32 $0xFFFFFFE6, s23;
	[tilespmem:v4+s12+$0x0] =	vst.idx.msk $0xffff, v3  }
0xcd: {  	v4 =	vadd.s32 s30, v1;
	v3 =	vld [tilespmem:s26+$0x280];
	_ =	sdelay $0x4  }
0xce: {  	s31 =	sadd.s32 $0xFFFFFFE7, s23;
	[tilespmem:v4+s12+$0x0] =	vst.idx.msk $0xffff, v3  }
0xcf: {  	v4 =	vadd.s32 s31, v1;
	v3 =	vld [tilespmem:s26+$0x300];
	_ =	sdelay $0x3  }
0xd0: {  	s25 =	sor.u32 s25, s24  }
0xd1: {  	s28 =	sadd.s32 $0xFFFFFFE8, s23;
	s24 =	sor.u32 $0x380, s25;
	[tilespmem:v4+s12+$0x0] =	vst.idx.msk $0xffff, v3  }
0xd2: {  	v4 =	vadd.s32 s28, v1;
	v3 =	vld [tilespmem:s24+$0x0];
	_ =	sdelay $0x4  }
0xd3: {  	s29 =	sadd.s32 $0xFFFFFFE9, s23;
	[tilespmem:v4+s12+$0x0] =	vst.idx.msk $0xffff, v3  }
0xd4: {  	v4 =	vadd.s32 s29, v1;
	v3 =	vld [tilespmem:s26+$0x1000];
	_ =	sdelay $0x4  }
0xd5: {  	s30 =	sadd.s32 $0xFFFFFFEA, s23;
	[tilespmem:v4+s12+$0x0] =	vst.idx.msk $0xffff, v3  }
0xd6: {  	v4 =	vadd.s32 s30, v1;
	v3 =	vld [tilespmem:s26+$0x1080];
	_ =	sdelay $0x4  }
0xd7: {  	s31 =	sadd.s32 $0xFFFFFFEB, s23;
	[tilespmem:v4+s12+$0x0] =	vst.idx.msk $0xffff, v3  }
0xd8: {  	v4 =	vadd.s32 s31, v1;
	v3 =	vld [tilespmem:s26+$0x1100];
	_ =	sdelay $0x4  }
0xd9: {  	s25 =	sadd.s32 $0xFFFFFFEC, s23;
	[tilespmem:v4+s12+$0x0] =	vst.idx.msk $0xffff, v3  }
0xda: {  	v4 =	vadd.s32 s25, v1;
	v3 =	vld [tilespmem:s26+$0x1180];
	_ =	sdelay $0x4  }
0xdb: {  	s28 =	sadd.s32 $0xFFFFFFED, s23;
	[tilespmem:v4+s12+$0x0] =	vst.idx.msk $0xffff, v3  }
0xdc: {  	v4 =	vadd.s32 s28, v1;
	v3 =	vld [tilespmem:s26+$0x1200];
	_ =	sdelay $0x4  }
0xdd: {  	s29 =	sadd.s32 $0xFFFFFFEE, s23;
	[tilespmem:v4+s12+$0x0] =	vst.idx.msk $0xffff, v3  }
0xde: {  	v4 =	vadd.s32 s29, v1;
	v3 =	vld [tilespmem:s26+$0x1280];
	_ =	sdelay $0x4  }
0xdf: {  	s30 =	sadd.s32 $0xFFFFFFEF, s23;
	[tilespmem:v4+s12+$0x0] =	vst.idx.msk $0xffff, v3  }
0xe0: {  	v4 =	vadd.s32 s30, v1;
	v3 =	vld [tilespmem:s26+$0x1300];
	_ =	sdelay $0x4  }
0xe1: {  	s31 =	sadd.s32 $0xFFFFFFF0, s23;
	[tilespmem:v4+s12+$0x0] =	vst.idx.msk $0xffff, v3  }
0xe2: {  	v4 =	vadd.s32 s31, v1;
	v3 =	vld [tilespmem:s26+$0x1380];
	_ =	sdelay $0x4  }
0xe3: {  	s25 =	sadd.s32 $0xFFFFFFF1, s23;
	[tilespmem:v4+s12+$0x0] =	vst.idx.msk $0xffff, v3  }
0xe4: {  	v4 =	vadd.s32 s25, v1;
	v3 =	vld [tilespmem:s26+$0x2000];
	_ =	sdelay $0x4  }
0xe5: {  	s28 =	sadd.s32 $0xFFFFFFF2, s23;
	[tilespmem:v4+s12+$0x0] =	vst.idx.msk $0xffff, v3  }
0xe6: {  	v4 =	vadd.s32 s28, v1;
	v3 =	vld [tilespmem:s26+$0x2080];
	_ =	sdelay $0x4  }
0xe7: {  	s29 =	sadd.s32 $0xFFFFFFF3, s23;
	[tilespmem:v4+s12+$0x0] =	vst.idx.msk $0xffff, v3  }
0xe8: {  	v4 =	vadd.s32 s29, v1;
	v3 =	vld [tilespmem:s26+$0x2100];
	_ =	sdelay $0x4  }
0xe9: {  	s30 =	sadd.s32 $0xFFFFFFF4, s23;
	[tilespmem:v4+s12+$0x0] =	vst.idx.msk $0xffff, v3  }
0xea: {  	v4 =	vadd.s32 s30, v1;
	v3 =	vld [tilespmem:s26+$0x2180];
	_ =	sdelay $0x4  }
0xeb: {  	s31 =	sadd.s32 $0xFFFFFFF5, s23;
	[tilespmem:v4+s12+$0x0] =	vst.idx.msk $0xffff, v3  }
0xec: {  	v4 =	vadd.s32 s31, v1;
	v3 =	vld [tilespmem:s26+$0x2200];
	_ =	sdelay $0x4  }
0xed: {  	s25 =	sadd.s32 $0xFFFFFFF6, s23;
	[tilespmem:v4+s12+$0x0] =	vst.idx.msk $0xffff, v3  }
0xee: {  	v4 =	vadd.s32 s25, v1;
	v3 =	vld [tilespmem:s26+$0x2280];
	_ =	sdelay $0x4  }
0xef: {  	s28 =	sadd.s32 $0xFFFFFFF7, s23;
	[tilespmem:v4+s12+$0x0] =	vst.idx.msk $0xffff, v3  }
0xf0: {  	v4 =	vadd.s32 s28, v1;
	v3 =	vld [tilespmem:s26+$0x2300];
	_ =	sdelay $0x4  }
0xf1: {  	s29 =	sadd.s32 $0xFFFFFFF8, s23;
	[tilespmem:v4+s12+$0x0] =	vst.idx.msk $0xffff, v3  }
0xf2: {  	v4 =	vadd.s32 s29, v1;
	v3 =	vld [tilespmem:s26+$0x2380];
	_ =	sdelay $0x4  }
0xf3: {  	s30 =	sadd.s32 $0xFFFFFFF9, s23;
	[tilespmem:v4+s12+$0x0] =	vst.idx.msk $0xffff, v3  }
0xf4: {  	v4 =	vadd.s32 s30, v1;
	v3 =	vld [tilespmem:s26+$0x3000];
	_ =	sdelay $0x4  }
0xf5: {  	s31 =	sadd.s32 $0xFFFFFFFA, s23;
	[tilespmem:v4+s12+$0x0] =	vst.idx.msk $0xffff, v3  }
0xf6: {  	v4 =	vadd.s32 s31, v1;
	v3 =	vld [tilespmem:s26+$0x3080];
	_ =	sdelay $0x4  }
0xf7: {  	s25 =	sadd.s32 $0xFFFFFFFB, s23;
	[tilespmem:v4+s12+$0x0] =	vst.idx.msk $0xffff, v3  }
0xf8: {  	v4 =	vadd.s32 s25, v1;
	v3 =	vld [tilespmem:s26+$0x3100];
	_ =	sdelay $0x4  }
0xf9: {  	s28 =	sadd.s32 $0xFFFFFFFC, s23;
	[tilespmem:v4+s12+$0x0] =	vst.idx.msk $0xffff, v3  }
0xfa: {  	v4 =	vadd.s32 s28, v1;
	v3 =	vld [tilespmem:s26+$0x3180];
	_ =	sdelay $0x4  }
0xfb: {  	s29 =	sadd.s32 $0xFFFFFFFD, s23;
	[tilespmem:v4+s12+$0x0] =	vst.idx.msk $0xffff, v3  }
0xfc: {  	v4 =	vadd.s32 s29, v1;
	v3 =	vld [tilespmem:s26+$0x3200];
	_ =	sdelay $0x4  }
0xfd: {  	s30 =	sadd.s32 $0xFFFFFFFE, s23;
	[tilespmem:v4+s12+$0x0] =	vst.idx.msk $0xffff, v3  }
0xfe: {  	v4 =	vadd.s32 s30, v1;
	v3 =	vld [tilespmem:s26+$0x3280];
	_ =	sdelay $0x4  }
0xff: {  	s31 =	sadd.s32 $0xFFFFFFFF, s23;
	[tilespmem:v4+s12+$0x0] =	vst.idx.msk $0xffff, v3  }
0x100: {  	v4 =	vadd.s32 s31, v1;
	v3 =	vld [tilespmem:s26+$0x3300];
	_ =	sdelay $0x4  }
0x101: {  	[tilespmem:v4+s12+$0x0] =	vst.idx.msk $0xffff, v3  }
0x102: {  	v4 =	vadd.s32 s23, v1;
	v3 =	vld [tilespmem:s26+$0x3380];
	_ =	sdelay $0x1  }
.Ltmp6:
0x103: {  	_ = 	snop;
	(pc) =	sbr.rel @p2 .LBB2_8-.Ltmp6, $3  }
0x104: {  	s22 =	smul.u32 $0xA00, s22;
	_ =	sdelay $0x1  }
0x105: {  	s22 =	sadd.s32 s5, s22;
	[tilespmem:v4+s12+$0x0] =	vst.idx.msk $0xffff, v3  }
0x106: {  	[hbm4b:s22+s3] =	stream.linear.scatter [tilespmem:s12], [sflag:$0x3], $0x5000, $0x38;
	[tilespmem:$0x12880] =	vst v63  }
0x107: {  	_ =	swait.ge [sflag:s13], $0x4000  }
0x108: {  	[sflag:s13] =	ssyncset.done $0x0  }
0x109: {  	s22 =	simm.s32 @!p1 $0x4;
	[sflag:s13] =	ssyncadd.s32 $0xFFFFC000  }
0x10a: {  	s23 =	simm.s32 $0x0;
	s24 =	simm.s32 $0x0;
	_ =	swait.ge @!p1 [sflag:s22], $0x5000  }
0x10b: {  	s25 =	sand.u32 $0x70, s23;
	s26 =	sand.u32 $0xC00, s23;
	v3 =	vadd.s32 s24, v1;
	[sflag:s22] =	ssyncset.done @!p1 $0x0  }
0x10c: {  	s24 =	sor.u32 s25, s26;
	v3 =	vand.u32 $0xFF80, v3;
	[sflag:s22] =	ssyncadd.s32 @!p1 $0xFFFFB000  }
0x10d: {  	v3 =	vor.u32 v2, v3;
	v4 =	vld [tilespmem:s24+$0x4000];
	_ =	sdelay $0x4  }
0x10e: {  	s26 =	simm.s32 $0x1;
	[tilespmem:v3+s14+$0x0] =	vst.idx.msk $0xffff, v4  }
0x10f: {  	v4 =	vadd.s32 s26, v1;
	v3 =	vld [tilespmem:s24+$0x4080];
	_ =	sdelay $0x4  }
0x110: {  	s28 =	simm.s32 $0x2;
	[tilespmem:v4+s14+$0x0] =	vst.idx.msk $0xffff, v3  }
0x111: {  	v4 =	vadd.s32 s28, v1;
	v3 =	vld [tilespmem:s24+$0x4100];
	_ =	sdelay $0x4  }
0x112: {  	s29 =	simm.s32 $0x3;
	[tilespmem:v4+s14+$0x0] =	vst.idx.msk $0xffff, v3  }
0x113: {  	v4 =	vadd.s32 s29, v1;
	v3 =	vld [tilespmem:s24+$0x4180];
	_ =	sdelay $0x4  }
0x114: {  	s30 =	simm.s32 $0x4;
	[tilespmem:v4+s14+$0x0] =	vst.idx.msk $0xffff, v3  }
0x115: {  	v4 =	vadd.s32 s30, v1;
	v3 =	vld [tilespmem:s24+$0x4200];
	_ =	sdelay $0x4  }
0x116: {  	s31 =	simm.s32 $0x5;
	[tilespmem:v4+s14+$0x0] =	vst.idx.msk $0xffff, v3  }
0x117: {  	v4 =	vadd.s32 s31, v1;
	v3 =	vld [tilespmem:s24+$0x4280];
	_ =	sdelay $0x4  }
0x118: {  	s25 =	simm.s32 $0x6;
	[tilespmem:v4+s14+$0x0] =	vst.idx.msk $0xffff, v3  }
0x119: {  	v4 =	vadd.s32 s25, v1;
	v3 =	vld [tilespmem:s24+$0x4300];
	_ =	sdelay $0x3  }
0x11a: {  	s26 =	sor.u32 s23, s23  }
0x11b: {  	s22 =	sor.u32 $0x380, s26;
	s28 =	simm.s32 $0x7;
	[tilespmem:v4+s14+$0x0] =	vst.idx.msk $0xffff, v3  }
0x11c: {  	v4 =	vadd.s32 s28, v1;
	v3 =	vld [tilespmem:s22+$0x4000];
	_ =	sdelay $0x4  }
0x11d: {  	s29 =	simm.s32 $0x8;
	[tilespmem:v4+s14+$0x0] =	vst.idx.msk $0xffff, v3  }
0x11e: {  	v4 =	vadd.s32 s29, v1;
	v3 =	vld [tilespmem:s24+$0x5000];
	_ =	sdelay $0x4  }
0x11f: {  	s30 =	simm.s32 $0x9;
	[tilespmem:v4+s14+$0x0] =	vst.idx.msk $0xffff, v3  }
0x120: {  	v4 =	vadd.s32 s30, v1;
	v3 =	vld [tilespmem:s24+$0x5080];
	_ =	sdelay $0x4  }
0x121: {  	s31 =	simm.s32 $0xA;
	[tilespmem:v4+s14+$0x0] =	vst.idx.msk $0xffff, v3  }
0x122: {  	v4 =	vadd.s32 s31, v1;
	v3 =	vld [tilespmem:s24+$0x5100];
	_ =	sdelay $0x4  }
0x123: {  	s23 =	simm.s32 $0xB;
	[tilespmem:v4+s14+$0x0] =	vst.idx.msk $0xffff, v3  }
0x124: {  	v4 =	vadd.s32 s23, v1;
	v3 =	vld [tilespmem:s24+$0x5180];
	_ =	sdelay $0x4  }
0x125: {  	s25 =	simm.s32 $0xC;
	[tilespmem:v4+s14+$0x0] =	vst.idx.msk $0xffff, v3  }
0x126: {  	v4 =	vadd.s32 s25, v1;
	v3 =	vld [tilespmem:s24+$0x5200];
	_ =	sdelay $0x4  }
0x127: {  	s26 =	simm.s32 $0xD;
	[tilespmem:v4+s14+$0x0] =	vst.idx.msk $0xffff, v3  }
0x128: {  	v4 =	vadd.s32 s26, v1;
	v3 =	vld [tilespmem:s24+$0x5280];
	_ =	sdelay $0x4  }
0x129: {  	s28 =	simm.s32 $0xE;
	[tilespmem:v4+s14+$0x0] =	vst.idx.msk $0xffff, v3  }
0x12a: {  	v4 =	vadd.s32 s28, v1;
	v3 =	vld [tilespmem:s24+$0x5300];
	_ =	sdelay $0x4  }
0x12b: {  	s29 =	simm.s32 $0xF;
	[tilespmem:v4+s14+$0x0] =	vst.idx.msk $0xffff, v3  }
0x12c: {  	v4 =	vadd.s32 s29, v1;
	v3 =	vld [tilespmem:s24+$0x5380];
	_ =	sdelay $0x4  }
0x12d: {  	s30 =	simm.s32 $0x10;
	[tilespmem:v4+s14+$0x0] =	vst.idx.msk $0xffff, v3  }
0x12e: {  	v4 =	vadd.s32 s30, v1;
	v3 =	vld [tilespmem:s24+$0x6000];
	_ =	sdelay $0x4  }
0x12f: {  	s31 =	simm.s32 $0x11;
	[tilespmem:v4+s14+$0x0] =	vst.idx.msk $0xffff, v3  }
0x130: {  	v4 =	vadd.s32 s31, v1;
	v3 =	vld [tilespmem:s24+$0x6080];
	_ =	sdelay $0x4  }
0x131: {  	s23 =	simm.s32 $0x12;
	[tilespmem:v4+s14+$0x0] =	vst.idx.msk $0xffff, v3  }
0x132: {  	v4 =	vadd.s32 s23, v1;
	v3 =	vld [tilespmem:s24+$0x6100];
	_ =	sdelay $0x4  }
0x133: {  	s25 =	simm.s32 $0x13;
	[tilespmem:v4+s14+$0x0] =	vst.idx.msk $0xffff, v3  }
0x134: {  	v4 =	vadd.s32 s25, v1;
	v3 =	vld [tilespmem:s24+$0x6180];
	_ =	sdelay $0x4  }
0x135: {  	s26 =	simm.s32 $0x14;
	[tilespmem:v4+s14+$0x0] =	vst.idx.msk $0xffff, v3  }
0x136: {  	v4 =	vadd.s32 s26, v1;
	v3 =	vld [tilespmem:s24+$0x6200];
	_ =	sdelay $0x4  }
0x137: {  	s28 =	simm.s32 $0x15;
	[tilespmem:v4+s14+$0x0] =	vst.idx.msk $0xffff, v3  }
0x138: {  	v4 =	vadd.s32 s28, v1;
	v3 =	vld [tilespmem:s24+$0x6280];
	_ =	sdelay $0x4  }
0x139: {  	s29 =	simm.s32 $0x16;
	[tilespmem:v4+s14+$0x0] =	vst.idx.msk $0xffff, v3  }
0x13a: {  	v4 =	vadd.s32 s29, v1;
	v3 =	vld [tilespmem:s24+$0x6300];
	_ =	sdelay $0x4  }
0x13b: {  	s30 =	simm.s32 $0x17;
	[tilespmem:v4+s14+$0x0] =	vst.idx.msk $0xffff, v3  }
0x13c: {  	v4 =	vadd.s32 s30, v1;
	v3 =	vld [tilespmem:s24+$0x6380];
	_ =	sdelay $0x4  }
0x13d: {  	s31 =	simm.s32 $0x18;
	[tilespmem:v4+s14+$0x0] =	vst.idx.msk $0xffff, v3  }
0x13e: {  	v4 =	vadd.s32 s31, v1;
	v3 =	vld [tilespmem:s24+$0x7000];
	_ =	sdelay $0x4  }
0x13f: {  	s23 =	simm.s32 $0x19;
	[tilespmem:v4+s14+$0x0] =	vst.idx.msk $0xffff, v3  }
0x140: {  	v4 =	vadd.s32 s23, v1;
	v3 =	vld [tilespmem:s24+$0x7080];
	_ =	sdelay $0x4  }
0x141: {  	s25 =	simm.s32 $0x1A;
	[tilespmem:v4+s14+$0x0] =	vst.idx.msk $0xffff, v3  }
0x142: {  	v4 =	vadd.s32 s25, v1;
	v3 =	vld [tilespmem:s24+$0x7100];
	_ =	sdelay $0x4  }
0x143: {  	s26 =	simm.s32 $0x1B;
	[tilespmem:v4+s14+$0x0] =	vst.idx.msk $0xffff, v3  }
0x144: {  	v4 =	vadd.s32 s26, v1;
	v3 =	vld [tilespmem:s24+$0x7180];
	_ =	sdelay $0x4  }
0x145: {  	s28 =	simm.s32 $0x1C;
	[tilespmem:v4+s14+$0x0] =	vst.idx.msk $0xffff, v3  }
0x146: {  	v4 =	vadd.s32 s28, v1;
	v3 =	vld [tilespmem:s24+$0x7200];
	_ =	sdelay $0x4  }
0x147: {  	s29 =	simm.s32 $0x1D;
	[tilespmem:v4+s14+$0x0] =	vst.idx.msk $0xffff, v3  }
0x148: {  	v4 =	vadd.s32 s29, v1;
	v3 =	vld [tilespmem:s24+$0x7280];
	_ =	sdelay $0x4  }
0x149: {  	s30 =	simm.s32 $0x1E;
	[tilespmem:v4+s14+$0x0] =	vst.idx.msk $0xffff, v3  }
0x14a: {  	v4 =	vadd.s32 s30, v1;
	v3 =	vld [tilespmem:s24+$0x7300];
	_ =	sdelay $0x4  }
0x14b: {  	s31 =	simm.s32 $0x1F;
	[tilespmem:v4+s14+$0x0] =	vst.idx.msk $0xffff, v3  }
0x14c: {  	v4 =	vadd.s32 s31, v1;
	v3 =	vld [tilespmem:s24+$0x7380];
	_ =	sdelay $0x1  }
0x14d: {  	s22 =	simm.s32 $0x29F;
	s23 =	simm.s32 $0x10  }
0x14e: {  	s25 =	simm.s32 $0x51F;
	s26 =	simm.s32 $0x280;
	s24 =	simm.s32 $0x80  }
.LBB2_6:
0x14f: {  	p1 =	sne.s32 s25, $0x4D9F;
	s28 =	sand.u32 $0x70, s23;
	s29 =	sand.u32 $0xC00, s24;
	v5 =	vadd.s32 s26, v1  }
0x150: {  	s26 =	sor.u32 s28, s29;
	v5 =	vand.u32 $0xFF80, v5;
	[tilespmem:v4+s14+$0x0] =	vst.idx.msk $0xffff, v3  }
0x151: {  	v3 =	vld [tilespmem:s26+$0x4000];
	v4 =	vor.u32 v2, v5;
	_ =	sdelay $0x4  }
0x152: {  	s28 =	sadd.s32 $0xFFFFFFE2, s22;
	[tilespmem:v4+s14+$0x0] =	vst.idx.msk $0xffff, v3  }
0x153: {  	v4 =	vadd.s32 s28, v1;
	v3 =	vld [tilespmem:s26+$0x4080];
	_ =	sdelay $0x4  }
0x154: {  	s28 =	sadd.s32 $0xFFFFFFE3, s22;
	[tilespmem:v4+s14+$0x0] =	vst.idx.msk $0xffff, v3  }
0x155: {  	v4 =	vadd.s32 s28, v1;
	v3 =	vld [tilespmem:s26+$0x4100];
	_ =	sdelay $0x4  }
0x156: {  	s28 =	sadd.s32 $0xFFFFFFE4, s22;
	[tilespmem:v4+s14+$0x0] =	vst.idx.msk $0xffff, v3  }
0x157: {  	v4 =	vadd.s32 s28, v1;
	v3 =	vld [tilespmem:s26+$0x4180];
	_ =	sdelay $0x4  }
0x158: {  	s28 =	sadd.s32 $0xFFFFFFE5, s22;
	[tilespmem:v4+s14+$0x0] =	vst.idx.msk $0xffff, v3  }
0x159: {  	v4 =	vadd.s32 s28, v1;
	v3 =	vld [tilespmem:s26+$0x4200];
	_ =	sdelay $0x4  }
0x15a: {  	s28 =	sadd.s32 $0xFFFFFFE6, s22;
	[tilespmem:v4+s14+$0x0] =	vst.idx.msk $0xffff, v3  }
0x15b: {  	v4 =	vadd.s32 s28, v1;
	v3 =	vld [tilespmem:s26+$0x4280];
	_ =	sdelay $0x4  }
0x15c: {  	s28 =	sadd.s32 $0xFFFFFFE7, s22;
	[tilespmem:v4+s14+$0x0] =	vst.idx.msk $0xffff, v3  }
0x15d: {  	v4 =	vadd.s32 s28, v1;
	v3 =	vld [tilespmem:s26+$0x4300];
	_ =	sdelay $0x3  }
0x15e: {  	s28 =	sor.u32 s24, s23  }
0x15f: {  	s29 =	sadd.s32 $0xFFFFFFE8, s22;
	s28 =	sor.u32 $0x380, s28;
	[tilespmem:v4+s14+$0x0] =	vst.idx.msk $0xffff, v3  }
0x160: {  	v4 =	vadd.s32 s29, v1;
	v3 =	vld [tilespmem:s28+$0x4000];
	_ =	sdelay $0x4  }
0x161: {  	s28 =	sadd.s32 $0xFFFFFFE9, s22;
	[tilespmem:v4+s14+$0x0] =	vst.idx.msk $0xffff, v3  }
0x162: {  	v4 =	vadd.s32 s28, v1;
	v3 =	vld [tilespmem:s26+$0x5000];
	_ =	sdelay $0x4  }
0x163: {  	s28 =	sadd.s32 $0xFFFFFFEA, s22;
	[tilespmem:v4+s14+$0x0] =	vst.idx.msk $0xffff, v3  }
0x164: {  	v4 =	vadd.s32 s28, v1;
	v3 =	vld [tilespmem:s26+$0x5080];
	_ =	sdelay $0x4  }
0x165: {  	s28 =	sadd.s32 $0xFFFFFFEB, s22;
	[tilespmem:v4+s14+$0x0] =	vst.idx.msk $0xffff, v3  }
0x166: {  	v4 =	vadd.s32 s28, v1;
	v3 =	vld [tilespmem:s26+$0x5100];
	_ =	sdelay $0x4  }
0x167: {  	s28 =	sadd.s32 $0xFFFFFFEC, s22;
	[tilespmem:v4+s14+$0x0] =	vst.idx.msk $0xffff, v3  }
0x168: {  	v4 =	vadd.s32 s28, v1;
	v3 =	vld [tilespmem:s26+$0x5180];
	_ =	sdelay $0x4  }
0x169: {  	s28 =	sadd.s32 $0xFFFFFFED, s22;
	[tilespmem:v4+s14+$0x0] =	vst.idx.msk $0xffff, v3  }
0x16a: {  	v4 =	vadd.s32 s28, v1;
	v3 =	vld [tilespmem:s26+$0x5200];
	_ =	sdelay $0x4  }
0x16b: {  	s28 =	sadd.s32 $0xFFFFFFEE, s22;
	[tilespmem:v4+s14+$0x0] =	vst.idx.msk $0xffff, v3  }
0x16c: {  	v4 =	vadd.s32 s28, v1;
	v3 =	vld [tilespmem:s26+$0x5280];
	_ =	sdelay $0x4  }
0x16d: {  	s28 =	sadd.s32 $0xFFFFFFEF, s22;
	[tilespmem:v4+s14+$0x0] =	vst.idx.msk $0xffff, v3  }
0x16e: {  	v4 =	vadd.s32 s28, v1;
	v3 =	vld [tilespmem:s26+$0x5300];
	_ =	sdelay $0x4  }
0x16f: {  	s28 =	sadd.s32 $0xFFFFFFF0, s22;
	[tilespmem:v4+s14+$0x0] =	vst.idx.msk $0xffff, v3  }
0x170: {  	v4 =	vadd.s32 s28, v1;
	v3 =	vld [tilespmem:s26+$0x5380];
	_ =	sdelay $0x4  }
0x171: {  	s28 =	sadd.s32 $0xFFFFFFF1, s22;
	[tilespmem:v4+s14+$0x0] =	vst.idx.msk $0xffff, v3  }
0x172: {  	v4 =	vadd.s32 s28, v1;
	v3 =	vld [tilespmem:s26+$0x6000];
	_ =	sdelay $0x4  }
0x173: {  	s28 =	sadd.s32 $0xFFFFFFF2, s22;
	[tilespmem:v4+s14+$0x0] =	vst.idx.msk $0xffff, v3  }
0x174: {  	v4 =	vadd.s32 s28, v1;
	v3 =	vld [tilespmem:s26+$0x6080];
	_ =	sdelay $0x4  }
0x175: {  	s28 =	sadd.s32 $0xFFFFFFF3, s22;
	[tilespmem:v4+s14+$0x0] =	vst.idx.msk $0xffff, v3  }
0x176: {  	v4 =	vadd.s32 s28, v1;
	v3 =	vld [tilespmem:s26+$0x6100];
	_ =	sdelay $0x4  }
0x177: {  	s28 =	sadd.s32 $0xFFFFFFF4, s22;
	[tilespmem:v4+s14+$0x0] =	vst.idx.msk $0xffff, v3  }
0x178: {  	v4 =	vadd.s32 s28, v1;
	v3 =	vld [tilespmem:s26+$0x6180];
	_ =	sdelay $0x4  }
0x179: {  	s28 =	sadd.s32 $0xFFFFFFF5, s22;
	[tilespmem:v4+s14+$0x0] =	vst.idx.msk $0xffff, v3  }
0x17a: {  	v4 =	vadd.s32 s28, v1;
	v3 =	vld [tilespmem:s26+$0x6200];
	_ =	sdelay $0x4  }
0x17b: {  	s28 =	sadd.s32 $0xFFFFFFF6, s22;
	[tilespmem:v4+s14+$0x0] =	vst.idx.msk $0xffff, v3  }
0x17c: {  	v4 =	vadd.s32 s28, v1;
	v3 =	vld [tilespmem:s26+$0x6280];
	_ =	sdelay $0x4  }
0x17d: {  	s28 =	sadd.s32 $0xFFFFFFF7, s22;
	[tilespmem:v4+s14+$0x0] =	vst.idx.msk $0xffff, v3  }
0x17e: {  	v4 =	vadd.s32 s28, v1;
	v3 =	vld [tilespmem:s26+$0x6300];
	_ =	sdelay $0x4  }
0x17f: {  	s28 =	sadd.s32 $0xFFFFFFF8, s22;
	[tilespmem:v4+s14+$0x0] =	vst.idx.msk $0xffff, v3  }
0x180: {  	v4 =	vadd.s32 s28, v1;
	v3 =	vld [tilespmem:s26+$0x6380];
	_ =	sdelay $0x4  }
0x181: {  	s28 =	sadd.s32 $0xFFFFFFF9, s22;
	[tilespmem:v4+s14+$0x0] =	vst.idx.msk $0xffff, v3  }
0x182: {  	v4 =	vadd.s32 s28, v1;
	v3 =	vld [tilespmem:s26+$0x7000];
	_ =	sdelay $0x4  }
0x183: {  	s28 =	sadd.s32 $0xFFFFFFFA, s22;
	[tilespmem:v4+s14+$0x0] =	vst.idx.msk $0xffff, v3  }
0x184: {  	v4 =	vadd.s32 s28, v1;
	v3 =	vld [tilespmem:s26+$0x7080];
	_ =	sdelay $0x4  }
0x185: {  	s28 =	sadd.s32 $0xFFFFFFFB, s22;
	[tilespmem:v4+s14+$0x0] =	vst.idx.msk $0xffff, v3  }
0x186: {  	v4 =	vadd.s32 s28, v1;
	v3 =	vld [tilespmem:s26+$0x7100];
	_ =	sdelay $0x4  }
0x187: {  	s28 =	sadd.s32 $0xFFFFFFFC, s22;
	[tilespmem:v4+s14+$0x0] =	vst.idx.msk $0xffff, v3  }
0x188: {  	v4 =	vadd.s32 s28, v1;
	v3 =	vld [tilespmem:s26+$0x7180];
	_ =	sdelay $0x4  }
0x189: {  	s28 =	sadd.s32 $0xFFFFFFFD, s22;
	[tilespmem:v4+s14+$0x0] =	vst.idx.msk $0xffff, v3  }
0x18a: {  	v4 =	vadd.s32 s28, v1;
	v3 =	vld [tilespmem:s26+$0x7200];
	_ =	sdelay $0x4  }
0x18b: {  	s28 =	sadd.s32 $0xFFFFFFFE, s22;
	[tilespmem:v4+s14+$0x0] =	vst.idx.msk $0xffff, v3  }
0x18c: {  	v4 =	vadd.s32 s28, v1;
	v3 =	vld [tilespmem:s26+$0x7280];
	_ =	sdelay $0x4  }
0x18d: {  	s28 =	sadd.s32 $0xFFFFFFFF, s22;
	[tilespmem:v4+s14+$0x0] =	vst.idx.msk $0xffff, v3  }
0x18e: {  	v4 =	vadd.s32 s28, v1;
	v3 =	vld [tilespmem:s26+$0x7300];
	_ =	sdelay $0x4  }
.Ltmp7:
0x18f: {  	[tilespmem:v4+s14+$0x0] =	vst.idx.msk $0xffff, v3;
	(pc) =	sbr.rel @p1 .LBB2_6-.Ltmp7, $3  }
0x190: {  	v4 =	vadd.s32 s22, v1;
	s22 =	smov.u32 s25;
	v3 =	vld [tilespmem:s26+$0x7380];
	_ =	sdelay $0x1  }
0x191: {  	s23 =	sadd.s32 $0x10, s23  }
0x192: {  	s24 =	sadd.s32 $0x80, s24;
	s25 =	sadd.s32 $0x280, s25;
	s26 =	sadd.s32 $0xFFFFFFE1, s22  }
0x193: {  	_ =	sdelay $0x2  }
0x194: {  	s25 =	sand.u32 $0x70, s23;
	s28 =	sand.u32 $0xC00, s24;
	v5 =	vadd.s32 s26, v1  }
0x195: {  	s25 =	sor.u32 s25, s28;
	v5 =	vand.u32 $0xFF80, v5;
	[tilespmem:v4+s14+$0x0] =	vst.idx.msk $0xffff, v3  }
0x196: {  	v3 =	vld [tilespmem:s25+$0x4000];
	v4 =	vor.u32 v2, v5;
	_ =	sdelay $0x4  }
0x197: {  	s28 =	sadd.s32 $0xFFFFFFE2, s22;
	[tilespmem:v4+s14+$0x0] =	vst.idx.msk $0xffff, v3  }
0x198: {  	v4 =	vadd.s32 s28, v1;
	v3 =	vld [tilespmem:s25+$0x4080];
	_ =	sdelay $0x4  }
0x199: {  	s29 =	sadd.s32 $0xFFFFFFE3, s22;
	[tilespmem:v4+s14+$0x0] =	vst.idx.msk $0xffff, v3  }
0x19a: {  	v4 =	vadd.s32 s29, v1;
	v3 =	vld [tilespmem:s25+$0x4100];
	_ =	sdelay $0x4  }
0x19b: {  	s30 =	sadd.s32 $0xFFFFFFE4, s22;
	[tilespmem:v4+s14+$0x0] =	vst.idx.msk $0xffff, v3  }
0x19c: {  	v4 =	vadd.s32 s30, v1;
	v3 =	vld [tilespmem:s25+$0x4180];
	_ =	sdelay $0x4  }
0x19d: {  	s31 =	sadd.s32 $0xFFFFFFE5, s22;
	[tilespmem:v4+s14+$0x0] =	vst.idx.msk $0xffff, v3  }
0x19e: {  	v4 =	vadd.s32 s31, v1;
	v3 =	vld [tilespmem:s25+$0x4200];
	_ =	sdelay $0x4  }
0x19f: {  	s28 =	sadd.s32 $0xFFFFFFE6, s22;
	[tilespmem:v4+s14+$0x0] =	vst.idx.msk $0xffff, v3  }
0x1a0: {  	v4 =	vadd.s32 s28, v1;
	v3 =	vld [tilespmem:s25+$0x4280];
	_ =	sdelay $0x4  }
0x1a1: {  	s29 =	sadd.s32 $0xFFFFFFE7, s22;
	[tilespmem:v4+s14+$0x0] =	vst.idx.msk $0xffff, v3  }
0x1a2: {  	v4 =	vadd.s32 s29, v1;
	v3 =	vld [tilespmem:s25+$0x4300];
	_ =	sdelay $0x3  }
0x1a3: {  	s30 =	sor.u32 s24, s23  }
0x1a4: {  	s23 =	sor.u32 $0x380, s30;
	s31 =	sadd.s32 $0xFFFFFFE8, s22;
	[tilespmem:v4+s14+$0x0] =	vst.idx.msk $0xffff, v3  }
0x1a5: {  	v4 =	vadd.s32 s31, v1;
	v3 =	vld [tilespmem:s23+$0x4000];
	_ =	sdelay $0x4  }
0x1a6: {  	s26 =	sadd.s32 $0xFFFFFFE9, s22;
	[tilespmem:v4+s14+$0x0] =	vst.idx.msk $0xffff, v3  }
0x1a7: {  	v4 =	vadd.s32 s26, v1;
	v3 =	vld [tilespmem:s25+$0x5000];
	_ =	sdelay $0x4  }
0x1a8: {  	s28 =	sadd.s32 $0xFFFFFFEA, s22;
	[tilespmem:v4+s14+$0x0] =	vst.idx.msk $0xffff, v3  }
0x1a9: {  	v4 =	vadd.s32 s28, v1;
	v3 =	vld [tilespmem:s25+$0x5080];
	_ =	sdelay $0x4  }
0x1aa: {  	s29 =	sadd.s32 $0xFFFFFFEB, s22;
	[tilespmem:v4+s14+$0x0] =	vst.idx.msk $0xffff, v3  }
0x1ab: {  	v4 =	vadd.s32 s29, v1;
	v3 =	vld [tilespmem:s25+$0x5100];
	_ =	sdelay $0x4  }
0x1ac: {  	s30 =	sadd.s32 $0xFFFFFFEC, s22;
	[tilespmem:v4+s14+$0x0] =	vst.idx.msk $0xffff, v3  }
0x1ad: {  	v4 =	vadd.s32 s30, v1;
	v3 =	vld [tilespmem:s25+$0x5180];
	_ =	sdelay $0x4  }
0x1ae: {  	s31 =	sadd.s32 $0xFFFFFFED, s22;
	[tilespmem:v4+s14+$0x0] =	vst.idx.msk $0xffff, v3  }
0x1af: {  	v4 =	vadd.s32 s31, v1;
	v3 =	vld [tilespmem:s25+$0x5200];
	_ =	sdelay $0x4  }
0x1b0: {  	s24 =	sadd.s32 $0xFFFFFFEE, s22;
	[tilespmem:v4+s14+$0x0] =	vst.idx.msk $0xffff, v3  }
0x1b1: {  	v4 =	vadd.s32 s24, v1;
	v3 =	vld [tilespmem:s25+$0x5280];
	_ =	sdelay $0x4  }
0x1b2: {  	s26 =	sadd.s32 $0xFFFFFFEF, s22;
	[tilespmem:v4+s14+$0x0] =	vst.idx.msk $0xffff, v3  }
0x1b3: {  	v4 =	vadd.s32 s26, v1;
	v3 =	vld [tilespmem:s25+$0x5300];
	_ =	sdelay $0x4  }
0x1b4: {  	s28 =	sadd.s32 $0xFFFFFFF0, s22;
	[tilespmem:v4+s14+$0x0] =	vst.idx.msk $0xffff, v3  }
0x1b5: {  	v4 =	vadd.s32 s28, v1;
	v3 =	vld [tilespmem:s25+$0x5380];
	_ =	sdelay $0x4  }
0x1b6: {  	s29 =	sadd.s32 $0xFFFFFFF1, s22;
	[tilespmem:v4+s14+$0x0] =	vst.idx.msk $0xffff, v3  }
0x1b7: {  	v4 =	vadd.s32 s29, v1;
	v3 =	vld [tilespmem:s25+$0x6000];
	_ =	sdelay $0x4  }
0x1b8: {  	s30 =	sadd.s32 $0xFFFFFFF2, s22;
	[tilespmem:v4+s14+$0x0] =	vst.idx.msk $0xffff, v3  }
0x1b9: {  	v4 =	vadd.s32 s30, v1;
	v3 =	vld [tilespmem:s25+$0x6080];
	_ =	sdelay $0x4  }
0x1ba: {  	s31 =	sadd.s32 $0xFFFFFFF3, s22;
	[tilespmem:v4+s14+$0x0] =	vst.idx.msk $0xffff, v3  }
0x1bb: {  	v4 =	vadd.s32 s31, v1;
	v3 =	vld [tilespmem:s25+$0x6100];
	_ =	sdelay $0x4  }
0x1bc: {  	s24 =	sadd.s32 $0xFFFFFFF4, s22;
	[tilespmem:v4+s14+$0x0] =	vst.idx.msk $0xffff, v3  }
0x1bd: {  	v4 =	vadd.s32 s24, v1;
	v3 =	vld [tilespmem:s25+$0x6180];
	_ =	sdelay $0x4  }
0x1be: {  	s26 =	sadd.s32 $0xFFFFFFF5, s22;
	[tilespmem:v4+s14+$0x0] =	vst.idx.msk $0xffff, v3  }
0x1bf: {  	v4 =	vadd.s32 s26, v1;
	v3 =	vld [tilespmem:s25+$0x6200];
	_ =	sdelay $0x4  }
0x1c0: {  	s28 =	sadd.s32 $0xFFFFFFF6, s22;
	[tilespmem:v4+s14+$0x0] =	vst.idx.msk $0xffff, v3  }
0x1c1: {  	v4 =	vadd.s32 s28, v1;
	v3 =	vld [tilespmem:s25+$0x6280];
	_ =	sdelay $0x4  }
0x1c2: {  	s29 =	sadd.s32 $0xFFFFFFF7, s22;
	[tilespmem:v4+s14+$0x0] =	vst.idx.msk $0xffff, v3  }
0x1c3: {  	v4 =	vadd.s32 s29, v1;
	v3 =	vld [tilespmem:s25+$0x6300];
	_ =	sdelay $0x4  }
0x1c4: {  	s30 =	sadd.s32 $0xFFFFFFF8, s22;
	[tilespmem:v4+s14+$0x0] =	vst.idx.msk $0xffff, v3  }
0x1c5: {  	v4 =	vadd.s32 s30, v1;
	v3 =	vld [tilespmem:s25+$0x6380];
	_ =	sdelay $0x4  }
0x1c6: {  	s31 =	sadd.s32 $0xFFFFFFF9, s22;
	[tilespmem:v4+s14+$0x0] =	vst.idx.msk $0xffff, v3  }
0x1c7: {  	v4 =	vadd.s32 s31, v1;
	v3 =	vld [tilespmem:s25+$0x7000];
	_ =	sdelay $0x4  }
0x1c8: {  	s24 =	sadd.s32 $0xFFFFFFFA, s22;
	[tilespmem:v4+s14+$0x0] =	vst.idx.msk $0xffff, v3  }
0x1c9: {  	v4 =	vadd.s32 s24, v1;
	v3 =	vld [tilespmem:s25+$0x7080];
	_ =	sdelay $0x4  }
0x1ca: {  	s26 =	sadd.s32 $0xFFFFFFFB, s22;
	[tilespmem:v4+s14+$0x0] =	vst.idx.msk $0xffff, v3  }
0x1cb: {  	v4 =	vadd.s32 s26, v1;
	v3 =	vld [tilespmem:s25+$0x7100];
	_ =	sdelay $0x4  }
0x1cc: {  	s28 =	sadd.s32 $0xFFFFFFFC, s22;
	[tilespmem:v4+s14+$0x0] =	vst.idx.msk $0xffff, v3  }
0x1cd: {  	v4 =	vadd.s32 s28, v1;
	v3 =	vld [tilespmem:s25+$0x7180];
	_ =	sdelay $0x4  }
0x1ce: {  	s29 =	sadd.s32 $0xFFFFFFFD, s22;
	[tilespmem:v4+s14+$0x0] =	vst.idx.msk $0xffff, v3  }
0x1cf: {  	v4 =	vadd.s32 s29, v1;
	v3 =	vld [tilespmem:s25+$0x7200];
	_ =	sdelay $0x4  }
0x1d0: {  	s30 =	sadd.s32 $0xFFFFFFFE, s22;
	[tilespmem:v4+s14+$0x0] =	vst.idx.msk $0xffff, v3  }
0x1d1: {  	v4 =	vadd.s32 s30, v1;
	v3 =	vld [tilespmem:s25+$0x7280];
	_ =	sdelay $0x4  }
0x1d2: {  	s31 =	sadd.s32 $0xFFFFFFFF, s22;
	[tilespmem:v4+s14+$0x0] =	vst.idx.msk $0xffff, v3  }
0x1d3: {  	v4 =	vadd.s32 s31, v1;
	v3 =	vld [tilespmem:s25+$0x7300];
	_ =	sdelay $0x4  }
0x1d4: {  	[tilespmem:v4+s14+$0x0] =	vst.idx.msk $0xffff, v3  }
0x1d5: {  	v4 =	vadd.s32 s22, v1;
	v3 =	vld [tilespmem:s25+$0x7380];
	_ =	sdelay $0x1  }
.Ltmp8:
0x1d6: {  	_ = 	snop;
	(pc) =	sbr.rel .LBB2_8-.Ltmp8, $3  }
0x1d7: {  	s21 =	smul.u32 $0xA00, s21;
	_ =	sdelay $0x1  }
0x1d8: {  	s21 =	sadd.s32 s5, s21;
	[tilespmem:v4+s14+$0x0] =	vst.idx.msk $0xffff, v3  }
0x1d9: {  	[hbm4b:s21+s3] =	stream.linear.scatter [tilespmem:s14], [sflag:$0x4], $0x5000, $0x38;
	[tilespmem:$0x12880] =	vst v63  }
.LBB2_10:
0x1da: {  	[tilespmem:s17], [sflag:$0x5] =	stream.linear.gather [hbm4b:s1+s3], $0x880, $0x38;
	[tilespmem:$0x12880] =	vst v63  }
0x1db: {  	_ =	swait.ge [sflag:s18], $0x880  }
0x1dc: {  	[sflag:s18] =	ssyncset.done $0x0  }
0x1dd: {  	[sflag:s18] =	ssyncadd.s32 $0xFFFFF780  }
0x1de: {  	v3 =	vld.idx.msk [tilespmem:v0+s17+$0x0], $0xffff;
	_ =	sdelay $0x4  }
0x1df: {  	[tilespmem:v1+s12+$0x0] =	vst.idx.msk $0xffff, v3;
	v3 =	vld [tilespmem:$0x1FFD0];
	_ =	sdelay $0x4  }
0x1e0: {  	v4 =	vld [tilespmem:$0x1FFE0];
	_ =	sdelay $0x2  }
0x1e1: {  	v3 =	vld.idx.msk [tilespmem:v3+s17+$0x0], $0xffff;
	_ =	sdelay $0x4  }
0x1e2: {  	[tilespmem:v4+s12+$0x0] =	vst.idx.msk $0xffff, v3;
	v3 =	vld [tilespmem:$0x1FFF0];
	_ =	sdelay $0x7  }
0x1e3: {  	v3 =	vld.idx.msk [tilespmem:v3+s17+$0x0], $0xffff;
	_ =	sdelay $0x4  }
0x1e4: {  	[tilespmem:v6+s12+$0x0] =	vst.idx.msk $0xffff, v3  }
0x1e5: {  	v3 =	vld.idx.msk [tilespmem:v7+s17+$0x0], $0xffff;
	_ =	sdelay $0x4  }
0x1e6: {  	[tilespmem:v8+s12+$0x0] =	vst.idx.msk $0xffff, v3  }
0x1e7: {  	v3 =	vld.idx.msk [tilespmem:v9+s17+$0x0], $0xffff;
	_ =	sdelay $0x4  }
0x1e8: {  	[tilespmem:v10+s12+$0x0] =	vst.idx.msk $0xffff, v3  }
0x1e9: {  	v3 =	vld.idx.msk [tilespmem:v11+s17+$0x0], $0xffff;
	_ =	sdelay $0x4  }
0x1ea: {  	[tilespmem:v12+s12+$0x0] =	vst.idx.msk $0xffff, v3  }
0x1eb: {  	v3 =	vld.idx.msk [tilespmem:v13+s17+$0x0], $0xffff;
	_ =	sdelay $0x4  }
0x1ec: {  	[tilespmem:v14+s12+$0x0] =	vst.idx.msk $0xffff, v3  }
0x1ed: {  	v3 =	vld.idx.msk [tilespmem:v15+s17+$0x0], $0xffff;
	_ =	sdelay $0x4  }
0x1ee: {  	[tilespmem:v16+s12+$0x0] =	vst.idx.msk $0xffff, v3  }
0x1ef: {  	v3 =	vld.idx.msk [tilespmem:v17+s17+$0x0], $0xffff;
	_ =	sdelay $0x4  }
0x1f0: {  	[tilespmem:v18+s12+$0x0] =	vst.idx.msk $0xffff, v3  }
0x1f1: {  	v3 =	vld.idx.msk [tilespmem:v19+s17+$0x0], $0xffff;
	_ =	sdelay $0x4  }
0x1f2: {  	[tilespmem:v20+s12+$0x0] =	vst.idx.msk $0xffff, v3  }
0x1f3: {  	v3 =	vld.idx.msk [tilespmem:v21+s17+$0x0], $0xffff;
	_ =	sdelay $0x4  }
0x1f4: {  	[tilespmem:v22+s12+$0x0] =	vst.idx.msk $0xffff, v3  }
0x1f5: {  	v3 =	vld.idx.msk [tilespmem:v23+s17+$0x0], $0xffff;
	_ =	sdelay $0x4  }
0x1f6: {  	[tilespmem:v24+s12+$0x0] =	vst.idx.msk $0xffff, v3  }
0x1f7: {  	v3 =	vld.idx.msk [tilespmem:v25+s17+$0x0], $0xffff;
	_ =	sdelay $0x4  }
0x1f8: {  	[tilespmem:v26+s12+$0x0] =	vst.idx.msk $0xffff, v3  }
0x1f9: {  	v3 =	vld.idx.msk [tilespmem:v27+s17+$0x0], $0xffff;
	_ =	sdelay $0x4  }
0x1fa: {  	[tilespmem:v28+s12+$0x0] =	vst.idx.msk $0xffff, v3  }
0x1fb: {  	v3 =	vld.idx.msk [tilespmem:v29+s17+$0x0], $0xffff;
	_ =	sdelay $0x4  }
0x1fc: {  	[tilespmem:v30+s12+$0x0] =	vst.idx.msk $0xffff, v3  }
0x1fd: {  	v3 =	vld.idx.msk [tilespmem:v31+s17+$0x0], $0xffff;
	_ =	sdelay $0x4  }
0x1fe: {  	[tilespmem:v32+s12+$0x0] =	vst.idx.msk $0xffff, v3  }
0x1ff: {  	v3 =	vld.idx.msk [tilespmem:v33+s17+$0x0], $0xffff;
	_ =	sdelay $0x4  }
0x200: {  	[tilespmem:v34+s12+$0x0] =	vst.idx.msk $0xffff, v3  }
0x201: {  	v3 =	vld.idx.msk [tilespmem:v35+s17+$0x0], $0xffff;
	_ =	sdelay $0x4  }
0x202: {  	[tilespmem:v36+s12+$0x0] =	vst.idx.msk $0xffff, v3  }
0x203: {  	v3 =	vld.idx.msk [tilespmem:v37+s17+$0x0], $0xffff;
	_ =	sdelay $0x4  }
0x204: {  	[tilespmem:v38+s12+$0x0] =	vst.idx.msk $0xffff, v3  }
0x205: {  	v3 =	vld.idx.msk [tilespmem:v39+s17+$0x0], $0xffff;
	_ =	sdelay $0x4  }
0x206: {  	[tilespmem:v40+s12+$0x0] =	vst.idx.msk $0xffff, v3  }
0x207: {  	v3 =	vld.idx.msk [tilespmem:v41+s17+$0x0], $0xffff;
	_ =	sdelay $0x4  }
0x208: {  	[tilespmem:v42+s12+$0x0] =	vst.idx.msk $0xffff, v3  }
0x209: {  	v3 =	vld.idx.msk [tilespmem:v43+s17+$0x0], $0xffff;
	_ =	sdelay $0x4  }
0x20a: {  	[tilespmem:v44+s12+$0x0] =	vst.idx.msk $0xffff, v3  }
0x20b: {  	v3 =	vld.idx.msk [tilespmem:v45+s17+$0x0], $0xffff;
	_ =	sdelay $0x4  }
0x20c: {  	[tilespmem:v46+s12+$0x0] =	vst.idx.msk $0xffff, v3  }
0x20d: {  	v3 =	vld.idx.msk [tilespmem:v47+s17+$0x0], $0xffff;
	_ =	sdelay $0x4  }
0x20e: {  	[tilespmem:v48+s12+$0x0] =	vst.idx.msk $0xffff, v3  }
0x20f: {  	v3 =	vld.idx.msk [tilespmem:v49+s17+$0x0], $0xffff;
	_ =	sdelay $0x4  }
0x210: {  	[tilespmem:v50+s12+$0x0] =	vst.idx.msk $0xffff, v3  }
0x211: {  	v3 =	vld.idx.msk [tilespmem:v51+s17+$0x0], $0xffff;
	_ =	sdelay $0x4  }
0x212: {  	[tilespmem:v52+s12+$0x0] =	vst.idx.msk $0xffff, v3  }
0x213: {  	v3 =	vld.idx.msk [tilespmem:v53+s17+$0x0], $0xffff;
	_ =	sdelay $0x4  }
0x214: {  	[tilespmem:v54+s12+$0x0] =	vst.idx.msk $0xffff, v3  }
0x215: {  	v3 =	vld.idx.msk [tilespmem:v55+s17+$0x0], $0xffff;
	_ =	sdelay $0x4  }
0x216: {  	[tilespmem:v56+s12+$0x0] =	vst.idx.msk $0xffff, v3  }
0x217: {  	v3 =	vld.idx.msk [tilespmem:v57+s17+$0x0], $0xffff;
	_ =	sdelay $0x4  }
0x218: {  	[tilespmem:v58+s12+$0x0] =	vst.idx.msk $0xffff, v3  }
0x219: {  	v3 =	vld.idx.msk [tilespmem:v59+s17+$0x0], $0xffff;
	_ =	sdelay $0x4  }
0x21a: {  	[tilespmem:v60+s12+$0x0] =	vst.idx.msk $0xffff, v3  }
0x21b: {  	v3 =	vld.idx.msk [tilespmem:v61+s17+$0x0], $0xffff;
	_ =	sdelay $0x4  }
0x21c: {  	[tilespmem:v62+s12+$0x0] =	vst.idx.msk $0xffff, v3  }
0x21d: {  	v4 =	vadd.s32 $0x1F, v1;
	v3 =	vld.idx.msk [tilespmem:v63+s17+$0x0], $0xffff  }
0x21e: {  	v5 =	vor.u32 $0x200, v0;
	_ =	sdelay $0x3  }
0x21f: {  	[tilespmem:v4+s12+$0x0] =	vst.idx.msk $0xffff, v3  }
0x220: {  	v4 =	vadd.s32 $0x280, v1;
	v3 =	vld.idx.msk [tilespmem:v5+s17+$0x0], $0xffff  }
0x221: {  	v5 =	vor.u32 $0x201, v0;
	_ =	sdelay $0x3  }
0x222: {  	[tilespmem:v4+s12+$0x0] =	vst.idx.msk $0xffff, v3  }
0x223: {  	v4 =	vadd.s32 $0x281, v1;
	v3 =	vld.idx.msk [tilespmem:v5+s17+$0x0], $0xffff  }
0x224: {  	v5 =	vor.u32 $0x202, v0;
	_ =	sdelay $0x3  }
0x225: {  	[tilespmem:v4+s12+$0x0] =	vst.idx.msk $0xffff, v3  }
0x226: {  	v4 =	vadd.s32 $0x282, v1;
	v3 =	vld.idx.msk [tilespmem:v5+s17+$0x0], $0xffff  }
0x227: {  	v5 =	vor.u32 $0x203, v0;
	_ =	sdelay $0x3  }
0x228: {  	[tilespmem:v4+s12+$0x0] =	vst.idx.msk $0xffff, v3  }
0x229: {  	v4 =	vadd.s32 $0x283, v1;
	v3 =	vld.idx.msk [tilespmem:v5+s17+$0x0], $0xffff  }
0x22a: {  	v5 =	vor.u32 $0x204, v0;
	_ =	sdelay $0x3  }
0x22b: {  	[tilespmem:v4+s12+$0x0] =	vst.idx.msk $0xffff, v3  }
0x22c: {  	v4 =	vadd.s32 $0x284, v1;
	v3 =	vld.idx.msk [tilespmem:v5+s17+$0x0], $0xffff  }
0x22d: {  	v5 =	vor.u32 $0x205, v0;
	_ =	sdelay $0x3  }
0x22e: {  	[tilespmem:v4+s12+$0x0] =	vst.idx.msk $0xffff, v3  }
0x22f: {  	v4 =	vadd.s32 $0x285, v1;
	v3 =	vld.idx.msk [tilespmem:v5+s17+$0x0], $0xffff  }
0x230: {  	v5 =	vor.u32 $0x206, v0;
	_ =	sdelay $0x3  }
0x231: {  	[tilespmem:v4+s12+$0x0] =	vst.idx.msk $0xffff, v3  }
0x232: {  	v4 =	vadd.s32 $0x286, v1;
	v3 =	vld.idx.msk [tilespmem:v5+s17+$0x0], $0xffff  }
0x233: {  	v5 =	vor.u32 $0x207, v0;
	_ =	sdelay $0x3  }
0x234: {  	[tilespmem:v4+s12+$0x0] =	vst.idx.msk $0xffff, v3  }
0x235: {  	v4 =	vadd.s32 $0x287, v1;
	v3 =	vld.idx.msk [tilespmem:v5+s17+$0x0], $0xffff  }
0x236: {  	v5 =	vor.u32 $0x208, v0;
	_ =	sdelay $0x3  }
0x237: {  	[tilespmem:v4+s12+$0x0] =	vst.idx.msk $0xffff, v3  }
0x238: {  	v4 =	vadd.s32 $0x288, v1;
	v3 =	vld.idx.msk [tilespmem:v5+s17+$0x0], $0xffff  }
0x239: {  	v5 =	vor.u32 $0x209, v0;
	_ =	sdelay $0x3  }
0x23a: {  	[tilespmem:v4+s12+$0x0] =	vst.idx.msk $0xffff, v3  }
0x23b: {  	v4 =	vadd.s32 $0x289, v1;
	v3 =	vld.idx.msk [tilespmem:v5+s17+$0x0], $0xffff  }
0x23c: {  	v5 =	vor.u32 $0x20A, v0;
	_ =	sdelay $0x3  }
0x23d: {  	[tilespmem:v4+s12+$0x0] =	vst.idx.msk $0xffff, v3  }
0x23e: {  	v4 =	vadd.s32 $0x28A, v1;
	v3 =	vld.idx.msk [tilespmem:v5+s17+$0x0], $0xffff  }
0x23f: {  	v5 =	vor.u32 $0x20B, v0;
	_ =	sdelay $0x3  }
0x240: {  	[tilespmem:v4+s12+$0x0] =	vst.idx.msk $0xffff, v3  }
0x241: {  	v4 =	vadd.s32 $0x28B, v1;
	v3 =	vld.idx.msk [tilespmem:v5+s17+$0x0], $0xffff  }
0x242: {  	v5 =	vor.u32 $0x20C, v0;
	_ =	sdelay $0x3  }
0x243: {  	[tilespmem:v4+s12+$0x0] =	vst.idx.msk $0xffff, v3  }
0x244: {  	v4 =	vadd.s32 $0x28C, v1;
	v3 =	vld.idx.msk [tilespmem:v5+s17+$0x0], $0xffff  }
0x245: {  	v5 =	vor.u32 $0x20D, v0;
	_ =	sdelay $0x3  }
0x246: {  	[tilespmem:v4+s12+$0x0] =	vst.idx.msk $0xffff, v3  }
0x247: {  	v4 =	vadd.s32 $0x28D, v1;
	v3 =	vld.idx.msk [tilespmem:v5+s17+$0x0], $0xffff  }
0x248: {  	v5 =	vor.u32 $0x20E, v0;
	_ =	sdelay $0x3  }
0x249: {  	[tilespmem:v4+s12+$0x0] =	vst.idx.msk $0xffff, v3  }
0x24a: {  	v4 =	vadd.s32 $0x28E, v1;
	v3 =	vld.idx.msk [tilespmem:v5+s17+$0x0], $0xffff  }
0x24b: {  	v5 =	vor.u32 $0x20F, v0;
	_ =	sdelay $0x3  }
0x24c: {  	[tilespmem:v4+s12+$0x0] =	vst.idx.msk $0xffff, v3  }
0x24d: {  	v4 =	vadd.s32 $0x28F, v1;
	v3 =	vld.idx.msk [tilespmem:v5+s17+$0x0], $0xffff  }
0x24e: {  	v5 =	vor.u32 $0x210, v0;
	_ =	sdelay $0x3  }
0x24f: {  	[tilespmem:v4+s12+$0x0] =	vst.idx.msk $0xffff, v3  }
0x250: {  	v4 =	vadd.s32 $0x290, v1;
	v3 =	vld.idx.msk [tilespmem:v5+s17+$0x0], $0xffff  }
0x251: {  	v5 =	vor.u32 $0x211, v0;
	_ =	sdelay $0x3  }
0x252: {  	[tilespmem:v4+s12+$0x0] =	vst.idx.msk $0xffff, v3  }
0x253: {  	v4 =	vadd.s32 $0x291, v1;
	v3 =	vld.idx.msk [tilespmem:v5+s17+$0x0], $0xffff  }
0x254: {  	v5 =	vor.u32 $0x212, v0;
	_ =	sdelay $0x3  }
0x255: {  	[tilespmem:v4+s12+$0x0] =	vst.idx.msk $0xffff, v3  }
0x256: {  	v4 =	vadd.s32 $0x292, v1;
	v3 =	vld.idx.msk [tilespmem:v5+s17+$0x0], $0xffff  }
0x257: {  	v5 =	vor.u32 $0x213, v0;
	_ =	sdelay $0x3  }
0x258: {  	[tilespmem:v4+s12+$0x0] =	vst.idx.msk $0xffff, v3  }
0x259: {  	v4 =	vadd.s32 $0x293, v1;
	v3 =	vld.idx.msk [tilespmem:v5+s17+$0x0], $0xffff  }
0x25a: {  	v5 =	vor.u32 $0x214, v0;
	_ =	sdelay $0x3  }
0x25b: {  	[tilespmem:v4+s12+$0x0] =	vst.idx.msk $0xffff, v3  }
0x25c: {  	v4 =	vadd.s32 $0x294, v1;
	v3 =	vld.idx.msk [tilespmem:v5+s17+$0x0], $0xffff  }
0x25d: {  	v5 =	vor.u32 $0x215, v0;
	_ =	sdelay $0x3  }
0x25e: {  	[tilespmem:v4+s12+$0x0] =	vst.idx.msk $0xffff, v3  }
0x25f: {  	v4 =	vadd.s32 $0x295, v1;
	v3 =	vld.idx.msk [tilespmem:v5+s17+$0x0], $0xffff  }
0x260: {  	v5 =	vor.u32 $0x216, v0;
	_ =	sdelay $0x3  }
0x261: {  	[tilespmem:v4+s12+$0x0] =	vst.idx.msk $0xffff, v3  }
0x262: {  	v4 =	vadd.s32 $0x296, v1;
	v3 =	vld.idx.msk [tilespmem:v5+s17+$0x0], $0xffff  }
0x263: {  	v5 =	vor.u32 $0x217, v0;
	_ =	sdelay $0x3  }
0x264: {  	[tilespmem:v4+s12+$0x0] =	vst.idx.msk $0xffff, v3  }
0x265: {  	v4 =	vadd.s32 $0x297, v1;
	v3 =	vld.idx.msk [tilespmem:v5+s17+$0x0], $0xffff  }
0x266: {  	v5 =	vor.u32 $0x218, v0;
	_ =	sdelay $0x3  }
0x267: {  	[tilespmem:v4+s12+$0x0] =	vst.idx.msk $0xffff, v3  }
0x268: {  	v4 =	vadd.s32 $0x298, v1;
	v3 =	vld.idx.msk [tilespmem:v5+s17+$0x0], $0xffff  }
0x269: {  	v5 =	vor.u32 $0x219, v0;
	_ =	sdelay $0x3  }
0x26a: {  	[tilespmem:v4+s12+$0x0] =	vst.idx.msk $0xffff, v3  }
0x26b: {  	v4 =	vadd.s32 $0x299, v1;
	v3 =	vld.idx.msk [tilespmem:v5+s17+$0x0], $0xffff  }
0x26c: {  	v5 =	vor.u32 $0x21A, v0;
	_ =	sdelay $0x3  }
0x26d: {  	[tilespmem:v4+s12+$0x0] =	vst.idx.msk $0xffff, v3  }
0x26e: {  	v4 =	vadd.s32 $0x29A, v1;
	v3 =	vld.idx.msk [tilespmem:v5+s17+$0x0], $0xffff  }
0x26f: {  	v5 =	vor.u32 $0x21B, v0;
	_ =	sdelay $0x3  }
0x270: {  	[tilespmem:v4+s12+$0x0] =	vst.idx.msk $0xffff, v3  }
0x271: {  	v4 =	vadd.s32 $0x29B, v1;
	v3 =	vld.idx.msk [tilespmem:v5+s17+$0x0], $0xffff  }
0x272: {  	v5 =	vor.u32 $0x21C, v0;
	_ =	sdelay $0x3  }
0x273: {  	[tilespmem:v4+s12+$0x0] =	vst.idx.msk $0xffff, v3  }
0x274: {  	v4 =	vadd.s32 $0x29C, v1;
	v3 =	vld.idx.msk [tilespmem:v5+s17+$0x0], $0xffff  }
0x275: {  	v5 =	vor.u32 $0x21D, v0;
	_ =	sdelay $0x3  }
0x276: {  	[tilespmem:v4+s12+$0x0] =	vst.idx.msk $0xffff, v3  }
0x277: {  	v4 =	vadd.s32 $0x29D, v1;
	v3 =	vld.idx.msk [tilespmem:v5+s17+$0x0], $0xffff  }
0x278: {  	v5 =	vor.u32 $0x21E, v0;
	_ =	sdelay $0x3  }
0x279: {  	[tilespmem:v4+s12+$0x0] =	vst.idx.msk $0xffff, v3  }
0x27a: {  	v4 =	vadd.s32 $0x29E, v1;
	v3 =	vld.idx.msk [tilespmem:v5+s17+$0x0], $0xffff  }
0x27b: {  	v5 =	vor.u32 $0x21F, v0;
	_ =	sdelay $0x3  }
0x27c: {  	[tilespmem:v4+s12+$0x0] =	vst.idx.msk $0xffff, v3  }
0x27d: {  	v4 =	vadd.s32 $0x29F, v1;
	v3 =	vld.idx.msk [tilespmem:v5+s17+$0x0], $0xffff  }
0x27e: {  	v5 =	vor.u32 $0x400, v0;
	_ =	sdelay $0x3  }
0x27f: {  	[tilespmem:v4+s12+$0x0] =	vst.idx.msk $0xffff, v3  }
0x280: {  	v4 =	vadd.s32 $0x500, v1;
	v3 =	vld.idx.msk [tilespmem:v5+s17+$0x0], $0xffff  }
0x281: {  	v5 =	vor.u32 $0x401, v0;
	_ =	sdelay $0x3  }
0x282: {  	[tilespmem:v4+s12+$0x0] =	vst.idx.msk $0xffff, v3  }
0x283: {  	v4 =	vadd.s32 $0x501, v1;
	v3 =	vld.idx.msk [tilespmem:v5+s17+$0x0], $0xffff  }
0x284: {  	v5 =	vor.u32 $0x402, v0;
	_ =	sdelay $0x3  }
0x285: {  	[tilespmem:v4+s12+$0x0] =	vst.idx.msk $0xffff, v3  }
0x286: {  	v4 =	vadd.s32 $0x502, v1;
	v3 =	vld.idx.msk [tilespmem:v5+s17+$0x0], $0xffff  }
0x287: {  	v5 =	vor.u32 $0x403, v0;
	_ =	sdelay $0x3  }
0x288: {  	[tilespmem:v4+s12+$0x0] =	vst.idx.msk $0xffff, v3  }
0x289: {  	v4 =	vadd.s32 $0x503, v1;
	v3 =	vld.idx.msk [tilespmem:v5+s17+$0x0], $0xffff  }
0x28a: {  	v5 =	vor.u32 $0x404, v0;
	_ =	sdelay $0x3  }
0x28b: {  	[tilespmem:v4+s12+$0x0] =	vst.idx.msk $0xffff, v3  }
0x28c: {  	v4 =	vadd.s32 $0x504, v1;
	v3 =	vld.idx.msk [tilespmem:v5+s17+$0x0], $0xffff  }
0x28d: {  	v5 =	vor.u32 $0x405, v0;
	_ =	sdelay $0x3  }
0x28e: {  	[tilespmem:v4+s12+$0x0] =	vst.idx.msk $0xffff, v3  }
0x28f: {  	v4 =	vadd.s32 $0x505, v1;
	v3 =	vld.idx.msk [tilespmem:v5+s17+$0x0], $0xffff  }
0x290: {  	v5 =	vor.u32 $0x406, v0;
	_ =	sdelay $0x3  }
0x291: {  	[tilespmem:v4+s12+$0x0] =	vst.idx.msk $0xffff, v3  }
0x292: {  	v4 =	vadd.s32 $0x506, v1;
	v3 =	vld.idx.msk [tilespmem:v5+s17+$0x0], $0xffff  }
0x293: {  	v5 =	vor.u32 $0x407, v0;
	_ =	sdelay $0x3  }
0x294: {  	[tilespmem:v4+s12+$0x0] =	vst.idx.msk $0xffff, v3  }
0x295: {  	v4 =	vadd.s32 $0x507, v1;
	v3 =	vld.idx.msk [tilespmem:v5+s17+$0x0], $0xffff  }
0x296: {  	v5 =	vor.u32 $0x408, v0;
	_ =	sdelay $0x3  }
0x297: {  	[tilespmem:v4+s12+$0x0] =	vst.idx.msk $0xffff, v3  }
0x298: {  	v4 =	vadd.s32 $0x508, v1;
	v3 =	vld.idx.msk [tilespmem:v5+s17+$0x0], $0xffff  }
0x299: {  	v5 =	vor.u32 $0x409, v0;
	_ =	sdelay $0x3  }
0x29a: {  	[tilespmem:v4+s12+$0x0] =	vst.idx.msk $0xffff, v3  }
0x29b: {  	v4 =	vadd.s32 $0x509, v1;
	v3 =	vld.idx.msk [tilespmem:v5+s17+$0x0], $0xffff  }
0x29c: {  	v5 =	vor.u32 $0x40A, v0;
	_ =	sdelay $0x3  }
0x29d: {  	[tilespmem:v4+s12+$0x0] =	vst.idx.msk $0xffff, v3  }
0x29e: {  	v4 =	vadd.s32 $0x50A, v1;
	v3 =	vld.idx.msk [tilespmem:v5+s17+$0x0], $0xffff  }
0x29f: {  	v5 =	vor.u32 $0x40B, v0;
	_ =	sdelay $0x3  }
0x2a0: {  	[tilespmem:v4+s12+$0x0] =	vst.idx.msk $0xffff, v3  }
0x2a1: {  	v4 =	vadd.s32 $0x50B, v1;
	v3 =	vld.idx.msk [tilespmem:v5+s17+$0x0], $0xffff  }
0x2a2: {  	v5 =	vor.u32 $0x40C, v0;
	_ =	sdelay $0x3  }
0x2a3: {  	[tilespmem:v4+s12+$0x0] =	vst.idx.msk $0xffff, v3  }
0x2a4: {  	v4 =	vadd.s32 $0x50C, v1;
	v3 =	vld.idx.msk [tilespmem:v5+s17+$0x0], $0xffff  }
0x2a5: {  	v5 =	vor.u32 $0x40D, v0;
	_ =	sdelay $0x3  }
0x2a6: {  	[tilespmem:v4+s12+$0x0] =	vst.idx.msk $0xffff, v3  }
0x2a7: {  	v4 =	vadd.s32 $0x50D, v1;
	v3 =	vld.idx.msk [tilespmem:v5+s17+$0x0], $0xffff  }
0x2a8: {  	v5 =	vor.u32 $0x40E, v0;
	_ =	sdelay $0x3  }
0x2a9: {  	[tilespmem:v4+s12+$0x0] =	vst.idx.msk $0xffff, v3  }
0x2aa: {  	v4 =	vadd.s32 $0x50E, v1;
	v3 =	vld.idx.msk [tilespmem:v5+s17+$0x0], $0xffff  }
0x2ab: {  	v5 =	vor.u32 $0x40F, v0;
	_ =	sdelay $0x3  }
0x2ac: {  	[tilespmem:v4+s12+$0x0] =	vst.idx.msk $0xffff, v3  }
0x2ad: {  	v4 =	vadd.s32 $0x50F, v1;
	v3 =	vld.idx.msk [tilespmem:v5+s17+$0x0], $0xffff  }
0x2ae: {  	v5 =	vor.u32 $0x410, v0;
	_ =	sdelay $0x3  }
0x2af: {  	[tilespmem:v4+s12+$0x0] =	vst.idx.msk $0xffff, v3  }
0x2b0: {  	v4 =	vadd.s32 $0x510, v1;
	v3 =	vld.idx.msk [tilespmem:v5+s17+$0x0], $0xffff  }
0x2b1: {  	v5 =	vor.u32 $0x411, v0;
	_ =	sdelay $0x3  }
0x2b2: {  	[tilespmem:v4+s12+$0x0] =	vst.idx.msk $0xffff, v3  }
0x2b3: {  	v4 =	vadd.s32 $0x511, v1;
	v3 =	vld.idx.msk [tilespmem:v5+s17+$0x0], $0xffff  }
0x2b4: {  	v5 =	vor.u32 $0x412, v0;
	_ =	sdelay $0x3  }
0x2b5: {  	[tilespmem:v4+s12+$0x0] =	vst.idx.msk $0xffff, v3  }
0x2b6: {  	v4 =	vadd.s32 $0x512, v1;
	v3 =	vld.idx.msk [tilespmem:v5+s17+$0x0], $0xffff  }
0x2b7: {  	v5 =	vor.u32 $0x413, v0;
	_ =	sdelay $0x3  }
0x2b8: {  	[tilespmem:v4+s12+$0x0] =	vst.idx.msk $0xffff, v3  }
0x2b9: {  	v4 =	vadd.s32 $0x513, v1;
	v3 =	vld.idx.msk [tilespmem:v5+s17+$0x0], $0xffff  }
0x2ba: {  	v5 =	vor.u32 $0x414, v0;
	_ =	sdelay $0x3  }
0x2bb: {  	[tilespmem:v4+s12+$0x0] =	vst.idx.msk $0xffff, v3  }
0x2bc: {  	v4 =	vadd.s32 $0x514, v1;
	v3 =	vld.idx.msk [tilespmem:v5+s17+$0x0], $0xffff  }
0x2bd: {  	v5 =	vor.u32 $0x415, v0;
	_ =	sdelay $0x3  }
0x2be: {  	[tilespmem:v4+s12+$0x0] =	vst.idx.msk $0xffff, v3  }
0x2bf: {  	v4 =	vadd.s32 $0x515, v1;
	v3 =	vld.idx.msk [tilespmem:v5+s17+$0x0], $0xffff  }
0x2c0: {  	v5 =	vor.u32 $0x416, v0;
	_ =	sdelay $0x3  }
0x2c1: {  	[tilespmem:v4+s12+$0x0] =	vst.idx.msk $0xffff, v3  }
0x2c2: {  	v4 =	vadd.s32 $0x516, v1;
	v3 =	vld.idx.msk [tilespmem:v5+s17+$0x0], $0xffff  }
0x2c3: {  	v5 =	vor.u32 $0x417, v0;
	_ =	sdelay $0x3  }
0x2c4: {  	[tilespmem:v4+s12+$0x0] =	vst.idx.msk $0xffff, v3  }
0x2c5: {  	v4 =	vadd.s32 $0x517, v1;
	v3 =	vld.idx.msk [tilespmem:v5+s17+$0x0], $0xffff  }
0x2c6: {  	v5 =	vor.u32 $0x418, v0;
	_ =	sdelay $0x3  }
0x2c7: {  	[tilespmem:v4+s12+$0x0] =	vst.idx.msk $0xffff, v3  }
0x2c8: {  	v4 =	vadd.s32 $0x518, v1;
	v3 =	vld.idx.msk [tilespmem:v5+s17+$0x0], $0xffff  }
0x2c9: {  	v5 =	vor.u32 $0x419, v0;
	_ =	sdelay $0x3  }
0x2ca: {  	[tilespmem:v4+s12+$0x0] =	vst.idx.msk $0xffff, v3  }
0x2cb: {  	v4 =	vadd.s32 $0x519, v1;
	v3 =	vld.idx.msk [tilespmem:v5+s17+$0x0], $0xffff  }
0x2cc: {  	v5 =	vor.u32 $0x41A, v0;
	_ =	sdelay $0x3  }
0x2cd: {  	[tilespmem:v4+s12+$0x0] =	vst.idx.msk $0xffff, v3  }
0x2ce: {  	v4 =	vadd.s32 $0x51A, v1;
	v3 =	vld.idx.msk [tilespmem:v5+s17+$0x0], $0xffff  }
0x2cf: {  	v5 =	vor.u32 $0x41B, v0;
	_ =	sdelay $0x3  }
0x2d0: {  	[tilespmem:v4+s12+$0x0] =	vst.idx.msk $0xffff, v3  }
0x2d1: {  	v4 =	vadd.s32 $0x51B, v1;
	v3 =	vld.idx.msk [tilespmem:v5+s17+$0x0], $0xffff  }
0x2d2: {  	v5 =	vor.u32 $0x41C, v0;
	_ =	sdelay $0x3  }
0x2d3: {  	[tilespmem:v4+s12+$0x0] =	vst.idx.msk $0xffff, v3  }
0x2d4: {  	v4 =	vadd.s32 $0x51C, v1;
	v3 =	vld.idx.msk [tilespmem:v5+s17+$0x0], $0xffff  }
0x2d5: {  	v5 =	vor.u32 $0x41D, v0;
	_ =	sdelay $0x3  }
0x2d6: {  	[tilespmem:v4+s12+$0x0] =	vst.idx.msk $0xffff, v3  }
0x2d7: {  	v4 =	vadd.s32 $0x51D, v1;
	v3 =	vld.idx.msk [tilespmem:v5+s17+$0x0], $0xffff  }
0x2d8: {  	v5 =	vor.u32 $0x41E, v0;
	_ =	sdelay $0x3  }
0x2d9: {  	[tilespmem:v4+s12+$0x0] =	vst.idx.msk $0xffff, v3  }
0x2da: {  	v4 =	vadd.s32 $0x51E, v1;
	v3 =	vld.idx.msk [tilespmem:v5+s17+$0x0], $0xffff  }
0x2db: {  	v5 =	vor.u32 $0x41F, v0;
	_ =	sdelay $0x3  }
0x2dc: {  	[tilespmem:v4+s12+$0x0] =	vst.idx.msk $0xffff, v3  }
0x2dd: {  	v4 =	vadd.s32 $0x51F, v1;
	v3 =	vld.idx.msk [tilespmem:v5+s17+$0x0], $0xffff  }
0x2de: {  	v5 =	vor.u32 $0x600, v0;
	_ =	sdelay $0x3  }
0x2df: {  	[tilespmem:v4+s12+$0x0] =	vst.idx.msk $0xffff, v3  }
0x2e0: {  	v4 =	vadd.s32 $0x780, v1;
	v3 =	vld.idx.msk [tilespmem:v5+s17+$0x0], $0xffff  }
0x2e1: {  	v5 =	vor.u32 $0x601, v0;
	_ =	sdelay $0x3  }
0x2e2: {  	[tilespmem:v4+s12+$0x0] =	vst.idx.msk $0xffff, v3  }
0x2e3: {  	v4 =	vadd.s32 $0x781, v1;
	v3 =	vld.idx.msk [tilespmem:v5+s17+$0x0], $0xffff  }
0x2e4: {  	v5 =	vor.u32 $0x602, v0;
	_ =	sdelay $0x3  }
0x2e5: {  	[tilespmem:v4+s12+$0x0] =	vst.idx.msk $0xffff, v3  }
0x2e6: {  	v4 =	vadd.s32 $0x782, v1;
	v3 =	vld.idx.msk [tilespmem:v5+s17+$0x0], $0xffff  }
0x2e7: {  	v5 =	vor.u32 $0x603, v0;
	_ =	sdelay $0x3  }
0x2e8: {  	[tilespmem:v4+s12+$0x0] =	vst.idx.msk $0xffff, v3  }
0x2e9: {  	v4 =	vadd.s32 $0x783, v1;
	v3 =	vld.idx.msk [tilespmem:v5+s17+$0x0], $0xffff  }
0x2ea: {  	v5 =	vor.u32 $0x604, v0;
	_ =	sdelay $0x3  }
0x2eb: {  	[tilespmem:v4+s12+$0x0] =	vst.idx.msk $0xffff, v3  }
0x2ec: {  	v4 =	vadd.s32 $0x784, v1;
	v3 =	vld.idx.msk [tilespmem:v5+s17+$0x0], $0xffff  }
0x2ed: {  	v5 =	vor.u32 $0x605, v0;
	_ =	sdelay $0x3  }
0x2ee: {  	[tilespmem:v4+s12+$0x0] =	vst.idx.msk $0xffff, v3  }
0x2ef: {  	v4 =	vadd.s32 $0x785, v1;
	v3 =	vld.idx.msk [tilespmem:v5+s17+$0x0], $0xffff  }
0x2f0: {  	v5 =	vor.u32 $0x606, v0;
	_ =	sdelay $0x3  }
0x2f1: {  	[tilespmem:v4+s12+$0x0] =	vst.idx.msk $0xffff, v3  }
0x2f2: {  	v4 =	vadd.s32 $0x786, v1;
	v3 =	vld.idx.msk [tilespmem:v5+s17+$0x0], $0xffff  }
0x2f3: {  	v5 =	vor.u32 $0x607, v0;
	_ =	sdelay $0x3  }
0x2f4: {  	[tilespmem:v4+s12+$0x0] =	vst.idx.msk $0xffff, v3  }
0x2f5: {  	v4 =	vadd.s32 $0x787, v1;
	v3 =	vld.idx.msk [tilespmem:v5+s17+$0x0], $0xffff  }
0x2f6: {  	v5 =	vor.u32 $0x608, v0;
	_ =	sdelay $0x3  }
0x2f7: {  	[tilespmem:v4+s12+$0x0] =	vst.idx.msk $0xffff, v3  }
0x2f8: {  	v4 =	vadd.s32 $0x788, v1;
	v3 =	vld.idx.msk [tilespmem:v5+s17+$0x0], $0xffff  }
0x2f9: {  	v5 =	vor.u32 $0x609, v0;
	_ =	sdelay $0x3  }
0x2fa: {  	[tilespmem:v4+s12+$0x0] =	vst.idx.msk $0xffff, v3  }
0x2fb: {  	v4 =	vadd.s32 $0x789, v1;
	v3 =	vld.idx.msk [tilespmem:v5+s17+$0x0], $0xffff  }
0x2fc: {  	v5 =	vor.u32 $0x60A, v0;
	_ =	sdelay $0x3  }
0x2fd: {  	[tilespmem:v4+s12+$0x0] =	vst.idx.msk $0xffff, v3  }
0x2fe: {  	v4 =	vadd.s32 $0x78A, v1;
	v3 =	vld.idx.msk [tilespmem:v5+s17+$0x0], $0xffff  }
0x2ff: {  	v5 =	vor.u32 $0x60B, v0;
	_ =	sdelay $0x3  }
0x300: {  	[tilespmem:v4+s12+$0x0] =	vst.idx.msk $0xffff, v3  }
0x301: {  	v4 =	vadd.s32 $0x78B, v1;
	v3 =	vld.idx.msk [tilespmem:v5+s17+$0x0], $0xffff  }
0x302: {  	v5 =	vor.u32 $0x60C, v0;
	_ =	sdelay $0x3  }
0x303: {  	[tilespmem:v4+s12+$0x0] =	vst.idx.msk $0xffff, v3  }
0x304: {  	v4 =	vadd.s32 $0x78C, v1;
	v3 =	vld.idx.msk [tilespmem:v5+s17+$0x0], $0xffff  }
0x305: {  	v5 =	vor.u32 $0x60D, v0;
	_ =	sdelay $0x3  }
0x306: {  	[tilespmem:v4+s12+$0x0] =	vst.idx.msk $0xffff, v3  }
0x307: {  	v4 =	vadd.s32 $0x78D, v1;
	v3 =	vld.idx.msk [tilespmem:v5+s17+$0x0], $0xffff  }
0x308: {  	v5 =	vor.u32 $0x60E, v0;
	_ =	sdelay $0x3  }
0x309: {  	[tilespmem:v4+s12+$0x0] =	vst.idx.msk $0xffff, v3  }
0x30a: {  	v4 =	vadd.s32 $0x78E, v1;
	v3 =	vld.idx.msk [tilespmem:v5+s17+$0x0], $0xffff  }
0x30b: {  	v5 =	vor.u32 $0x60F, v0;
	_ =	sdelay $0x3  }
0x30c: {  	[tilespmem:v4+s12+$0x0] =	vst.idx.msk $0xffff, v3  }
0x30d: {  	v4 =	vadd.s32 $0x78F, v1;
	v3 =	vld.idx.msk [tilespmem:v5+s17+$0x0], $0xffff  }
0x30e: {  	v5 =	vor.u32 $0x610, v0;
	_ =	sdelay $0x3  }
0x30f: {  	[tilespmem:v4+s12+$0x0] =	vst.idx.msk $0xffff, v3  }
0x310: {  	v4 =	vadd.s32 $0x790, v1;
	v3 =	vld.idx.msk [tilespmem:v5+s17+$0x0], $0xffff  }
0x311: {  	v5 =	vor.u32 $0x611, v0;
	_ =	sdelay $0x3  }
0x312: {  	[tilespmem:v4+s12+$0x0] =	vst.idx.msk $0xffff, v3  }
0x313: {  	v4 =	vadd.s32 $0x791, v1;
	v3 =	vld.idx.msk [tilespmem:v5+s17+$0x0], $0xffff  }
0x314: {  	v5 =	vor.u32 $0x612, v0;
	_ =	sdelay $0x3  }
0x315: {  	[tilespmem:v4+s12+$0x0] =	vst.idx.msk $0xffff, v3  }
0x316: {  	v4 =	vadd.s32 $0x792, v1;
	v3 =	vld.idx.msk [tilespmem:v5+s17+$0x0], $0xffff  }
0x317: {  	v5 =	vor.u32 $0x613, v0;
	_ =	sdelay $0x3  }
0x318: {  	[tilespmem:v4+s12+$0x0] =	vst.idx.msk $0xffff, v3  }
0x319: {  	v4 =	vadd.s32 $0x793, v1;
	v3 =	vld.idx.msk [tilespmem:v5+s17+$0x0], $0xffff  }
0x31a: {  	v5 =	vor.u32 $0x614, v0;
	_ =	sdelay $0x3  }
0x31b: {  	[tilespmem:v4+s12+$0x0] =	vst.idx.msk $0xffff, v3  }
0x31c: {  	v4 =	vadd.s32 $0x794, v1;
	v3 =	vld.idx.msk [tilespmem:v5+s17+$0x0], $0xffff  }
0x31d: {  	v5 =	vor.u32 $0x615, v0;
	_ =	sdelay $0x3  }
0x31e: {  	[tilespmem:v4+s12+$0x0] =	vst.idx.msk $0xffff, v3  }
0x31f: {  	v4 =	vadd.s32 $0x795, v1;
	v3 =	vld.idx.msk [tilespmem:v5+s17+$0x0], $0xffff  }
0x320: {  	v5 =	vor.u32 $0x616, v0;
	_ =	sdelay $0x3  }
0x321: {  	[tilespmem:v4+s12+$0x0] =	vst.idx.msk $0xffff, v3  }
0x322: {  	v4 =	vadd.s32 $0x796, v1;
	v3 =	vld.idx.msk [tilespmem:v5+s17+$0x0], $0xffff  }
0x323: {  	v5 =	vor.u32 $0x617, v0;
	_ =	sdelay $0x3  }
0x324: {  	[tilespmem:v4+s12+$0x0] =	vst.idx.msk $0xffff, v3  }
0x325: {  	v4 =	vadd.s32 $0x797, v1;
	v3 =	vld.idx.msk [tilespmem:v5+s17+$0x0], $0xffff  }
0x326: {  	v5 =	vor.u32 $0x618, v0;
	_ =	sdelay $0x3  }
0x327: {  	[tilespmem:v4+s12+$0x0] =	vst.idx.msk $0xffff, v3  }
0x328: {  	v4 =	vadd.s32 $0x798, v1;
	v3 =	vld.idx.msk [tilespmem:v5+s17+$0x0], $0xffff  }
0x329: {  	v5 =	vor.u32 $0x619, v0;
	_ =	sdelay $0x3  }
0x32a: {  	[tilespmem:v4+s12+$0x0] =	vst.idx.msk $0xffff, v3  }
0x32b: {  	v4 =	vadd.s32 $0x799, v1;
	v3 =	vld.idx.msk [tilespmem:v5+s17+$0x0], $0xffff  }
0x32c: {  	v5 =	vor.u32 $0x61A, v0;
	_ =	sdelay $0x3  }
0x32d: {  	[tilespmem:v4+s12+$0x0] =	vst.idx.msk $0xffff, v3  }
0x32e: {  	v4 =	vadd.s32 $0x79A, v1;
	v3 =	vld.idx.msk [tilespmem:v5+s17+$0x0], $0xffff  }
0x32f: {  	v5 =	vor.u32 $0x61B, v0;
	_ =	sdelay $0x3  }
0x330: {  	[tilespmem:v4+s12+$0x0] =	vst.idx.msk $0xffff, v3  }
0x331: {  	v4 =	vadd.s32 $0x79B, v1;
	v3 =	vld.idx.msk [tilespmem:v5+s17+$0x0], $0xffff  }
0x332: {  	v5 =	vor.u32 $0x61C, v0;
	_ =	sdelay $0x3  }
0x333: {  	[tilespmem:v4+s12+$0x0] =	vst.idx.msk $0xffff, v3  }
0x334: {  	v4 =	vadd.s32 $0x79C, v1;
	v3 =	vld.idx.msk [tilespmem:v5+s17+$0x0], $0xffff  }
0x335: {  	v5 =	vor.u32 $0x61D, v0;
	_ =	sdelay $0x3  }
0x336: {  	[tilespmem:v4+s12+$0x0] =	vst.idx.msk $0xffff, v3  }
0x337: {  	v4 =	vadd.s32 $0x79D, v1;
	v3 =	vld.idx.msk [tilespmem:v5+s17+$0x0], $0xffff  }
0x338: {  	v5 =	vor.u32 $0x61E, v0;
	_ =	sdelay $0x3  }
0x339: {  	[tilespmem:v4+s12+$0x0] =	vst.idx.msk $0xffff, v3  }
0x33a: {  	v4 =	vadd.s32 $0x79E, v1;
	v3 =	vld.idx.msk [tilespmem:v5+s17+$0x0], $0xffff  }
0x33b: {  	v5 =	vor.u32 $0x61F, v0;
	_ =	sdelay $0x3  }
0x33c: {  	[tilespmem:v4+s12+$0x0] =	vst.idx.msk $0xffff, v3  }
0x33d: {  	v4 =	vadd.s32 $0x79F, v1;
	v3 =	vld.idx.msk [tilespmem:v5+s17+$0x0], $0xffff  }
0x33e: {  	v5 =	vor.u32 $0x800, v0;
	_ =	sdelay $0x3  }
0x33f: {  	[tilespmem:v4+s12+$0x0] =	vst.idx.msk $0xffff, v3  }
0x340: {  	v4 =	vadd.s32 $0xA00, v1;
	v3 =	vld.idx.msk [tilespmem:v5+s17+$0x0], $0x1  }
0x341: {  	v5 =	vor.u32 $0x801, v0;
	_ =	sdelay $0x3  }
0x342: {  	[tilespmem:v4+s12+$0x0] =	vst.idx.msk $0x1, v3  }
0x343: {  	v4 =	vadd.s32 $0xA01, v1;
	v3 =	vld.idx.msk [tilespmem:v5+s17+$0x0], $0x1  }
0x344: {  	v5 =	vor.u32 $0x802, v0;
	_ =	sdelay $0x3  }
0x345: {  	[tilespmem:v4+s12+$0x0] =	vst.idx.msk $0x1, v3  }
0x346: {  	v4 =	vadd.s32 $0xA02, v1;
	v3 =	vld.idx.msk [tilespmem:v5+s17+$0x0], $0x1  }
0x347: {  	v5 =	vor.u32 $0x803, v0;
	_ =	sdelay $0x3  }
0x348: {  	[tilespmem:v4+s12+$0x0] =	vst.idx.msk $0x1, v3  }
0x349: {  	v4 =	vadd.s32 $0xA03, v1;
	v3 =	vld.idx.msk [tilespmem:v5+s17+$0x0], $0x1  }
0x34a: {  	v5 =	vor.u32 $0x804, v0;
	_ =	sdelay $0x3  }
0x34b: {  	[tilespmem:v4+s12+$0x0] =	vst.idx.msk $0x1, v3  }
0x34c: {  	v4 =	vadd.s32 $0xA04, v1;
	v3 =	vld.idx.msk [tilespmem:v5+s17+$0x0], $0x1  }
0x34d: {  	v5 =	vor.u32 $0x805, v0;
	_ =	sdelay $0x3  }
0x34e: {  	[tilespmem:v4+s12+$0x0] =	vst.idx.msk $0x1, v3  }
0x34f: {  	v4 =	vadd.s32 $0xA05, v1;
	v3 =	vld.idx.msk [tilespmem:v5+s17+$0x0], $0x1  }
0x350: {  	v5 =	vor.u32 $0x806, v0;
	_ =	sdelay $0x3  }
0x351: {  	[tilespmem:v4+s12+$0x0] =	vst.idx.msk $0x1, v3  }
0x352: {  	v4 =	vadd.s32 $0xA06, v1;
	v3 =	vld.idx.msk [tilespmem:v5+s17+$0x0], $0x1  }
0x353: {  	v5 =	vor.u32 $0x807, v0;
	_ =	sdelay $0x3  }
0x354: {  	[tilespmem:v4+s12+$0x0] =	vst.idx.msk $0x1, v3  }
0x355: {  	v4 =	vadd.s32 $0xA07, v1;
	v3 =	vld.idx.msk [tilespmem:v5+s17+$0x0], $0x1  }
0x356: {  	v5 =	vor.u32 $0x808, v0;
	_ =	sdelay $0x3  }
0x357: {  	[tilespmem:v4+s12+$0x0] =	vst.idx.msk $0x1, v3  }
0x358: {  	v4 =	vadd.s32 $0xA08, v1;
	v3 =	vld.idx.msk [tilespmem:v5+s17+$0x0], $0x1  }
0x359: {  	v5 =	vor.u32 $0x809, v0;
	_ =	sdelay $0x3  }
0x35a: {  	[tilespmem:v4+s12+$0x0] =	vst.idx.msk $0x1, v3  }
0x35b: {  	v4 =	vadd.s32 $0xA09, v1;
	v3 =	vld.idx.msk [tilespmem:v5+s17+$0x0], $0x1  }
0x35c: {  	v5 =	vor.u32 $0x80A, v0;
	_ =	sdelay $0x3  }
0x35d: {  	[tilespmem:v4+s12+$0x0] =	vst.idx.msk $0x1, v3  }
0x35e: {  	v4 =	vadd.s32 $0xA0A, v1;
	v3 =	vld.idx.msk [tilespmem:v5+s17+$0x0], $0x1  }
0x35f: {  	v5 =	vor.u32 $0x80B, v0;
	_ =	sdelay $0x3  }
0x360: {  	[tilespmem:v4+s12+$0x0] =	vst.idx.msk $0x1, v3  }
0x361: {  	v4 =	vadd.s32 $0xA0B, v1;
	v3 =	vld.idx.msk [tilespmem:v5+s17+$0x0], $0x1  }
0x362: {  	v5 =	vor.u32 $0x80C, v0;
	_ =	sdelay $0x3  }
0x363: {  	[tilespmem:v4+s12+$0x0] =	vst.idx.msk $0x1, v3  }
0x364: {  	v4 =	vadd.s32 $0xA0C, v1;
	v3 =	vld.idx.msk [tilespmem:v5+s17+$0x0], $0x1  }
0x365: {  	v5 =	vor.u32 $0x80D, v0;
	_ =	sdelay $0x3  }
0x366: {  	[tilespmem:v4+s12+$0x0] =	vst.idx.msk $0x1, v3  }
0x367: {  	v4 =	vadd.s32 $0xA0D, v1;
	v3 =	vld.idx.msk [tilespmem:v5+s17+$0x0], $0x1  }
0x368: {  	v5 =	vor.u32 $0x80E, v0;
	_ =	sdelay $0x3  }
0x369: {  	[tilespmem:v4+s12+$0x0] =	vst.idx.msk $0x1, v3  }
0x36a: {  	v4 =	vadd.s32 $0xA0E, v1;
	v3 =	vld.idx.msk [tilespmem:v5+s17+$0x0], $0x1  }
0x36b: {  	v5 =	vor.u32 $0x80F, v0;
	_ =	sdelay $0x3  }
0x36c: {  	[tilespmem:v4+s12+$0x0] =	vst.idx.msk $0x1, v3  }
0x36d: {  	v4 =	vadd.s32 $0xA0F, v1;
	v3 =	vld.idx.msk [tilespmem:v5+s17+$0x0], $0x1  }
0x36e: {  	v5 =	vor.u32 $0x810, v0;
	_ =	sdelay $0x3  }
0x36f: {  	[tilespmem:v4+s12+$0x0] =	vst.idx.msk $0x1, v3  }
0x370: {  	v4 =	vadd.s32 $0xA10, v1;
	v3 =	vld.idx.msk [tilespmem:v5+s17+$0x0], $0x1  }
0x371: {  	v5 =	vor.u32 $0x811, v0;
	_ =	sdelay $0x3  }
0x372: {  	[tilespmem:v4+s12+$0x0] =	vst.idx.msk $0x1, v3  }
0x373: {  	v4 =	vadd.s32 $0xA11, v1;
	v3 =	vld.idx.msk [tilespmem:v5+s17+$0x0], $0x1  }
0x374: {  	v5 =	vor.u32 $0x812, v0;
	_ =	sdelay $0x3  }
0x375: {  	[tilespmem:v4+s12+$0x0] =	vst.idx.msk $0x1, v3  }
0x376: {  	v4 =	vadd.s32 $0xA12, v1;
	v3 =	vld.idx.msk [tilespmem:v5+s17+$0x0], $0x1  }
0x377: {  	v5 =	vor.u32 $0x813, v0;
	_ =	sdelay $0x3  }
0x378: {  	[tilespmem:v4+s12+$0x0] =	vst.idx.msk $0x1, v3  }
0x379: {  	v4 =	vadd.s32 $0xA13, v1;
	v3 =	vld.idx.msk [tilespmem:v5+s17+$0x0], $0x1  }
0x37a: {  	v5 =	vor.u32 $0x814, v0;
	_ =	sdelay $0x3  }
0x37b: {  	[tilespmem:v4+s12+$0x0] =	vst.idx.msk $0x1, v3  }
0x37c: {  	v4 =	vadd.s32 $0xA14, v1;
	v3 =	vld.idx.msk [tilespmem:v5+s17+$0x0], $0x1  }
0x37d: {  	v5 =	vor.u32 $0x815, v0;
	_ =	sdelay $0x3  }
0x37e: {  	[tilespmem:v4+s12+$0x0] =	vst.idx.msk $0x1, v3  }
0x37f: {  	v4 =	vadd.s32 $0xA15, v1;
	v3 =	vld.idx.msk [tilespmem:v5+s17+$0x0], $0x1  }
0x380: {  	v5 =	vor.u32 $0x816, v0;
	_ =	sdelay $0x3  }
0x381: {  	[tilespmem:v4+s12+$0x0] =	vst.idx.msk $0x1, v3  }
0x382: {  	v4 =	vadd.s32 $0xA16, v1;
	v3 =	vld.idx.msk [tilespmem:v5+s17+$0x0], $0x1  }
0x383: {  	v5 =	vor.u32 $0x817, v0;
	_ =	sdelay $0x3  }
0x384: {  	[tilespmem:v4+s12+$0x0] =	vst.idx.msk $0x1, v3  }
0x385: {  	v4 =	vadd.s32 $0xA17, v1;
	v3 =	vld.idx.msk [tilespmem:v5+s17+$0x0], $0x1  }
0x386: {  	v5 =	vor.u32 $0x818, v0;
	_ =	sdelay $0x3  }
0x387: {  	[tilespmem:v4+s12+$0x0] =	vst.idx.msk $0x1, v3  }
0x388: {  	v4 =	vadd.s32 $0xA18, v1;
	v3 =	vld.idx.msk [tilespmem:v5+s17+$0x0], $0x1  }
0x389: {  	v5 =	vor.u32 $0x819, v0;
	_ =	sdelay $0x3  }
0x38a: {  	[tilespmem:v4+s12+$0x0] =	vst.idx.msk $0x1, v3  }
0x38b: {  	v4 =	vadd.s32 $0xA19, v1;
	v3 =	vld.idx.msk [tilespmem:v5+s17+$0x0], $0x1  }
0x38c: {  	v5 =	vor.u32 $0x81A, v0;
	_ =	sdelay $0x3  }
0x38d: {  	[tilespmem:v4+s12+$0x0] =	vst.idx.msk $0x1, v3  }
0x38e: {  	v4 =	vadd.s32 $0xA1A, v1;
	v3 =	vld.idx.msk [tilespmem:v5+s17+$0x0], $0x1  }
0x38f: {  	v5 =	vor.u32 $0x81B, v0;
	_ =	sdelay $0x3  }
0x390: {  	[tilespmem:v4+s12+$0x0] =	vst.idx.msk $0x1, v3  }
0x391: {  	v4 =	vadd.s32 $0xA1B, v1;
	v3 =	vld.idx.msk [tilespmem:v5+s17+$0x0], $0x1  }
0x392: {  	v5 =	vor.u32 $0x81C, v0;
	_ =	sdelay $0x3  }
0x393: {  	[tilespmem:v4+s12+$0x0] =	vst.idx.msk $0x1, v3  }
0x394: {  	v4 =	vadd.s32 $0xA1C, v1;
	v3 =	vld.idx.msk [tilespmem:v5+s17+$0x0], $0x1  }
0x395: {  	v5 =	vor.u32 $0x81D, v0;
	_ =	sdelay $0x3  }
0x396: {  	[tilespmem:v4+s12+$0x0] =	vst.idx.msk $0x1, v3  }
0x397: {  	v4 =	vadd.s32 $0xA1D, v1;
	v3 =	vld.idx.msk [tilespmem:v5+s17+$0x0], $0x1  }
0x398: {  	v5 =	vor.u32 $0x81E, v0;
	_ =	sdelay $0x3  }
0x399: {  	[tilespmem:v4+s12+$0x0] =	vst.idx.msk $0x1, v3  }
0x39a: {  	v4 =	vadd.s32 $0xA1E, v1;
	v3 =	vld.idx.msk [tilespmem:v5+s17+$0x0], $0x1  }
0x39b: {  	v5 =	vor.u32 $0x81F, v0;
	_ =	sdelay $0x3  }
0x39c: {  	[tilespmem:v4+s12+$0x0] =	vst.idx.msk $0x1, v3  }
0x39d: {  	v4 =	vadd.s32 $0xA1F, v1;
	v3 =	vld.idx.msk [tilespmem:v5+s17+$0x0], $0x1;
	_ =	sdelay $0x4  }
.Ltmp9:
0x39e: {  	[tilespmem:v4+s12+$0x0] =	vst.idx.msk $0x1, v3;
	(pc) =	sbr.rel .LBB2_11-.Ltmp9, $4  }
0x39f: {  	[hbm4b:s7+s3] =	stream.linear.scatter [tilespmem:s12], [sflag:$0x5], $0xA28, $0x38;
	[tilespmem:$0x12880] =	vst v63  }
0x3a0: {  	_ =	swait.ge [sflag:s18], $0xA28  }
0x3a1: {  	[sflag:s18] =	ssyncset.done $0x0  }
0x3a2: {  	[sflag:s18] =	ssyncadd.s32 $0xFFFFF5D8  }
.LBB2_12:
0x3a3: {  	_ =	sfence.sel $0x180000  }
0x3a4: {  	[bflag:$0x0] =	sbarrier.arrive $0xFFFF  }
0x3a5: {  	p0 =	sne.s32 s4, $0x0;
	_ =	strace $0x90000047  }
0x3a6: {  	s0 =	sadd.s32 @!p0 $0x100000, s2;
	[bflag:$0x2] =	sbarrier.arrive $0xFFFF  }
0x3a7: {  	[sflag:s0] =	ssyncadd.tile.s32 @!p0 $0x1;
	_ =	shalt  }
.Lfunc_end2:
_tile_overlayer_lowered:
.L_overlay_start_2:
0x3a8: {  	(tag) =	ssettag $0x2  }
0x3a9: {  	s0 =	rddreg [dreg:$0x0];
	s2 =	stileid.u32  }
0x3aa: {  	s1 =	rddreg [dreg:$0x1];
	p0 =	sne.s32 s2, $0x0  }
0x3ab: {  	s3 =	rddreg [dreg:$0x2];
	[bflag:$0x3] =	sbarrier.arrive $0xFFFF;
	s2 =	simm.s32 @!p0 $0x1C05  }
0x3ac: {  	[timem:s3], [sflag:s2] =	dma.local @!p0 [hbm:s0], s1  }
0x3ad: {  	s0 =	simm.s32 @!p0 $0x5  }
0x3ae: {  	_ =	swait.ge @!p0 [sflag:s0], s1  }
0x3af: {  	s1 =	ssub.s32 @!p0 $0x0, s1;
	[sflag:s0] =	ssyncset.done @!p0 $0x0  }
0x3b0: {  	[sflag:s0] =	ssyncadd.s32 @!p0 s1  }
0x3b1: {  	[bflag:$0x3] =	sbarrier.arrive $0xFFFF  }
0x3b2: {  	_ =	shalt  }

// kernel: kernel.7.cloned.1.call-start
scs
__scs_entry_jumppad:
0x0: {  	(pc) =	sbr.rel $0x88, $3  }
0x1: {  	(tag) =	ssettag $0x0;
	lr =	simm.s32 $0x1  }
0x2: {  	[smem:$0x3F9F] =	sst lr;
	_ =	strace $0xD0000000  }
0x3: {  	_ = 	snop  }
0x4: {  	_ = 	snop  }
0x5: {  	_ = 	snop  }
0x6: {  	_ = 	snop  }
0x7: {  	_ = 	snop  }
__scs_overlays_trampoline_lowered:
0x8: {  	[smem:$0x3FAE] =	sst s0  }
0x9: {  	[smem:$0x3FAF] =	sst s1  }
0xa: {  	[smem:$0x3FB0] =	sst s2  }
0xb: {  	[smem:$0x3FB1] =	sst s3  }
0xc: {  	[smem:$0x3FB2] =	sst s4  }
0xd: {  	[smem:$0x3FB3] =	sst s5  }
0xe: {  	[smem:$0x3FB4] =	sst s6  }
0xf: {  	[smem:$0x3FB5] =	sst s7  }
0x10: {  	[smem:$0x3FB6] =	sst s8  }
0x11: {  	[smem:$0x3FB7] =	sst s9;
	s0 =	simm.s32 @!p0 $0x0  }
0x12: {  	s1 =	sld [smem:$0x3F9D];
	s0 =	simm.s32 @p0 $0x1  }
0x13: {  	[smem:$0x3FB8] =	sst s0;
	s0 =	simm.s32 @!p1 $0x0  }
0x14: {  	s2 =	sld [smem:$0x3F9C];
	s0 =	simm.s32 @p1 $0x1  }
0x15: {  	[smem:$0x3FB9] =	sst s0;
	s0 =	simm.s32 @!p2 $0x0  }
0x16: {  	s3 =	sld [smem:$0x3FDB];
	s0 =	simm.s32 @p2 $0x1  }
0x17: {  	s4 =	simm.s32 $0x1BF5;
	[smem:$0x3FBB] =	sst s0  }
0x18: {  	s0 =	sld [smem:$0x3F9E];
	_ =	swait.ge [sflag:s4], $0x0  }
0x19: {  	s7 =	sld [smem:$0x3F9F]  }
0x1a: {  	s8 =	sadd.s32 $0xFFFFE003, lr  }
0x1b: {  	s9 =	sadd.s32 $0xFFFFFEF7, lr;
	s5 =	simm.s32 $0xFFFFFFFF;
	p2 =	slt.u32 s8, $0xFFFFF086  }
0x1c: {  	p1 =	slt.u32 s9, $0xF7A;
	s5 =	simm.s32 @!p2 $0x0  }
0x1d: {  	s5 =	simm.s32 @p1 $0x1;
	p0 =	seq.s32 s7, s2  }
0x1e: {  	s7 =	smul.u32 @!p0 $0xF7A, s2;
	p2 =	seq.s32 @!p0 s5, $0x0  }
0x1f: {  	s9 =	smul.u32 $0xF7A, s1;
	s8 =	simm.s32 @!p0 $0x1BF5;
	p2 =	por !p2, p0  }
0x20: {  	[sflag:s8] =	ssyncset.s32 @!p0 $0xFFFFF086;
	s6 =	sadd.s32 @!p0 s3, s7;
	s7 =	simm.s32 @!p0 $0x108  }
0x21: {  	s3 =	sadd.s32 s3, s9;
	s6 =	sadd.s32 @!p0 $0x88, s6;
	s7 =	simm.s32 @p2 $0x1082  }
0x22: {  	[simem:s7], [sflag:s8] =	dma.local @!p0 [hbm:s6], $0xF7A  }
0x23: {  	s9 =	sor.u32 $0xD0000000, s2;
	s6 =	simm.s32 $0x108;
	_ =	swait.ge @!p0 [sflag:s8], $0x0  }
0x24: {  	s3 =	sadd.s32 $0x88, s3;
	s6 =	simm.s32 @!p1 $0x1082;
	[sflag:s4] =	ssyncset.s32 $0xFFFFF086  }
0x25: {  	[simem:s6], [sflag:s4] =	dma.local [hbm:s3], $0xF7A  }
0x26: {  	[smem:$0x3F9F] =	sst s1;
	(tag) =	ssettag s2;
	_ =	strace s9  }
0x27: {  	s1 =	sld [smem:$0x3FAF]  }
0x28: {  	s2 =	sld [smem:$0x3FB0]  }
0x29: {  	s4 =	sld [smem:$0x3FB2]  }
0x2a: {  	p0 =	seq.s32 s5, $0x0;
	s5 =	sld [smem:$0x3FB3]  }
0x2b: {  	s6 =	sld [smem:$0x3FB4]  }
0x2c: {  	s7 =	sld [smem:$0x3FB5]  }
0x2d: {  	s3 =	simm.s32 $0x108;
	s8 =	sld [smem:$0x3FB6]  }
0x2e: {  	s3 =	simm.s32 @!p0 $0x1082;
	s9 =	sld [smem:$0x3FB7]  }
0x2f: {  	lr =	sadd.s32 s0, s3;
	s0 =	sld [smem:$0x3FAE]  }
0x30: {  	s3 =	sld [smem:$0x3FB1]  }
0x31: {  	[smem:$0x3FBA] =	sst s10  }
0x32: {  	s10 =	sld [smem:$0x3FB8];
	_ =	sdelay $0x3  }
0x33: {  	p0 =	seq.s32 s10, $0x1;
	s10 =	sld [smem:$0x3FBA];
	_ =	sdelay $0x3  }
0x34: {  	[smem:$0x3FBA] =	sst s10  }
0x35: {  	s10 =	sld [smem:$0x3FB9];
	_ =	sdelay $0x3  }
0x36: {  	p1 =	seq.s32 s10, $0x1;
	s10 =	sld [smem:$0x3FBA];
	_ =	sdelay $0x3  }
0x37: {  	[smem:$0x3FBA] =	sst s10  }
0x38: {  	s10 =	sld [smem:$0x3FBB]  }
0x39: {  	_ = 	snop;
	(pc) =	sbr.ind lr, $3  }
0x3a: {  	_ = 	snop  }
0x3b: {  	_ = 	snop  }
0x3c: {  	p2 =	seq.s32 s10, $0x1;
	s10 =	sld [smem:$0x3FBA]  }
0x3d: {  	_ =	shalt  }
0x3e: {  	_ =	shalt  }
0x3f: {  	_ =	shalt  }
0x40: {  	_ =	shalt  }
0x41: {  	_ =	shalt  }
0x42: {  	_ =	shalt  }
0x43: {  	_ =	shalt  }
0x44: {  	_ =	shalt  }
0x45: {  	_ =	shalt  }
0x46: {  	_ =	shalt  }
0x47: {  	_ =	shalt  }
0x48: {  	_ =	shalt  }
0x49: {  	_ =	shalt  }
0x4a: {  	_ =	shalt  }
0x4b: {  	_ =	shalt  }
0x4c: {  	_ =	shalt  }
0x4d: {  	_ =	shalt  }
0x4e: {  	_ =	shalt  }
0x4f: {  	_ =	shalt  }
0x50: {  	_ =	shalt  }
0x51: {  	_ =	shalt  }
0x52: {  	_ =	shalt  }
0x53: {  	_ =	shalt  }
0x54: {  	_ =	shalt  }
0x55: {  	_ =	shalt  }
0x56: {  	_ =	shalt  }
0x57: {  	_ =	shalt  }
0x58: {  	_ =	shalt  }
0x59: {  	_ =	shalt  }
0x5a: {  	_ =	shalt  }
0x5b: {  	_ =	shalt  }
0x5c: {  	_ =	shalt  }
0x5d: {  	_ =	shalt  }
0x5e: {  	_ =	shalt  }
0x5f: {  	_ =	shalt  }
0x60: {  	_ =	shalt  }
0x61: {  	_ =	shalt  }
0x62: {  	_ =	shalt  }
0x63: {  	_ =	shalt  }
0x64: {  	_ =	shalt  }
0x65: {  	_ =	shalt  }
0x66: {  	_ =	shalt  }
0x67: {  	_ =	shalt  }
0x68: {  	_ =	shalt  }
0x69: {  	_ =	shalt  }
0x6a: {  	_ =	shalt  }
0x6b: {  	_ =	shalt  }
0x6c: {  	_ =	shalt  }
0x6d: {  	_ =	shalt  }
0x6e: {  	_ =	shalt  }
0x6f: {  	_ =	shalt  }
0x70: {  	_ =	shalt  }
0x71: {  	_ =	shalt  }
0x72: {  	_ =	shalt  }
0x73: {  	_ =	shalt  }
0x74: {  	_ =	shalt  }
0x75: {  	_ =	shalt  }
0x76: {  	_ =	shalt  }
0x77: {  	_ =	shalt  }
0x78: {  	_ =	shalt  }
0x79: {  	_ =	shalt  }
0x7a: {  	_ =	shalt  }
0x7b: {  	_ =	shalt  }
0x7c: {  	_ =	shalt  }
0x7d: {  	_ =	shalt  }
0x7e: {  	_ =	shalt  }
0x7f: {  	_ =	shalt  }
0x80: {  	_ =	shalt  }
0x81: {  	_ =	shalt  }
0x82: {  	_ =	shalt  }
0x83: {  	_ =	shalt  }
0x84: {  	_ =	shalt  }
0x85: {  	_ =	shalt  }
0x86: {  	_ =	shalt  }
0x87: {  	_ =	shalt  }
.Lfunc_end0:
.L_simem_size_0:
called_computation.1_lowered:
.L_overlay_start_0:
0x88: {  	s2 =	sld [smem:$0x3FD9]  }
0x89: {  	s3 =	sld [smem:$0x3FFE];
	_ =	sdelay $0x1  }
0x8a: {  	s1 =	srdreg.scid  }
0x8b: {  	s0 =	sand.u32 $0x1, s1  }
0x8c: {  	s17 =	sshll.u32 s0, $0xA;
	s2 =	sadd.s32 s3, s2  }
0x8d: {  	s2 =	sadd.s32 s2, s17  }
0x8e: {  	[smem:$0x3FC6] =	sst s2  }
0x8f: {  	_ = 	snop  }
0x90: {  	s2 =	sld [smem:$0x3FD0];
	(tm) =	ssettm $0x1  }
0x91: {  	s18 =	sld [smem:$0x3FFB];
	_ =	sdelay $0x3  }
0x92: {  	_ =	strace s18  }
0x93: {  	s3 =	sld [smem:$0x3FFC];
	_ =	sdelay $0x3  }
0x94: {  	_ =	strace s3  }
0x95: {  	s3 =	sld [smem:$0x3FFD];
	_ =	sdelay $0x3  }
0x96: {  	_ =	strace s3  }
0x97: {  	_ =	strace $0x8FFFFFFF  }
0x98: {  	s19 =	sld [smem:$0x3FDB];
	_ =	sdelay $0x1  }
0x99: {  	s4 =	simm.s32 $_scs_section_size  }
0x9a: {  	s5 =	simm.s32 $_size__tile_overlayer_lowered;
	s6 =	simm.s32 $_tile_overlayer_lowered  }
0x9b: {  	s22 =	simm.s32 $0x1BFF;
	s21 =	sshll.u32 s6, $0x1;
	s3 =	sadd.s32 s4, s19  }
0x9c: {  	s7 =	simm.s32 $0x0;
	s20 =	sshll.u32 s5, $0x1;
	s5 =	sadd.s32 s21, s3  }
0x9d: {  	[timem:s7], [sflag:s22] =	dma.local [hbm:s5], s20  }
0x9e: {  	_ =	swait.ge [sflag:s22], s20  }
0x9f: {  	s4 =	ssub.s32 $0x0, s20;
	[sflag:s22] =	ssyncset.done $0x0  }
0xa0: {  	[sflag:s22] =	ssyncadd.s32 s4;
	_ =	sdelay $0x1  }
0xa1: {  	s23 =	simm.s32 $0x1B8B  }
0xa2: {  	_ =	swait.ge [sflag:s23], $0x1  }
0xa3: {  	[sflag:s23] =	ssyncset.done $0x0  }
0xa4: {  	s25 =	simm.s32 $0x1B8E;
	s24 =	sld [smem:$0x3FFE];
	[sflag:s23] =	ssyncadd.s32 $0xFFFFFFFF  }
0xa5: {  	s26 =	simm.s32 $execute0_lowered;
	[smem:$0x3FD2] =	sst s25  }
0xa6: {  	s5 =	sshll.u32 s26, $0x1;
	_ =	strace $0x80000049;
	[dreg:$0x1] =	wrdreg $0xFFFFFFFF  }
0xa7: {  	s28 =	simm.s32 $_size_execute0_lowered;
	s3 =	sadd.s32 s3, s5;
	[dreg:$0x0] =	wrdreg $0x0  }
0xa8: {  	s5 =	sshll.u32 s28, $0x1;
	[dreg:$0x2] =	wrdreg s3  }
0xa9: {  	[dreg:$0x3] =	wrdreg s5  }
0xaa: {  	[dreg:$0x4] =	wrdreg $0xC0  }
0xab: {  	_ =	task [dreg:s7], $0x5FFFF  }
0xac: {  	[dreg:$0x1] =	wrdreg $0xFFFFFFFF  }
0xad: {  	[dreg:$0x0] =	wrdreg $0x60  }
0xae: {  	[dreg:$0x2] =	wrdreg s24  }
0xaf: {  	[dreg:$0x3] =	wrdreg s2  }
0xb0: {  	[dreg:$0x4] =	wrdreg $0x9  }
0xb1: {  	_ =	task.clear_ibuf [dreg:s7], $0x5FFFF;
	_ =	strace $0x90000049  }
0xb2: {  	s29 =	simm.s32 $0x9;
	_ =	strace $0x8000004B  }
0xb3: {  	_ =	swait.ge [sflag:s29], $0x1  }
0xb4: {  	[sflag:s29] =	ssyncadd.s32 $0xFFFFFFFF  }
0xb5: {  	_ =	strace $0x9000004B  }
0xb6: {  	_ =	sfence  }
0xb7: {  	s30 =	sld [smem:$0x0];
	_ =	sdelay $0x2  }
0xb8: {  	s31 =	sshll.u32 s1, $0xD;
	s1 =	sshrl.u32 s1, $0x2  }
0xb9: {  	s3 =	sand.u32 $0x4000, s31;
	s1 =	sadd.s32 s1, s30  }
0xba: {  	s0 =	sor.u32 s3, s0;
	s1 =	sshll.u32 s1, $0x11  }
0xbb: {  	s0 =	sor.u32 s1, s0  }
0xbc: {  	s0 =	sadd.s32 $0x8F2B, s0  }
0xbd: {  	[sflag:s0] =	ssyncadd.remote.s32 $0x1  }
0xbe: {  	_ =	sfence.sel $0xFFFF  }
0xbf: {  	[dreg:$0x0] =	wrdreg $0xFFFFFFFF;
	(pc) =	sbr.abs _section_cstart, $3  }
0xc0: {  	[dreg:$0x1] =	wrdreg $0xFFFFFFFF  }
0xc1: {  	_ =	task.clear_ibuf [dreg:s7], $0x2FFFF;
	_ =	strace $0x9FFFFFFF  }
0xc2: {  	(tm) =	ssettm $0x7FFFFFFF  }
0xc3: {  	_ =	shalt  }
tec
execute0_lowered:
.L_overlay_start_1:
0x0: {  	(tag) =	ssettag $0x1  }
0x1: {  	v0 =	vlaneseq.u32  }
0x2: {  	v0 =	vmul.u32 $0x28, v0  }
0x3: {  	s1 =	srdreg.scid;
	s0 =	stileid.u32  }
0x4: {  	s9 =	rddreg [dreg:$0x0];
	s3 =	simm.s32 $0x0;
	s11 =	simm.s32 $0x5;
	v1 =	vor.u32 $0x1, v0  }
0x5: {  	s12 =	simm.s32 $0x200;
	s13 =	simm.s32 $0x400;
	s14 =	simm.s32 $0x5400;
	v2 =	vor.u32 $0x2, v0;
	v3 =	vor.u32 $0x3, v0;
	v4 =	vor.u32 $0x4, v0  }
0x6: {  	s15 =	simm.s32 $0x1;
	s16 =	simm.s32 $0x1000;
	s17 =	simm.s32 $0x8000;
	v5 =	vor.u32 $0x5, v0;
	v6 =	vor.u32 $0x6, v0;
	v9 =	vadd.s32 $0x9, v0  }
0x7: {  	s18 =	simm.s32 $0xA400;
	s19 =	simm.s32 $0x2;
	s20 =	simm.s32 $0xE400;
	v10 =	vadd.s32 $0xA, v0;
	v11 =	vadd.s32 $0xB, v0;
	v12 =	vadd.s32 $0xC, v0  }
0x8: {  	s21 =	simm.s32 $0x3;
	s22 =	simm.s32 $0x4;
	s23 =	simm.s32 $0x0;
	v13 =	vadd.s32 $0xD, v0;
	v14 =	vadd.s32 $0xE, v0;
	v15 =	vadd.s32 $0xF, v0  }
0x9: {  	s1 =	sand.u32 $0x1, s1;
	s2 =	sshll.u32 s0, $0x1;
	[smem:$0x7FF] =	sst s3;
	v16 =	vadd.s32 $0x10, v0;
	v17 =	vadd.s32 $0x11, v0;
	v18 =	vadd.s32 $0x12, v0  }
0xa: {  	s5 =	sadd.s32 $0xA00, s9;
	s7 =	sor.u32 s1, s2;
	s1 =	ssub.s32 $0x2, s1;
	v19 =	vadd.s32 $0x13, v0;
	v20 =	vadd.s32 $0x14, v0;
	v21 =	vadd.s32 $0x15, v0  }
0xb: {  	s2 =	rddreg [dreg:$0x1];
	s4 =	smul.u32 $0xC80, s7;
	s8 =	sshrl.u32 s1, $0x1;
	v22 =	vadd.s32 $0x16, v0;
	v23 =	vadd.s32 $0x17, v0;
	v24 =	vadd.s32 $0x18, v0  }
0xc: {  	_ =	strace $0x8000004A;
	s7 =	smul.u32 $0x32, s7;
	v25 =	vadd.s32 $0x19, v0;
	v26 =	vadd.s32 $0x1A, v0;
	v27 =	vadd.s32 $0x1B, v0;
	s1 =	ssub.s32 s1, s8  }
0xd: {  	v7 =	vor.u32 $0x7, v0;
	v28 =	vadd.s32 $0x1C, v0;
	v29 =	vadd.s32 $0x1D, v0;
	s8 =	sadd.s32 $0x4C5880, s9;
	s6 =	sadd.s32 s4, s9;
	s9 =	sadd.s32 $0x4C58C0, s9  }
0xe: {  	v8 =	vadd.s32 $0x8, v0;
	v30 =	vadd.s32 $0x1E, v0;
	v31 =	vadd.s32 $0x1F, v0;
	s10 =	smax.u32 s1, $0x1;
	s4 =	sadd.s32 $0x4C5800, s6;
	s6 =	sadd.s32 $0x4C5840, s6  }
.LBB2_1:
0xf: {  	[tilespmem:s3], [sflag:$0x5] =	stream.linear.gather [hbm4b:s4+s3], $0x200, $0x38;
	[tilespmem:$0x12400] =	vst v63  }
0x10: {  	_ =	swait.ge [sflag:s11], $0x200  }
0x11: {  	[sflag:s11] =	ssyncset.done $0x0  }
0x12: {  	[sflag:s11] =	ssyncadd.s32 $0xFFFFFE00  }
0x13: {  	[tilespmem:s13], [sflag:$0x1] =	stream.indirect.gather [hbm4b:s5+s12], $0x28, s3, s12, $0xb8;
	[tilespmem:$0x12400] =	vst v63  }
0x14: {  	_ = 	snop  }
0x15: {  	[tilespmem:s12], [sflag:$0x5] =	stream.linear.gather [hbm4b:s6+s3], $0x200, $0x38;
	[tilespmem:$0x12400] =	vst v63  }
0x16: {  	_ =	swait.ge [sflag:s11], $0x200  }
0x17: {  	[sflag:s11] =	ssyncset.done $0x0  }
0x18: {  	s24 =	simm.s32 $0x0;
	[sflag:s11] =	ssyncadd.s32 $0xFFFFFE00  }
0x19: {  	[tilespmem:s14], [sflag:$0x2] =	stream.indirect.gather [hbm4b:s5+s12], $0x28, s12, s12, $0xb8;
	[tilespmem:$0x12400] =	vst v63  }
.LBB2_2:
0x1a: {  	s1 =	simm.s32 $0x0  }
0x1b: {  	v32 =	vmov s1  }
0x1c: {  	v32 =	vmul.u32 $0x28, v32;
	_ =	sdelay $0x1  }
0x1d: {  	v32 =	vbroadcast v32, $0x0  }
0x1e: {  	_ =	swait.ge [sflag:s15], $0x5000  }
0x1f: {  	p1 =	seq.s32 s24, $0x0;
	[sflag:s15] =	ssyncset.done $0x0;
	v33 =	vadd.s32 v0, v32  }
0x20: {  	s25 =	simm.s32 @!p1 $0x3;
	[sflag:s15] =	ssyncadd.s32 $0xFFFFB000  }
0x21: {  	_ =	swait.ge @!p1 [sflag:s25], $0x4000  }
0x22: {  	[sflag:s25] =	ssyncset.done @!p1 $0x0  }
0x23: {  	[sflag:s25] =	ssyncadd.s32 @!p1 $0xFFFFC000  }
0x24: {  	v33 =	vld.idx.msk [tilespmem:v33+s13+$0x0], $0xffff  }
0x25: {  	v34 =	vadd.s32 v1, v32;
	_ =	sdelay $0x1  }
0x26: {  	s26 =	sand.u32 $0xC00, s1;
	s1 =	sand.u32 $0x70, s1  }
0x27: {  	s25 =	sor.u32 s1, s26  }
0x28: {  	[tilespmem:s25+$0xA400] =	vst v33  }
0x29: {  	v33 =	vld.idx.msk [tilespmem:v34+s13+$0x0], $0xffff  }
0x2a: {  	v63 =	vadd.s32 v2, v32;
	_ =	sdelay $0x3  }
0x2b: {  	[tilespmem:s25+$0xA480] =	vst v33  }
0x2c: {  	v33 =	vld.idx.msk [tilespmem:v63+s13+$0x0], $0xffff  }
0x2d: {  	v36 =	vadd.s32 v3, v32;
	_ =	sdelay $0x3  }
0x2e: {  	[tilespmem:s25+$0xA500] =	vst v33  }
0x2f: {  	v33 =	vld.idx.msk [tilespmem:v36+s13+$0x0], $0xffff  }
0x30: {  	v37 =	vadd.s32 v4, v32;
	_ =	sdelay $0x3  }
0x31: {  	[tilespmem:s25+$0xA580] =	vst v33  }
0x32: {  	v33 =	vld.idx.msk [tilespmem:v37+s13+$0x0], $0xffff  }
0x33: {  	v38 =	vadd.s32 v5, v32;
	_ =	sdelay $0x3  }
0x34: {  	[tilespmem:s25+$0xA600] =	vst v33  }
0x35: {  	v33 =	vld.idx.msk [tilespmem:v38+s13+$0x0], $0xffff  }
0x36: {  	v39 =	vadd.s32 v6, v32;
	_ =	sdelay $0x3  }
0x37: {  	[tilespmem:s25+$0xA680] =	vst v33  }
0x38: {  	v33 =	vld.idx.msk [tilespmem:v39+s13+$0x0], $0xffff  }
0x39: {  	v40 =	vadd.s32 v7, v32;
	_ =	sdelay $0x3  }
0x3a: {  	[tilespmem:s25+$0xA700] =	vst v33  }
0x3b: {  	v33 =	vld.idx.msk [tilespmem:v40+s13+$0x0], $0xffff  }
0x3c: {  	v41 =	vadd.s32 v8, v32;
	_ =	sdelay $0x3  }
0x3d: {  	[tilespmem:s25+$0xA780] =	vst v33  }
0x3e: {  	v33 =	vld.idx.msk [tilespmem:v41+s13+$0x0], $0xffff  }
0x3f: {  	v42 =	vadd.s32 v9, v32;
	_ =	sdelay $0x3  }
0x40: {  	[tilespmem:s25+$0xB400] =	vst v33  }
0x41: {  	v33 =	vld.idx.msk [tilespmem:v42+s13+$0x0], $0xffff  }
0x42: {  	v43 =	vadd.s32 v10, v32;
	_ =	sdelay $0x3  }
0x43: {  	[tilespmem:s25+$0xB480] =	vst v33  }
0x44: {  	v33 =	vld.idx.msk [tilespmem:v43+s13+$0x0], $0xffff  }
0x45: {  	v44 =	vadd.s32 v11, v32;
	_ =	sdelay $0x3  }
0x46: {  	[tilespmem:s25+$0xB500] =	vst v33  }
0x47: {  	v33 =	vld.idx.msk [tilespmem:v44+s13+$0x0], $0xffff  }
0x48: {  	v45 =	vadd.s32 v12, v32;
	_ =	sdelay $0x3  }
0x49: {  	[tilespmem:s25+$0xB580] =	vst v33  }
0x4a: {  	v33 =	vld.idx.msk [tilespmem:v45+s13+$0x0], $0xffff  }
0x4b: {  	v46 =	vadd.s32 v13, v32;
	_ =	sdelay $0x3  }
0x4c: {  	[tilespmem:s25+$0xB600] =	vst v33  }
0x4d: {  	v33 =	vld.idx.msk [tilespmem:v46+s13+$0x0], $0xffff  }
0x4e: {  	v47 =	vadd.s32 v14, v32;
	_ =	sdelay $0x3  }
0x4f: {  	[tilespmem:s25+$0xB680] =	vst v33  }
0x50: {  	v33 =	vld.idx.msk [tilespmem:v47+s13+$0x0], $0xffff  }
0x51: {  	v48 =	vadd.s32 v15, v32;
	_ =	sdelay $0x3  }
0x52: {  	[tilespmem:s25+$0xB700] =	vst v33  }
0x53: {  	v33 =	vld.idx.msk [tilespmem:v48+s13+$0x0], $0xffff  }
0x54: {  	v49 =	vadd.s32 v16, v32;
	_ =	sdelay $0x3  }
0x55: {  	[tilespmem:s25+$0xB780] =	vst v33  }
0x56: {  	v33 =	vld.idx.msk [tilespmem:v49+s13+$0x0], $0xffff  }
0x57: {  	v50 =	vadd.s32 v17, v32;
	_ =	sdelay $0x3  }
0x58: {  	[tilespmem:s25+$0xC400] =	vst v33  }
0x59: {  	v33 =	vld.idx.msk [tilespmem:v50+s13+$0x0], $0xffff  }
0x5a: {  	v51 =	vadd.s32 v18, v32;
	_ =	sdelay $0x3  }
0x5b: {  	[tilespmem:s25+$0xC480] =	vst v33  }
0x5c: {  	v33 =	vld.idx.msk [tilespmem:v51+s13+$0x0], $0xffff  }
0x5d: {  	v52 =	vadd.s32 v19, v32;
	_ =	sdelay $0x3  }
0x5e: {  	[tilespmem:s25+$0xC500] =	vst v33  }
0x5f: {  	v33 =	vld.idx.msk [tilespmem:v52+s13+$0x0], $0xffff  }
0x60: {  	v53 =	vadd.s32 v20, v32;
	_ =	sdelay $0x3  }
0x61: {  	[tilespmem:s25+$0xC580] =	vst v33  }
0x62: {  	v33 =	vld.idx.msk [tilespmem:v53+s13+$0x0], $0xffff  }
0x63: {  	v54 =	vadd.s32 v21, v32;
	_ =	sdelay $0x3  }
0x64: {  	[tilespmem:s25+$0xC600] =	vst v33  }
0x65: {  	v33 =	vld.idx.msk [tilespmem:v54+s13+$0x0], $0xffff  }
0x66: {  	v55 =	vadd.s32 v22, v32;
	_ =	sdelay $0x3  }
0x67: {  	[tilespmem:s25+$0xC680] =	vst v33  }
0x68: {  	v33 =	vld.idx.msk [tilespmem:v55+s13+$0x0], $0xffff  }
0x69: {  	v56 =	vadd.s32 v23, v32;
	_ =	sdelay $0x3  }
0x6a: {  	[tilespmem:s25+$0xC700] =	vst v33  }
0x6b: {  	v33 =	vld.idx.msk [tilespmem:v56+s13+$0x0], $0xffff  }
0x6c: {  	v57 =	vadd.s32 v24, v32;
	_ =	sdelay $0x3  }
0x6d: {  	[tilespmem:s25+$0xC780] =	vst v33  }
0x6e: {  	v33 =	vld.idx.msk [tilespmem:v57+s13+$0x0], $0xffff  }
0x6f: {  	v58 =	vadd.s32 v25, v32;
	_ =	sdelay $0x3  }
0x70: {  	[tilespmem:s25+$0xD400] =	vst v33  }
0x71: {  	v33 =	vld.idx.msk [tilespmem:v58+s13+$0x0], $0xffff  }
0x72: {  	v59 =	vadd.s32 v26, v32;
	_ =	sdelay $0x3  }
0x73: {  	[tilespmem:s25+$0xD480] =	vst v33  }
0x74: {  	v33 =	vld.idx.msk [tilespmem:v59+s13+$0x0], $0xffff  }
0x75: {  	v60 =	vadd.s32 v27, v32;
	_ =	sdelay $0x3  }
0x76: {  	[tilespmem:s25+$0xD500] =	vst v33  }
0x77: {  	v33 =	vld.idx.msk [tilespmem:v60+s13+$0x0], $0xffff  }
0x78: {  	v61 =	vadd.s32 v28, v32;
	_ =	sdelay $0x3  }
0x79: {  	[tilespmem:s25+$0xD580] =	vst v33  }
0x7a: {  	v33 =	vld.idx.msk [tilespmem:v61+s13+$0x0], $0xffff  }
0x7b: {  	v62 =	vadd.s32 v29, v32;
	_ =	sdelay $0x3  }
0x7c: {  	[tilespmem:s25+$0xD600] =	vst v33  }
0x7d: {  	v33 =	vld.idx.msk [tilespmem:v62+s13+$0x0], $0xffff  }
0x7e: {  	v63 =	vadd.s32 v30, v32;
	_ =	sdelay $0x3  }
0x7f: {  	[tilespmem:s25+$0xD680] =	vst v33  }
0x80: {  	v34 =	vld.idx.msk [tilespmem:v63+s13+$0x0], $0xffff  }
0x81: {  	v33 =	vadd.s32 v31, v32  }
0x82: {  	s31 =	sshll.u32 s24, $0x1;
	s28 =	simm.s32 $0x10  }
0x83: {  	s29 =	simm.s32 $0x80;
	s30 =	simm.s32 $0x100;
	s26 =	sadd.s32 s7, s31;
	v32 =	vmov s28  }
.LBB2_3:
0x84: {  	p0 =	sne.s32 s30, $0xF80;
	v32 =	vmul.u32 $0x28, v32  }
0x85: {  	[tilespmem:s25+$0xD700] =	vst v34  }
0x86: {  	v32 =	vbroadcast v32, $0x0;
	v33 =	vld.idx.msk [tilespmem:v33+s13+$0x0], $0xffff;
	_ =	sdelay $0x1  }
0x87: {  	v34 =	vadd.s32 v0, v32;
	_ =	sdelay $0x3  }
0x88: {  	[tilespmem:s25+$0xD780] =	vst v33  }
0x89: {  	v33 =	vld.idx.msk [tilespmem:v34+s13+$0x0], $0xffff;
	_ =	sdelay $0x1  }
0x8a: {  	v34 =	vadd.s32 v1, v32;
	_ =	sdelay $0x1  }
0x8b: {  	s1 =	sand.u32 $0xC00, s29;
	s29 =	smov.u32 s30;
	s25 =	sand.u32 $0x70, s28  }
0x8c: {  	s25 =	sor.u32 s25, s1  }
0x8d: {  	[tilespmem:s25+$0xA400] =	vst v33  }
0x8e: {  	v33 =	vld.idx.msk [tilespmem:v34+s13+$0x0], $0xffff;
	_ =	sdelay $0x1  }
0x8f: {  	v34 =	vadd.s32 v2, v32;
	_ =	sdelay $0x3  }
0x90: {  	[tilespmem:s25+$0xA480] =	vst v33  }
0x91: {  	v33 =	vld.idx.msk [tilespmem:v34+s13+$0x0], $0xffff;
	_ =	sdelay $0x1  }
0x92: {  	v34 =	vadd.s32 v3, v32;
	_ =	sdelay $0x3  }
0x93: {  	[tilespmem:s25+$0xA500] =	vst v33  }
0x94: {  	v33 =	vld.idx.msk [tilespmem:v34+s13+$0x0], $0xffff;
	_ =	sdelay $0x1  }
0x95: {  	v34 =	vadd.s32 v4, v32;
	_ =	sdelay $0x3  }
0x96: {  	[tilespmem:s25+$0xA580] =	vst v33  }
0x97: {  	v33 =	vld.idx.msk [tilespmem:v34+s13+$0x0], $0xffff;
	_ =	sdelay $0x1  }
0x98: {  	v34 =	vadd.s32 v5, v32;
	_ =	sdelay $0x3  }
0x99: {  	[tilespmem:s25+$0xA600] =	vst v33  }
0x9a: {  	v33 =	vld.idx.msk [tilespmem:v34+s13+$0x0], $0xffff;
	_ =	sdelay $0x1  }
0x9b: {  	v34 =	vadd.s32 v6, v32;
	_ =	sdelay $0x3  }
0x9c: {  	[tilespmem:s25+$0xA680] =	vst v33  }
0x9d: {  	v33 =	vld.idx.msk [tilespmem:v34+s13+$0x0], $0xffff;
	_ =	sdelay $0x1  }
0x9e: {  	v34 =	vadd.s32 v7, v32;
	_ =	sdelay $0x3  }
0x9f: {  	[tilespmem:s25+$0xA700] =	vst v33  }
0xa0: {  	v33 =	vld.idx.msk [tilespmem:v34+s13+$0x0], $0xffff;
	_ =	sdelay $0x1  }
0xa1: {  	v34 =	vadd.s32 v8, v32;
	_ =	sdelay $0x3  }
0xa2: {  	[tilespmem:s25+$0xA780] =	vst v33  }
0xa3: {  	v33 =	vld.idx.msk [tilespmem:v34+s13+$0x0], $0xffff;
	_ =	sdelay $0x1  }
0xa4: {  	v34 =	vadd.s32 v9, v32;
	_ =	sdelay $0x3  }
0xa5: {  	[tilespmem:s25+$0xB400] =	vst v33  }
0xa6: {  	v33 =	vld.idx.msk [tilespmem:v34+s13+$0x0], $0xffff;
	_ =	sdelay $0x1  }
0xa7: {  	v34 =	vadd.s32 v10, v32;
	_ =	sdelay $0x3  }
0xa8: {  	[tilespmem:s25+$0xB480] =	vst v33  }
0xa9: {  	v33 =	vld.idx.msk [tilespmem:v34+s13+$0x0], $0xffff;
	_ =	sdelay $0x1  }
0xaa: {  	v34 =	vadd.s32 v11, v32;
	_ =	sdelay $0x3  }
0xab: {  	[tilespmem:s25+$0xB500] =	vst v33  }
0xac: {  	v33 =	vld.idx.msk [tilespmem:v34+s13+$0x0], $0xffff;
	_ =	sdelay $0x1  }
0xad: {  	v34 =	vadd.s32 v12, v32;
	_ =	sdelay $0x3  }
0xae: {  	[tilespmem:s25+$0xB580] =	vst v33  }
0xaf: {  	v33 =	vld.idx.msk [tilespmem:v34+s13+$0x0], $0xffff;
	_ =	sdelay $0x1  }
0xb0: {  	v34 =	vadd.s32 v13, v32;
	_ =	sdelay $0x3  }
0xb1: {  	[tilespmem:s25+$0xB600] =	vst v33  }
0xb2: {  	v33 =	vld.idx.msk [tilespmem:v34+s13+$0x0], $0xffff;
	_ =	sdelay $0x1  }
0xb3: {  	v34 =	vadd.s32 v14, v32;
	_ =	sdelay $0x3  }
0xb4: {  	[tilespmem:s25+$0xB680] =	vst v33  }
0xb5: {  	v33 =	vld.idx.msk [tilespmem:v34+s13+$0x0], $0xffff;
	_ =	sdelay $0x1  }
0xb6: {  	v34 =	vadd.s32 v15, v32;
	_ =	sdelay $0x3  }
0xb7: {  	[tilespmem:s25+$0xB700] =	vst v33  }
0xb8: {  	v33 =	vld.idx.msk [tilespmem:v34+s13+$0x0], $0xffff;
	_ =	sdelay $0x1  }
0xb9: {  	v34 =	vadd.s32 v16, v32;
	_ =	sdelay $0x3  }
0xba: {  	[tilespmem:s25+$0xB780] =	vst v33  }
0xbb: {  	v33 =	vld.idx.msk [tilespmem:v34+s13+$0x0], $0xffff;
	_ =	sdelay $0x1  }
0xbc: {  	v34 =	vadd.s32 v17, v32;
	_ =	sdelay $0x3  }
0xbd: {  	[tilespmem:s25+$0xC400] =	vst v33  }
0xbe: {  	v33 =	vld.idx.msk [tilespmem:v34+s13+$0x0], $0xffff;
	_ =	sdelay $0x1  }
0xbf: {  	v34 =	vadd.s32 v18, v32;
	_ =	sdelay $0x3  }
0xc0: {  	[tilespmem:s25+$0xC480] =	vst v33  }
0xc1: {  	v33 =	vld.idx.msk [tilespmem:v34+s13+$0x0], $0xffff;
	_ =	sdelay $0x1  }
0xc2: {  	v34 =	vadd.s32 v19, v32;
	_ =	sdelay $0x3  }
0xc3: {  	[tilespmem:s25+$0xC500] =	vst v33  }
0xc4: {  	v33 =	vld.idx.msk [tilespmem:v34+s13+$0x0], $0xffff;
	_ =	sdelay $0x1  }
0xc5: {  	v34 =	vadd.s32 v20, v32;
	_ =	sdelay $0x3  }
0xc6: {  	[tilespmem:s25+$0xC580] =	vst v33  }
0xc7: {  	v33 =	vld.idx.msk [tilespmem:v34+s13+$0x0], $0xffff;
	_ =	sdelay $0x1  }
0xc8: {  	v34 =	vadd.s32 v21, v32;
	_ =	sdelay $0x3  }
0xc9: {  	[tilespmem:s25+$0xC600] =	vst v33  }
0xca: {  	v33 =	vld.idx.msk [tilespmem:v34+s13+$0x0], $0xffff;
	_ =	sdelay $0x1  }
0xcb: {  	v34 =	vadd.s32 v22, v32;
	_ =	sdelay $0x3  }
0xcc: {  	[tilespmem:s25+$0xC680] =	vst v33  }
0xcd: {  	v33 =	vld.idx.msk [tilespmem:v34+s13+$0x0], $0xffff;
	_ =	sdelay $0x1  }
0xce: {  	v34 =	vadd.s32 v23, v32;
	_ =	sdelay $0x3  }
0xcf: {  	[tilespmem:s25+$0xC700] =	vst v33  }
0xd0: {  	v33 =	vld.idx.msk [tilespmem:v34+s13+$0x0], $0xffff;
	_ =	sdelay $0x1  }
0xd1: {  	v34 =	vadd.s32 v24, v32;
	_ =	sdelay $0x3  }
0xd2: {  	[tilespmem:s25+$0xC780] =	vst v33  }
0xd3: {  	v33 =	vld.idx.msk [tilespmem:v34+s13+$0x0], $0xffff;
	_ =	sdelay $0x1  }
0xd4: {  	v34 =	vadd.s32 v25, v32;
	_ =	sdelay $0x3  }
0xd5: {  	[tilespmem:s25+$0xD400] =	vst v33  }
0xd6: {  	v33 =	vld.idx.msk [tilespmem:v34+s13+$0x0], $0xffff;
	_ =	sdelay $0x1  }
0xd7: {  	v34 =	vadd.s32 v26, v32;
	_ =	sdelay $0x3  }
0xd8: {  	[tilespmem:s25+$0xD480] =	vst v33  }
0xd9: {  	v33 =	vld.idx.msk [tilespmem:v34+s13+$0x0], $0xffff;
	_ =	sdelay $0x1  }
0xda: {  	v34 =	vadd.s32 v27, v32;
	_ =	sdelay $0x3  }
0xdb: {  	[tilespmem:s25+$0xD500] =	vst v33  }
0xdc: {  	v33 =	vld.idx.msk [tilespmem:v34+s13+$0x0], $0xffff;
	_ =	sdelay $0x1  }
0xdd: {  	v34 =	vadd.s32 v28, v32;
	_ =	sdelay $0x3  }
0xde: {  	[tilespmem:s25+$0xD580] =	vst v33  }
0xdf: {  	v33 =	vld.idx.msk [tilespmem:v34+s13+$0x0], $0xffff;
	_ =	sdelay $0x1  }
0xe0: {  	v34 =	vadd.s32 v29, v32;
	_ =	sdelay $0x3  }
0xe1: {  	[tilespmem:s25+$0xD600] =	vst v33  }
0xe2: {  	v33 =	vld.idx.msk [tilespmem:v34+s13+$0x0], $0xffff;
	_ =	sdelay $0x1  }
0xe3: {  	v34 =	vadd.s32 v30, v32;
	_ =	sdelay $0x3  }
0xe4: {  	[tilespmem:s25+$0xD680] =	vst v33  }
.Ltmp0:
0xe5: {  	v34 =	vld.idx.msk [tilespmem:v34+s13+$0x0], $0xffff;
	(pc) =	sbr.rel @p0 .LBB2_3-.Ltmp0, $4  }
0xe6: {  	_ = 	snop  }
0xe7: {  	v33 =	vadd.s32 v31, v32  }
0xe8: {  	s28 =	sadd.s32 $0x10, s28  }
0xe9: {  	s30 =	sadd.s32 $0x80, s30;
	v32 =	vmov s28  }
0xea: {  	_ = 	snop  }
0xeb: {  	v32 =	vmul.u32 $0x28, v32;
	_ =	sdelay $0x1  }
0xec: {  	[tilespmem:s25+$0xD700] =	vst v34;
	v32 =	vbroadcast v32, $0x0  }
0xed: {  	v33 =	vld.idx.msk [tilespmem:v33+s13+$0x0], $0xffff  }
0xee: {  	v57 =	vadd.s32 v0, v32;
	_ =	sdelay $0x3  }
0xef: {  	[tilespmem:s25+$0xD780] =	vst v33  }
0xf0: {  	v33 =	vld.idx.msk [tilespmem:v57+s13+$0x0], $0xffff  }
0xf1: {  	v58 =	vadd.s32 v1, v32;
	_ =	sdelay $0x1  }
0xf2: {  	s1 =	sand.u32 $0xC00, s29;
	s0 =	sand.u32 $0x70, s28  }
0xf3: {  	s1 =	sor.u32 s0, s1  }
0xf4: {  	[tilespmem:s1+$0xA400] =	vst v33  }
0xf5: {  	v33 =	vld.idx.msk [tilespmem:v58+s13+$0x0], $0xffff  }
0xf6: {  	v59 =	vadd.s32 v2, v32;
	_ =	sdelay $0x3  }
0xf7: {  	[tilespmem:s1+$0xA480] =	vst v33  }
0xf8: {  	v33 =	vld.idx.msk [tilespmem:v59+s13+$0x0], $0xffff  }
0xf9: {  	v60 =	vadd.s32 v3, v32;
	_ =	sdelay $0x3  }
0xfa: {  	[tilespmem:s1+$0xA500] =	vst v33  }
0xfb: {  	v33 =	vld.idx.msk [tilespmem:v60+s13+$0x0], $0xffff  }
0xfc: {  	v61 =	vadd.s32 v4, v32;
	_ =	sdelay $0x3  }
0xfd: {  	[tilespmem:s1+$0xA580] =	vst v33  }
0xfe: {  	v33 =	vld.idx.msk [tilespmem:v61+s13+$0x0], $0xffff  }
0xff: {  	v62 =	vadd.s32 v5, v32;
	_ =	sdelay $0x3  }
0x100: {  	[tilespmem:s1+$0xA600] =	vst v33  }
0x101: {  	v33 =	vld.idx.msk [tilespmem:v62+s13+$0x0], $0xffff  }
0x102: {  	v63 =	vadd.s32 v6, v32;
	_ =	sdelay $0x3  }
0x103: {  	[tilespmem:s1+$0xA680] =	vst v33  }
0x104: {  	v33 =	vld.idx.msk [tilespmem:v63+s13+$0x0], $0xffff  }
0x105: {  	v36 =	vadd.s32 v7, v32;
	_ =	sdelay $0x3  }
0x106: {  	[tilespmem:s1+$0xA700] =	vst v33  }
0x107: {  	v33 =	vld.idx.msk [tilespmem:v36+s13+$0x0], $0xffff  }
0x108: {  	v37 =	vadd.s32 v8, v32;
	_ =	sdelay $0x3  }
0x109: {  	[tilespmem:s1+$0xA780] =	vst v33  }
0x10a: {  	v33 =	vld.idx.msk [tilespmem:v37+s13+$0x0], $0xffff  }
0x10b: {  	v38 =	vadd.s32 v9, v32;
	_ =	sdelay $0x3  }
0x10c: {  	[tilespmem:s1+$0xB400] =	vst v33  }
0x10d: {  	v33 =	vld.idx.msk [tilespmem:v38+s13+$0x0], $0xffff  }
0x10e: {  	v39 =	vadd.s32 v10, v32;
	_ =	sdelay $0x3  }
0x10f: {  	[tilespmem:s1+$0xB480] =	vst v33  }
0x110: {  	v33 =	vld.idx.msk [tilespmem:v39+s13+$0x0], $0xffff  }
0x111: {  	v40 =	vadd.s32 v11, v32;
	_ =	sdelay $0x3  }
0x112: {  	[tilespmem:s1+$0xB500] =	vst v33  }
0x113: {  	v33 =	vld.idx.msk [tilespmem:v40+s13+$0x0], $0xffff  }
0x114: {  	v41 =	vadd.s32 v12, v32;
	_ =	sdelay $0x3  }
0x115: {  	[tilespmem:s1+$0xB580] =	vst v33  }
0x116: {  	v33 =	vld.idx.msk [tilespmem:v41+s13+$0x0], $0xffff  }
0x117: {  	v42 =	vadd.s32 v13, v32;
	_ =	sdelay $0x3  }
0x118: {  	[tilespmem:s1+$0xB600] =	vst v33  }
0x119: {  	v33 =	vld.idx.msk [tilespmem:v42+s13+$0x0], $0xffff  }
0x11a: {  	v43 =	vadd.s32 v14, v32;
	_ =	sdelay $0x3  }
0x11b: {  	[tilespmem:s1+$0xB680] =	vst v33  }
0x11c: {  	v33 =	vld.idx.msk [tilespmem:v43+s13+$0x0], $0xffff  }
0x11d: {  	v44 =	vadd.s32 v15, v32;
	_ =	sdelay $0x3  }
0x11e: {  	[tilespmem:s1+$0xB700] =	vst v33  }
0x11f: {  	v33 =	vld.idx.msk [tilespmem:v44+s13+$0x0], $0xffff  }
0x120: {  	v45 =	vadd.s32 v16, v32;
	_ =	sdelay $0x3  }
0x121: {  	[tilespmem:s1+$0xB780] =	vst v33  }
0x122: {  	v33 =	vld.idx.msk [tilespmem:v45+s13+$0x0], $0xffff  }
0x123: {  	v46 =	vadd.s32 v17, v32;
	_ =	sdelay $0x3  }
0x124: {  	[tilespmem:s1+$0xC400] =	vst v33  }
0x125: {  	v33 =	vld.idx.msk [tilespmem:v46+s13+$0x0], $0xffff  }
0x126: {  	v47 =	vadd.s32 v18, v32;
	_ =	sdelay $0x3  }
0x127: {  	[tilespmem:s1+$0xC480] =	vst v33  }
0x128: {  	v33 =	vld.idx.msk [tilespmem:v47+s13+$0x0], $0xffff  }
0x129: {  	v48 =	vadd.s32 v19, v32;
	_ =	sdelay $0x3  }
0x12a: {  	[tilespmem:s1+$0xC500] =	vst v33  }
0x12b: {  	v33 =	vld.idx.msk [tilespmem:v48+s13+$0x0], $0xffff  }
0x12c: {  	v49 =	vadd.s32 v20, v32;
	_ =	sdelay $0x3  }
0x12d: {  	[tilespmem:s1+$0xC580] =	vst v33  }
0x12e: {  	v33 =	vld.idx.msk [tilespmem:v49+s13+$0x0], $0xffff  }
0x12f: {  	v50 =	vadd.s32 v21, v32;
	_ =	sdelay $0x3  }
0x130: {  	[tilespmem:s1+$0xC600] =	vst v33  }
0x131: {  	v33 =	vld.idx.msk [tilespmem:v50+s13+$0x0], $0xffff  }
0x132: {  	v51 =	vadd.s32 v22, v32;
	_ =	sdelay $0x3  }
0x133: {  	[tilespmem:s1+$0xC680] =	vst v33  }
0x134: {  	v33 =	vld.idx.msk [tilespmem:v51+s13+$0x0], $0xffff  }
0x135: {  	v52 =	vadd.s32 v23, v32;
	_ =	sdelay $0x3  }
0x136: {  	[tilespmem:s1+$0xC700] =	vst v33  }
0x137: {  	v33 =	vld.idx.msk [tilespmem:v52+s13+$0x0], $0xffff  }
0x138: {  	v53 =	vadd.s32 v24, v32;
	_ =	sdelay $0x3  }
0x139: {  	[tilespmem:s1+$0xC780] =	vst v33  }
0x13a: {  	v33 =	vld.idx.msk [tilespmem:v53+s13+$0x0], $0xffff  }
0x13b: {  	v54 =	vadd.s32 v25, v32;
	_ =	sdelay $0x3  }
0x13c: {  	[tilespmem:s1+$0xD400] =	vst v33  }
0x13d: {  	v33 =	vld.idx.msk [tilespmem:v54+s13+$0x0], $0xffff  }
0x13e: {  	v55 =	vadd.s32 v26, v32;
	_ =	sdelay $0x3  }
0x13f: {  	[tilespmem:s1+$0xD480] =	vst v33  }
0x140: {  	v33 =	vld.idx.msk [tilespmem:v55+s13+$0x0], $0xffff  }
0x141: {  	v56 =	vadd.s32 v27, v32;
	_ =	sdelay $0x3  }
0x142: {  	[tilespmem:s1+$0xD500] =	vst v33  }
0x143: {  	v33 =	vld.idx.msk [tilespmem:v56+s13+$0x0], $0xffff  }
0x144: {  	v57 =	vadd.s32 v28, v32;
	_ =	sdelay $0x3  }
0x145: {  	[tilespmem:s1+$0xD580] =	vst v33  }
0x146: {  	v33 =	vld.idx.msk [tilespmem:v57+s13+$0x0], $0xffff  }
0x147: {  	v58 =	vadd.s32 v29, v32;
	_ =	sdelay $0x3  }
0x148: {  	[tilespmem:s1+$0xD600] =	vst v33  }
0x149: {  	v33 =	vld.idx.msk [tilespmem:v58+s13+$0x0], $0xffff  }
0x14a: {  	v59 =	vadd.s32 v30, v32;
	_ =	sdelay $0x3  }
0x14b: {  	[tilespmem:s1+$0xD680] =	vst v33  }
0x14c: {  	v33 =	vld.idx.msk [tilespmem:v59+s13+$0x0], $0xffff  }
0x14d: {  	v32 =	vadd.s32 v31, v32;
	_ =	sdelay $0x3  }
0x14e: {  	[tilespmem:s1+$0xD700] =	vst v33  }
0x14f: {  	v32 =	vld.idx.msk [tilespmem:v32+s13+$0x0], $0xffff;
	_ =	sdelay $0x2  }
0x150: {  	p0 =	seq.s32 s24, $0x18  }
0x151: {  	s25 =	sshll.u32 @!p0 s26, $0x6  }
0x152: {  	s28 =	simm.s32 @!p0 $0x0;
	[tilespmem:s1+$0xD780] =	vst v32;
	s1 =	sadd.s32 @!p0 s25, s8  }
0x153: {  	[tilespmem:s28], [sflag:$0x5] =	stream.linear.gather @!p0 [hbm4b:s1+s28], $0x200, $0x38;
	[tilespmem:$0x12400] =	vst v63  }
0x154: {  	s1 =	simm.s32 @!p0 $0x5  }
0x155: {  	_ =	swait.ge @!p0 [sflag:s1], $0x200  }
0x156: {  	[sflag:s1] =	ssyncset.done @!p0 $0x0  }
0x157: {  	s29 =	simm.s32 @!p0 $0x400;
	[sflag:s1] =	ssyncadd.s32 @!p0 $0xFFFFFE00;
	s1 =	simm.s32 @!p0 $0x200  }
0x158: {  	[tilespmem:s29], [sflag:$0x1] =	stream.indirect.gather @!p0 [hbm4b:s5+s1], $0x28, s28, s1, $0xb8;
	[tilespmem:$0x12400] =	vst v63  }
0x159: {  	s0 =	sshll.u32 s26, $0x9;
	s29 =	simm.s32 $0x0  }
0x15a: {  	s28 =	sshll.u32 s26, $0xB;
	s26 =	sand.u32 $0xC00, s0;
	v60 =	vmov s29  }
0x15b: {  	s28 =	sand.u32 $0xFFFC000, s28;
	s1 =	sadd.s32 s2, s26;
	v32 =	vmul.u32 $0x28, v60  }
0x15c: {  	s1 =	sadd.s32 s28, s1  }
0x15d: {  	[hbm4b:s1+s16] =	stream.strided.scatter [tilespmem:s18], [sflag:$0x3], $0x4000, s17, s16, $0x38;
	v32 =	vbroadcast v32, $0x0;
	[tilespmem:$0x12400] =	vst v63  }
0x15e: {  	_ =	swait.ge [sflag:s19], $0x5000  }
0x15f: {  	[sflag:s19] =	ssyncset.done $0x0;
	v61 =	vadd.s32 v0, v32  }
0x160: {  	s1 =	simm.s32 @!p1 $0x4;
	[sflag:s19] =	ssyncadd.s32 $0xFFFFB000  }
0x161: {  	_ =	swait.ge @!p1 [sflag:s1], $0x4000  }
0x162: {  	[sflag:s1] =	ssyncset.done @!p1 $0x0  }
0x163: {  	[sflag:s1] =	ssyncadd.s32 @!p1 $0xFFFFC000  }
0x164: {  	v33 =	vld.idx.msk [tilespmem:v61+s14+$0x0], $0xffff  }
0x165: {  	v62 =	vadd.s32 v1, v32;
	_ =	sdelay $0x1  }
0x166: {  	s0 =	sand.u32 $0xC00, s29;
	s29 =	sand.u32 $0x70, s29  }
0x167: {  	s1 =	sor.u32 s29, s0  }
0x168: {  	[tilespmem:s1+$0xE400] =	vst v33  }
0x169: {  	v33 =	vld.idx.msk [tilespmem:v62+s14+$0x0], $0xffff  }
0x16a: {  	v63 =	vadd.s32 v2, v32;
	_ =	sdelay $0x3  }
0x16b: {  	[tilespmem:s1+$0xE480] =	vst v33  }
0x16c: {  	v33 =	vld.idx.msk [tilespmem:v63+s14+$0x0], $0xffff  }
0x16d: {  	v36 =	vadd.s32 v3, v32;
	_ =	sdelay $0x3  }
0x16e: {  	[tilespmem:s1+$0xE500] =	vst v33  }
0x16f: {  	v33 =	vld.idx.msk [tilespmem:v36+s14+$0x0], $0xffff  }
0x170: {  	v37 =	vadd.s32 v4, v32;
	_ =	sdelay $0x3  }
0x171: {  	[tilespmem:s1+$0xE580] =	vst v33  }
0x172: {  	v33 =	vld.idx.msk [tilespmem:v37+s14+$0x0], $0xffff  }
0x173: {  	v38 =	vadd.s32 v5, v32;
	_ =	sdelay $0x3  }
0x174: {  	[tilespmem:s1+$0xE600] =	vst v33  }
0x175: {  	v33 =	vld.idx.msk [tilespmem:v38+s14+$0x0], $0xffff  }
0x176: {  	v39 =	vadd.s32 v6, v32;
	_ =	sdelay $0x3  }
0x177: {  	[tilespmem:s1+$0xE680] =	vst v33  }
0x178: {  	v33 =	vld.idx.msk [tilespmem:v39+s14+$0x0], $0xffff  }
0x179: {  	v40 =	vadd.s32 v7, v32;
	_ =	sdelay $0x3  }
0x17a: {  	[tilespmem:s1+$0xE700] =	vst v33  }
0x17b: {  	v33 =	vld.idx.msk [tilespmem:v40+s14+$0x0], $0xffff  }
0x17c: {  	v41 =	vadd.s32 v8, v32;
	_ =	sdelay $0x3  }
0x17d: {  	[tilespmem:s1+$0xE780] =	vst v33  }
0x17e: {  	v33 =	vld.idx.msk [tilespmem:v41+s14+$0x0], $0xffff  }
0x17f: {  	v42 =	vadd.s32 v9, v32;
	_ =	sdelay $0x3  }
0x180: {  	[tilespmem:s1+$0xF400] =	vst v33  }
0x181: {  	v33 =	vld.idx.msk [tilespmem:v42+s14+$0x0], $0xffff  }
0x182: {  	v43 =	vadd.s32 v10, v32;
	_ =	sdelay $0x3  }
0x183: {  	[tilespmem:s1+$0xF480] =	vst v33  }
0x184: {  	v33 =	vld.idx.msk [tilespmem:v43+s14+$0x0], $0xffff  }
0x185: {  	v44 =	vadd.s32 v11, v32;
	_ =	sdelay $0x3  }
0x186: {  	[tilespmem:s1+$0xF500] =	vst v33  }
0x187: {  	v33 =	vld.idx.msk [tilespmem:v44+s14+$0x0], $0xffff  }
0x188: {  	v45 =	vadd.s32 v12, v32;
	_ =	sdelay $0x3  }
0x189: {  	[tilespmem:s1+$0xF580] =	vst v33  }
0x18a: {  	v33 =	vld.idx.msk [tilespmem:v45+s14+$0x0], $0xffff  }
0x18b: {  	v46 =	vadd.s32 v13, v32;
	_ =	sdelay $0x3  }
0x18c: {  	[tilespmem:s1+$0xF600] =	vst v33  }
0x18d: {  	v33 =	vld.idx.msk [tilespmem:v46+s14+$0x0], $0xffff  }
0x18e: {  	v47 =	vadd.s32 v14, v32;
	_ =	sdelay $0x3  }
0x18f: {  	[tilespmem:s1+$0xF680] =	vst v33  }
0x190: {  	v33 =	vld.idx.msk [tilespmem:v47+s14+$0x0], $0xffff  }
0x191: {  	v48 =	vadd.s32 v15, v32;
	_ =	sdelay $0x3  }
0x192: {  	[tilespmem:s1+$0xF700] =	vst v33  }
0x193: {  	v33 =	vld.idx.msk [tilespmem:v48+s14+$0x0], $0xffff  }
0x194: {  	v49 =	vadd.s32 v16, v32;
	_ =	sdelay $0x3  }
0x195: {  	[tilespmem:s1+$0xF780] =	vst v33  }
0x196: {  	v33 =	vld.idx.msk [tilespmem:v49+s14+$0x0], $0xffff  }
0x197: {  	v50 =	vadd.s32 v17, v32;
	_ =	sdelay $0x2  }
0x198: {  	s1 =	sadd.s32 $0xE400, s1  }
0x199: {  	[tilespmem:s1+$0x2000] =	vst v33  }
0x19a: {  	v33 =	vld.idx.msk [tilespmem:v50+s14+$0x0], $0xffff  }
0x19b: {  	v51 =	vadd.s32 v18, v32;
	_ =	sdelay $0x3  }
0x19c: {  	[tilespmem:s1+$0x2080] =	vst v33  }
0x19d: {  	v33 =	vld.idx.msk [tilespmem:v51+s14+$0x0], $0xffff  }
0x19e: {  	v52 =	vadd.s32 v19, v32;
	_ =	sdelay $0x3  }
0x19f: {  	[tilespmem:s1+$0x2100] =	vst v33  }
0x1a0: {  	v33 =	vld.idx.msk [tilespmem:v52+s14+$0x0], $0xffff  }
0x1a1: {  	v53 =	vadd.s32 v20, v32;
	_ =	sdelay $0x3  }
0x1a2: {  	[tilespmem:s1+$0x2180] =	vst v33  }
0x1a3: {  	v33 =	vld.idx.msk [tilespmem:v53+s14+$0x0], $0xffff  }
0x1a4: {  	v54 =	vadd.s32 v21, v32;
	_ =	sdelay $0x3  }
0x1a5: {  	[tilespmem:s1+$0x2200] =	vst v33  }
0x1a6: {  	v33 =	vld.idx.msk [tilespmem:v54+s14+$0x0], $0xffff  }
0x1a7: {  	v55 =	vadd.s32 v22, v32;
	_ =	sdelay $0x3  }
0x1a8: {  	[tilespmem:s1+$0x2280] =	vst v33  }
0x1a9: {  	v33 =	vld.idx.msk [tilespmem:v55+s14+$0x0], $0xffff  }
0x1aa: {  	v56 =	vadd.s32 v23, v32;
	_ =	sdelay $0x3  }
0x1ab: {  	[tilespmem:s1+$0x2300] =	vst v33  }
0x1ac: {  	v33 =	vld.idx.msk [tilespmem:v56+s14+$0x0], $0xffff  }
0x1ad: {  	v57 =	vadd.s32 v24, v32;
	_ =	sdelay $0x3  }
0x1ae: {  	[tilespmem:s1+$0x2380] =	vst v33  }
0x1af: {  	v33 =	vld.idx.msk [tilespmem:v57+s14+$0x0], $0xffff  }
0x1b0: {  	v58 =	vadd.s32 v25, v32;
	_ =	sdelay $0x3  }
0x1b1: {  	[tilespmem:s1+$0x3000] =	vst v33  }
0x1b2: {  	v33 =	vld.idx.msk [tilespmem:v58+s14+$0x0], $0xffff  }
0x1b3: {  	v59 =	vadd.s32 v26, v32;
	_ =	sdelay $0x3  }
0x1b4: {  	[tilespmem:s1+$0x3080] =	vst v33  }
0x1b5: {  	v33 =	vld.idx.msk [tilespmem:v59+s14+$0x0], $0xffff  }
0x1b6: {  	v60 =	vadd.s32 v27, v32;
	_ =	sdelay $0x3  }
0x1b7: {  	[tilespmem:s1+$0x3100] =	vst v33  }
0x1b8: {  	v33 =	vld.idx.msk [tilespmem:v60+s14+$0x0], $0xffff  }
0x1b9: {  	v61 =	vadd.s32 v28, v32;
	_ =	sdelay $0x3  }
0x1ba: {  	[tilespmem:s1+$0x3180] =	vst v33  }
0x1bb: {  	v33 =	vld.idx.msk [tilespmem:v61+s14+$0x0], $0xffff  }
0x1bc: {  	v62 =	vadd.s32 v29, v32;
	_ =	sdelay $0x3  }
0x1bd: {  	[tilespmem:s1+$0x3200] =	vst v33  }
0x1be: {  	v33 =	vld.idx.msk [tilespmem:v62+s14+$0x0], $0xffff  }
0x1bf: {  	v63 =	vadd.s32 v30, v32;
	_ =	sdelay $0x3  }
0x1c0: {  	[tilespmem:s1+$0x3280] =	vst v33  }
0x1c1: {  	v34 =	vld.idx.msk [tilespmem:v63+s14+$0x0], $0xffff  }
0x1c2: {  	v33 =	vadd.s32 v31, v32  }
0x1c3: {  	s29 =	simm.s32 $0x10  }
0x1c4: {  	s30 =	simm.s32 $0x80;
	s31 =	simm.s32 $0x100;
	v32 =	vmov s29  }
.LBB2_5:
0x1c5: {  	p1 =	sne.s32 s31, $0xF80;
	v32 =	vmul.u32 $0x28, v32  }
0x1c6: {  	[tilespmem:s1+$0x3300] =	vst v34  }
0x1c7: {  	v32 =	vbroadcast v32, $0x0;
	v33 =	vld.idx.msk [tilespmem:v33+s14+$0x0], $0xffff;
	_ =	sdelay $0x1  }
0x1c8: {  	v34 =	vadd.s32 v0, v32;
	_ =	sdelay $0x3  }
0x1c9: {  	[tilespmem:s1+$0x3380] =	vst v33  }
0x1ca: {  	v33 =	vld.idx.msk [tilespmem:v34+s14+$0x0], $0xffff;
	_ =	sdelay $0x1  }
0x1cb: {  	v34 =	vadd.s32 v1, v32;
	_ =	sdelay $0x1  }
0x1cc: {  	s0 =	sand.u32 $0x70, s29;
	s1 =	sand.u32 $0xC00, s30;
	s30 =	smov.u32 s31  }
0x1cd: {  	s1 =	sor.u32 s0, s1  }
0x1ce: {  	[tilespmem:s1+$0xE400] =	vst v33  }
0x1cf: {  	v33 =	vld.idx.msk [tilespmem:v34+s14+$0x0], $0xffff;
	_ =	sdelay $0x1  }
0x1d0: {  	v34 =	vadd.s32 v2, v32;
	_ =	sdelay $0x3  }
0x1d1: {  	[tilespmem:s1+$0xE480] =	vst v33  }
0x1d2: {  	v33 =	vld.idx.msk [tilespmem:v34+s14+$0x0], $0xffff;
	_ =	sdelay $0x1  }
0x1d3: {  	v34 =	vadd.s32 v3, v32;
	_ =	sdelay $0x3  }
0x1d4: {  	[tilespmem:s1+$0xE500] =	vst v33  }
0x1d5: {  	v33 =	vld.idx.msk [tilespmem:v34+s14+$0x0], $0xffff;
	_ =	sdelay $0x1  }
0x1d6: {  	v34 =	vadd.s32 v4, v32;
	_ =	sdelay $0x3  }
0x1d7: {  	[tilespmem:s1+$0xE580] =	vst v33  }
0x1d8: {  	v33 =	vld.idx.msk [tilespmem:v34+s14+$0x0], $0xffff;
	_ =	sdelay $0x1  }
0x1d9: {  	v34 =	vadd.s32 v5, v32;
	_ =	sdelay $0x3  }
0x1da: {  	[tilespmem:s1+$0xE600] =	vst v33  }
0x1db: {  	v33 =	vld.idx.msk [tilespmem:v34+s14+$0x0], $0xffff;
	_ =	sdelay $0x1  }
0x1dc: {  	v34 =	vadd.s32 v6, v32;
	_ =	sdelay $0x3  }
0x1dd: {  	[tilespmem:s1+$0xE680] =	vst v33  }
0x1de: {  	v33 =	vld.idx.msk [tilespmem:v34+s14+$0x0], $0xffff;
	_ =	sdelay $0x1  }
0x1df: {  	v34 =	vadd.s32 v7, v32;
	_ =	sdelay $0x3  }
0x1e0: {  	[tilespmem:s1+$0xE700] =	vst v33  }
0x1e1: {  	v33 =	vld.idx.msk [tilespmem:v34+s14+$0x0], $0xffff;
	_ =	sdelay $0x1  }
0x1e2: {  	v34 =	vadd.s32 v8, v32;
	_ =	sdelay $0x3  }
0x1e3: {  	[tilespmem:s1+$0xE780] =	vst v33  }
0x1e4: {  	v33 =	vld.idx.msk [tilespmem:v34+s14+$0x0], $0xffff;
	_ =	sdelay $0x1  }
0x1e5: {  	v34 =	vadd.s32 v9, v32;
	_ =	sdelay $0x3  }
0x1e6: {  	[tilespmem:s1+$0xF400] =	vst v33  }
0x1e7: {  	v33 =	vld.idx.msk [tilespmem:v34+s14+$0x0], $0xffff;
	_ =	sdelay $0x1  }
0x1e8: {  	v34 =	vadd.s32 v10, v32;
	_ =	sdelay $0x3  }
0x1e9: {  	[tilespmem:s1+$0xF480] =	vst v33  }
0x1ea: {  	v33 =	vld.idx.msk [tilespmem:v34+s14+$0x0], $0xffff;
	_ =	sdelay $0x1  }
0x1eb: {  	v34 =	vadd.s32 v11, v32;
	_ =	sdelay $0x3  }
0x1ec: {  	[tilespmem:s1+$0xF500] =	vst v33  }
0x1ed: {  	v33 =	vld.idx.msk [tilespmem:v34+s14+$0x0], $0xffff;
	_ =	sdelay $0x1  }
0x1ee: {  	v34 =	vadd.s32 v12, v32;
	_ =	sdelay $0x3  }
0x1ef: {  	[tilespmem:s1+$0xF580] =	vst v33  }
0x1f0: {  	v33 =	vld.idx.msk [tilespmem:v34+s14+$0x0], $0xffff;
	_ =	sdelay $0x1  }
0x1f1: {  	v34 =	vadd.s32 v13, v32;
	_ =	sdelay $0x3  }
0x1f2: {  	[tilespmem:s1+$0xF600] =	vst v33  }
0x1f3: {  	v33 =	vld.idx.msk [tilespmem:v34+s14+$0x0], $0xffff;
	_ =	sdelay $0x1  }
0x1f4: {  	v34 =	vadd.s32 v14, v32;
	_ =	sdelay $0x3  }
0x1f5: {  	[tilespmem:s1+$0xF680] =	vst v33  }
0x1f6: {  	v33 =	vld.idx.msk [tilespmem:v34+s14+$0x0], $0xffff;
	_ =	sdelay $0x1  }
0x1f7: {  	v34 =	vadd.s32 v15, v32;
	_ =	sdelay $0x3  }
0x1f8: {  	[tilespmem:s1+$0xF700] =	vst v33  }
0x1f9: {  	v33 =	vld.idx.msk [tilespmem:v34+s14+$0x0], $0xffff;
	_ =	sdelay $0x1  }
0x1fa: {  	v34 =	vadd.s32 v16, v32;
	_ =	sdelay $0x3  }
0x1fb: {  	[tilespmem:s1+$0xF780] =	vst v33  }
0x1fc: {  	v33 =	vld.idx.msk [tilespmem:v34+s14+$0x0], $0xffff;
	_ =	sdelay $0x1  }
0x1fd: {  	v34 =	vadd.s32 v17, v32;
	_ =	sdelay $0x2  }
0x1fe: {  	s1 =	sadd.s32 $0xE400, s1  }
0x1ff: {  	[tilespmem:s1+$0x2000] =	vst v33  }
0x200: {  	v33 =	vld.idx.msk [tilespmem:v34+s14+$0x0], $0xffff;
	_ =	sdelay $0x1  }
0x201: {  	v34 =	vadd.s32 v18, v32;
	_ =	sdelay $0x3  }
0x202: {  	[tilespmem:s1+$0x2080] =	vst v33  }
0x203: {  	v33 =	vld.idx.msk [tilespmem:v34+s14+$0x0], $0xffff;
	_ =	sdelay $0x1  }
0x204: {  	v34 =	vadd.s32 v19, v32;
	_ =	sdelay $0x3  }
0x205: {  	[tilespmem:s1+$0x2100] =	vst v33  }
0x206: {  	v33 =	vld.idx.msk [tilespmem:v34+s14+$0x0], $0xffff;
	_ =	sdelay $0x1  }
0x207: {  	v34 =	vadd.s32 v20, v32;
	_ =	sdelay $0x3  }
0x208: {  	[tilespmem:s1+$0x2180] =	vst v33  }
0x209: {  	v33 =	vld.idx.msk [tilespmem:v34+s14+$0x0], $0xffff;
	_ =	sdelay $0x1  }
0x20a: {  	v34 =	vadd.s32 v21, v32;
	_ =	sdelay $0x3  }
0x20b: {  	[tilespmem:s1+$0x2200] =	vst v33  }
0x20c: {  	v33 =	vld.idx.msk [tilespmem:v34+s14+$0x0], $0xffff;
	_ =	sdelay $0x1  }
0x20d: {  	v34 =	vadd.s32 v22, v32;
	_ =	sdelay $0x3  }
0x20e: {  	[tilespmem:s1+$0x2280] =	vst v33  }
0x20f: {  	v33 =	vld.idx.msk [tilespmem:v34+s14+$0x0], $0xffff;
	_ =	sdelay $0x1  }
0x210: {  	v34 =	vadd.s32 v23, v32;
	_ =	sdelay $0x3  }
0x211: {  	[tilespmem:s1+$0x2300] =	vst v33  }
0x212: {  	v33 =	vld.idx.msk [tilespmem:v34+s14+$0x0], $0xffff;
	_ =	sdelay $0x1  }
0x213: {  	v34 =	vadd.s32 v24, v32;
	_ =	sdelay $0x3  }
0x214: {  	[tilespmem:s1+$0x2380] =	vst v33  }
0x215: {  	v33 =	vld.idx.msk [tilespmem:v34+s14+$0x0], $0xffff;
	_ =	sdelay $0x1  }
0x216: {  	v34 =	vadd.s32 v25, v32;
	_ =	sdelay $0x3  }
0x217: {  	[tilespmem:s1+$0x3000] =	vst v33  }
0x218: {  	v33 =	vld.idx.msk [tilespmem:v34+s14+$0x0], $0xffff;
	_ =	sdelay $0x1  }
0x219: {  	v34 =	vadd.s32 v26, v32;
	_ =	sdelay $0x3  }
0x21a: {  	[tilespmem:s1+$0x3080] =	vst v33  }
0x21b: {  	v33 =	vld.idx.msk [tilespmem:v34+s14+$0x0], $0xffff;
	_ =	sdelay $0x1  }
0x21c: {  	v34 =	vadd.s32 v27, v32;
	_ =	sdelay $0x3  }
0x21d: {  	[tilespmem:s1+$0x3100] =	vst v33  }
0x21e: {  	v33 =	vld.idx.msk [tilespmem:v34+s14+$0x0], $0xffff;
	_ =	sdelay $0x1  }
0x21f: {  	v34 =	vadd.s32 v28, v32;
	_ =	sdelay $0x3  }
0x220: {  	[tilespmem:s1+$0x3180] =	vst v33  }
0x221: {  	v33 =	vld.idx.msk [tilespmem:v34+s14+$0x0], $0xffff;
	_ =	sdelay $0x1  }
0x222: {  	v34 =	vadd.s32 v29, v32;
	_ =	sdelay $0x3  }
0x223: {  	[tilespmem:s1+$0x3200] =	vst v33  }
0x224: {  	v33 =	vld.idx.msk [tilespmem:v34+s14+$0x0], $0xffff;
	_ =	sdelay $0x1  }
0x225: {  	v34 =	vadd.s32 v30, v32;
	_ =	sdelay $0x3  }
0x226: {  	[tilespmem:s1+$0x3280] =	vst v33  }
.Ltmp1:
0x227: {  	v34 =	vld.idx.msk [tilespmem:v34+s14+$0x0], $0xffff;
	(pc) =	sbr.rel @p1 .LBB2_5-.Ltmp1, $4  }
0x228: {  	_ = 	snop  }
0x229: {  	v33 =	vadd.s32 v31, v32  }
0x22a: {  	s29 =	sadd.s32 $0x10, s29  }
0x22b: {  	s31 =	sadd.s32 $0x80, s31;
	v32 =	vmov s29  }
0x22c: {  	_ = 	snop  }
0x22d: {  	v32 =	vmul.u32 $0x28, v32;
	_ =	sdelay $0x1  }
0x22e: {  	[tilespmem:s1+$0x3300] =	vst v34;
	v32 =	vbroadcast v32, $0x0  }
0x22f: {  	v33 =	vld.idx.msk [tilespmem:v33+s14+$0x0], $0xffff  }
0x230: {  	v61 =	vadd.s32 v0, v32;
	_ =	sdelay $0x3  }
0x231: {  	[tilespmem:s1+$0x3380] =	vst v33  }
0x232: {  	v33 =	vld.idx.msk [tilespmem:v61+s14+$0x0], $0xffff  }
0x233: {  	v62 =	vadd.s32 v1, v32;
	_ =	sdelay $0x1  }
0x234: {  	s0 =	sand.u32 $0xC00, s30;
	s30 =	sand.u32 $0x70, s29  }
0x235: {  	s0 =	sor.u32 s30, s0  }
0x236: {  	[tilespmem:s0+$0xE400] =	vst v33  }
0x237: {  	v33 =	vld.idx.msk [tilespmem:v62+s14+$0x0], $0xffff  }
0x238: {  	v63 =	vadd.s32 v2, v32;
	_ =	sdelay $0x3  }
0x239: {  	[tilespmem:s0+$0xE480] =	vst v33  }
0x23a: {  	v33 =	vld.idx.msk [tilespmem:v63+s14+$0x0], $0xffff  }
0x23b: {  	v36 =	vadd.s32 v3, v32;
	_ =	sdelay $0x3  }
0x23c: {  	[tilespmem:s0+$0xE500] =	vst v33  }
0x23d: {  	v33 =	vld.idx.msk [tilespmem:v36+s14+$0x0], $0xffff  }
0x23e: {  	v37 =	vadd.s32 v4, v32;
	_ =	sdelay $0x3  }
0x23f: {  	[tilespmem:s0+$0xE580] =	vst v33  }
0x240: {  	v33 =	vld.idx.msk [tilespmem:v37+s14+$0x0], $0xffff  }
0x241: {  	v38 =	vadd.s32 v5, v32;
	_ =	sdelay $0x3  }
0x242: {  	[tilespmem:s0+$0xE600] =	vst v33  }
0x243: {  	v33 =	vld.idx.msk [tilespmem:v38+s14+$0x0], $0xffff  }
0x244: {  	v39 =	vadd.s32 v6, v32;
	_ =	sdelay $0x3  }
0x245: {  	[tilespmem:s0+$0xE680] =	vst v33  }
0x246: {  	v33 =	vld.idx.msk [tilespmem:v39+s14+$0x0], $0xffff  }
0x247: {  	v40 =	vadd.s32 v7, v32;
	_ =	sdelay $0x3  }
0x248: {  	[tilespmem:s0+$0xE700] =	vst v33  }
0x249: {  	v33 =	vld.idx.msk [tilespmem:v40+s14+$0x0], $0xffff  }
0x24a: {  	v41 =	vadd.s32 v8, v32;
	_ =	sdelay $0x3  }
0x24b: {  	[tilespmem:s0+$0xE780] =	vst v33  }
0x24c: {  	v33 =	vld.idx.msk [tilespmem:v41+s14+$0x0], $0xffff  }
0x24d: {  	v42 =	vadd.s32 v9, v32;
	_ =	sdelay $0x3  }
0x24e: {  	[tilespmem:s0+$0xF400] =	vst v33  }
0x24f: {  	v33 =	vld.idx.msk [tilespmem:v42+s14+$0x0], $0xffff  }
0x250: {  	v43 =	vadd.s32 v10, v32;
	_ =	sdelay $0x3  }
0x251: {  	[tilespmem:s0+$0xF480] =	vst v33  }
0x252: {  	v33 =	vld.idx.msk [tilespmem:v43+s14+$0x0], $0xffff  }
0x253: {  	v44 =	vadd.s32 v11, v32;
	_ =	sdelay $0x3  }
0x254: {  	[tilespmem:s0+$0xF500] =	vst v33  }
0x255: {  	v33 =	vld.idx.msk [tilespmem:v44+s14+$0x0], $0xffff  }
0x256: {  	v45 =	vadd.s32 v12, v32;
	_ =	sdelay $0x3  }
0x257: {  	[tilespmem:s0+$0xF580] =	vst v33  }
0x258: {  	v33 =	vld.idx.msk [tilespmem:v45+s14+$0x0], $0xffff  }
0x259: {  	v46 =	vadd.s32 v13, v32;
	_ =	sdelay $0x3  }
0x25a: {  	[tilespmem:s0+$0xF600] =	vst v33  }
0x25b: {  	v33 =	vld.idx.msk [tilespmem:v46+s14+$0x0], $0xffff  }
0x25c: {  	v47 =	vadd.s32 v14, v32;
	_ =	sdelay $0x3  }
0x25d: {  	[tilespmem:s0+$0xF680] =	vst v33  }
0x25e: {  	v33 =	vld.idx.msk [tilespmem:v47+s14+$0x0], $0xffff  }
0x25f: {  	v48 =	vadd.s32 v15, v32;
	_ =	sdelay $0x3  }
0x260: {  	[tilespmem:s0+$0xF700] =	vst v33  }
0x261: {  	v33 =	vld.idx.msk [tilespmem:v48+s14+$0x0], $0xffff  }
0x262: {  	v49 =	vadd.s32 v16, v32;
	_ =	sdelay $0x3  }
0x263: {  	[tilespmem:s0+$0xF780] =	vst v33  }
0x264: {  	v33 =	vld.idx.msk [tilespmem:v49+s14+$0x0], $0xffff  }
0x265: {  	v50 =	vadd.s32 v17, v32;
	_ =	sdelay $0x2  }
0x266: {  	s0 =	sadd.s32 $0xE400, s0  }
0x267: {  	[tilespmem:s0+$0x2000] =	vst v33  }
0x268: {  	v33 =	vld.idx.msk [tilespmem:v50+s14+$0x0], $0xffff  }
0x269: {  	v51 =	vadd.s32 v18, v32;
	_ =	sdelay $0x3  }
0x26a: {  	[tilespmem:s0+$0x2080] =	vst v33  }
0x26b: {  	v33 =	vld.idx.msk [tilespmem:v51+s14+$0x0], $0xffff  }
0x26c: {  	v52 =	vadd.s32 v19, v32;
	_ =	sdelay $0x3  }
0x26d: {  	[tilespmem:s0+$0x2100] =	vst v33  }
0x26e: {  	v33 =	vld.idx.msk [tilespmem:v52+s14+$0x0], $0xffff  }
0x26f: {  	v53 =	vadd.s32 v20, v32;
	_ =	sdelay $0x3  }
0x270: {  	[tilespmem:s0+$0x2180] =	vst v33  }
0x271: {  	v33 =	vld.idx.msk [tilespmem:v53+s14+$0x0], $0xffff  }
0x272: {  	v54 =	vadd.s32 v21, v32;
	_ =	sdelay $0x3  }
0x273: {  	[tilespmem:s0+$0x2200] =	vst v33  }
0x274: {  	v33 =	vld.idx.msk [tilespmem:v54+s14+$0x0], $0xffff  }
0x275: {  	v55 =	vadd.s32 v22, v32;
	_ =	sdelay $0x3  }
0x276: {  	[tilespmem:s0+$0x2280] =	vst v33  }
0x277: {  	v33 =	vld.idx.msk [tilespmem:v55+s14+$0x0], $0xffff  }
0x278: {  	v56 =	vadd.s32 v23, v32;
	_ =	sdelay $0x3  }
0x279: {  	[tilespmem:s0+$0x2300] =	vst v33  }
0x27a: {  	v33 =	vld.idx.msk [tilespmem:v56+s14+$0x0], $0xffff  }
0x27b: {  	v57 =	vadd.s32 v24, v32;
	_ =	sdelay $0x3  }
0x27c: {  	[tilespmem:s0+$0x2380] =	vst v33  }
0x27d: {  	v33 =	vld.idx.msk [tilespmem:v57+s14+$0x0], $0xffff  }
0x27e: {  	v58 =	vadd.s32 v25, v32;
	_ =	sdelay $0x3  }
0x27f: {  	[tilespmem:s0+$0x3000] =	vst v33  }
0x280: {  	v33 =	vld.idx.msk [tilespmem:v58+s14+$0x0], $0xffff  }
0x281: {  	v59 =	vadd.s32 v26, v32;
	_ =	sdelay $0x3  }
0x282: {  	[tilespmem:s0+$0x3080] =	vst v33  }
0x283: {  	v33 =	vld.idx.msk [tilespmem:v59+s14+$0x0], $0xffff  }
0x284: {  	v60 =	vadd.s32 v27, v32;
	_ =	sdelay $0x3  }
0x285: {  	[tilespmem:s0+$0x3100] =	vst v33  }
0x286: {  	v33 =	vld.idx.msk [tilespmem:v60+s14+$0x0], $0xffff  }
0x287: {  	v61 =	vadd.s32 v28, v32;
	_ =	sdelay $0x3  }
0x288: {  	[tilespmem:s0+$0x3180] =	vst v33  }
0x289: {  	v33 =	vld.idx.msk [tilespmem:v61+s14+$0x0], $0xffff  }
0x28a: {  	v62 =	vadd.s32 v29, v32;
	_ =	sdelay $0x3  }
0x28b: {  	[tilespmem:s0+$0x3200] =	vst v33  }
0x28c: {  	v33 =	vld.idx.msk [tilespmem:v62+s14+$0x0], $0xffff  }
0x28d: {  	v63 =	vadd.s32 v30, v32;
	_ =	sdelay $0x3  }
0x28e: {  	[tilespmem:s0+$0x3280] =	vst v33  }
0x28f: {  	v33 =	vld.idx.msk [tilespmem:v63+s14+$0x0], $0xffff  }
0x290: {  	v32 =	vadd.s32 v31, v32;
	_ =	sdelay $0x3  }
0x291: {  	[tilespmem:s0+$0x3300] =	vst v33  }
0x292: {  	v32 =	vld.idx.msk [tilespmem:v32+s14+$0x0], $0xffff;
	_ =	sdelay $0x4  }
0x293: {  	s1 =	simm.s32 @!p0 $0x0;
	[tilespmem:s0+$0x3380] =	vst v32;
	s0 =	sadd.s32 @!p0 s25, s9;
	s25 =	simm.s32 @!p0 $0x200  }
0x294: {  	[tilespmem:s25], [sflag:$0x5] =	stream.linear.gather @!p0 [hbm4b:s0+s1], $0x200, $0x38;
	[tilespmem:$0x12400] =	vst v63  }
0x295: {  	s0 =	simm.s32 @!p0 $0x5  }
0x296: {  	_ =	swait.ge @!p0 [sflag:s0], $0x200  }
0x297: {  	[sflag:s0] =	ssyncset.done @!p0 $0x0  }
0x298: {  	s24 =	sadd.s32 $0x1, s24;
	[sflag:s0] =	ssyncadd.s32 @!p0 $0xFFFFFE00;
	s0 =	simm.s32 @!p0 $0x5400  }
0x299: {  	[tilespmem:s0], [sflag:$0x2] =	stream.indirect.gather @!p0 [hbm4b:s5+s25], $0x28, s25, s25, $0xb8;
	[tilespmem:$0x12400] =	vst v63  }
0x29a: {  	p0 =	sne.s32 s24, $0x19  }
.Ltmp2:
0x29b: {  	_ = 	snop;
	(pc) =	sbr.rel @p0 .LBB2_2-.Ltmp2, $4  }
0x29c: {  	s31 =	sadd.s32 s2, s28  }
0x29d: {  	s0 =	sadd.s32 s26, s31  }
0x29e: {  	s0 =	sadd.s32 $0x200, s0  }
0x29f: {  	[hbm4b:s0+s16] =	stream.strided.scatter [tilespmem:s20], [sflag:$0x4], $0x4000, s17, s16, $0x38;
	[tilespmem:$0x12400] =	vst v63  }
0x2a0: {  	s23 =	sadd.s32 $0x1, s23  }
0x2a1: {  	_ =	swait.ge [sflag:s21], $0x4000;
	p0 =	sne.s32 s23, s10  }
.Ltmp3:
0x2a2: {  	[sflag:s21] =	ssyncset.done $0x0;
	(pc) =	sbr.rel @p0 .LBB2_1-.Ltmp3, $4  }
0x2a3: {  	[sflag:s21] =	ssyncadd.s32 $0xFFFFC000  }
0x2a4: {  	_ =	swait.ge [sflag:s22], $0x4000  }
0x2a5: {  	[sflag:s22] =	ssyncset.done $0x0  }
0x2a6: {  	[sflag:s22] =	ssyncadd.s32 $0xFFFFC000  }
0x2a7: {  	_ =	sfence.sel $0x180000  }
0x2a8: {  	[bflag:$0x0] =	sbarrier.arrive $0xFFFF  }
0x2a9: {  	_ =	strace $0x9000004A  }
0x2aa: {  	s0 =	stileid.u32;
	[bflag:$0x2] =	sbarrier.arrive $0xFFFF  }
0x2ab: {  	p0 =	sne.s32 s0, $0x0;
	s0 =	rddreg [dreg:$0x2]  }
0x2ac: {  	s0 =	sadd.s32 @!p0 $0x100000, s0  }
0x2ad: {  	[sflag:s0] =	ssyncadd.tile.s32 @!p0 $0x1;
	_ =	shalt  }
.Lfunc_end2:
_tile_overlayer_lowered:
.L_overlay_start_2:
0x2ae: {  	(tag) =	ssettag $0x2  }
0x2af: {  	s0 =	rddreg [dreg:$0x0];
	s2 =	stileid.u32  }
0x2b0: {  	s1 =	rddreg [dreg:$0x1];
	p0 =	sne.s32 s2, $0x0  }
0x2b1: {  	s3 =	rddreg [dreg:$0x2];
	[bflag:$0x3] =	sbarrier.arrive $0xFFFF;
	s2 =	simm.s32 @!p0 $0x1C05  }
0x2b2: {  	[timem:s3], [sflag:s2] =	dma.local @!p0 [hbm:s0], s1  }
0x2b3: {  	s0 =	simm.s32 @!p0 $0x5  }
0x2b4: {  	_ =	swait.ge @!p0 [sflag:s0], s1  }
0x2b5: {  	s1 =	ssub.s32 @!p0 $0x0, s1;
	[sflag:s0] =	ssyncset.done @!p0 $0x0  }
0x2b6: {  	[sflag:s0] =	ssyncadd.s32 @!p0 s1  }
0x2b7: {  	[bflag:$0x3] =	sbarrier.arrive $0xFFFF  }
0x2b8: {  	_ =	shalt  }

</sc_bundles>
